<compile_context>
chip_gen: v7x
topology: tpu7x:2x2x1
jax: 0.10.2.dev20260603
libtpu: 0.0.44.dev20260713+nightly
codegen_flags: <defaults>
</compile_context>

<pallas_src>
import functools

import jax
import jax.numpy as jnp
from jax import lax
from jax.experimental import pallas as pl
from jax.experimental.pallas import tpu as pltpu
from jax.experimental.pallas import tpu_sc as plsc

N = 10000
E = 160000
D = 256
DH = 128
NROWS = 10240
ROWS_PER_TILE = NROWS // 16
CHUNK = 128
NCHUNK_SEG = 80
NCHUNK_DEG = 40
DEGW = 16
NBUF = 2
WCHUNK = 40



def _zero_rows(buf, nrows, width):
    z = jnp.zeros((16,), jnp.float32)

    def body(r, carry):
        for k in range(width // 16):
            buf[r, pl.ds(k * 16, 16)] = z
        return carry

    lax.fori_loop(0, nrows, body, 0)


def _deg_body(dst_hbm, ridx_hbm, out_hbm, dst_v, ridx_v, ones_v, zbuf, rbuf,
              acc, sem):
    c = lax.axis_index("c")
    s = lax.axis_index("s")
    pltpu.sync_copy(dst_hbm.at[c, s], dst_v)
    pltpu.sync_copy(ridx_hbm.at[s], ridx_v)
    oh = jnp.where(lax.iota(jnp.int32, 16) == 0, 1.0, 0.0)

    def mkones(r, carry):
        ones_v[r] = oh
        return carry

    lax.fori_loop(0, CHUNK, mkones, 0)
    _zero_rows(zbuf, CHUNK, DEGW)
    for k in range(ROWS_PER_TILE // CHUNK):
        pltpu.sync_copy(zbuf, acc.at[ridx_v.at[k]])
    plsc.subcore_barrier()

    def chunk(q, carry):
        pltpu.sync_copy(ones_v, acc.at[dst_v.at[q]], add=True)
        return carry

    lax.fori_loop(0, NCHUNK_DEG, chunk, 0)
    plsc.subcore_barrier()
    for k in range(ROWS_PER_TILE // CHUNK):
        pltpu.async_copy(acc.at[ridx_v.at[k]], rbuf, sem).wait()
        row0 = s * ROWS_PER_TILE + k * CHUNK
        pltpu.sync_copy(rbuf, out_hbm.at[c, pl.ds(row0, CHUNK)])


def _seg_body(g_hbm, src_hbm, dst_hbm, ridx_hbm, out_hbm,
              src_v, dst_v, ridx_v, buf, acc, sem):
    c = lax.axis_index("c")
    s = lax.axis_index("s")
    pltpu.sync_copy(ridx_hbm.at[s], ridx_v)
    z = jnp.zeros((16,), jnp.float32)

    def zrow(r, carry):
        for k in range(DH // 16):
            buf[0, r, pl.ds(k * 16, 16)] = z
        return carry

    lax.fori_loop(0, CHUNK, zrow, 0)
    for k in range(ROWS_PER_TILE // CHUNK):
        pltpu.sync_copy(buf.at[0], acc.at[ridx_v.at[k]])
    plsc.subcore_barrier()

    for w in range(NCHUNK_SEG // WCHUNK):
        pltpu.sync_copy(src_hbm.at[c, s, pl.ds(w * WCHUNK, WCHUNK)], src_v)
        pltpu.sync_copy(dst_hbm.at[s, pl.ds(w * WCHUNK, WCHUNK)], dst_v)
        pltpu.async_copy(g_hbm.at[src_v.at[0]], buf.at[0], sem)

        def chunk_group(i, carry):
            for b in range(2):
                q = i * 2 + b

                @pl.when(q + 1 < WCHUNK)
                def _():
                    pltpu.async_copy(
                        g_hbm.at[src_v.at[q + 1]], buf.at[(b + 1) % 2], sem)

                pltpu.make_async_copy(
                    g_hbm.at[src_v.at[q]], buf.at[b], sem).wait()
                pltpu.sync_copy(buf.at[b], acc.at[dst_v.at[q]], add=True)
            return carry

        lax.fori_loop(0, WCHUNK // 2, chunk_group, 0)
    plsc.subcore_barrier()
    for k in range(ROWS_PER_TILE // CHUNK):
        pltpu.async_copy(acc.at[ridx_v.at[k]], buf.at[0], sem).wait()
        row0 = s * ROWS_PER_TILE + k * CHUNK
        pltpu.sync_copy(buf.at[0], out_hbm.at[c, pl.ds(row0, CHUNK)])


@functools.cache
def _mesh():
    return plsc.VectorSubcoreMesh(core_axis_name="c", subcore_axis_name="s")


@functools.cache
def _deg_call():
    return pl.kernel(
        _deg_body,
        out_type=jax.ShapeDtypeStruct((2, NROWS, DEGW), jnp.float32),
        mesh=_mesh(),
        scratch_types=[
            pltpu.VMEM((NCHUNK_DEG, CHUNK), jnp.int32),
            pltpu.VMEM((ROWS_PER_TILE // CHUNK, CHUNK), jnp.int32),
            pltpu.VMEM((CHUNK, DEGW), jnp.float32),
            pltpu.VMEM((CHUNK, DEGW), jnp.float32),
            pltpu.VMEM((CHUNK, DEGW), jnp.float32),
            pltpu.VMEM_SHARED((NROWS, DEGW), jnp.float32),
            pltpu.SemaphoreType.DMA,
        ],
    )


@functools.cache
def _seg_call():
    return pl.kernel(
        _seg_body,
        out_type=jax.ShapeDtypeStruct((2, NROWS, DH), jnp.float32),
        mesh=_mesh(),
        scratch_types=[
            pltpu.VMEM((WCHUNK, CHUNK), jnp.int32),
            pltpu.VMEM((WCHUNK, CHUNK), jnp.int32),
            pltpu.VMEM((ROWS_PER_TILE // CHUNK, CHUNK), jnp.int32),
            pltpu.VMEM((NBUF, CHUNK, DH), jnp.float32),
            pltpu.VMEM_SHARED((NROWS, DH), jnp.float32),
            pltpu.SemaphoreType.DMA,
        ],
    )


def _dinv_of(dega):
    deg = jnp.sum(dega[0], axis=1) + jnp.sum(dega[1], axis=1) + 1.0
    return lax.rsqrt(deg)


def _mm1_body(x_ref, w_ref, dega_ref, g_ref):
    h = jnp.dot(x_ref[...], w_ref[...], preferred_element_type=jnp.float32)
    dinv = _dinv_of(dega_ref[...])
    g_ref[0] = h * dinv[:, None]


def _mid_body(s_ref, g_ref, dega_ref, b1_ref, w2_ref, g2_ref):
    dinv = _dinv_of(dega_ref[...])
    b1 = b1_ref[...]
    t0 = dinv[:, None] * (s_ref[0] + g_ref[0]) + b1[0, :DH]
    t1 = dinv[:, None] * (s_ref[1] + g_ref[1]) + b1[0, DH:]
    r = jnp.maximum(jnp.concatenate([t0, t1], axis=1), 0.0)
    h2 = jnp.dot(r, w2_ref[...], preferred_element_type=jnp.float32)
    g2_ref[0] = h2[:, :DH] * dinv[:, None]
    g2_ref[1] = h2[:, DH:] * dinv[:, None]


def _out_body(s_ref, g_ref, dega_ref, b2_ref, out_ref):
    dinv = _dinv_of(dega_ref[...])
    b2 = b2_ref[...]
    o0 = dinv[:, None] * (s_ref[0] + g_ref[0]) + b2[0, :DH]
    o1 = dinv[:, None] * (s_ref[1] + g_ref[1]) + b2[0, DH:]
    out_ref[...] = jnp.concatenate([o0, o1], axis=1)


_RB = 1000
_GRID = N // _RB


def _mm1(x, w1, dega):
    return pl.pallas_call(
        _mm1_body,
        grid=(_GRID, 2),
        in_specs=[
            pl.BlockSpec((_RB, D), lambda i, j: (i, 0)),
            pl.BlockSpec((D, DH), lambda i, j: (0, j)),
            pl.BlockSpec((2, _RB, DEGW), lambda i, j: (0, i, 0)),
        ],
        out_specs=pl.BlockSpec((1, _RB, DH), lambda i, j: (j, i, 0)),
        out_shape=jax.ShapeDtypeStruct((2, N, DH), jnp.float32),
    )(x, w1, dega)


def _mid(s1, g1, dega, b1, w2):
    return pl.pallas_call(
        _mid_body,
        grid=(_GRID,),
        in_specs=[
            pl.BlockSpec((2, _RB, DH), lambda i: (0, i, 0)),
            pl.BlockSpec((2, _RB, DH), lambda i: (0, i, 0)),
            pl.BlockSpec((2, _RB, DEGW), lambda i: (0, i, 0)),
            pl.BlockSpec((1, D), lambda i: (0, 0)),
            pl.BlockSpec((D, D), lambda i: (0, 0)),
        ],
        out_specs=pl.BlockSpec((2, _RB, DH), lambda i: (0, i, 0)),
        out_shape=jax.ShapeDtypeStruct((2, N, DH), jnp.float32),
    )(s1, g1, dega, b1, w2)


def _outk(s2, g2, dega, b2):
    return pl.pallas_call(
        _out_body,
        grid=(_GRID,),
        in_specs=[
            pl.BlockSpec((2, _RB, DH), lambda i: (0, i, 0)),
            pl.BlockSpec((2, _RB, DH), lambda i: (0, i, 0)),
            pl.BlockSpec((2, _RB, DEGW), lambda i: (0, i, 0)),
            pl.BlockSpec((1, D), lambda i: (0, 0)),
        ],
        out_specs=pl.BlockSpec((_RB, D), lambda i: (i, 0)),
        out_shape=jax.ShapeDtypeStruct((N, D), jnp.float32),
    )(s2, g2, dega, b2)


@jax.jit
def kernel(x, adj, W1, b1, W2, b2):
    src = adj[0]
    dst = adj[1]
    pad = NCHUNK_SEG * CHUNK * 16 - E
    srcp = jnp.pad(src, (0, pad)).reshape(16, NCHUNK_SEG, CHUNK)
    src_seg = jnp.stack([srcp, srcp + N])
    dstp = jnp.pad(dst, (0, pad), constant_values=N)
    dst_seg = dstp.reshape(16, NCHUNK_SEG, CHUNK)
    dst_deg = dstp.reshape(2, 16, NCHUNK_DEG, CHUNK)

    rowidx = jnp.arange(NROWS, dtype=jnp.int32).reshape(16, 5, CHUNK)
    dega = _deg_call()(dst_deg, rowidx)
    g1 = _mm1(x, W1, dega)
    s1 = _seg_call()(g1.reshape(2 * N, DH), src_seg, dst_seg, rowidx)
    g2 = _mid(s1, g1, dega, b1.reshape(1, D), W2)
    s2 = _seg_call()(g2.reshape(2 * N, DH), src_seg, dst_seg, rowidx)
    return _outk(s2, g2, dega, b2.reshape(1, D))

# --- scband reference (transcript-rebuilt; emitter-appended) ---
"""Pipeline reference for scband-graph-encoder-1657857376420 (READ-ONLY COPY).

The authoritative reference and input builder live on the scoring server;
editing this copy changes nothing except your own understanding.
"""

import jax, jax.numpy as jnp
import numpy as np

N_NODES = 10000
N_EDGES = 160000
D_IN = 256
D_OUT = 256


def setup_inputs(seed: int = 0) -> dict:
    key = jax.random.key(seed)
    k1, k2, k3, k4, k5, k6 = jax.random.split(key, 6)
    x = jax.random.normal(k1, (N_NODES, D_IN), dtype=jnp.float32)
    edge_index = jax.random.randint(k2, (2, N_EDGES), 0, N_NODES, dtype=jnp.int32)
    # GCNConv layer params: layer1 (in_dim -> in_dim), layer2 (in_dim -> out_dim)
    s1 = 1.0 / np.sqrt(D_IN)
    W1 = jax.random.uniform(k3, (D_IN, D_IN), minval=-s1, maxval=s1, dtype=jnp.float32)
    b1 = jnp.zeros((D_IN,), dtype=jnp.float32)
    W2 = jax.random.uniform(k4, (D_IN, D_OUT), minval=-s1, maxval=s1, dtype=jnp.float32)
    b2 = jnp.zeros((D_OUT,), dtype=jnp.float32)
    return {"x": x, "adj": edge_index, "W1": W1, "b1": b1, "W2": W2, "b2": b2}


def _gcn_conv(x, src, dst, deg_inv_sqrt, W, b):
    # h = A_hat @ (x @ W) + b  with A_hat = D^{-1/2} (A + I) D^{-1/2}
    h = x @ W
    norm = deg_inv_sqrt[src] * deg_inv_sqrt[dst]
    msgs = h[src] * norm[:, None]
    out = jnp.zeros_like(h).at[dst].add(msgs)
    # self-loop contribution
    out = out + h * (deg_inv_sqrt * deg_inv_sqrt)[:, None]
    return out + b


def reference(x, adj, W1, b1, W2, b2):
    src = adj[0]
    dst = adj[1]
    # degree with self loops (constant, derived from int edge index)
    deg = jnp.bincount(dst, length=N_NODES).astype(jnp.float32) + 1.0
    deg_inv_sqrt = jax.lax.rsqrt(deg)
    # layer 1: dropout (p=0, eval -> no-op), conv, relu
    h = _gcn_conv(x, src, dst, deg_inv_sqrt, W1, b1)
    h = jax.nn.relu(h)
    # layer 2: dropout (no-op), conv (no activation)
    out = _gcn_conv(h, src, dst, deg_inv_sqrt, W2, b2)
    return out

if __name__ == "__main__":
    import jax
    _d = setup_inputs()
    print(jax.jit(kernel)(*tuple(_d.values())))

</pallas_src>

<mosaic_0001>
#map = affine_map<(d0, d1) -> (0, 0, 0, 0)>
#map1 = affine_map<(d0, d1) -> (0, 0, 0)>
module attributes {stable_mosaic.version = 14 : i64} {
  func.func @_deg_body(%arg0: i32, %arg1: i32, %arg2: memref<2x16x40x128xi32, #tpu.memory_space<hbm>>, %arg3: memref<16x5x128xi32, #tpu.memory_space<hbm>>, %arg4: memref<2x10240x16xf32, #tpu.memory_space<hbm>>, %arg5: memref<40x128xi32, #tpu.memory_space<vmem>>, %arg6: memref<5x128xi32, #tpu.memory_space<vmem>>, %arg7: memref<128x16xf32, #tpu.memory_space<vmem>>, %arg8: memref<128x16xf32, #tpu.memory_space<vmem>>, %arg9: memref<128x16xf32, #tpu.memory_space<vmem>>, %arg10: memref<10240x16xf32, #tpu.memory_space<vmem_shared>>, %arg11: memref<!tpu.dma_semaphore, #tpu.memory_space<semaphore_mem>>) attributes {dimension_semantics = [#tpu.dimension_semantics<core_parallel>, #tpu.dimension_semantics<subcore_parallel>], iteration_bounds = array<i64: 2, 16>, scalar_prefetch = 0 : i64, scratch_operands = 7 : i64, tpu.core_type = #tpu.core_type<sc_vector_subcore>, window_params = [{transform_indices = #map}, {transform_indices = #map1}, {transform_indices = #map1}]} {
    "tpu.region"() ({
      %run_scoped3A_114 = tpu.sem_alloc : memref<!tpu.dma_semaphore, #tpu.memory_space<semaphore_mem>>
      %dma_start3A_115 = arith.constant 0 : i32
      %dma_start3A_116 = arith.constant 0 : i32
      %dma_start3A_117 = tpu.memref_slice %arg2[%arg0, %arg1, %dma_start3A_115, %dma_start3A_116] : memref<2x16x40x128xi32, #tpu.memory_space<hbm>> -> memref<1x1x40x128xi32, #tpu.memory_space<hbm>>
      %dma_start3A_118 = tpu.memref_squeeze %dma_start3A_117 : memref<1x1x40x128xi32, #tpu.memory_space<hbm>> -> memref<40x128xi32, #tpu.memory_space<hbm>>
      %dma_start3A_119 = arith.constant 0 : i32
      %dma_start3A_120 = arith.constant 0 : i32
      %dma_start3A_121 = tpu.memref_slice %arg2[%arg0, %arg1, %dma_start3A_119, %dma_start3A_120] : memref<2x16x40x128xi32, #tpu.memory_space<hbm>> -> memref<1x1x40x128xi32, #tpu.memory_space<hbm>>
      %dma_start3A_122 = tpu.memref_squeeze %dma_start3A_121 : memref<1x1x40x128xi32, #tpu.memory_space<hbm>> -> memref<40x128xi32, #tpu.memory_space<hbm>>
      tpu.enqueue_dma source(%dma_start3A_122 : memref<40x128xi32, #tpu.memory_space<hbm>>) target(%arg5 : memref<40x128xi32, #tpu.memory_space<vmem>>) target_semaphore(%run_scoped3A_114 : memref<!tpu.dma_semaphore, #tpu.memory_space<semaphore_mem>>)
      %dma_wait3A_123 = arith.constant 0 : i32
      %dma_wait3A_124 = arith.constant 0 : i32
      %dma_wait3A_125 = tpu.memref_slice %arg2[%arg0, %arg1, %dma_wait3A_123, %dma_wait3A_124] : memref<2x16x40x128xi32, #tpu.memory_space<hbm>> -> memref<1x1x40x128xi32, #tpu.memory_space<hbm>>
      %dma_wait3A_126 = tpu.memref_squeeze %dma_wait3A_125 : memref<1x1x40x128xi32, #tpu.memory_space<hbm>> -> memref<40x128xi32, #tpu.memory_space<hbm>>
      %dma_wait3A_127 = arith.constant 0 : i32
      %dma_wait3A_128 = arith.constant 0 : i32
      %dma_wait3A_129 = tpu.memref_slice %arg2[%arg0, %arg1, %dma_wait3A_127, %dma_wait3A_128] : memref<2x16x40x128xi32, #tpu.memory_space<hbm>> -> memref<1x1x40x128xi32, #tpu.memory_space<hbm>>
      %dma_wait3A_130 = tpu.memref_squeeze %dma_wait3A_129 : memref<1x1x40x128xi32, #tpu.memory_space<hbm>> -> memref<40x128xi32, #tpu.memory_space<hbm>>
      tpu.wait_dma2 semaphore(%run_scoped3A_114 : memref<!tpu.dma_semaphore, #tpu.memory_space<semaphore_mem>>) src(%dma_wait3A_130 : memref<40x128xi32, #tpu.memory_space<hbm>>) dst(%arg5 : memref<40x128xi32, #tpu.memory_space<vmem>>)
      tpu.yield
    }) : () -> ()
    "tpu.region"() ({
      %run_scoped3A_114 = tpu.sem_alloc : memref<!tpu.dma_semaphore, #tpu.memory_space<semaphore_mem>>
      %dma_start3A_115 = arith.constant 0 : i32
      %dma_start3A_116 = arith.constant 0 : i32
      %dma_start3A_117 = tpu.memref_slice %arg3[%arg1, %dma_start3A_115, %dma_start3A_116] : memref<16x5x128xi32, #tpu.memory_space<hbm>> -> memref<1x5x128xi32, #tpu.memory_space<hbm>>
      %dma_start3A_118 = tpu.memref_squeeze %dma_start3A_117 : memref<1x5x128xi32, #tpu.memory_space<hbm>> -> memref<5x128xi32, #tpu.memory_space<hbm>>
      %dma_start3A_119 = arith.constant 0 : i32
      %dma_start3A_120 = arith.constant 0 : i32
      %dma_start3A_121 = tpu.memref_slice %arg3[%arg1, %dma_start3A_119, %dma_start3A_120] : memref<16x5x128xi32, #tpu.memory_space<hbm>> -> memref<1x5x128xi32, #tpu.memory_space<hbm>>
      %dma_start3A_122 = tpu.memref_squeeze %dma_start3A_121 : memref<1x5x128xi32, #tpu.memory_space<hbm>> -> memref<5x128xi32, #tpu.memory_space<hbm>>
      tpu.enqueue_dma source(%dma_start3A_122 : memref<5x128xi32, #tpu.memory_space<hbm>>) target(%arg6 : memref<5x128xi32, #tpu.memory_space<vmem>>) target_semaphore(%run_scoped3A_114 : memref<!tpu.dma_semaphore, #tpu.memory_space<semaphore_mem>>)
      %dma_wait3A_123 = arith.constant 0 : i32
      %dma_wait3A_124 = arith.constant 0 : i32
      %dma_wait3A_125 = tpu.memref_slice %arg3[%arg1, %dma_wait3A_123, %dma_wait3A_124] : memref<16x5x128xi32, #tpu.memory_space<hbm>> -> memref<1x5x128xi32, #tpu.memory_space<hbm>>
      %dma_wait3A_126 = tpu.memref_squeeze %dma_wait3A_125 : memref<1x5x128xi32, #tpu.memory_space<hbm>> -> memref<5x128xi32, #tpu.memory_space<hbm>>
      %dma_wait3A_127 = arith.constant 0 : i32
      %dma_wait3A_128 = arith.constant 0 : i32
      %dma_wait3A_129 = tpu.memref_slice %arg3[%arg1, %dma_wait3A_127, %dma_wait3A_128] : memref<16x5x128xi32, #tpu.memory_space<hbm>> -> memref<1x5x128xi32, #tpu.memory_space<hbm>>
      %dma_wait3A_130 = tpu.memref_squeeze %dma_wait3A_129 : memref<1x5x128xi32, #tpu.memory_space<hbm>> -> memref<5x128xi32, #tpu.memory_space<hbm>>
      tpu.wait_dma2 semaphore(%run_scoped3A_114 : memref<!tpu.dma_semaphore, #tpu.memory_space<semaphore_mem>>) src(%dma_wait3A_130 : memref<5x128xi32, #tpu.memory_space<hbm>>) dst(%arg6 : memref<5x128xi32, #tpu.memory_space<vmem>>)
      tpu.yield
    }) : () -> ()
    %iota3A = tpu.iota {dimensions = array<i32: 0>} : vector<16xi32>
    %eq3A = arith.constant 0 : i32
    %eq3A_0 = vector.broadcast %eq3A : i32 to vector<16xi32>
    %eq3A_1 = arith.cmpi eq, %iota3A, %eq3A_0 : vector<16xi32>
    %jit3A = arith.constant 1.000000e+00 : f32
    %jit3A_2 = arith.constant 0.000000e+00 : f32
    %broadcast_in_dim3A = vector.broadcast %jit3A : f32 to vector<16xf32>
    %broadcast_in_dim3A_3 = vector.broadcast %jit3A_2 : f32 to vector<16xf32>
    %select_n3A = arith.select %eq3A_1, %broadcast_in_dim3A, %broadcast_in_dim3A_3 : vector<16xi1>, vector<16xf32>
    %scan3A = arith.constant 0 : i32
    %scan3A_4 = arith.constant 0 : i32
    %scan3A_5 = arith.constant 128 : i32
    %scan3A_6 = arith.addi %scan3A_4, %scan3A_5 : i32
    %scan3A_7 = arith.constant 1 : i32
    scf.for %scan3A_114 = %scan3A_4 to %scan3A_6 step %scan3A_7  : i32 {
      %swap3A = arith.index_cast %scan3A_114 : i32 to index
      %swap3A_115 = arith.constant 0 : index
      %swap3A_116 = tpu.vector_load %arg7[%swap3A, %swap3A_115] {strides = array<i32>} : memref<128x16xf32, #tpu.memory_space<vmem>>, vector<1x16xf32>,
      %swap3A_117 = vector.shape_cast %swap3A_116 : vector<1x16xf32> to vector<16xf32>
      %swap3A_118 = vector.shape_cast %select_n3A : vector<16xf32> to vector<1x16xf32>
      tpu.vector_store %arg7[%swap3A, %swap3A_115], %swap3A_118 {strides = array<i32>} : memref<128x16xf32, #tpu.memory_space<vmem>>, vector<1x16xf32>,
    }
    %scan3A_8 = arith.constant 128 : i32
    %broadcast_in_dim3A_9 = arith.constant 0.000000e+00 : f32
    %broadcast_in_dim3A_10 = vector.broadcast %broadcast_in_dim3A_9 : f32 to vector<16xf32>
    %scan3A_11 = arith.constant 0 : i32
    %scan3A_12 = arith.constant 0 : i32
    %scan3A_13 = arith.constant 128 : i32
    %scan3A_14 = arith.addi %scan3A_12, %scan3A_13 : i32
    %scan3A_15 = arith.constant 1 : i32
    scf.for %scan3A_114 = %scan3A_12 to %scan3A_14 step %scan3A_15  : i32 {
      %swap3A = arith.index_cast %scan3A_114 : i32 to index
      %swap3A_115 = arith.constant 0 : index
      %swap3A_116 = tpu.vector_load %arg8[%swap3A, %swap3A_115] {strides = array<i32>} : memref<128x16xf32, #tpu.memory_space<vmem>>, vector<1x16xf32>,
      %swap3A_117 = vector.shape_cast %swap3A_116 : vector<1x16xf32> to vector<16xf32>
      %swap3A_118 = vector.shape_cast %broadcast_in_dim3A_10 : vector<16xf32> to vector<1x16xf32>
      tpu.vector_store %arg8[%swap3A, %swap3A_115], %swap3A_118 {strides = array<i32>} : memref<128x16xf32, #tpu.memory_space<vmem>>, vector<1x16xf32>,
    }
    %scan3A_16 = arith.constant 128 : i32
    %run_scoped3A = arith.constant 0 : i32
    "tpu.region"() ({
      %run_scoped3A_114 = tpu.sem_alloc : memref<!tpu.dma_semaphore, #tpu.memory_space<semaphore_mem>>
      %dma_start3A_115 = arith.constant 0 : i32
      %dma_start3A_116 = tpu.memref_slice %arg6[%run_scoped3A, %dma_start3A_115] : memref<5x128xi32, #tpu.memory_space<vmem>> -> memref<1x128xi32, #tpu.memory_space<vmem>>
      %dma_start3A_117 = tpu.memref_squeeze %dma_start3A_116 : memref<1x128xi32, #tpu.memory_space<vmem>> -> memref<128xi32, #tpu.memory_space<vmem>>
      %dma_start3A_118 = arith.constant 0 : i32
      %dma_start3A_119 = arith.constant 0 : i32
      %dma_start3A_120 = tpu.memref_slice %arg10[%dma_start3A_118, %dma_start3A_119] : memref<10240x16xf32, #tpu.memory_space<vmem_shared>> -> memref<10240x16xf32, #tpu.memory_space<vmem_shared>>
      tpu.enqueue_indirect_dma source(%arg8 : memref<128x16xf32, #tpu.memory_space<vmem>>) target(%dma_start3A_120 : memref<10240x16xf32, #tpu.memory_space<vmem_shared>>) offsets(%dma_start3A_117 : memref<128xi32, #tpu.memory_space<vmem>>) semaphore(%run_scoped3A_114 : memref<!tpu.dma_semaphore, #tpu.memory_space<semaphore_mem>>)
      %dma_wait3A_121 = arith.constant 0 : i32
      %dma_wait3A_122 = tpu.memref_slice %arg6[%run_scoped3A, %dma_wait3A_121] : memref<5x128xi32, #tpu.memory_space<vmem>> -> memref<1x128xi32, #tpu.memory_space<vmem>>
      %dma_wait3A_123 = tpu.memref_squeeze %dma_wait3A_122 : memref<1x128xi32, #tpu.memory_space<vmem>> -> memref<128xi32, #tpu.memory_space<vmem>>
      %dma_wait3A_124 = arith.constant 0 : i32
      %dma_wait3A_125 = arith.constant 0 : i32
      %dma_wait3A_126 = tpu.memref_slice %arg10[%dma_wait3A_124, %dma_wait3A_125] : memref<10240x16xf32, #tpu.memory_space<vmem_shared>> -> memref<10240x16xf32, #tpu.memory_space<vmem_shared>>
      tpu.wait_indirect_dma semaphore(%run_scoped3A_114 : memref<!tpu.dma_semaphore, #tpu.memory_space<semaphore_mem>>) src(%arg8 : memref<128x16xf32, #tpu.memory_space<vmem>>) dst(%dma_wait3A_126 : memref<10240x16xf32, #tpu.memory_space<vmem_shared>>)
      tpu.yield
    }) : () -> ()
    %run_scoped3A_17 = arith.constant 1 : i32
    "tpu.region"() ({
      %run_scoped3A_114 = tpu.sem_alloc : memref<!tpu.dma_semaphore, #tpu.memory_space<semaphore_mem>>
      %dma_start3A_115 = arith.constant 0 : i32
      %dma_start3A_116 = tpu.memref_slice %arg6[%run_scoped3A_17, %dma_start3A_115] : memref<5x128xi32, #tpu.memory_space<vmem>> -> memref<1x128xi32, #tpu.memory_space<vmem>>
      %dma_start3A_117 = tpu.memref_squeeze %dma_start3A_116 : memref<1x128xi32, #tpu.memory_space<vmem>> -> memref<128xi32, #tpu.memory_space<vmem>>
      %dma_start3A_118 = arith.constant 0 : i32
      %dma_start3A_119 = arith.constant 0 : i32
      %dma_start3A_120 = tpu.memref_slice %arg10[%dma_start3A_118, %dma_start3A_119] : memref<10240x16xf32, #tpu.memory_space<vmem_shared>> -> memref<10240x16xf32, #tpu.memory_space<vmem_shared>>
      tpu.enqueue_indirect_dma source(%arg8 : memref<128x16xf32, #tpu.memory_space<vmem>>) target(%dma_start3A_120 : memref<10240x16xf32, #tpu.memory_space<vmem_shared>>) offsets(%dma_start3A_117 : memref<128xi32, #tpu.memory_space<vmem>>) semaphore(%run_scoped3A_114 : memref<!tpu.dma_semaphore, #tpu.memory_space<semaphore_mem>>)
      %dma_wait3A_121 = arith.constant 0 : i32
      %dma_wait3A_122 = tpu.memref_slice %arg6[%run_scoped3A_17, %dma_wait3A_121] : memref<5x128xi32, #tpu.memory_space<vmem>> -> memref<1x128xi32, #tpu.memory_space<vmem>>
      %dma_wait3A_123 = tpu.memref_squeeze %dma_wait3A_122 : memref<1x128xi32, #tpu.memory_space<vmem>> -> memref<128xi32, #tpu.memory_space<vmem>>
      %dma_wait3A_124 = arith.constant 0 : i32
      %dma_wait3A_125 = arith.constant 0 : i32
      %dma_wait3A_126 = tpu.memref_slice %arg10[%dma_wait3A_124, %dma_wait3A_125] : memref<10240x16xf32, #tpu.memory_space<vmem_shared>> -> memref<10240x16xf32, #tpu.memory_space<vmem_shared>>
      tpu.wait_indirect_dma semaphore(%run_scoped3A_114 : memref<!tpu.dma_semaphore, #tpu.memory_space<semaphore_mem>>) src(%arg8 : memref<128x16xf32, #tpu.memory_space<vmem>>) dst(%dma_wait3A_126 : memref<10240x16xf32, #tpu.memory_space<vmem_shared>>)
      tpu.yield
    }) : () -> ()
    %run_scoped3A_18 = arith.constant 2 : i32
    "tpu.region"() ({
      %run_scoped3A_114 = tpu.sem_alloc : memref<!tpu.dma_semaphore, #tpu.memory_space<semaphore_mem>>
      %dma_start3A_115 = arith.constant 0 : i32
      %dma_start3A_116 = tpu.memref_slice %arg6[%run_scoped3A_18, %dma_start3A_115] : memref<5x128xi32, #tpu.memory_space<vmem>> -> memref<1x128xi32, #tpu.memory_space<vmem>>
      %dma_start3A_117 = tpu.memref_squeeze %dma_start3A_116 : memref<1x128xi32, #tpu.memory_space<vmem>> -> memref<128xi32, #tpu.memory_space<vmem>>
      %dma_start3A_118 = arith.constant 0 : i32
      %dma_start3A_119 = arith.constant 0 : i32
      %dma_start3A_120 = tpu.memref_slice %arg10[%dma_start3A_118, %dma_start3A_119] : memref<10240x16xf32, #tpu.memory_space<vmem_shared>> -> memref<10240x16xf32, #tpu.memory_space<vmem_shared>>
      tpu.enqueue_indirect_dma source(%arg8 : memref<128x16xf32, #tpu.memory_space<vmem>>) target(%dma_start3A_120 : memref<10240x16xf32, #tpu.memory_space<vmem_shared>>) offsets(%dma_start3A_117 : memref<128xi32, #tpu.memory_space<vmem>>) semaphore(%run_scoped3A_114 : memref<!tpu.dma_semaphore, #tpu.memory_space<semaphore_mem>>)
      %dma_wait3A_121 = arith.constant 0 : i32
      %dma_wait3A_122 = tpu.memref_slice %arg6[%run_scoped3A_18, %dma_wait3A_121] : memref<5x128xi32, #tpu.memory_space<vmem>> -> memref<1x128xi32, #tpu.memory_space<vmem>>
      %dma_wait3A_123 = tpu.memref_squeeze %dma_wait3A_122 : memref<1x128xi32, #tpu.memory_space<vmem>> -> memref<128xi32, #tpu.memory_space<vmem>>
      %dma_wait3A_124 = arith.constant 0 : i32
      %dma_wait3A_125 = arith.constant 0 : i32
      %dma_wait3A_126 = tpu.memref_slice %arg10[%dma_wait3A_124, %dma_wait3A_125] : memref<10240x16xf32, #tpu.memory_space<vmem_shared>> -> memref<10240x16xf32, #tpu.memory_space<vmem_shared>>
      tpu.wait_indirect_dma semaphore(%run_scoped3A_114 : memref<!tpu.dma_semaphore, #tpu.memory_space<semaphore_mem>>) src(%arg8 : memref<128x16xf32, #tpu.memory_space<vmem>>) dst(%dma_wait3A_126 : memref<10240x16xf32, #tpu.memory_space<vmem_shared>>)
      tpu.yield
    }) : () -> ()
    %run_scoped3A_19 = arith.constant 3 : i32
    "tpu.region"() ({
      %run_scoped3A_114 = tpu.sem_alloc : memref<!tpu.dma_semaphore, #tpu.memory_space<semaphore_mem>>
      %dma_start3A_115 = arith.constant 0 : i32
      %dma_start3A_116 = tpu.memref_slice %arg6[%run_scoped3A_19, %dma_start3A_115] : memref<5x128xi32, #tpu.memory_space<vmem>> -> memref<1x128xi32, #tpu.memory_space<vmem>>
      %dma_start3A_117 = tpu.memref_squeeze %dma_start3A_116 : memref<1x128xi32, #tpu.memory_space<vmem>> -> memref<128xi32, #tpu.memory_space<vmem>>
      %dma_start3A_118 = arith.constant 0 : i32
      %dma_start3A_119 = arith.constant 0 : i32
      %dma_start3A_120 = tpu.memref_slice %arg10[%dma_start3A_118, %dma_start3A_119] : memref<10240x16xf32, #tpu.memory_space<vmem_shared>> -> memref<10240x16xf32, #tpu.memory_space<vmem_shared>>
      tpu.enqueue_indirect_dma source(%arg8 : memref<128x16xf32, #tpu.memory_space<vmem>>) target(%dma_start3A_120 : memref<10240x16xf32, #tpu.memory_space<vmem_shared>>) offsets(%dma_start3A_117 : memref<128xi32, #tpu.memory_space<vmem>>) semaphore(%run_scoped3A_114 : memref<!tpu.dma_semaphore, #tpu.memory_space<semaphore_mem>>)
      %dma_wait3A_121 = arith.constant 0 : i32
      %dma_wait3A_122 = tpu.memref_slice %arg6[%run_scoped3A_19, %dma_wait3A_121] : memref<5x128xi32, #tpu.memory_space<vmem>> -> memref<1x128xi32, #tpu.memory_space<vmem>>
      %dma_wait3A_123 = tpu.memref_squeeze %dma_wait3A_122 : memref<1x128xi32, #tpu.memory_space<vmem>> -> memref<128xi32, #tpu.memory_space<vmem>>
      %dma_wait3A_124 = arith.constant 0 : i32
      %dma_wait3A_125 = arith.constant 0 : i32
      %dma_wait3A_126 = tpu.memref_slice %arg10[%dma_wait3A_124, %dma_wait3A_125] : memref<10240x16xf32, #tpu.memory_space<vmem_shared>> -> memref<10240x16xf32, #tpu.memory_space<vmem_shared>>
      tpu.wait_indirect_dma semaphore(%run_scoped3A_114 : memref<!tpu.dma_semaphore, #tpu.memory_space<semaphore_mem>>) src(%arg8 : memref<128x16xf32, #tpu.memory_space<vmem>>) dst(%dma_wait3A_126 : memref<10240x16xf32, #tpu.memory_space<vmem_shared>>)
      tpu.yield
    }) : () -> ()
    %run_scoped3A_20 = arith.constant 4 : i32
    "tpu.region"() ({
      %run_scoped3A_114 = tpu.sem_alloc : memref<!tpu.dma_semaphore, #tpu.memory_space<semaphore_mem>>
      %dma_start3A_115 = arith.constant 0 : i32
      %dma_start3A_116 = tpu.memref_slice %arg6[%run_scoped3A_20, %dma_start3A_115] : memref<5x128xi32, #tpu.memory_space<vmem>> -> memref<1x128xi32, #tpu.memory_space<vmem>>
      %dma_start3A_117 = tpu.memref_squeeze %dma_start3A_116 : memref<1x128xi32, #tpu.memory_space<vmem>> -> memref<128xi32, #tpu.memory_space<vmem>>
      %dma_start3A_118 = arith.constant 0 : i32
      %dma_start3A_119 = arith.constant 0 : i32
      %dma_start3A_120 = tpu.memref_slice %arg10[%dma_start3A_118, %dma_start3A_119] : memref<10240x16xf32, #tpu.memory_space<vmem_shared>> -> memref<10240x16xf32, #tpu.memory_space<vmem_shared>>
      tpu.enqueue_indirect_dma source(%arg8 : memref<128x16xf32, #tpu.memory_space<vmem>>) target(%dma_start3A_120 : memref<10240x16xf32, #tpu.memory_space<vmem_shared>>) offsets(%dma_start3A_117 : memref<128xi32, #tpu.memory_space<vmem>>) semaphore(%run_scoped3A_114 : memref<!tpu.dma_semaphore, #tpu.memory_space<semaphore_mem>>)
      %dma_wait3A_121 = arith.constant 0 : i32
      %dma_wait3A_122 = tpu.memref_slice %arg6[%run_scoped3A_20, %dma_wait3A_121] : memref<5x128xi32, #tpu.memory_space<vmem>> -> memref<1x128xi32, #tpu.memory_space<vmem>>
      %dma_wait3A_123 = tpu.memref_squeeze %dma_wait3A_122 : memref<1x128xi32, #tpu.memory_space<vmem>> -> memref<128xi32, #tpu.memory_space<vmem>>
      %dma_wait3A_124 = arith.constant 0 : i32
      %dma_wait3A_125 = arith.constant 0 : i32
      %dma_wait3A_126 = tpu.memref_slice %arg10[%dma_wait3A_124, %dma_wait3A_125] : memref<10240x16xf32, #tpu.memory_space<vmem_shared>> -> memref<10240x16xf32, #tpu.memory_space<vmem_shared>>
      tpu.wait_indirect_dma semaphore(%run_scoped3A_114 : memref<!tpu.dma_semaphore, #tpu.memory_space<semaphore_mem>>) src(%arg8 : memref<128x16xf32, #tpu.memory_space<vmem>>) dst(%dma_wait3A_126 : memref<10240x16xf32, #tpu.memory_space<vmem_shared>>)
      tpu.yield
    }) : () -> ()
    %barrier3A = arith.constant 0 : index
    tpu.barrier barrier_id(%barrier3A)
    %scan3A_21 = arith.constant 0 : i32
    %scan3A_22 = arith.constant 0 : i32
    %scan3A_23 = arith.constant 40 : i32
    %scan3A_24 = arith.addi %scan3A_22, %scan3A_23 : i32
    %scan3A_25 = arith.constant 1 : i32
    scf.for %scan3A_114 = %scan3A_22 to %scan3A_24 step %scan3A_25  : i32 {
      "tpu.region"() ({
        %run_scoped3A_115 = tpu.sem_alloc : memref<!tpu.dma_semaphore, #tpu.memory_space<semaphore_mem>>
        %dma_start3A_116 = arith.constant 0 : i32
        %dma_start3A_117 = tpu.memref_slice %arg5[%scan3A_114, %dma_start3A_116] : memref<40x128xi32, #tpu.memory_space<vmem>> -> memref<1x128xi32, #tpu.memory_space<vmem>>
        %dma_start3A_118 = tpu.memref_squeeze %dma_start3A_117 : memref<1x128xi32, #tpu.memory_space<vmem>> -> memref<128xi32, #tpu.memory_space<vmem>>
        %dma_start3A_119 = arith.constant 0 : i32
        %dma_start3A_120 = arith.constant 0 : i32
        %dma_start3A_121 = tpu.memref_slice %arg10[%dma_start3A_119, %dma_start3A_120] : memref<10240x16xf32, #tpu.memory_space<vmem_shared>> -> memref<10240x16xf32, #tpu.memory_space<vmem_shared>>
        tpu.enqueue_indirect_dma source(%arg7 : memref<128x16xf32, #tpu.memory_space<vmem>>) target(%dma_start3A_121 : memref<10240x16xf32, #tpu.memory_space<vmem_shared>>) offsets(%dma_start3A_118 : memref<128xi32, #tpu.memory_space<vmem>>) semaphore(%run_scoped3A_115 : memref<!tpu.dma_semaphore, #tpu.memory_space<semaphore_mem>>) {add = true}
        %dma_wait3A_122 = arith.constant 0 : i32
        %dma_wait3A_123 = tpu.memref_slice %arg5[%scan3A_114, %dma_wait3A_122] : memref<40x128xi32, #tpu.memory_space<vmem>> -> memref<1x128xi32, #tpu.memory_space<vmem>>
        %dma_wait3A_124 = tpu.memref_squeeze %dma_wait3A_123 : memref<1x128xi32, #tpu.memory_space<vmem>> -> memref<128xi32, #tpu.memory_space<vmem>>
        %dma_wait3A_125 = arith.constant 0 : i32
        %dma_wait3A_126 = arith.constant 0 : i32
        %dma_wait3A_127 = tpu.memref_slice %arg10[%dma_wait3A_125, %dma_wait3A_126] : memref<10240x16xf32, #tpu.memory_space<vmem_shared>> -> memref<10240x16xf32, #tpu.memory_space<vmem_shared>>
        tpu.wait_indirect_dma semaphore(%run_scoped3A_115 : memref<!tpu.dma_semaphore, #tpu.memory_space<semaphore_mem>>) src(%arg7 : memref<128x16xf32, #tpu.memory_space<vmem>>) dst(%dma_wait3A_127 : memref<10240x16xf32, #tpu.memory_space<vmem_shared>>)
        tpu.yield
      }) : () -> ()
    }
    %scan3A_26 = arith.constant 40 : i32
    %barrier3A_27 = arith.constant 0 : index
    tpu.barrier barrier_id(%barrier3A_27)
    %dma_start3A = arith.constant 0 : i32
    %dma_start3A_28 = arith.constant 0 : i32
    %dma_start3A_29 = tpu.memref_slice %arg6[%dma_start3A, %dma_start3A_28] : memref<5x128xi32, #tpu.memory_space<vmem>> -> memref<1x128xi32, #tpu.memory_space<vmem>>
    %dma_start3A_30 = tpu.memref_squeeze %dma_start3A_29 : memref<1x128xi32, #tpu.memory_space<vmem>> -> memref<128xi32, #tpu.memory_space<vmem>>
    %dma_start3A_31 = arith.constant 0 : i32
    %dma_start3A_32 = arith.constant 0 : i32
    %dma_start3A_33 = tpu.memref_slice %arg10[%dma_start3A_31, %dma_start3A_32] : memref<10240x16xf32, #tpu.memory_space<vmem_shared>> -> memref<10240x16xf32, #tpu.memory_space<vmem_shared>>
    tpu.enqueue_indirect_dma source(%dma_start3A_33 : memref<10240x16xf32, #tpu.memory_space<vmem_shared>>) target(%arg9 : memref<128x16xf32, #tpu.memory_space<vmem>>) offsets(%dma_start3A_30 : memref<128xi32, #tpu.memory_space<vmem>>) semaphore(%arg11 : memref<!tpu.dma_semaphore, #tpu.memory_space<semaphore_mem>>)
    %dma_wait3A = arith.constant 0 : i32
    %dma_wait3A_34 = arith.constant 0 : i32
    %dma_wait3A_35 = tpu.memref_slice %arg6[%dma_wait3A, %dma_wait3A_34] : memref<5x128xi32, #tpu.memory_space<vmem>> -> memref<1x128xi32, #tpu.memory_space<vmem>>
    %dma_wait3A_36 = tpu.memref_squeeze %dma_wait3A_35 : memref<1x128xi32, #tpu.memory_space<vmem>> -> memref<128xi32, #tpu.memory_space<vmem>>
    %dma_wait3A_37 = arith.constant 0 : i32
    %dma_wait3A_38 = arith.constant 0 : i32
    %dma_wait3A_39 = tpu.memref_slice %arg10[%dma_wait3A_37, %dma_wait3A_38] : memref<10240x16xf32, #tpu.memory_space<vmem_shared>> -> memref<10240x16xf32, #tpu.memory_space<vmem_shared>>
    tpu.wait_indirect_dma semaphore(%arg11 : memref<!tpu.dma_semaphore, #tpu.memory_space<semaphore_mem>>) src(%dma_wait3A_39 : memref<10240x16xf32, #tpu.memory_space<vmem_shared>>) dst(%arg9 : memref<128x16xf32, #tpu.memory_space<vmem>>)
    %mul3A = arith.constant 640 : i32
    %mul3A_40 = arith.muli %arg1, %mul3A : i32
    %add3A = arith.constant 0 : i32
    %add3A_41 = arith.addi %mul3A_40, %add3A : i32
    "tpu.region"() ({
      %run_scoped3A_114 = tpu.sem_alloc : memref<!tpu.dma_semaphore, #tpu.memory_space<semaphore_mem>>
      %dma_start3A_115 = arith.constant 0 : i32
      %dma_start3A_116 = tpu.memref_slice %arg4[%arg0, %add3A_41, %dma_start3A_115] : memref<2x10240x16xf32, #tpu.memory_space<hbm>> -> memref<1x128x16xf32, #tpu.memory_space<hbm>>
      %dma_start3A_117 = tpu.memref_squeeze %dma_start3A_116 : memref<1x128x16xf32, #tpu.memory_space<hbm>> -> memref<128x16xf32, #tpu.memory_space<hbm>>
      %dma_start3A_118 = arith.constant 0 : i32
      %dma_start3A_119 = tpu.memref_slice %arg4[%arg0, %add3A_41, %dma_start3A_118] : memref<2x10240x16xf32, #tpu.memory_space<hbm>> -> memref<1x128x16xf32, #tpu.memory_space<hbm>>
      %dma_start3A_120 = tpu.memref_squeeze %dma_start3A_119 : memref<1x128x16xf32, #tpu.memory_space<hbm>> -> memref<128x16xf32, #tpu.memory_space<hbm>>
      tpu.enqueue_dma source(%arg9 : memref<128x16xf32, #tpu.memory_space<vmem>>) target(%dma_start3A_120 : memref<128x16xf32, #tpu.memory_space<hbm>>) target_semaphore(%run_scoped3A_114 : memref<!tpu.dma_semaphore, #tpu.memory_space<semaphore_mem>>)
      %dma_wait3A_121 = arith.constant 0 : i32
      %dma_wait3A_122 = tpu.memref_slice %arg4[%arg0, %add3A_41, %dma_wait3A_121] : memref<2x10240x16xf32, #tpu.memory_space<hbm>> -> memref<1x128x16xf32, #tpu.memory_space<hbm>>
      %dma_wait3A_123 = tpu.memref_squeeze %dma_wait3A_122 : memref<1x128x16xf32, #tpu.memory_space<hbm>> -> memref<128x16xf32, #tpu.memory_space<hbm>>
      %dma_wait3A_124 = arith.constant 0 : i32
      %dma_wait3A_125 = tpu.memref_slice %arg4[%arg0, %add3A_41, %dma_wait3A_124] : memref<2x10240x16xf32, #tpu.memory_space<hbm>> -> memref<1x128x16xf32, #tpu.memory_space<hbm>>
      %dma_wait3A_126 = tpu.memref_squeeze %dma_wait3A_125 : memref<1x128x16xf32, #tpu.memory_space<hbm>> -> memref<128x16xf32, #tpu.memory_space<hbm>>
      tpu.wait_dma2 semaphore(%run_scoped3A_114 : memref<!tpu.dma_semaphore, #tpu.memory_space<semaphore_mem>>) src(%arg9 : memref<128x16xf32, #tpu.memory_space<vmem>>) dst(%dma_wait3A_126 : memref<128x16xf32, #tpu.memory_space<hbm>>)
      tpu.yield
    }) : () -> ()
    %dma_start3A_42 = arith.constant 1 : i32
    %dma_start3A_43 = arith.constant 0 : i32
    %dma_start3A_44 = tpu.memref_slice %arg6[%dma_start3A_42, %dma_start3A_43] : memref<5x128xi32, #tpu.memory_space<vmem>> -> memref<1x128xi32, #tpu.memory_space<vmem>>
    %dma_start3A_45 = tpu.memref_squeeze %dma_start3A_44 : memref<1x128xi32, #tpu.memory_space<vmem>> -> memref<128xi32, #tpu.memory_space<vmem>>
    %dma_start3A_46 = arith.constant 0 : i32
    %dma_start3A_47 = arith.constant 0 : i32
    %dma_start3A_48 = tpu.memref_slice %arg10[%dma_start3A_46, %dma_start3A_47] : memref<10240x16xf32, #tpu.memory_space<vmem_shared>> -> memref<10240x16xf32, #tpu.memory_space<vmem_shared>>
    tpu.enqueue_indirect_dma source(%dma_start3A_48 : memref<10240x16xf32, #tpu.memory_space<vmem_shared>>) target(%arg9 : memref<128x16xf32, #tpu.memory_space<vmem>>) offsets(%dma_start3A_45 : memref<128xi32, #tpu.memory_space<vmem>>) semaphore(%arg11 : memref<!tpu.dma_semaphore, #tpu.memory_space<semaphore_mem>>)
    %dma_wait3A_49 = arith.constant 1 : i32
    %dma_wait3A_50 = arith.constant 0 : i32
    %dma_wait3A_51 = tpu.memref_slice %arg6[%dma_wait3A_49, %dma_wait3A_50] : memref<5x128xi32, #tpu.memory_space<vmem>> -> memref<1x128xi32, #tpu.memory_space<vmem>>
    %dma_wait3A_52 = tpu.memref_squeeze %dma_wait3A_51 : memref<1x128xi32, #tpu.memory_space<vmem>> -> memref<128xi32, #tpu.memory_space<vmem>>
    %dma_wait3A_53 = arith.constant 0 : i32
    %dma_wait3A_54 = arith.constant 0 : i32
    %dma_wait3A_55 = tpu.memref_slice %arg10[%dma_wait3A_53, %dma_wait3A_54] : memref<10240x16xf32, #tpu.memory_space<vmem_shared>> -> memref<10240x16xf32, #tpu.memory_space<vmem_shared>>
    tpu.wait_indirect_dma semaphore(%arg11 : memref<!tpu.dma_semaphore, #tpu.memory_space<semaphore_mem>>) src(%dma_wait3A_55 : memref<10240x16xf32, #tpu.memory_space<vmem_shared>>) dst(%arg9 : memref<128x16xf32, #tpu.memory_space<vmem>>)
    %mul3A_56 = arith.constant 640 : i32
    %mul3A_57 = arith.muli %arg1, %mul3A_56 : i32
    %add3A_58 = arith.constant 128 : i32
    %add3A_59 = arith.addi %mul3A_57, %add3A_58 : i32
    "tpu.region"() ({
      %run_scoped3A_114 = tpu.sem_alloc : memref<!tpu.dma_semaphore, #tpu.memory_space<semaphore_mem>>
      %dma_start3A_115 = arith.constant 0 : i32
      %dma_start3A_116 = tpu.memref_slice %arg4[%arg0, %add3A_59, %dma_start3A_115] : memref<2x10240x16xf32, #tpu.memory_space<hbm>> -> memref<1x128x16xf32, #tpu.memory_space<hbm>>
      %dma_start3A_117 = tpu.memref_squeeze %dma_start3A_116 : memref<1x128x16xf32, #tpu.memory_space<hbm>> -> memref<128x16xf32, #tpu.memory_space<hbm>>
      %dma_start3A_118 = arith.constant 0 : i32
      %dma_start3A_119 = tpu.memref_slice %arg4[%arg0, %add3A_59, %dma_start3A_118] : memref<2x10240x16xf32, #tpu.memory_space<hbm>> -> memref<1x128x16xf32, #tpu.memory_space<hbm>>
      %dma_start3A_120 = tpu.memref_squeeze %dma_start3A_119 : memref<1x128x16xf32, #tpu.memory_space<hbm>> -> memref<128x16xf32, #tpu.memory_space<hbm>>
      tpu.enqueue_dma source(%arg9 : memref<128x16xf32, #tpu.memory_space<vmem>>) target(%dma_start3A_120 : memref<128x16xf32, #tpu.memory_space<hbm>>) target_semaphore(%run_scoped3A_114 : memref<!tpu.dma_semaphore, #tpu.memory_space<semaphore_mem>>)
      %dma_wait3A_121 = arith.constant 0 : i32
      %dma_wait3A_122 = tpu.memref_slice %arg4[%arg0, %add3A_59, %dma_wait3A_121] : memref<2x10240x16xf32, #tpu.memory_space<hbm>> -> memref<1x128x16xf32, #tpu.memory_space<hbm>>
      %dma_wait3A_123 = tpu.memref_squeeze %dma_wait3A_122 : memref<1x128x16xf32, #tpu.memory_space<hbm>> -> memref<128x16xf32, #tpu.memory_space<hbm>>
      %dma_wait3A_124 = arith.constant 0 : i32
      %dma_wait3A_125 = tpu.memref_slice %arg4[%arg0, %add3A_59, %dma_wait3A_124] : memref<2x10240x16xf32, #tpu.memory_space<hbm>> -> memref<1x128x16xf32, #tpu.memory_space<hbm>>
      %dma_wait3A_126 = tpu.memref_squeeze %dma_wait3A_125 : memref<1x128x16xf32, #tpu.memory_space<hbm>> -> memref<128x16xf32, #tpu.memory_space<hbm>>
      tpu.wait_dma2 semaphore(%run_scoped3A_114 : memref<!tpu.dma_semaphore, #tpu.memory_space<semaphore_mem>>) src(%arg9 : memref<128x16xf32, #tpu.memory_space<vmem>>) dst(%dma_wait3A_126 : memref<128x16xf32, #tpu.memory_space<hbm>>)
      tpu.yield
    }) : () -> ()
    %dma_start3A_60 = arith.constant 2 : i32
    %dma_start3A_61 = arith.constant 0 : i32
    %dma_start3A_62 = tpu.memref_slice %arg6[%dma_start3A_60, %dma_start3A_61] : memref<5x128xi32, #tpu.memory_space<vmem>> -> memref<1x128xi32, #tpu.memory_space<vmem>>
    %dma_start3A_63 = tpu.memref_squeeze %dma_start3A_62 : memref<1x128xi32, #tpu.memory_space<vmem>> -> memref<128xi32, #tpu.memory_space<vmem>>
    %dma_start3A_64 = arith.constant 0 : i32
    %dma_start3A_65 = arith.constant 0 : i32
    %dma_start3A_66 = tpu.memref_slice %arg10[%dma_start3A_64, %dma_start3A_65] : memref<10240x16xf32, #tpu.memory_space<vmem_shared>> -> memref<10240x16xf32, #tpu.memory_space<vmem_shared>>
    tpu.enqueue_indirect_dma source(%dma_start3A_66 : memref<10240x16xf32, #tpu.memory_space<vmem_shared>>) target(%arg9 : memref<128x16xf32, #tpu.memory_space<vmem>>) offsets(%dma_start3A_63 : memref<128xi32, #tpu.memory_space<vmem>>) semaphore(%arg11 : memref<!tpu.dma_semaphore, #tpu.memory_space<semaphore_mem>>)
    %dma_wait3A_67 = arith.constant 2 : i32
    %dma_wait3A_68 = arith.constant 0 : i32
    %dma_wait3A_69 = tpu.memref_slice %arg6[%dma_wait3A_67, %dma_wait3A_68] : memref<5x128xi32, #tpu.memory_space<vmem>> -> memref<1x128xi32, #tpu.memory_space<vmem>>
    %dma_wait3A_70 = tpu.memref_squeeze %dma_wait3A_69 : memref<1x128xi32, #tpu.memory_space<vmem>> -> memref<128xi32, #tpu.memory_space<vmem>>
    %dma_wait3A_71 = arith.constant 0 : i32
    %dma_wait3A_72 = arith.constant 0 : i32
    %dma_wait3A_73 = tpu.memref_slice %arg10[%dma_wait3A_71, %dma_wait3A_72] : memref<10240x16xf32, #tpu.memory_space<vmem_shared>> -> memref<10240x16xf32, #tpu.memory_space<vmem_shared>>
    tpu.wait_indirect_dma semaphore(%arg11 : memref<!tpu.dma_semaphore, #tpu.memory_space<semaphore_mem>>) src(%dma_wait3A_73 : memref<10240x16xf32, #tpu.memory_space<vmem_shared>>) dst(%arg9 : memref<128x16xf32, #tpu.memory_space<vmem>>)
    %mul3A_74 = arith.constant 640 : i32
    %mul3A_75 = arith.muli %arg1, %mul3A_74 : i32
    %add3A_76 = arith.constant 256 : i32
    %add3A_77 = arith.addi %mul3A_75, %add3A_76 : i32
    "tpu.region"() ({
      %run_scoped3A_114 = tpu.sem_alloc : memref<!tpu.dma_semaphore, #tpu.memory_space<semaphore_mem>>
      %dma_start3A_115 = arith.constant 0 : i32
      %dma_start3A_116 = tpu.memref_slice %arg4[%arg0, %add3A_77, %dma_start3A_115] : memref<2x10240x16xf32, #tpu.memory_space<hbm>> -> memref<1x128x16xf32, #tpu.memory_space<hbm>>
      %dma_start3A_117 = tpu.memref_squeeze %dma_start3A_116 : memref<1x128x16xf32, #tpu.memory_space<hbm>> -> memref<128x16xf32, #tpu.memory_space<hbm>>
      %dma_start3A_118 = arith.constant 0 : i32
      %dma_start3A_119 = tpu.memref_slice %arg4[%arg0, %add3A_77, %dma_start3A_118] : memref<2x10240x16xf32, #tpu.memory_space<hbm>> -> memref<1x128x16xf32, #tpu.memory_space<hbm>>
      %dma_start3A_120 = tpu.memref_squeeze %dma_start3A_119 : memref<1x128x16xf32, #tpu.memory_space<hbm>> -> memref<128x16xf32, #tpu.memory_space<hbm>>
      tpu.enqueue_dma source(%arg9 : memref<128x16xf32, #tpu.memory_space<vmem>>) target(%dma_start3A_120 : memref<128x16xf32, #tpu.memory_space<hbm>>) target_semaphore(%run_scoped3A_114 : memref<!tpu.dma_semaphore, #tpu.memory_space<semaphore_mem>>)
      %dma_wait3A_121 = arith.constant 0 : i32
      %dma_wait3A_122 = tpu.memref_slice %arg4[%arg0, %add3A_77, %dma_wait3A_121] : memref<2x10240x16xf32, #tpu.memory_space<hbm>> -> memref<1x128x16xf32, #tpu.memory_space<hbm>>
      %dma_wait3A_123 = tpu.memref_squeeze %dma_wait3A_122 : memref<1x128x16xf32, #tpu.memory_space<hbm>> -> memref<128x16xf32, #tpu.memory_space<hbm>>
      %dma_wait3A_124 = arith.constant 0 : i32
      %dma_wait3A_125 = tpu.memref_slice %arg4[%arg0, %add3A_77, %dma_wait3A_124] : memref<2x10240x16xf32, #tpu.memory_space<hbm>> -> memref<1x128x16xf32, #tpu.memory_space<hbm>>
      %dma_wait3A_126 = tpu.memref_squeeze %dma_wait3A_125 : memref<1x128x16xf32, #tpu.memory_space<hbm>> -> memref<128x16xf32, #tpu.memory_space<hbm>>
      tpu.wait_dma2 semaphore(%run_scoped3A_114 : memref<!tpu.dma_semaphore, #tpu.memory_space<semaphore_mem>>) src(%arg9 : memref<128x16xf32, #tpu.memory_space<vmem>>) dst(%dma_wait3A_126 : memref<128x16xf32, #tpu.memory_space<hbm>>)
      tpu.yield
    }) : () -> ()
    %dma_start3A_78 = arith.constant 3 : i32
    %dma_start3A_79 = arith.constant 0 : i32
    %dma_start3A_80 = tpu.memref_slice %arg6[%dma_start3A_78, %dma_start3A_79] : memref<5x128xi32, #tpu.memory_space<vmem>> -> memref<1x128xi32, #tpu.memory_space<vmem>>
    %dma_start3A_81 = tpu.memref_squeeze %dma_start3A_80 : memref<1x128xi32, #tpu.memory_space<vmem>> -> memref<128xi32, #tpu.memory_space<vmem>>
    %dma_start3A_82 = arith.constant 0 : i32
    %dma_start3A_83 = arith.constant 0 : i32
    %dma_start3A_84 = tpu.memref_slice %arg10[%dma_start3A_82, %dma_start3A_83] : memref<10240x16xf32, #tpu.memory_space<vmem_shared>> -> memref<10240x16xf32, #tpu.memory_space<vmem_shared>>
    tpu.enqueue_indirect_dma source(%dma_start3A_84 : memref<10240x16xf32, #tpu.memory_space<vmem_shared>>) target(%arg9 : memref<128x16xf32, #tpu.memory_space<vmem>>) offsets(%dma_start3A_81 : memref<128xi32, #tpu.memory_space<vmem>>) semaphore(%arg11 : memref<!tpu.dma_semaphore, #tpu.memory_space<semaphore_mem>>)
    %dma_wait3A_85 = arith.constant 3 : i32
    %dma_wait3A_86 = arith.constant 0 : i32
    %dma_wait3A_87 = tpu.memref_slice %arg6[%dma_wait3A_85, %dma_wait3A_86] : memref<5x128xi32, #tpu.memory_space<vmem>> -> memref<1x128xi32, #tpu.memory_space<vmem>>
    %dma_wait3A_88 = tpu.memref_squeeze %dma_wait3A_87 : memref<1x128xi32, #tpu.memory_space<vmem>> -> memref<128xi32, #tpu.memory_space<vmem>>
    %dma_wait3A_89 = arith.constant 0 : i32
    %dma_wait3A_90 = arith.constant 0 : i32
    %dma_wait3A_91 = tpu.memref_slice %arg10[%dma_wait3A_89, %dma_wait3A_90] : memref<10240x16xf32, #tpu.memory_space<vmem_shared>> -> memref<10240x16xf32, #tpu.memory_space<vmem_shared>>
    tpu.wait_indirect_dma semaphore(%arg11 : memref<!tpu.dma_semaphore, #tpu.memory_space<semaphore_mem>>) src(%dma_wait3A_91 : memref<10240x16xf32, #tpu.memory_space<vmem_shared>>) dst(%arg9 : memref<128x16xf32, #tpu.memory_space<vmem>>)
    %mul3A_92 = arith.constant 640 : i32
    %mul3A_93 = arith.muli %arg1, %mul3A_92 : i32
    %add3A_94 = arith.constant 384 : i32
    %add3A_95 = arith.addi %mul3A_93, %add3A_94 : i32
    "tpu.region"() ({
      %run_scoped3A_114 = tpu.sem_alloc : memref<!tpu.dma_semaphore, #tpu.memory_space<semaphore_mem>>
      %dma_start3A_115 = arith.constant 0 : i32
      %dma_start3A_116 = tpu.memref_slice %arg4[%arg0, %add3A_95, %dma_start3A_115] : memref<2x10240x16xf32, #tpu.memory_space<hbm>> -> memref<1x128x16xf32, #tpu.memory_space<hbm>>
      %dma_start3A_117 = tpu.memref_squeeze %dma_start3A_116 : memref<1x128x16xf32, #tpu.memory_space<hbm>> -> memref<128x16xf32, #tpu.memory_space<hbm>>
      %dma_start3A_118 = arith.constant 0 : i32
      %dma_start3A_119 = tpu.memref_slice %arg4[%arg0, %add3A_95, %dma_start3A_118] : memref<2x10240x16xf32, #tpu.memory_space<hbm>> -> memref<1x128x16xf32, #tpu.memory_space<hbm>>
      %dma_start3A_120 = tpu.memref_squeeze %dma_start3A_119 : memref<1x128x16xf32, #tpu.memory_space<hbm>> -> memref<128x16xf32, #tpu.memory_space<hbm>>
      tpu.enqueue_dma source(%arg9 : memref<128x16xf32, #tpu.memory_space<vmem>>) target(%dma_start3A_120 : memref<128x16xf32, #tpu.memory_space<hbm>>) target_semaphore(%run_scoped3A_114 : memref<!tpu.dma_semaphore, #tpu.memory_space<semaphore_mem>>)
      %dma_wait3A_121 = arith.constant 0 : i32
      %dma_wait3A_122 = tpu.memref_slice %arg4[%arg0, %add3A_95, %dma_wait3A_121] : memref<2x10240x16xf32, #tpu.memory_space<hbm>> -> memref<1x128x16xf32, #tpu.memory_space<hbm>>
      %dma_wait3A_123 = tpu.memref_squeeze %dma_wait3A_122 : memref<1x128x16xf32, #tpu.memory_space<hbm>> -> memref<128x16xf32, #tpu.memory_space<hbm>>
      %dma_wait3A_124 = arith.constant 0 : i32
      %dma_wait3A_125 = tpu.memref_slice %arg4[%arg0, %add3A_95, %dma_wait3A_124] : memref<2x10240x16xf32, #tpu.memory_space<hbm>> -> memref<1x128x16xf32, #tpu.memory_space<hbm>>
      %dma_wait3A_126 = tpu.memref_squeeze %dma_wait3A_125 : memref<1x128x16xf32, #tpu.memory_space<hbm>> -> memref<128x16xf32, #tpu.memory_space<hbm>>
      tpu.wait_dma2 semaphore(%run_scoped3A_114 : memref<!tpu.dma_semaphore, #tpu.memory_space<semaphore_mem>>) src(%arg9 : memref<128x16xf32, #tpu.memory_space<vmem>>) dst(%dma_wait3A_126 : memref<128x16xf32, #tpu.memory_space<hbm>>)
      tpu.yield
    }) : () -> ()
    %dma_start3A_96 = arith.constant 4 : i32
    %dma_start3A_97 = arith.constant 0 : i32
    %dma_start3A_98 = tpu.memref_slice %arg6[%dma_start3A_96, %dma_start3A_97] : memref<5x128xi32, #tpu.memory_space<vmem>> -> memref<1x128xi32, #tpu.memory_space<vmem>>
    %dma_start3A_99 = tpu.memref_squeeze %dma_start3A_98 : memref<1x128xi32, #tpu.memory_space<vmem>> -> memref<128xi32, #tpu.memory_space<vmem>>
    %dma_start3A_100 = arith.constant 0 : i32
    %dma_start3A_101 = arith.constant 0 : i32
    %dma_start3A_102 = tpu.memref_slice %arg10[%dma_start3A_100, %dma_start3A_101] : memref<10240x16xf32, #tpu.memory_space<vmem_shared>> -> memref<10240x16xf32, #tpu.memory_space<vmem_shared>>
    tpu.enqueue_indirect_dma source(%dma_start3A_102 : memref<10240x16xf32, #tpu.memory_space<vmem_shared>>) target(%arg9 : memref<128x16xf32, #tpu.memory_space<vmem>>) offsets(%dma_start3A_99 : memref<128xi32, #tpu.memory_space<vmem>>) semaphore(%arg11 : memref<!tpu.dma_semaphore, #tpu.memory_space<semaphore_mem>>)
    %dma_wait3A_103 = arith.constant 4 : i32
    %dma_wait3A_104 = arith.constant 0 : i32
    %dma_wait3A_105 = tpu.memref_slice %arg6[%dma_wait3A_103, %dma_wait3A_104] : memref<5x128xi32, #tpu.memory_space<vmem>> -> memref<1x128xi32, #tpu.memory_space<vmem>>
    %dma_wait3A_106 = tpu.memref_squeeze %dma_wait3A_105 : memref<1x128xi32, #tpu.memory_space<vmem>> -> memref<128xi32, #tpu.memory_space<vmem>>
    %dma_wait3A_107 = arith.constant 0 : i32
    %dma_wait3A_108 = arith.constant 0 : i32
    %dma_wait3A_109 = tpu.memref_slice %arg10[%dma_wait3A_107, %dma_wait3A_108] : memref<10240x16xf32, #tpu.memory_space<vmem_shared>> -> memref<10240x16xf32, #tpu.memory_space<vmem_shared>>
    tpu.wait_indirect_dma semaphore(%arg11 : memref<!tpu.dma_semaphore, #tpu.memory_space<semaphore_mem>>) src(%dma_wait3A_109 : memref<10240x16xf32, #tpu.memory_space<vmem_shared>>) dst(%arg9 : memref<128x16xf32, #tpu.memory_space<vmem>>)
    %mul3A_110 = arith.constant 640 : i32
    %mul3A_111 = arith.muli %arg1, %mul3A_110 : i32
    %add3A_112 = arith.constant 512 : i32
    %add3A_113 = arith.addi %mul3A_111, %add3A_112 : i32
    "tpu.region"() ({
      %run_scoped3A_114 = tpu.sem_alloc : memref<!tpu.dma_semaphore, #tpu.memory_space<semaphore_mem>>
      %dma_start3A_115 = arith.constant 0 : i32
      %dma_start3A_116 = tpu.memref_slice %arg4[%arg0, %add3A_113, %dma_start3A_115] : memref<2x10240x16xf32, #tpu.memory_space<hbm>> -> memref<1x128x16xf32, #tpu.memory_space<hbm>>
      %dma_start3A_117 = tpu.memref_squeeze %dma_start3A_116 : memref<1x128x16xf32, #tpu.memory_space<hbm>> -> memref<128x16xf32, #tpu.memory_space<hbm>>
      %dma_start3A_118 = arith.constant 0 : i32
      %dma_start3A_119 = tpu.memref_slice %arg4[%arg0, %add3A_113, %dma_start3A_118] : memref<2x10240x16xf32, #tpu.memory_space<hbm>> -> memref<1x128x16xf32, #tpu.memory_space<hbm>>
      %dma_start3A_120 = tpu.memref_squeeze %dma_start3A_119 : memref<1x128x16xf32, #tpu.memory_space<hbm>> -> memref<128x16xf32, #tpu.memory_space<hbm>>
      tpu.enqueue_dma source(%arg9 : memref<128x16xf32, #tpu.memory_space<vmem>>) target(%dma_start3A_120 : memref<128x16xf32, #tpu.memory_space<hbm>>) target_semaphore(%run_scoped3A_114 : memref<!tpu.dma_semaphore, #tpu.memory_space<semaphore_mem>>)
      %dma_wait3A_121 = arith.constant 0 : i32
      %dma_wait3A_122 = tpu.memref_slice %arg4[%arg0, %add3A_113, %dma_wait3A_121] : memref<2x10240x16xf32, #tpu.memory_space<hbm>> -> memref<1x128x16xf32, #tpu.memory_space<hbm>>
      %dma_wait3A_123 = tpu.memref_squeeze %dma_wait3A_122 : memref<1x128x16xf32, #tpu.memory_space<hbm>> -> memref<128x16xf32, #tpu.memory_space<hbm>>
      %dma_wait3A_124 = arith.constant 0 : i32
      %dma_wait3A_125 = tpu.memref_slice %arg4[%arg0, %add3A_113, %dma_wait3A_124] : memref<2x10240x16xf32, #tpu.memory_space<hbm>> -> memref<1x128x16xf32, #tpu.memory_space<hbm>>
      %dma_wait3A_126 = tpu.memref_squeeze %dma_wait3A_125 : memref<1x128x16xf32, #tpu.memory_space<hbm>> -> memref<128x16xf32, #tpu.memory_space<hbm>>
      tpu.wait_dma2 semaphore(%run_scoped3A_114 : memref<!tpu.dma_semaphore, #tpu.memory_space<semaphore_mem>>) src(%arg9 : memref<128x16xf32, #tpu.memory_space<vmem>>) dst(%dma_wait3A_126 : memref<128x16xf32, #tpu.memory_space<hbm>>)
      tpu.yield
    }) : () -> ()
    return
  }
}

#map = affine_map<(d0, d1) -> (0, 0)>
#map1 = affine_map<(d0, d1) -> (0, 0, 0, 0)>
#map2 = affine_map<(d0, d1) -> (0, 0, 0)>
module attributes {stable_mosaic.version = 14 : i64} {
  func.func @_seg_body(%arg0: i32, %arg1: i32, %arg2: memref<20000x128xf32, #tpu.memory_space<hbm>>, %arg3: memref<2x16x80x128xi32, #tpu.memory_space<hbm>>, %arg4: memref<16x80x128xi32, #tpu.memory_space<hbm>>, %arg5: memref<16x5x128xi32, #tpu.memory_space<hbm>>, %arg6: memref<2x10240x128xf32, #tpu.memory_space<hbm>>, %arg7: memref<40x128xi32, #tpu.memory_space<vmem>>, %arg8: memref<40x128xi32, #tpu.memory_space<vmem>>, %arg9: memref<5x128xi32, #tpu.memory_space<vmem>>, %arg10: memref<2x128x128xf32, #tpu.memory_space<vmem>>, %arg11: memref<10240x128xf32, #tpu.memory_space<vmem_shared>>, %arg12: memref<!tpu.dma_semaphore, #tpu.memory_space<semaphore_mem>>) attributes {dimension_semantics = [#tpu.dimension_semantics<core_parallel>, #tpu.dimension_semantics<subcore_parallel>], iteration_bounds = array<i64: 2, 16>, scalar_prefetch = 0 : i64, scratch_operands = 6 : i64, tpu.core_type = #tpu.core_type<sc_vector_subcore>, window_params = [{transform_indices = #map}, {transform_indices = #map1}, {transform_indices = #map2}, {transform_indices = #map2}, {transform_indices = #map2}]} {
    "tpu.region"() ({
      %run_scoped3A_193 = tpu.sem_alloc : memref<!tpu.dma_semaphore, #tpu.memory_space<semaphore_mem>>
      %dma_start3A_194 = arith.constant 0 : i32
      %dma_start3A_195 = arith.constant 0 : i32
      %dma_start3A_196 = tpu.memref_slice %arg5[%arg1, %dma_start3A_194, %dma_start3A_195] : memref<16x5x128xi32, #tpu.memory_space<hbm>> -> memref<1x5x128xi32, #tpu.memory_space<hbm>>
      %dma_start3A_197 = tpu.memref_squeeze %dma_start3A_196 : memref<1x5x128xi32, #tpu.memory_space<hbm>> -> memref<5x128xi32, #tpu.memory_space<hbm>>
      %dma_start3A_198 = arith.constant 0 : i32
      %dma_start3A_199 = arith.constant 0 : i32
      %dma_start3A_200 = tpu.memref_slice %arg5[%arg1, %dma_start3A_198, %dma_start3A_199] : memref<16x5x128xi32, #tpu.memory_space<hbm>> -> memref<1x5x128xi32, #tpu.memory_space<hbm>>
      %dma_start3A_201 = tpu.memref_squeeze %dma_start3A_200 : memref<1x5x128xi32, #tpu.memory_space<hbm>> -> memref<5x128xi32, #tpu.memory_space<hbm>>
      tpu.enqueue_dma source(%dma_start3A_201 : memref<5x128xi32, #tpu.memory_space<hbm>>) target(%arg9 : memref<5x128xi32, #tpu.memory_space<vmem>>) target_semaphore(%run_scoped3A_193 : memref<!tpu.dma_semaphore, #tpu.memory_space<semaphore_mem>>)
      %dma_wait3A_202 = arith.constant 0 : i32
      %dma_wait3A_203 = arith.constant 0 : i32
      %dma_wait3A_204 = tpu.memref_slice %arg5[%arg1, %dma_wait3A_202, %dma_wait3A_203] : memref<16x5x128xi32, #tpu.memory_space<hbm>> -> memref<1x5x128xi32, #tpu.memory_space<hbm>>
      %dma_wait3A_205 = tpu.memref_squeeze %dma_wait3A_204 : memref<1x5x128xi32, #tpu.memory_space<hbm>> -> memref<5x128xi32, #tpu.memory_space<hbm>>
      %dma_wait3A_206 = arith.constant 0 : i32
      %dma_wait3A_207 = arith.constant 0 : i32
      %dma_wait3A_208 = tpu.memref_slice %arg5[%arg1, %dma_wait3A_206, %dma_wait3A_207] : memref<16x5x128xi32, #tpu.memory_space<hbm>> -> memref<1x5x128xi32, #tpu.memory_space<hbm>>
      %dma_wait3A_209 = tpu.memref_squeeze %dma_wait3A_208 : memref<1x5x128xi32, #tpu.memory_space<hbm>> -> memref<5x128xi32, #tpu.memory_space<hbm>>
      tpu.wait_dma2 semaphore(%run_scoped3A_193 : memref<!tpu.dma_semaphore, #tpu.memory_space<semaphore_mem>>) src(%dma_wait3A_209 : memref<5x128xi32, #tpu.memory_space<hbm>>) dst(%arg9 : memref<5x128xi32, #tpu.memory_space<vmem>>)
      tpu.yield
    }) : () -> ()
    %broadcast_in_dim3A = arith.constant 0.000000e+00 : f32
    %broadcast_in_dim3A_0 = vector.broadcast %broadcast_in_dim3A : f32 to vector<16xf32>
    %scan3A = arith.constant 0 : i32
    %scan3A_1 = arith.constant 0 : i32
    %scan3A_2 = arith.constant 128 : i32
    %scan3A_3 = arith.addi %scan3A_1, %scan3A_2 : i32
    %scan3A_4 = arith.constant 1 : i32
    scf.for %scan3A_193 = %scan3A_1 to %scan3A_3 step %scan3A_4  : i32 {
      %swap3A = arith.constant 0 : i32
      %swap3A_194 = arith.index_cast %swap3A : i32 to index
      %swap3A_195 = arith.index_cast %scan3A_193 : i32 to index
      %swap3A_196 = arith.constant 0 : index
      %swap3A_197 = tpu.vector_load %arg10[%swap3A_194, %swap3A_195, %swap3A_196] {strides = array<i32>} : memref<2x128x128xf32, #tpu.memory_space<vmem>>, vector<1x1x16xf32>,
      %swap3A_198 = vector.shape_cast %swap3A_197 : vector<1x1x16xf32> to vector<16xf32>
      %swap3A_199 = vector.shape_cast %broadcast_in_dim3A_0 : vector<16xf32> to vector<1x1x16xf32>
      tpu.vector_store %arg10[%swap3A_194, %swap3A_195, %swap3A_196], %swap3A_199 {strides = array<i32>} : memref<2x128x128xf32, #tpu.memory_space<vmem>>, vector<1x1x16xf32>,
      %swap3A_200 = arith.constant 0 : i32
      %swap3A_201 = arith.index_cast %swap3A_200 : i32 to index
      %swap3A_202 = arith.index_cast %scan3A_193 : i32 to index
      %swap3A_203 = arith.constant 16 : index
      %swap3A_204 = tpu.vector_load %arg10[%swap3A_201, %swap3A_202, %swap3A_203] {strides = array<i32>} : memref<2x128x128xf32, #tpu.memory_space<vmem>>, vector<1x1x16xf32>,
      %swap3A_205 = vector.shape_cast %swap3A_204 : vector<1x1x16xf32> to vector<16xf32>
      %swap3A_206 = vector.shape_cast %broadcast_in_dim3A_0 : vector<16xf32> to vector<1x1x16xf32>
      tpu.vector_store %arg10[%swap3A_201, %swap3A_202, %swap3A_203], %swap3A_206 {strides = array<i32>} : memref<2x128x128xf32, #tpu.memory_space<vmem>>, vector<1x1x16xf32>,
      %swap3A_207 = arith.constant 0 : i32
      %swap3A_208 = arith.index_cast %swap3A_207 : i32 to index
      %swap3A_209 = arith.index_cast %scan3A_193 : i32 to index
      %swap3A_210 = arith.constant 32 : index
      %swap3A_211 = tpu.vector_load %arg10[%swap3A_208, %swap3A_209, %swap3A_210] {strides = array<i32>} : memref<2x128x128xf32, #tpu.memory_space<vmem>>, vector<1x1x16xf32>,
      %swap3A_212 = vector.shape_cast %swap3A_211 : vector<1x1x16xf32> to vector<16xf32>
      %swap3A_213 = vector.shape_cast %broadcast_in_dim3A_0 : vector<16xf32> to vector<1x1x16xf32>
      tpu.vector_store %arg10[%swap3A_208, %swap3A_209, %swap3A_210], %swap3A_213 {strides = array<i32>} : memref<2x128x128xf32, #tpu.memory_space<vmem>>, vector<1x1x16xf32>,
      %swap3A_214 = arith.constant 0 : i32
      %swap3A_215 = arith.index_cast %swap3A_214 : i32 to index
      %swap3A_216 = arith.index_cast %scan3A_193 : i32 to index
      %swap3A_217 = arith.constant 48 : index
      %swap3A_218 = tpu.vector_load %arg10[%swap3A_215, %swap3A_216, %swap3A_217] {strides = array<i32>} : memref<2x128x128xf32, #tpu.memory_space<vmem>>, vector<1x1x16xf32>,
      %swap3A_219 = vector.shape_cast %swap3A_218 : vector<1x1x16xf32> to vector<16xf32>
      %swap3A_220 = vector.shape_cast %broadcast_in_dim3A_0 : vector<16xf32> to vector<1x1x16xf32>
      tpu.vector_store %arg10[%swap3A_215, %swap3A_216, %swap3A_217], %swap3A_220 {strides = array<i32>} : memref<2x128x128xf32, #tpu.memory_space<vmem>>, vector<1x1x16xf32>,
      %swap3A_221 = arith.constant 0 : i32
      %swap3A_222 = arith.index_cast %swap3A_221 : i32 to index
      %swap3A_223 = arith.index_cast %scan3A_193 : i32 to index
      %swap3A_224 = arith.constant 64 : index
      %swap3A_225 = tpu.vector_load %arg10[%swap3A_222, %swap3A_223, %swap3A_224] {strides = array<i32>} : memref<2x128x128xf32, #tpu.memory_space<vmem>>, vector<1x1x16xf32>,
      %swap3A_226 = vector.shape_cast %swap3A_225 : vector<1x1x16xf32> to vector<16xf32>
      %swap3A_227 = vector.shape_cast %broadcast_in_dim3A_0 : vector<16xf32> to vector<1x1x16xf32>
      tpu.vector_store %arg10[%swap3A_222, %swap3A_223, %swap3A_224], %swap3A_227 {strides = array<i32>} : memref<2x128x128xf32, #tpu.memory_space<vmem>>, vector<1x1x16xf32>,
      %swap3A_228 = arith.constant 0 : i32
      %swap3A_229 = arith.index_cast %swap3A_228 : i32 to index
      %swap3A_230 = arith.index_cast %scan3A_193 : i32 to index
      %swap3A_231 = arith.constant 80 : index
      %swap3A_232 = tpu.vector_load %arg10[%swap3A_229, %swap3A_230, %swap3A_231] {strides = array<i32>} : memref<2x128x128xf32, #tpu.memory_space<vmem>>, vector<1x1x16xf32>,
      %swap3A_233 = vector.shape_cast %swap3A_232 : vector<1x1x16xf32> to vector<16xf32>
      %swap3A_234 = vector.shape_cast %broadcast_in_dim3A_0 : vector<16xf32> to vector<1x1x16xf32>
      tpu.vector_store %arg10[%swap3A_229, %swap3A_230, %swap3A_231], %swap3A_234 {strides = array<i32>} : memref<2x128x128xf32, #tpu.memory_space<vmem>>, vector<1x1x16xf32>,
      %swap3A_235 = arith.constant 0 : i32
      %swap3A_236 = arith.index_cast %swap3A_235 : i32 to index
      %swap3A_237 = arith.index_cast %scan3A_193 : i32 to index
      %swap3A_238 = arith.constant 96 : index
      %swap3A_239 = tpu.vector_load %arg10[%swap3A_236, %swap3A_237, %swap3A_238] {strides = array<i32>} : memref<2x128x128xf32, #tpu.memory_space<vmem>>, vector<1x1x16xf32>,
      %swap3A_240 = vector.shape_cast %swap3A_239 : vector<1x1x16xf32> to vector<16xf32>
      %swap3A_241 = vector.shape_cast %broadcast_in_dim3A_0 : vector<16xf32> to vector<1x1x16xf32>
      tpu.vector_store %arg10[%swap3A_236, %swap3A_237, %swap3A_238], %swap3A_241 {strides = array<i32>} : memref<2x128x128xf32, #tpu.memory_space<vmem>>, vector<1x1x16xf32>,
      %swap3A_242 = arith.constant 0 : i32
      %swap3A_243 = arith.index_cast %swap3A_242 : i32 to index
      %swap3A_244 = arith.index_cast %scan3A_193 : i32 to index
      %swap3A_245 = arith.constant 112 : index
      %swap3A_246 = tpu.vector_load %arg10[%swap3A_243, %swap3A_244, %swap3A_245] {strides = array<i32>} : memref<2x128x128xf32, #tpu.memory_space<vmem>>, vector<1x1x16xf32>,
      %swap3A_247 = vector.shape_cast %swap3A_246 : vector<1x1x16xf32> to vector<16xf32>
      %swap3A_248 = vector.shape_cast %broadcast_in_dim3A_0 : vector<16xf32> to vector<1x1x16xf32>
      tpu.vector_store %arg10[%swap3A_243, %swap3A_244, %swap3A_245], %swap3A_248 {strides = array<i32>} : memref<2x128x128xf32, #tpu.memory_space<vmem>>, vector<1x1x16xf32>,
    }
    %scan3A_5 = arith.constant 128 : i32
    %run_scoped3A = arith.constant 0 : i32
    %run_scoped3A_6 = arith.constant 0 : i32
    "tpu.region"() ({
      %run_scoped3A_193 = tpu.sem_alloc : memref<!tpu.dma_semaphore, #tpu.memory_space<semaphore_mem>>
      %dma_start3A_194 = arith.constant 0 : i32
      %dma_start3A_195 = arith.constant 0 : i32
      %dma_start3A_196 = tpu.memref_slice %arg10[%run_scoped3A, %dma_start3A_194, %dma_start3A_195] : memref<2x128x128xf32, #tpu.memory_space<vmem>> -> memref<1x128x128xf32, #tpu.memory_space<vmem>>
      %dma_start3A_197 = tpu.memref_squeeze %dma_start3A_196 : memref<1x128x128xf32, #tpu.memory_space<vmem>> -> memref<128x128xf32, #tpu.memory_space<vmem>>
      %dma_start3A_198 = arith.constant 0 : i32
      %dma_start3A_199 = tpu.memref_slice %arg9[%run_scoped3A_6, %dma_start3A_198] : memref<5x128xi32, #tpu.memory_space<vmem>> -> memref<1x128xi32, #tpu.memory_space<vmem>>
      %dma_start3A_200 = tpu.memref_squeeze %dma_start3A_199 : memref<1x128xi32, #tpu.memory_space<vmem>> -> memref<128xi32, #tpu.memory_space<vmem>>
      %dma_start3A_201 = arith.constant 0 : i32
      %dma_start3A_202 = arith.constant 0 : i32
      %dma_start3A_203 = tpu.memref_slice %arg11[%dma_start3A_201, %dma_start3A_202] : memref<10240x128xf32, #tpu.memory_space<vmem_shared>> -> memref<10240x128xf32, #tpu.memory_space<vmem_shared>>
      tpu.enqueue_indirect_dma source(%dma_start3A_197 : memref<128x128xf32, #tpu.memory_space<vmem>>) target(%dma_start3A_203 : memref<10240x128xf32, #tpu.memory_space<vmem_shared>>) offsets(%dma_start3A_200 : memref<128xi32, #tpu.memory_space<vmem>>) semaphore(%run_scoped3A_193 : memref<!tpu.dma_semaphore, #tpu.memory_space<semaphore_mem>>)
      %dma_wait3A_204 = arith.constant 0 : i32
      %dma_wait3A_205 = arith.constant 0 : i32
      %dma_wait3A_206 = tpu.memref_slice %arg10[%run_scoped3A, %dma_wait3A_204, %dma_wait3A_205] : memref<2x128x128xf32, #tpu.memory_space<vmem>> -> memref<1x128x128xf32, #tpu.memory_space<vmem>>
      %dma_wait3A_207 = tpu.memref_squeeze %dma_wait3A_206 : memref<1x128x128xf32, #tpu.memory_space<vmem>> -> memref<128x128xf32, #tpu.memory_space<vmem>>
      %dma_wait3A_208 = arith.constant 0 : i32
      %dma_wait3A_209 = tpu.memref_slice %arg9[%run_scoped3A_6, %dma_wait3A_208] : memref<5x128xi32, #tpu.memory_space<vmem>> -> memref<1x128xi32, #tpu.memory_space<vmem>>
      %dma_wait3A_210 = tpu.memref_squeeze %dma_wait3A_209 : memref<1x128xi32, #tpu.memory_space<vmem>> -> memref<128xi32, #tpu.memory_space<vmem>>
      %dma_wait3A_211 = arith.constant 0 : i32
      %dma_wait3A_212 = arith.constant 0 : i32
      %dma_wait3A_213 = tpu.memref_slice %arg11[%dma_wait3A_211, %dma_wait3A_212] : memref<10240x128xf32, #tpu.memory_space<vmem_shared>> -> memref<10240x128xf32, #tpu.memory_space<vmem_shared>>
      tpu.wait_indirect_dma semaphore(%run_scoped3A_193 : memref<!tpu.dma_semaphore, #tpu.memory_space<semaphore_mem>>) src(%dma_wait3A_207 : memref<128x128xf32, #tpu.memory_space<vmem>>) dst(%dma_wait3A_213 : memref<10240x128xf32, #tpu.memory_space<vmem_shared>>)
      tpu.yield
    }) : () -> ()
    %run_scoped3A_7 = arith.constant 0 : i32
    %run_scoped3A_8 = arith.constant 1 : i32
    "tpu.region"() ({
      %run_scoped3A_193 = tpu.sem_alloc : memref<!tpu.dma_semaphore, #tpu.memory_space<semaphore_mem>>
      %dma_start3A_194 = arith.constant 0 : i32
      %dma_start3A_195 = arith.constant 0 : i32
      %dma_start3A_196 = tpu.memref_slice %arg10[%run_scoped3A_7, %dma_start3A_194, %dma_start3A_195] : memref<2x128x128xf32, #tpu.memory_space<vmem>> -> memref<1x128x128xf32, #tpu.memory_space<vmem>>
      %dma_start3A_197 = tpu.memref_squeeze %dma_start3A_196 : memref<1x128x128xf32, #tpu.memory_space<vmem>> -> memref<128x128xf32, #tpu.memory_space<vmem>>
      %dma_start3A_198 = arith.constant 0 : i32
      %dma_start3A_199 = tpu.memref_slice %arg9[%run_scoped3A_8, %dma_start3A_198] : memref<5x128xi32, #tpu.memory_space<vmem>> -> memref<1x128xi32, #tpu.memory_space<vmem>>
      %dma_start3A_200 = tpu.memref_squeeze %dma_start3A_199 : memref<1x128xi32, #tpu.memory_space<vmem>> -> memref<128xi32, #tpu.memory_space<vmem>>
      %dma_start3A_201 = arith.constant 0 : i32
      %dma_start3A_202 = arith.constant 0 : i32
      %dma_start3A_203 = tpu.memref_slice %arg11[%dma_start3A_201, %dma_start3A_202] : memref<10240x128xf32, #tpu.memory_space<vmem_shared>> -> memref<10240x128xf32, #tpu.memory_space<vmem_shared>>
      tpu.enqueue_indirect_dma source(%dma_start3A_197 : memref<128x128xf32, #tpu.memory_space<vmem>>) target(%dma_start3A_203 : memref<10240x128xf32, #tpu.memory_space<vmem_shared>>) offsets(%dma_start3A_200 : memref<128xi32, #tpu.memory_space<vmem>>) semaphore(%run_scoped3A_193 : memref<!tpu.dma_semaphore, #tpu.memory_space<semaphore_mem>>)
      %dma_wait3A_204 = arith.constant 0 : i32
      %dma_wait3A_205 = arith.constant 0 : i32
      %dma_wait3A_206 = tpu.memref_slice %arg10[%run_scoped3A_7, %dma_wait3A_204, %dma_wait3A_205] : memref<2x128x128xf32, #tpu.memory_space<vmem>> -> memref<1x128x128xf32, #tpu.memory_space<vmem>>
      %dma_wait3A_207 = tpu.memref_squeeze %dma_wait3A_206 : memref<1x128x128xf32, #tpu.memory_space<vmem>> -> memref<128x128xf32, #tpu.memory_space<vmem>>
      %dma_wait3A_208 = arith.constant 0 : i32
      %dma_wait3A_209 = tpu.memref_slice %arg9[%run_scoped3A_8, %dma_wait3A_208] : memref<5x128xi32, #tpu.memory_space<vmem>> -> memref<1x128xi32, #tpu.memory_space<vmem>>
      %dma_wait3A_210 = tpu.memref_squeeze %dma_wait3A_209 : memref<1x128xi32, #tpu.memory_space<vmem>> -> memref<128xi32, #tpu.memory_space<vmem>>
      %dma_wait3A_211 = arith.constant 0 : i32
      %dma_wait3A_212 = arith.constant 0 : i32
      %dma_wait3A_213 = tpu.memref_slice %arg11[%dma_wait3A_211, %dma_wait3A_212] : memref<10240x128xf32, #tpu.memory_space<vmem_shared>> -> memref<10240x128xf32, #tpu.memory_space<vmem_shared>>
      tpu.wait_indirect_dma semaphore(%run_scoped3A_193 : memref<!tpu.dma_semaphore, #tpu.memory_space<semaphore_mem>>) src(%dma_wait3A_207 : memref<128x128xf32, #tpu.memory_space<vmem>>) dst(%dma_wait3A_213 : memref<10240x128xf32, #tpu.memory_space<vmem_shared>>)
      tpu.yield
    }) : () -> ()
    %run_scoped3A_9 = arith.constant 0 : i32
    %run_scoped3A_10 = arith.constant 2 : i32
    "tpu.region"() ({
      %run_scoped3A_193 = tpu.sem_alloc : memref<!tpu.dma_semaphore, #tpu.memory_space<semaphore_mem>>
      %dma_start3A_194 = arith.constant 0 : i32
      %dma_start3A_195 = arith.constant 0 : i32
      %dma_start3A_196 = tpu.memref_slice %arg10[%run_scoped3A_9, %dma_start3A_194, %dma_start3A_195] : memref<2x128x128xf32, #tpu.memory_space<vmem>> -> memref<1x128x128xf32, #tpu.memory_space<vmem>>
      %dma_start3A_197 = tpu.memref_squeeze %dma_start3A_196 : memref<1x128x128xf32, #tpu.memory_space<vmem>> -> memref<128x128xf32, #tpu.memory_space<vmem>>
      %dma_start3A_198 = arith.constant 0 : i32
      %dma_start3A_199 = tpu.memref_slice %arg9[%run_scoped3A_10, %dma_start3A_198] : memref<5x128xi32, #tpu.memory_space<vmem>> -> memref<1x128xi32, #tpu.memory_space<vmem>>
      %dma_start3A_200 = tpu.memref_squeeze %dma_start3A_199 : memref<1x128xi32, #tpu.memory_space<vmem>> -> memref<128xi32, #tpu.memory_space<vmem>>
      %dma_start3A_201 = arith.constant 0 : i32
      %dma_start3A_202 = arith.constant 0 : i32
      %dma_start3A_203 = tpu.memref_slice %arg11[%dma_start3A_201, %dma_start3A_202] : memref<10240x128xf32, #tpu.memory_space<vmem_shared>> -> memref<10240x128xf32, #tpu.memory_space<vmem_shared>>
      tpu.enqueue_indirect_dma source(%dma_start3A_197 : memref<128x128xf32, #tpu.memory_space<vmem>>) target(%dma_start3A_203 : memref<10240x128xf32, #tpu.memory_space<vmem_shared>>) offsets(%dma_start3A_200 : memref<128xi32, #tpu.memory_space<vmem>>) semaphore(%run_scoped3A_193 : memref<!tpu.dma_semaphore, #tpu.memory_space<semaphore_mem>>)
      %dma_wait3A_204 = arith.constant 0 : i32
      %dma_wait3A_205 = arith.constant 0 : i32
      %dma_wait3A_206 = tpu.memref_slice %arg10[%run_scoped3A_9, %dma_wait3A_204, %dma_wait3A_205] : memref<2x128x128xf32, #tpu.memory_space<vmem>> -> memref<1x128x128xf32, #tpu.memory_space<vmem>>
      %dma_wait3A_207 = tpu.memref_squeeze %dma_wait3A_206 : memref<1x128x128xf32, #tpu.memory_space<vmem>> -> memref<128x128xf32, #tpu.memory_space<vmem>>
      %dma_wait3A_208 = arith.constant 0 : i32
      %dma_wait3A_209 = tpu.memref_slice %arg9[%run_scoped3A_10, %dma_wait3A_208] : memref<5x128xi32, #tpu.memory_space<vmem>> -> memref<1x128xi32, #tpu.memory_space<vmem>>
      %dma_wait3A_210 = tpu.memref_squeeze %dma_wait3A_209 : memref<1x128xi32, #tpu.memory_space<vmem>> -> memref<128xi32, #tpu.memory_space<vmem>>
      %dma_wait3A_211 = arith.constant 0 : i32
      %dma_wait3A_212 = arith.constant 0 : i32
      %dma_wait3A_213 = tpu.memref_slice %arg11[%dma_wait3A_211, %dma_wait3A_212] : memref<10240x128xf32, #tpu.memory_space<vmem_shared>> -> memref<10240x128xf32, #tpu.memory_space<vmem_shared>>
      tpu.wait_indirect_dma semaphore(%run_scoped3A_193 : memref<!tpu.dma_semaphore, #tpu.memory_space<semaphore_mem>>) src(%dma_wait3A_207 : memref<128x128xf32, #tpu.memory_space<vmem>>) dst(%dma_wait3A_213 : memref<10240x128xf32, #tpu.memory_space<vmem_shared>>)
      tpu.yield
    }) : () -> ()
    %run_scoped3A_11 = arith.constant 0 : i32
    %run_scoped3A_12 = arith.constant 3 : i32
    "tpu.region"() ({
      %run_scoped3A_193 = tpu.sem_alloc : memref<!tpu.dma_semaphore, #tpu.memory_space<semaphore_mem>>
      %dma_start3A_194 = arith.constant 0 : i32
      %dma_start3A_195 = arith.constant 0 : i32
      %dma_start3A_196 = tpu.memref_slice %arg10[%run_scoped3A_11, %dma_start3A_194, %dma_start3A_195] : memref<2x128x128xf32, #tpu.memory_space<vmem>> -> memref<1x128x128xf32, #tpu.memory_space<vmem>>
      %dma_start3A_197 = tpu.memref_squeeze %dma_start3A_196 : memref<1x128x128xf32, #tpu.memory_space<vmem>> -> memref<128x128xf32, #tpu.memory_space<vmem>>
      %dma_start3A_198 = arith.constant 0 : i32
      %dma_start3A_199 = tpu.memref_slice %arg9[%run_scoped3A_12, %dma_start3A_198] : memref<5x128xi32, #tpu.memory_space<vmem>> -> memref<1x128xi32, #tpu.memory_space<vmem>>
      %dma_start3A_200 = tpu.memref_squeeze %dma_start3A_199 : memref<1x128xi32, #tpu.memory_space<vmem>> -> memref<128xi32, #tpu.memory_space<vmem>>
      %dma_start3A_201 = arith.constant 0 : i32
      %dma_start3A_202 = arith.constant 0 : i32
      %dma_start3A_203 = tpu.memref_slice %arg11[%dma_start3A_201, %dma_start3A_202] : memref<10240x128xf32, #tpu.memory_space<vmem_shared>> -> memref<10240x128xf32, #tpu.memory_space<vmem_shared>>
      tpu.enqueue_indirect_dma source(%dma_start3A_197 : memref<128x128xf32, #tpu.memory_space<vmem>>) target(%dma_start3A_203 : memref<10240x128xf32, #tpu.memory_space<vmem_shared>>) offsets(%dma_start3A_200 : memref<128xi32, #tpu.memory_space<vmem>>) semaphore(%run_scoped3A_193 : memref<!tpu.dma_semaphore, #tpu.memory_space<semaphore_mem>>)
      %dma_wait3A_204 = arith.constant 0 : i32
      %dma_wait3A_205 = arith.constant 0 : i32
      %dma_wait3A_206 = tpu.memref_slice %arg10[%run_scoped3A_11, %dma_wait3A_204, %dma_wait3A_205] : memref<2x128x128xf32, #tpu.memory_space<vmem>> -> memref<1x128x128xf32, #tpu.memory_space<vmem>>
      %dma_wait3A_207 = tpu.memref_squeeze %dma_wait3A_206 : memref<1x128x128xf32, #tpu.memory_space<vmem>> -> memref<128x128xf32, #tpu.memory_space<vmem>>
      %dma_wait3A_208 = arith.constant 0 : i32
      %dma_wait3A_209 = tpu.memref_slice %arg9[%run_scoped3A_12, %dma_wait3A_208] : memref<5x128xi32, #tpu.memory_space<vmem>> -> memref<1x128xi32, #tpu.memory_space<vmem>>
      %dma_wait3A_210 = tpu.memref_squeeze %dma_wait3A_209 : memref<1x128xi32, #tpu.memory_space<vmem>> -> memref<128xi32, #tpu.memory_space<vmem>>
      %dma_wait3A_211 = arith.constant 0 : i32
      %dma_wait3A_212 = arith.constant 0 : i32
      %dma_wait3A_213 = tpu.memref_slice %arg11[%dma_wait3A_211, %dma_wait3A_212] : memref<10240x128xf32, #tpu.memory_space<vmem_shared>> -> memref<10240x128xf32, #tpu.memory_space<vmem_shared>>
      tpu.wait_indirect_dma semaphore(%run_scoped3A_193 : memref<!tpu.dma_semaphore, #tpu.memory_space<semaphore_mem>>) src(%dma_wait3A_207 : memref<128x128xf32, #tpu.memory_space<vmem>>) dst(%dma_wait3A_213 : memref<10240x128xf32, #tpu.memory_space<vmem_shared>>)
      tpu.yield
    }) : () -> ()
    %run_scoped3A_13 = arith.constant 0 : i32
    %run_scoped3A_14 = arith.constant 4 : i32
    "tpu.region"() ({
      %run_scoped3A_193 = tpu.sem_alloc : memref<!tpu.dma_semaphore, #tpu.memory_space<semaphore_mem>>
      %dma_start3A_194 = arith.constant 0 : i32
      %dma_start3A_195 = arith.constant 0 : i32
      %dma_start3A_196 = tpu.memref_slice %arg10[%run_scoped3A_13, %dma_start3A_194, %dma_start3A_195] : memref<2x128x128xf32, #tpu.memory_space<vmem>> -> memref<1x128x128xf32, #tpu.memory_space<vmem>>
      %dma_start3A_197 = tpu.memref_squeeze %dma_start3A_196 : memref<1x128x128xf32, #tpu.memory_space<vmem>> -> memref<128x128xf32, #tpu.memory_space<vmem>>
      %dma_start3A_198 = arith.constant 0 : i32
      %dma_start3A_199 = tpu.memref_slice %arg9[%run_scoped3A_14, %dma_start3A_198] : memref<5x128xi32, #tpu.memory_space<vmem>> -> memref<1x128xi32, #tpu.memory_space<vmem>>
      %dma_start3A_200 = tpu.memref_squeeze %dma_start3A_199 : memref<1x128xi32, #tpu.memory_space<vmem>> -> memref<128xi32, #tpu.memory_space<vmem>>
      %dma_start3A_201 = arith.constant 0 : i32
      %dma_start3A_202 = arith.constant 0 : i32
      %dma_start3A_203 = tpu.memref_slice %arg11[%dma_start3A_201, %dma_start3A_202] : memref<10240x128xf32, #tpu.memory_space<vmem_shared>> -> memref<10240x128xf32, #tpu.memory_space<vmem_shared>>
      tpu.enqueue_indirect_dma source(%dma_start3A_197 : memref<128x128xf32, #tpu.memory_space<vmem>>) target(%dma_start3A_203 : memref<10240x128xf32, #tpu.memory_space<vmem_shared>>) offsets(%dma_start3A_200 : memref<128xi32, #tpu.memory_space<vmem>>) semaphore(%run_scoped3A_193 : memref<!tpu.dma_semaphore, #tpu.memory_space<semaphore_mem>>)
      %dma_wait3A_204 = arith.constant 0 : i32
      %dma_wait3A_205 = arith.constant 0 : i32
      %dma_wait3A_206 = tpu.memref_slice %arg10[%run_scoped3A_13, %dma_wait3A_204, %dma_wait3A_205] : memref<2x128x128xf32, #tpu.memory_space<vmem>> -> memref<1x128x128xf32, #tpu.memory_space<vmem>>
      %dma_wait3A_207 = tpu.memref_squeeze %dma_wait3A_206 : memref<1x128x128xf32, #tpu.memory_space<vmem>> -> memref<128x128xf32, #tpu.memory_space<vmem>>
      %dma_wait3A_208 = arith.constant 0 : i32
      %dma_wait3A_209 = tpu.memref_slice %arg9[%run_scoped3A_14, %dma_wait3A_208] : memref<5x128xi32, #tpu.memory_space<vmem>> -> memref<1x128xi32, #tpu.memory_space<vmem>>
      %dma_wait3A_210 = tpu.memref_squeeze %dma_wait3A_209 : memref<1x128xi32, #tpu.memory_space<vmem>> -> memref<128xi32, #tpu.memory_space<vmem>>
      %dma_wait3A_211 = arith.constant 0 : i32
      %dma_wait3A_212 = arith.constant 0 : i32
      %dma_wait3A_213 = tpu.memref_slice %arg11[%dma_wait3A_211, %dma_wait3A_212] : memref<10240x128xf32, #tpu.memory_space<vmem_shared>> -> memref<10240x128xf32, #tpu.memory_space<vmem_shared>>
      tpu.wait_indirect_dma semaphore(%run_scoped3A_193 : memref<!tpu.dma_semaphore, #tpu.memory_space<semaphore_mem>>) src(%dma_wait3A_207 : memref<128x128xf32, #tpu.memory_space<vmem>>) dst(%dma_wait3A_213 : memref<10240x128xf32, #tpu.memory_space<vmem_shared>>)
      tpu.yield
    }) : () -> ()
    %barrier3A = arith.constant 0 : index
    tpu.barrier barrier_id(%barrier3A)
    "tpu.region"() ({
      %run_scoped3A_193 = tpu.sem_alloc : memref<!tpu.dma_semaphore, #tpu.memory_space<semaphore_mem>>
      %dma_start3A_194 = arith.constant 0 : i32
      %dma_start3A_195 = arith.constant 0 : i32
      %dma_start3A_196 = tpu.memref_slice %arg3[%arg0, %arg1, %dma_start3A_194, %dma_start3A_195] : memref<2x16x80x128xi32, #tpu.memory_space<hbm>> -> memref<1x1x40x128xi32, #tpu.memory_space<hbm>>
      %dma_start3A_197 = tpu.memref_squeeze %dma_start3A_196 : memref<1x1x40x128xi32, #tpu.memory_space<hbm>> -> memref<40x128xi32, #tpu.memory_space<hbm>>
      %dma_start3A_198 = arith.constant 0 : i32
      %dma_start3A_199 = arith.constant 0 : i32
      %dma_start3A_200 = tpu.memref_slice %arg3[%arg0, %arg1, %dma_start3A_198, %dma_start3A_199] : memref<2x16x80x128xi32, #tpu.memory_space<hbm>> -> memref<1x1x40x128xi32, #tpu.memory_space<hbm>>
      %dma_start3A_201 = tpu.memref_squeeze %dma_start3A_200 : memref<1x1x40x128xi32, #tpu.memory_space<hbm>> -> memref<40x128xi32, #tpu.memory_space<hbm>>
      tpu.enqueue_dma source(%dma_start3A_201 : memref<40x128xi32, #tpu.memory_space<hbm>>) target(%arg7 : memref<40x128xi32, #tpu.memory_space<vmem>>) target_semaphore(%run_scoped3A_193 : memref<!tpu.dma_semaphore, #tpu.memory_space<semaphore_mem>>)
      %dma_wait3A_202 = arith.constant 0 : i32
      %dma_wait3A_203 = arith.constant 0 : i32
      %dma_wait3A_204 = tpu.memref_slice %arg3[%arg0, %arg1, %dma_wait3A_202, %dma_wait3A_203] : memref<2x16x80x128xi32, #tpu.memory_space<hbm>> -> memref<1x1x40x128xi32, #tpu.memory_space<hbm>>
      %dma_wait3A_205 = tpu.memref_squeeze %dma_wait3A_204 : memref<1x1x40x128xi32, #tpu.memory_space<hbm>> -> memref<40x128xi32, #tpu.memory_space<hbm>>
      %dma_wait3A_206 = arith.constant 0 : i32
      %dma_wait3A_207 = arith.constant 0 : i32
      %dma_wait3A_208 = tpu.memref_slice %arg3[%arg0, %arg1, %dma_wait3A_206, %dma_wait3A_207] : memref<2x16x80x128xi32, #tpu.memory_space<hbm>> -> memref<1x1x40x128xi32, #tpu.memory_space<hbm>>
      %dma_wait3A_209 = tpu.memref_squeeze %dma_wait3A_208 : memref<1x1x40x128xi32, #tpu.memory_space<hbm>> -> memref<40x128xi32, #tpu.memory_space<hbm>>
      tpu.wait_dma2 semaphore(%run_scoped3A_193 : memref<!tpu.dma_semaphore, #tpu.memory_space<semaphore_mem>>) src(%dma_wait3A_209 : memref<40x128xi32, #tpu.memory_space<hbm>>) dst(%arg7 : memref<40x128xi32, #tpu.memory_space<vmem>>)
      tpu.yield
    }) : () -> ()
    "tpu.region"() ({
      %run_scoped3A_193 = tpu.sem_alloc : memref<!tpu.dma_semaphore, #tpu.memory_space<semaphore_mem>>
      %dma_start3A_194 = arith.constant 0 : i32
      %dma_start3A_195 = arith.constant 0 : i32
      %dma_start3A_196 = tpu.memref_slice %arg4[%arg1, %dma_start3A_194, %dma_start3A_195] : memref<16x80x128xi32, #tpu.memory_space<hbm>> -> memref<1x40x128xi32, #tpu.memory_space<hbm>>
      %dma_start3A_197 = tpu.memref_squeeze %dma_start3A_196 : memref<1x40x128xi32, #tpu.memory_space<hbm>> -> memref<40x128xi32, #tpu.memory_space<hbm>>
      %dma_start3A_198 = arith.constant 0 : i32
      %dma_start3A_199 = arith.constant 0 : i32
      %dma_start3A_200 = tpu.memref_slice %arg4[%arg1, %dma_start3A_198, %dma_start3A_199] : memref<16x80x128xi32, #tpu.memory_space<hbm>> -> memref<1x40x128xi32, #tpu.memory_space<hbm>>
      %dma_start3A_201 = tpu.memref_squeeze %dma_start3A_200 : memref<1x40x128xi32, #tpu.memory_space<hbm>> -> memref<40x128xi32, #tpu.memory_space<hbm>>
      tpu.enqueue_dma source(%dma_start3A_201 : memref<40x128xi32, #tpu.memory_space<hbm>>) target(%arg8 : memref<40x128xi32, #tpu.memory_space<vmem>>) target_semaphore(%run_scoped3A_193 : memref<!tpu.dma_semaphore, #tpu.memory_space<semaphore_mem>>)
      %dma_wait3A_202 = arith.constant 0 : i32
      %dma_wait3A_203 = arith.constant 0 : i32
      %dma_wait3A_204 = tpu.memref_slice %arg4[%arg1, %dma_wait3A_202, %dma_wait3A_203] : memref<16x80x128xi32, #tpu.memory_space<hbm>> -> memref<1x40x128xi32, #tpu.memory_space<hbm>>
      %dma_wait3A_205 = tpu.memref_squeeze %dma_wait3A_204 : memref<1x40x128xi32, #tpu.memory_space<hbm>> -> memref<40x128xi32, #tpu.memory_space<hbm>>
      %dma_wait3A_206 = arith.constant 0 : i32
      %dma_wait3A_207 = arith.constant 0 : i32
      %dma_wait3A_208 = tpu.memref_slice %arg4[%arg1, %dma_wait3A_206, %dma_wait3A_207] : memref<16x80x128xi32, #tpu.memory_space<hbm>> -> memref<1x40x128xi32, #tpu.memory_space<hbm>>
      %dma_wait3A_209 = tpu.memref_squeeze %dma_wait3A_208 : memref<1x40x128xi32, #tpu.memory_space<hbm>> -> memref<40x128xi32, #tpu.memory_space<hbm>>
      tpu.wait_dma2 semaphore(%run_scoped3A_193 : memref<!tpu.dma_semaphore, #tpu.memory_space<semaphore_mem>>) src(%dma_wait3A_209 : memref<40x128xi32, #tpu.memory_space<hbm>>) dst(%arg8 : memref<40x128xi32, #tpu.memory_space<vmem>>)
      tpu.yield
    }) : () -> ()
    %dma_start3A = arith.constant 0 : i32
    %dma_start3A_15 = arith.constant 0 : i32
    %dma_start3A_16 = arith.constant 0 : i32
    %dma_start3A_17 = arith.constant 0 : i32
    %dma_start3A_18 = tpu.memref_slice %arg10[%dma_start3A_15, %dma_start3A_16, %dma_start3A_17] : memref<2x128x128xf32, #tpu.memory_space<vmem>> -> memref<1x128x128xf32, #tpu.memory_space<vmem>>
    %dma_start3A_19 = tpu.memref_squeeze %dma_start3A_18 : memref<1x128x128xf32, #tpu.memory_space<vmem>> -> memref<128x128xf32, #tpu.memory_space<vmem>>
    %dma_start3A_20 = arith.constant 0 : i32
    %dma_start3A_21 = tpu.memref_slice %arg7[%dma_start3A, %dma_start3A_20] : memref<40x128xi32, #tpu.memory_space<vmem>> -> memref<1x128xi32, #tpu.memory_space<vmem>>
    %dma_start3A_22 = tpu.memref_squeeze %dma_start3A_21 : memref<1x128xi32, #tpu.memory_space<vmem>> -> memref<128xi32, #tpu.memory_space<vmem>>
    %dma_start3A_23 = arith.constant 0 : i32
    %dma_start3A_24 = arith.constant 0 : i32
    %dma_start3A_25 = tpu.memref_slice %arg2[%dma_start3A_23, %dma_start3A_24] : memref<20000x128xf32, #tpu.memory_space<hbm>> -> memref<20000x128xf32, #tpu.memory_space<hbm>>
    tpu.enqueue_indirect_dma source(%dma_start3A_25 : memref<20000x128xf32, #tpu.memory_space<hbm>>) target(%dma_start3A_19 : memref<128x128xf32, #tpu.memory_space<vmem>>) offsets(%dma_start3A_22 : memref<128xi32, #tpu.memory_space<vmem>>) semaphore(%arg12 : memref<!tpu.dma_semaphore, #tpu.memory_space<semaphore_mem>>)
    %scan3A_26 = arith.constant 0 : i32
    %scan3A_27 = arith.constant 0 : i32
    %scan3A_28 = arith.constant 20 : i32
    %scan3A_29 = arith.addi %scan3A_27, %scan3A_28 : i32
    %scan3A_30 = arith.constant 1 : i32
    scf.for %scan3A_193 = %scan3A_27 to %scan3A_29 step %scan3A_30  : i32 {
      %mul3A_194 = arith.constant 2 : i32
      %mul3A_195 = arith.muli %scan3A_193, %mul3A_194 : i32
      %add3A_196 = arith.constant 0 : i32
      %add3A_197 = arith.addi %mul3A_195, %add3A_196 : i32
      %add3A_198 = arith.constant 1 : i32
      %add3A_199 = arith.addi %add3A_197, %add3A_198 : i32
      %lt3A = arith.constant 40 : i32
      %lt3A_200 = arith.cmpi slt, %add3A_199, %lt3A : i32
      %convert_element_type3A = arith.extui %lt3A_200 : i1 to i32
      %cond3A = arith.constant 0 : i32
      %cond3A_201 = arith.cmpi ne, %convert_element_type3A, %cond3A : i32
      scf.if %cond3A_201 {
        %add3A_237 = arith.constant 1 : i32
        %add3A_238 = arith.addi %add3A_197, %add3A_237 : i32
        %dma_start3A_239 = arith.constant 1 : i32
        %dma_start3A_240 = arith.constant 0 : i32
        %dma_start3A_241 = arith.constant 0 : i32
        %dma_start3A_242 = tpu.memref_slice %arg10[%dma_start3A_239, %dma_start3A_240, %dma_start3A_241] : memref<2x128x128xf32, #tpu.memory_space<vmem>> -> memref<1x128x128xf32, #tpu.memory_space<vmem>>
        %dma_start3A_243 = tpu.memref_squeeze %dma_start3A_242 : memref<1x128x128xf32, #tpu.memory_space<vmem>> -> memref<128x128xf32, #tpu.memory_space<vmem>>
        %dma_start3A_244 = arith.constant 0 : i32
        %dma_start3A_245 = tpu.memref_slice %arg7[%add3A_238, %dma_start3A_244] : memref<40x128xi32, #tpu.memory_space<vmem>> -> memref<1x128xi32, #tpu.memory_space<vmem>>
        %dma_start3A_246 = tpu.memref_squeeze %dma_start3A_245 : memref<1x128xi32, #tpu.memory_space<vmem>> -> memref<128xi32, #tpu.memory_space<vmem>>
        %dma_start3A_247 = arith.constant 0 : i32
        %dma_start3A_248 = arith.constant 0 : i32
        %dma_start3A_249 = tpu.memref_slice %arg2[%dma_start3A_247, %dma_start3A_248] : memref<20000x128xf32, #tpu.memory_space<hbm>> -> memref<20000x128xf32, #tpu.memory_space<hbm>>
        tpu.enqueue_indirect_dma source(%dma_start3A_249 : memref<20000x128xf32, #tpu.memory_space<hbm>>) target(%dma_start3A_243 : memref<128x128xf32, #tpu.memory_space<vmem>>) offsets(%dma_start3A_246 : memref<128xi32, #tpu.memory_space<vmem>>) semaphore(%arg12 : memref<!tpu.dma_semaphore, #tpu.memory_space<semaphore_mem>>)
      } else {
      }
      %dma_wait3A_202 = arith.constant 0 : i32
      %dma_wait3A_203 = arith.constant 0 : i32
      %dma_wait3A_204 = arith.constant 0 : i32
      %dma_wait3A_205 = tpu.memref_slice %arg10[%dma_wait3A_202, %dma_wait3A_203, %dma_wait3A_204] : memref<2x128x128xf32, #tpu.memory_space<vmem>> -> memref<1x128x128xf32, #tpu.memory_space<vmem>>
      %dma_wait3A_206 = tpu.memref_squeeze %dma_wait3A_205 : memref<1x128x128xf32, #tpu.memory_space<vmem>> -> memref<128x128xf32, #tpu.memory_space<vmem>>
      %dma_wait3A_207 = arith.constant 0 : i32
      %dma_wait3A_208 = tpu.memref_slice %arg7[%add3A_197, %dma_wait3A_207] : memref<40x128xi32, #tpu.memory_space<vmem>> -> memref<1x128xi32, #tpu.memory_space<vmem>>
      %dma_wait3A_209 = tpu.memref_squeeze %dma_wait3A_208 : memref<1x128xi32, #tpu.memory_space<vmem>> -> memref<128xi32, #tpu.memory_space<vmem>>
      %dma_wait3A_210 = arith.constant 0 : i32
      %dma_wait3A_211 = arith.constant 0 : i32
      %dma_wait3A_212 = tpu.memref_slice %arg2[%dma_wait3A_210, %dma_wait3A_211] : memref<20000x128xf32, #tpu.memory_space<hbm>> -> memref<20000x128xf32, #tpu.memory_space<hbm>>
      tpu.wait_indirect_dma semaphore(%arg12 : memref<!tpu.dma_semaphore, #tpu.memory_space<semaphore_mem>>) src(%dma_wait3A_212 : memref<20000x128xf32, #tpu.memory_space<hbm>>) dst(%dma_wait3A_206 : memref<128x128xf32, #tpu.memory_space<vmem>>)
      %run_scoped3A_213 = arith.constant 0 : i32
      "tpu.region"() ({
        %run_scoped3A_237 = tpu.sem_alloc : memref<!tpu.dma_semaphore, #tpu.memory_space<semaphore_mem>>
        %dma_start3A_238 = arith.constant 0 : i32
        %dma_start3A_239 = arith.constant 0 : i32
        %dma_start3A_240 = tpu.memref_slice %arg10[%run_scoped3A_213, %dma_start3A_238, %dma_start3A_239] : memref<2x128x128xf32, #tpu.memory_space<vmem>> -> memref<1x128x128xf32, #tpu.memory_space<vmem>>
        %dma_start3A_241 = tpu.memref_squeeze %dma_start3A_240 : memref<1x128x128xf32, #tpu.memory_space<vmem>> -> memref<128x128xf32, #tpu.memory_space<vmem>>
        %dma_start3A_242 = arith.constant 0 : i32
        %dma_start3A_243 = tpu.memref_slice %arg8[%add3A_197, %dma_start3A_242] : memref<40x128xi32, #tpu.memory_space<vmem>> -> memref<1x128xi32, #tpu.memory_space<vmem>>
        %dma_start3A_244 = tpu.memref_squeeze %dma_start3A_243 : memref<1x128xi32, #tpu.memory_space<vmem>> -> memref<128xi32, #tpu.memory_space<vmem>>
        %dma_start3A_245 = arith.constant 0 : i32
        %dma_start3A_246 = arith.constant 0 : i32
        %dma_start3A_247 = tpu.memref_slice %arg11[%dma_start3A_245, %dma_start3A_246] : memref<10240x128xf32, #tpu.memory_space<vmem_shared>> -> memref<10240x128xf32, #tpu.memory_space<vmem_shared>>
        tpu.enqueue_indirect_dma source(%dma_start3A_241 : memref<128x128xf32, #tpu.memory_space<vmem>>) target(%dma_start3A_247 : memref<10240x128xf32, #tpu.memory_space<vmem_shared>>) offsets(%dma_start3A_244 : memref<128xi32, #tpu.memory_space<vmem>>) semaphore(%run_scoped3A_237 : memref<!tpu.dma_semaphore, #tpu.memory_space<semaphore_mem>>) {add = true}
        %dma_wait3A_248 = arith.constant 0 : i32
        %dma_wait3A_249 = arith.constant 0 : i32
        %dma_wait3A_250 = tpu.memref_slice %arg10[%run_scoped3A_213, %dma_wait3A_248, %dma_wait3A_249] : memref<2x128x128xf32, #tpu.memory_space<vmem>> -> memref<1x128x128xf32, #tpu.memory_space<vmem>>
        %dma_wait3A_251 = tpu.memref_squeeze %dma_wait3A_250 : memref<1x128x128xf32, #tpu.memory_space<vmem>> -> memref<128x128xf32, #tpu.memory_space<vmem>>
        %dma_wait3A_252 = arith.constant 0 : i32
        %dma_wait3A_253 = tpu.memref_slice %arg8[%add3A_197, %dma_wait3A_252] : memref<40x128xi32, #tpu.memory_space<vmem>> -> memref<1x128xi32, #tpu.memory_space<vmem>>
        %dma_wait3A_254 = tpu.memref_squeeze %dma_wait3A_253 : memref<1x128xi32, #tpu.memory_space<vmem>> -> memref<128xi32, #tpu.memory_space<vmem>>
        %dma_wait3A_255 = arith.constant 0 : i32
        %dma_wait3A_256 = arith.constant 0 : i32
        %dma_wait3A_257 = tpu.memref_slice %arg11[%dma_wait3A_255, %dma_wait3A_256] : memref<10240x128xf32, #tpu.memory_space<vmem_shared>> -> memref<10240x128xf32, #tpu.memory_space<vmem_shared>>
        tpu.wait_indirect_dma semaphore(%run_scoped3A_237 : memref<!tpu.dma_semaphore, #tpu.memory_space<semaphore_mem>>) src(%dma_wait3A_251 : memref<128x128xf32, #tpu.memory_space<vmem>>) dst(%dma_wait3A_257 : memref<10240x128xf32, #tpu.memory_space<vmem_shared>>)
        tpu.yield
      }) : () -> ()
      %mul3A_214 = arith.constant 2 : i32
      %mul3A_215 = arith.muli %scan3A_193, %mul3A_214 : i32
      %add3A_216 = arith.constant 1 : i32
      %add3A_217 = arith.addi %mul3A_215, %add3A_216 : i32
      %add3A_218 = arith.constant 1 : i32
      %add3A_219 = arith.addi %add3A_217, %add3A_218 : i32
      %lt3A_220 = arith.constant 40 : i32
      %lt3A_221 = arith.cmpi slt, %add3A_219, %lt3A_220 : i32
      %convert_element_type3A_222 = arith.extui %lt3A_221 : i1 to i32
      %cond3A_223 = arith.constant 0 : i32
      %cond3A_224 = arith.cmpi ne, %convert_element_type3A_222, %cond3A_223 : i32
      scf.if %cond3A_224 {
        %add3A_237 = arith.constant 1 : i32
        %add3A_238 = arith.addi %add3A_217, %add3A_237 : i32
        %dma_start3A_239 = arith.constant 0 : i32
        %dma_start3A_240 = arith.constant 0 : i32
        %dma_start3A_241 = arith.constant 0 : i32
        %dma_start3A_242 = tpu.memref_slice %arg10[%dma_start3A_239, %dma_start3A_240, %dma_start3A_241] : memref<2x128x128xf32, #tpu.memory_space<vmem>> -> memref<1x128x128xf32, #tpu.memory_space<vmem>>
        %dma_start3A_243 = tpu.memref_squeeze %dma_start3A_242 : memref<1x128x128xf32, #tpu.memory_space<vmem>> -> memref<128x128xf32, #tpu.memory_space<vmem>>
        %dma_start3A_244 = arith.constant 0 : i32
        %dma_start3A_245 = tpu.memref_slice %arg7[%add3A_238, %dma_start3A_244] : memref<40x128xi32, #tpu.memory_space<vmem>> -> memref<1x128xi32, #tpu.memory_space<vmem>>
        %dma_start3A_246 = tpu.memref_squeeze %dma_start3A_245 : memref<1x128xi32, #tpu.memory_space<vmem>> -> memref<128xi32, #tpu.memory_space<vmem>>
        %dma_start3A_247 = arith.constant 0 : i32
        %dma_start3A_248 = arith.constant 0 : i32
        %dma_start3A_249 = tpu.memref_slice %arg2[%dma_start3A_247, %dma_start3A_248] : memref<20000x128xf32, #tpu.memory_space<hbm>> -> memref<20000x128xf32, #tpu.memory_space<hbm>>
        tpu.enqueue_indirect_dma source(%dma_start3A_249 : memref<20000x128xf32, #tpu.memory_space<hbm>>) target(%dma_start3A_243 : memref<128x128xf32, #tpu.memory_space<vmem>>) offsets(%dma_start3A_246 : memref<128xi32, #tpu.memory_space<vmem>>) semaphore(%arg12 : memref<!tpu.dma_semaphore, #tpu.memory_space<semaphore_mem>>)
      } else {
      }
      %dma_wait3A_225 = arith.constant 1 : i32
      %dma_wait3A_226 = arith.constant 0 : i32
      %dma_wait3A_227 = arith.constant 0 : i32
      %dma_wait3A_228 = tpu.memref_slice %arg10[%dma_wait3A_225, %dma_wait3A_226, %dma_wait3A_227] : memref<2x128x128xf32, #tpu.memory_space<vmem>> -> memref<1x128x128xf32, #tpu.memory_space<vmem>>
      %dma_wait3A_229 = tpu.memref_squeeze %dma_wait3A_228 : memref<1x128x128xf32, #tpu.memory_space<vmem>> -> memref<128x128xf32, #tpu.memory_space<vmem>>
      %dma_wait3A_230 = arith.constant 0 : i32
      %dma_wait3A_231 = tpu.memref_slice %arg7[%add3A_217, %dma_wait3A_230] : memref<40x128xi32, #tpu.memory_space<vmem>> -> memref<1x128xi32, #tpu.memory_space<vmem>>
      %dma_wait3A_232 = tpu.memref_squeeze %dma_wait3A_231 : memref<1x128xi32, #tpu.memory_space<vmem>> -> memref<128xi32, #tpu.memory_space<vmem>>
      %dma_wait3A_233 = arith.constant 0 : i32
      %dma_wait3A_234 = arith.constant 0 : i32
      %dma_wait3A_235 = tpu.memref_slice %arg2[%dma_wait3A_233, %dma_wait3A_234] : memref<20000x128xf32, #tpu.memory_space<hbm>> -> memref<20000x128xf32, #tpu.memory_space<hbm>>
      tpu.wait_indirect_dma semaphore(%arg12 : memref<!tpu.dma_semaphore, #tpu.memory_space<semaphore_mem>>) src(%dma_wait3A_235 : memref<20000x128xf32, #tpu.memory_space<hbm>>) dst(%dma_wait3A_229 : memref<128x128xf32, #tpu.memory_space<vmem>>)
      %run_scoped3A_236 = arith.constant 1 : i32
      "tpu.region"() ({
        %run_scoped3A_237 = tpu.sem_alloc : memref<!tpu.dma_semaphore, #tpu.memory_space<semaphore_mem>>
        %dma_start3A_238 = arith.constant 0 : i32
        %dma_start3A_239 = arith.constant 0 : i32
        %dma_start3A_240 = tpu.memref_slice %arg10[%run_scoped3A_236, %dma_start3A_238, %dma_start3A_239] : memref<2x128x128xf32, #tpu.memory_space<vmem>> -> memref<1x128x128xf32, #tpu.memory_space<vmem>>
        %dma_start3A_241 = tpu.memref_squeeze %dma_start3A_240 : memref<1x128x128xf32, #tpu.memory_space<vmem>> -> memref<128x128xf32, #tpu.memory_space<vmem>>
        %dma_start3A_242 = arith.constant 0 : i32
        %dma_start3A_243 = tpu.memref_slice %arg8[%add3A_217, %dma_start3A_242] : memref<40x128xi32, #tpu.memory_space<vmem>> -> memref<1x128xi32, #tpu.memory_space<vmem>>
        %dma_start3A_244 = tpu.memref_squeeze %dma_start3A_243 : memref<1x128xi32, #tpu.memory_space<vmem>> -> memref<128xi32, #tpu.memory_space<vmem>>
        %dma_start3A_245 = arith.constant 0 : i32
        %dma_start3A_246 = arith.constant 0 : i32
        %dma_start3A_247 = tpu.memref_slice %arg11[%dma_start3A_245, %dma_start3A_246] : memref<10240x128xf32, #tpu.memory_space<vmem_shared>> -> memref<10240x128xf32, #tpu.memory_space<vmem_shared>>
        tpu.enqueue_indirect_dma source(%dma_start3A_241 : memref<128x128xf32, #tpu.memory_space<vmem>>) target(%dma_start3A_247 : memref<10240x128xf32, #tpu.memory_space<vmem_shared>>) offsets(%dma_start3A_244 : memref<128xi32, #tpu.memory_space<vmem>>) semaphore(%run_scoped3A_237 : memref<!tpu.dma_semaphore, #tpu.memory_space<semaphore_mem>>) {add = true}
        %dma_wait3A_248 = arith.constant 0 : i32
        %dma_wait3A_249 = arith.constant 0 : i32
        %dma_wait3A_250 = tpu.memref_slice %arg10[%run_scoped3A_236, %dma_wait3A_248, %dma_wait3A_249] : memref<2x128x128xf32, #tpu.memory_space<vmem>> -> memref<1x128x128xf32, #tpu.memory_space<vmem>>
        %dma_wait3A_251 = tpu.memref_squeeze %dma_wait3A_250 : memref<1x128x128xf32, #tpu.memory_space<vmem>> -> memref<128x128xf32, #tpu.memory_space<vmem>>
        %dma_wait3A_252 = arith.constant 0 : i32
        %dma_wait3A_253 = tpu.memref_slice %arg8[%add3A_217, %dma_wait3A_252] : memref<40x128xi32, #tpu.memory_space<vmem>> -> memref<1x128xi32, #tpu.memory_space<vmem>>
        %dma_wait3A_254 = tpu.memref_squeeze %dma_wait3A_253 : memref<1x128xi32, #tpu.memory_space<vmem>> -> memref<128xi32, #tpu.memory_space<vmem>>
        %dma_wait3A_255 = arith.constant 0 : i32
        %dma_wait3A_256 = arith.constant 0 : i32
        %dma_wait3A_257 = tpu.memref_slice %arg11[%dma_wait3A_255, %dma_wait3A_256] : memref<10240x128xf32, #tpu.memory_space<vmem_shared>> -> memref<10240x128xf32, #tpu.memory_space<vmem_shared>>
        tpu.wait_indirect_dma semaphore(%run_scoped3A_237 : memref<!tpu.dma_semaphore, #tpu.memory_space<semaphore_mem>>) src(%dma_wait3A_251 : memref<128x128xf32, #tpu.memory_space<vmem>>) dst(%dma_wait3A_257 : memref<10240x128xf32, #tpu.memory_space<vmem_shared>>)
        tpu.yield
      }) : () -> ()
    }
    %scan3A_31 = arith.constant 20 : i32
    "tpu.region"() ({
      %run_scoped3A_193 = tpu.sem_alloc : memref<!tpu.dma_semaphore, #tpu.memory_space<semaphore_mem>>
      %dma_start3A_194 = arith.constant 40 : i32
      %dma_start3A_195 = arith.constant 0 : i32
      %dma_start3A_196 = tpu.memref_slice %arg3[%arg0, %arg1, %dma_start3A_194, %dma_start3A_195] : memref<2x16x80x128xi32, #tpu.memory_space<hbm>> -> memref<1x1x40x128xi32, #tpu.memory_space<hbm>>
      %dma_start3A_197 = tpu.memref_squeeze %dma_start3A_196 : memref<1x1x40x128xi32, #tpu.memory_space<hbm>> -> memref<40x128xi32, #tpu.memory_space<hbm>>
      %dma_start3A_198 = arith.constant 40 : i32
      %dma_start3A_199 = arith.constant 0 : i32
      %dma_start3A_200 = tpu.memref_slice %arg3[%arg0, %arg1, %dma_start3A_198, %dma_start3A_199] : memref<2x16x80x128xi32, #tpu.memory_space<hbm>> -> memref<1x1x40x128xi32, #tpu.memory_space<hbm>>
      %dma_start3A_201 = tpu.memref_squeeze %dma_start3A_200 : memref<1x1x40x128xi32, #tpu.memory_space<hbm>> -> memref<40x128xi32, #tpu.memory_space<hbm>>
      tpu.enqueue_dma source(%dma_start3A_201 : memref<40x128xi32, #tpu.memory_space<hbm>>) target(%arg7 : memref<40x128xi32, #tpu.memory_space<vmem>>) target_semaphore(%run_scoped3A_193 : memref<!tpu.dma_semaphore, #tpu.memory_space<semaphore_mem>>)
      %dma_wait3A_202 = arith.constant 40 : i32
      %dma_wait3A_203 = arith.constant 0 : i32
      %dma_wait3A_204 = tpu.memref_slice %arg3[%arg0, %arg1, %dma_wait3A_202, %dma_wait3A_203] : memref<2x16x80x128xi32, #tpu.memory_space<hbm>> -> memref<1x1x40x128xi32, #tpu.memory_space<hbm>>
      %dma_wait3A_205 = tpu.memref_squeeze %dma_wait3A_204 : memref<1x1x40x128xi32, #tpu.memory_space<hbm>> -> memref<40x128xi32, #tpu.memory_space<hbm>>
      %dma_wait3A_206 = arith.constant 40 : i32
      %dma_wait3A_207 = arith.constant 0 : i32
      %dma_wait3A_208 = tpu.memref_slice %arg3[%arg0, %arg1, %dma_wait3A_206, %dma_wait3A_207] : memref<2x16x80x128xi32, #tpu.memory_space<hbm>> -> memref<1x1x40x128xi32, #tpu.memory_space<hbm>>
      %dma_wait3A_209 = tpu.memref_squeeze %dma_wait3A_208 : memref<1x1x40x128xi32, #tpu.memory_space<hbm>> -> memref<40x128xi32, #tpu.memory_space<hbm>>
      tpu.wait_dma2 semaphore(%run_scoped3A_193 : memref<!tpu.dma_semaphore, #tpu.memory_space<semaphore_mem>>) src(%dma_wait3A_209 : memref<40x128xi32, #tpu.memory_space<hbm>>) dst(%arg7 : memref<40x128xi32, #tpu.memory_space<vmem>>)
      tpu.yield
    }) : () -> ()
    "tpu.region"() ({
      %run_scoped3A_193 = tpu.sem_alloc : memref<!tpu.dma_semaphore, #tpu.memory_space<semaphore_mem>>
      %dma_start3A_194 = arith.constant 40 : i32
      %dma_start3A_195 = arith.constant 0 : i32
      %dma_start3A_196 = tpu.memref_slice %arg4[%arg1, %dma_start3A_194, %dma_start3A_195] : memref<16x80x128xi32, #tpu.memory_space<hbm>> -> memref<1x40x128xi32, #tpu.memory_space<hbm>>
      %dma_start3A_197 = tpu.memref_squeeze %dma_start3A_196 : memref<1x40x128xi32, #tpu.memory_space<hbm>> -> memref<40x128xi32, #tpu.memory_space<hbm>>
      %dma_start3A_198 = arith.constant 40 : i32
      %dma_start3A_199 = arith.constant 0 : i32
      %dma_start3A_200 = tpu.memref_slice %arg4[%arg1, %dma_start3A_198, %dma_start3A_199] : memref<16x80x128xi32, #tpu.memory_space<hbm>> -> memref<1x40x128xi32, #tpu.memory_space<hbm>>
      %dma_start3A_201 = tpu.memref_squeeze %dma_start3A_200 : memref<1x40x128xi32, #tpu.memory_space<hbm>> -> memref<40x128xi32, #tpu.memory_space<hbm>>
      tpu.enqueue_dma source(%dma_start3A_201 : memref<40x128xi32, #tpu.memory_space<hbm>>) target(%arg8 : memref<40x128xi32, #tpu.memory_space<vmem>>) target_semaphore(%run_scoped3A_193 : memref<!tpu.dma_semaphore, #tpu.memory_space<semaphore_mem>>)
      %dma_wait3A_202 = arith.constant 40 : i32
      %dma_wait3A_203 = arith.constant 0 : i32
      %dma_wait3A_204 = tpu.memref_slice %arg4[%arg1, %dma_wait3A_202, %dma_wait3A_203] : memref<16x80x128xi32, #tpu.memory_space<hbm>> -> memref<1x40x128xi32, #tpu.memory_space<hbm>>
      %dma_wait3A_205 = tpu.memref_squeeze %dma_wait3A_204 : memref<1x40x128xi32, #tpu.memory_space<hbm>> -> memref<40x128xi32, #tpu.memory_space<hbm>>
      %dma_wait3A_206 = arith.constant 40 : i32
      %dma_wait3A_207 = arith.constant 0 : i32
      %dma_wait3A_208 = tpu.memref_slice %arg4[%arg1, %dma_wait3A_206, %dma_wait3A_207] : memref<16x80x128xi32, #tpu.memory_space<hbm>> -> memref<1x40x128xi32, #tpu.memory_space<hbm>>
      %dma_wait3A_209 = tpu.memref_squeeze %dma_wait3A_208 : memref<1x40x128xi32, #tpu.memory_space<hbm>> -> memref<40x128xi32, #tpu.memory_space<hbm>>
      tpu.wait_dma2 semaphore(%run_scoped3A_193 : memref<!tpu.dma_semaphore, #tpu.memory_space<semaphore_mem>>) src(%dma_wait3A_209 : memref<40x128xi32, #tpu.memory_space<hbm>>) dst(%arg8 : memref<40x128xi32, #tpu.memory_space<vmem>>)
      tpu.yield
    }) : () -> ()
    %dma_start3A_32 = arith.constant 0 : i32
    %dma_start3A_33 = arith.constant 0 : i32
    %dma_start3A_34 = arith.constant 0 : i32
    %dma_start3A_35 = arith.constant 0 : i32
    %dma_start3A_36 = tpu.memref_slice %arg10[%dma_start3A_33, %dma_start3A_34, %dma_start3A_35] : memref<2x128x128xf32, #tpu.memory_space<vmem>> -> memref<1x128x128xf32, #tpu.memory_space<vmem>>
    %dma_start3A_37 = tpu.memref_squeeze %dma_start3A_36 : memref<1x128x128xf32, #tpu.memory_space<vmem>> -> memref<128x128xf32, #tpu.memory_space<vmem>>
    %dma_start3A_38 = arith.constant 0 : i32
    %dma_start3A_39 = tpu.memref_slice %arg7[%dma_start3A_32, %dma_start3A_38] : memref<40x128xi32, #tpu.memory_space<vmem>> -> memref<1x128xi32, #tpu.memory_space<vmem>>
    %dma_start3A_40 = tpu.memref_squeeze %dma_start3A_39 : memref<1x128xi32, #tpu.memory_space<vmem>> -> memref<128xi32, #tpu.memory_space<vmem>>
    %dma_start3A_41 = arith.constant 0 : i32
    %dma_start3A_42 = arith.constant 0 : i32
    %dma_start3A_43 = tpu.memref_slice %arg2[%dma_start3A_41, %dma_start3A_42] : memref<20000x128xf32, #tpu.memory_space<hbm>> -> memref<20000x128xf32, #tpu.memory_space<hbm>>
    tpu.enqueue_indirect_dma source(%dma_start3A_43 : memref<20000x128xf32, #tpu.memory_space<hbm>>) target(%dma_start3A_37 : memref<128x128xf32, #tpu.memory_space<vmem>>) offsets(%dma_start3A_40 : memref<128xi32, #tpu.memory_space<vmem>>) semaphore(%arg12 : memref<!tpu.dma_semaphore, #tpu.memory_space<semaphore_mem>>)
    %scan3A_44 = arith.constant 0 : i32
    %scan3A_45 = arith.constant 0 : i32
    %scan3A_46 = arith.constant 20 : i32
    %scan3A_47 = arith.addi %scan3A_45, %scan3A_46 : i32
    %scan3A_48 = arith.constant 1 : i32
    scf.for %scan3A_193 = %scan3A_45 to %scan3A_47 step %scan3A_48  : i32 {
      %mul3A_194 = arith.constant 2 : i32
      %mul3A_195 = arith.muli %scan3A_193, %mul3A_194 : i32
      %add3A_196 = arith.constant 0 : i32
      %add3A_197 = arith.addi %mul3A_195, %add3A_196 : i32
      %add3A_198 = arith.constant 1 : i32
      %add3A_199 = arith.addi %add3A_197, %add3A_198 : i32
      %lt3A = arith.constant 40 : i32
      %lt3A_200 = arith.cmpi slt, %add3A_199, %lt3A : i32
      %convert_element_type3A = arith.extui %lt3A_200 : i1 to i32
      %cond3A = arith.constant 0 : i32
      %cond3A_201 = arith.cmpi ne, %convert_element_type3A, %cond3A : i32
      scf.if %cond3A_201 {
        %add3A_237 = arith.constant 1 : i32
        %add3A_238 = arith.addi %add3A_197, %add3A_237 : i32
        %dma_start3A_239 = arith.constant 1 : i32
        %dma_start3A_240 = arith.constant 0 : i32
        %dma_start3A_241 = arith.constant 0 : i32
        %dma_start3A_242 = tpu.memref_slice %arg10[%dma_start3A_239, %dma_start3A_240, %dma_start3A_241] : memref<2x128x128xf32, #tpu.memory_space<vmem>> -> memref<1x128x128xf32, #tpu.memory_space<vmem>>
        %dma_start3A_243 = tpu.memref_squeeze %dma_start3A_242 : memref<1x128x128xf32, #tpu.memory_space<vmem>> -> memref<128x128xf32, #tpu.memory_space<vmem>>
        %dma_start3A_244 = arith.constant 0 : i32
        %dma_start3A_245 = tpu.memref_slice %arg7[%add3A_238, %dma_start3A_244] : memref<40x128xi32, #tpu.memory_space<vmem>> -> memref<1x128xi32, #tpu.memory_space<vmem>>
        %dma_start3A_246 = tpu.memref_squeeze %dma_start3A_245 : memref<1x128xi32, #tpu.memory_space<vmem>> -> memref<128xi32, #tpu.memory_space<vmem>>
        %dma_start3A_247 = arith.constant 0 : i32
        %dma_start3A_248 = arith.constant 0 : i32
        %dma_start3A_249 = tpu.memref_slice %arg2[%dma_start3A_247, %dma_start3A_248] : memref<20000x128xf32, #tpu.memory_space<hbm>> -> memref<20000x128xf32, #tpu.memory_space<hbm>>
        tpu.enqueue_indirect_dma source(%dma_start3A_249 : memref<20000x128xf32, #tpu.memory_space<hbm>>) target(%dma_start3A_243 : memref<128x128xf32, #tpu.memory_space<vmem>>) offsets(%dma_start3A_246 : memref<128xi32, #tpu.memory_space<vmem>>) semaphore(%arg12 : memref<!tpu.dma_semaphore, #tpu.memory_space<semaphore_mem>>)
      } else {
      }
      %dma_wait3A_202 = arith.constant 0 : i32
      %dma_wait3A_203 = arith.constant 0 : i32
      %dma_wait3A_204 = arith.constant 0 : i32
      %dma_wait3A_205 = tpu.memref_slice %arg10[%dma_wait3A_202, %dma_wait3A_203, %dma_wait3A_204] : memref<2x128x128xf32, #tpu.memory_space<vmem>> -> memref<1x128x128xf32, #tpu.memory_space<vmem>>
      %dma_wait3A_206 = tpu.memref_squeeze %dma_wait3A_205 : memref<1x128x128xf32, #tpu.memory_space<vmem>> -> memref<128x128xf32, #tpu.memory_space<vmem>>
      %dma_wait3A_207 = arith.constant 0 : i32
      %dma_wait3A_208 = tpu.memref_slice %arg7[%add3A_197, %dma_wait3A_207] : memref<40x128xi32, #tpu.memory_space<vmem>> -> memref<1x128xi32, #tpu.memory_space<vmem>>
      %dma_wait3A_209 = tpu.memref_squeeze %dma_wait3A_208 : memref<1x128xi32, #tpu.memory_space<vmem>> -> memref<128xi32, #tpu.memory_space<vmem>>
      %dma_wait3A_210 = arith.constant 0 : i32
      %dma_wait3A_211 = arith.constant 0 : i32
      %dma_wait3A_212 = tpu.memref_slice %arg2[%dma_wait3A_210, %dma_wait3A_211] : memref<20000x128xf32, #tpu.memory_space<hbm>> -> memref<20000x128xf32, #tpu.memory_space<hbm>>
      tpu.wait_indirect_dma semaphore(%arg12 : memref<!tpu.dma_semaphore, #tpu.memory_space<semaphore_mem>>) src(%dma_wait3A_212 : memref<20000x128xf32, #tpu.memory_space<hbm>>) dst(%dma_wait3A_206 : memref<128x128xf32, #tpu.memory_space<vmem>>)
      %run_scoped3A_213 = arith.constant 0 : i32
      "tpu.region"() ({
        %run_scoped3A_237 = tpu.sem_alloc : memref<!tpu.dma_semaphore, #tpu.memory_space<semaphore_mem>>
        %dma_start3A_238 = arith.constant 0 : i32
        %dma_start3A_239 = arith.constant 0 : i32
        %dma_start3A_240 = tpu.memref_slice %arg10[%run_scoped3A_213, %dma_start3A_238, %dma_start3A_239] : memref<2x128x128xf32, #tpu.memory_space<vmem>> -> memref<1x128x128xf32, #tpu.memory_space<vmem>>
        %dma_start3A_241 = tpu.memref_squeeze %dma_start3A_240 : memref<1x128x128xf32, #tpu.memory_space<vmem>> -> memref<128x128xf32, #tpu.memory_space<vmem>>
        %dma_start3A_242 = arith.constant 0 : i32
        %dma_start3A_243 = tpu.memref_slice %arg8[%add3A_197, %dma_start3A_242] : memref<40x128xi32, #tpu.memory_space<vmem>> -> memref<1x128xi32, #tpu.memory_space<vmem>>
        %dma_start3A_244 = tpu.memref_squeeze %dma_start3A_243 : memref<1x128xi32, #tpu.memory_space<vmem>> -> memref<128xi32, #tpu.memory_space<vmem>>
        %dma_start3A_245 = arith.constant 0 : i32
        %dma_start3A_246 = arith.constant 0 : i32
        %dma_start3A_247 = tpu.memref_slice %arg11[%dma_start3A_245, %dma_start3A_246] : memref<10240x128xf32, #tpu.memory_space<vmem_shared>> -> memref<10240x128xf32, #tpu.memory_space<vmem_shared>>
        tpu.enqueue_indirect_dma source(%dma_start3A_241 : memref<128x128xf32, #tpu.memory_space<vmem>>) target(%dma_start3A_247 : memref<10240x128xf32, #tpu.memory_space<vmem_shared>>) offsets(%dma_start3A_244 : memref<128xi32, #tpu.memory_space<vmem>>) semaphore(%run_scoped3A_237 : memref<!tpu.dma_semaphore, #tpu.memory_space<semaphore_mem>>) {add = true}
        %dma_wait3A_248 = arith.constant 0 : i32
        %dma_wait3A_249 = arith.constant 0 : i32
        %dma_wait3A_250 = tpu.memref_slice %arg10[%run_scoped3A_213, %dma_wait3A_248, %dma_wait3A_249] : memref<2x128x128xf32, #tpu.memory_space<vmem>> -> memref<1x128x128xf32, #tpu.memory_space<vmem>>
        %dma_wait3A_251 = tpu.memref_squeeze %dma_wait3A_250 : memref<1x128x128xf32, #tpu.memory_space<vmem>> -> memref<128x128xf32, #tpu.memory_space<vmem>>
        %dma_wait3A_252 = arith.constant 0 : i32
        %dma_wait3A_253 = tpu.memref_slice %arg8[%add3A_197, %dma_wait3A_252] : memref<40x128xi32, #tpu.memory_space<vmem>> -> memref<1x128xi32, #tpu.memory_space<vmem>>
        %dma_wait3A_254 = tpu.memref_squeeze %dma_wait3A_253 : memref<1x128xi32, #tpu.memory_space<vmem>> -> memref<128xi32, #tpu.memory_space<vmem>>
        %dma_wait3A_255 = arith.constant 0 : i32
        %dma_wait3A_256 = arith.constant 0 : i32
        %dma_wait3A_257 = tpu.memref_slice %arg11[%dma_wait3A_255, %dma_wait3A_256] : memref<10240x128xf32, #tpu.memory_space<vmem_shared>> -> memref<10240x128xf32, #tpu.memory_space<vmem_shared>>
        tpu.wait_indirect_dma semaphore(%run_scoped3A_237 : memref<!tpu.dma_semaphore, #tpu.memory_space<semaphore_mem>>) src(%dma_wait3A_251 : memref<128x128xf32, #tpu.memory_space<vmem>>) dst(%dma_wait3A_257 : memref<10240x128xf32, #tpu.memory_space<vmem_shared>>)
        tpu.yield
      }) : () -> ()
      %mul3A_214 = arith.constant 2 : i32
      %mul3A_215 = arith.muli %scan3A_193, %mul3A_214 : i32
      %add3A_216 = arith.constant 1 : i32
      %add3A_217 = arith.addi %mul3A_215, %add3A_216 : i32
      %add3A_218 = arith.constant 1 : i32
      %add3A_219 = arith.addi %add3A_217, %add3A_218 : i32
      %lt3A_220 = arith.constant 40 : i32
      %lt3A_221 = arith.cmpi slt, %add3A_219, %lt3A_220 : i32
      %convert_element_type3A_222 = arith.extui %lt3A_221 : i1 to i32
      %cond3A_223 = arith.constant 0 : i32
      %cond3A_224 = arith.cmpi ne, %convert_element_type3A_222, %cond3A_223 : i32
      scf.if %cond3A_224 {
        %add3A_237 = arith.constant 1 : i32
        %add3A_238 = arith.addi %add3A_217, %add3A_237 : i32
        %dma_start3A_239 = arith.constant 0 : i32
        %dma_start3A_240 = arith.constant 0 : i32
        %dma_start3A_241 = arith.constant 0 : i32
        %dma_start3A_242 = tpu.memref_slice %arg10[%dma_start3A_239, %dma_start3A_240, %dma_start3A_241] : memref<2x128x128xf32, #tpu.memory_space<vmem>> -> memref<1x128x128xf32, #tpu.memory_space<vmem>>
        %dma_start3A_243 = tpu.memref_squeeze %dma_start3A_242 : memref<1x128x128xf32, #tpu.memory_space<vmem>> -> memref<128x128xf32, #tpu.memory_space<vmem>>
        %dma_start3A_244 = arith.constant 0 : i32
        %dma_start3A_245 = tpu.memref_slice %arg7[%add3A_238, %dma_start3A_244] : memref<40x128xi32, #tpu.memory_space<vmem>> -> memref<1x128xi32, #tpu.memory_space<vmem>>
        %dma_start3A_246 = tpu.memref_squeeze %dma_start3A_245 : memref<1x128xi32, #tpu.memory_space<vmem>> -> memref<128xi32, #tpu.memory_space<vmem>>
        %dma_start3A_247 = arith.constant 0 : i32
        %dma_start3A_248 = arith.constant 0 : i32
        %dma_start3A_249 = tpu.memref_slice %arg2[%dma_start3A_247, %dma_start3A_248] : memref<20000x128xf32, #tpu.memory_space<hbm>> -> memref<20000x128xf32, #tpu.memory_space<hbm>>
        tpu.enqueue_indirect_dma source(%dma_start3A_249 : memref<20000x128xf32, #tpu.memory_space<hbm>>) target(%dma_start3A_243 : memref<128x128xf32, #tpu.memory_space<vmem>>) offsets(%dma_start3A_246 : memref<128xi32, #tpu.memory_space<vmem>>) semaphore(%arg12 : memref<!tpu.dma_semaphore, #tpu.memory_space<semaphore_mem>>)
      } else {
      }
      %dma_wait3A_225 = arith.constant 1 : i32
      %dma_wait3A_226 = arith.constant 0 : i32
      %dma_wait3A_227 = arith.constant 0 : i32
      %dma_wait3A_228 = tpu.memref_slice %arg10[%dma_wait3A_225, %dma_wait3A_226, %dma_wait3A_227] : memref<2x128x128xf32, #tpu.memory_space<vmem>> -> memref<1x128x128xf32, #tpu.memory_space<vmem>>
      %dma_wait3A_229 = tpu.memref_squeeze %dma_wait3A_228 : memref<1x128x128xf32, #tpu.memory_space<vmem>> -> memref<128x128xf32, #tpu.memory_space<vmem>>
      %dma_wait3A_230 = arith.constant 0 : i32
      %dma_wait3A_231 = tpu.memref_slice %arg7[%add3A_217, %dma_wait3A_230] : memref<40x128xi32, #tpu.memory_space<vmem>> -> memref<1x128xi32, #tpu.memory_space<vmem>>
      %dma_wait3A_232 = tpu.memref_squeeze %dma_wait3A_231 : memref<1x128xi32, #tpu.memory_space<vmem>> -> memref<128xi32, #tpu.memory_space<vmem>>
      %dma_wait3A_233 = arith.constant 0 : i32
      %dma_wait3A_234 = arith.constant 0 : i32
      %dma_wait3A_235 = tpu.memref_slice %arg2[%dma_wait3A_233, %dma_wait3A_234] : memref<20000x128xf32, #tpu.memory_space<hbm>> -> memref<20000x128xf32, #tpu.memory_space<hbm>>
      tpu.wait_indirect_dma semaphore(%arg12 : memref<!tpu.dma_semaphore, #tpu.memory_space<semaphore_mem>>) src(%dma_wait3A_235 : memref<20000x128xf32, #tpu.memory_space<hbm>>) dst(%dma_wait3A_229 : memref<128x128xf32, #tpu.memory_space<vmem>>)
      %run_scoped3A_236 = arith.constant 1 : i32
      "tpu.region"() ({
        %run_scoped3A_237 = tpu.sem_alloc : memref<!tpu.dma_semaphore, #tpu.memory_space<semaphore_mem>>
        %dma_start3A_238 = arith.constant 0 : i32
        %dma_start3A_239 = arith.constant 0 : i32
        %dma_start3A_240 = tpu.memref_slice %arg10[%run_scoped3A_236, %dma_start3A_238, %dma_start3A_239] : memref<2x128x128xf32, #tpu.memory_space<vmem>> -> memref<1x128x128xf32, #tpu.memory_space<vmem>>
        %dma_start3A_241 = tpu.memref_squeeze %dma_start3A_240 : memref<1x128x128xf32, #tpu.memory_space<vmem>> -> memref<128x128xf32, #tpu.memory_space<vmem>>
        %dma_start3A_242 = arith.constant 0 : i32
        %dma_start3A_243 = tpu.memref_slice %arg8[%add3A_217, %dma_start3A_242] : memref<40x128xi32, #tpu.memory_space<vmem>> -> memref<1x128xi32, #tpu.memory_space<vmem>>
        %dma_start3A_244 = tpu.memref_squeeze %dma_start3A_243 : memref<1x128xi32, #tpu.memory_space<vmem>> -> memref<128xi32, #tpu.memory_space<vmem>>
        %dma_start3A_245 = arith.constant 0 : i32
        %dma_start3A_246 = arith.constant 0 : i32
        %dma_start3A_247 = tpu.memref_slice %arg11[%dma_start3A_245, %dma_start3A_246] : memref<10240x128xf32, #tpu.memory_space<vmem_shared>> -> memref<10240x128xf32, #tpu.memory_space<vmem_shared>>
        tpu.enqueue_indirect_dma source(%dma_start3A_241 : memref<128x128xf32, #tpu.memory_space<vmem>>) target(%dma_start3A_247 : memref<10240x128xf32, #tpu.memory_space<vmem_shared>>) offsets(%dma_start3A_244 : memref<128xi32, #tpu.memory_space<vmem>>) semaphore(%run_scoped3A_237 : memref<!tpu.dma_semaphore, #tpu.memory_space<semaphore_mem>>) {add = true}
        %dma_wait3A_248 = arith.constant 0 : i32
        %dma_wait3A_249 = arith.constant 0 : i32
        %dma_wait3A_250 = tpu.memref_slice %arg10[%run_scoped3A_236, %dma_wait3A_248, %dma_wait3A_249] : memref<2x128x128xf32, #tpu.memory_space<vmem>> -> memref<1x128x128xf32, #tpu.memory_space<vmem>>
        %dma_wait3A_251 = tpu.memref_squeeze %dma_wait3A_250 : memref<1x128x128xf32, #tpu.memory_space<vmem>> -> memref<128x128xf32, #tpu.memory_space<vmem>>
        %dma_wait3A_252 = arith.constant 0 : i32
        %dma_wait3A_253 = tpu.memref_slice %arg8[%add3A_217, %dma_wait3A_252] : memref<40x128xi32, #tpu.memory_space<vmem>> -> memref<1x128xi32, #tpu.memory_space<vmem>>
        %dma_wait3A_254 = tpu.memref_squeeze %dma_wait3A_253 : memref<1x128xi32, #tpu.memory_space<vmem>> -> memref<128xi32, #tpu.memory_space<vmem>>
        %dma_wait3A_255 = arith.constant 0 : i32
        %dma_wait3A_256 = arith.constant 0 : i32
        %dma_wait3A_257 = tpu.memref_slice %arg11[%dma_wait3A_255, %dma_wait3A_256] : memref<10240x128xf32, #tpu.memory_space<vmem_shared>> -> memref<10240x128xf32, #tpu.memory_space<vmem_shared>>
        tpu.wait_indirect_dma semaphore(%run_scoped3A_237 : memref<!tpu.dma_semaphore, #tpu.memory_space<semaphore_mem>>) src(%dma_wait3A_251 : memref<128x128xf32, #tpu.memory_space<vmem>>) dst(%dma_wait3A_257 : memref<10240x128xf32, #tpu.memory_space<vmem_shared>>)
        tpu.yield
      }) : () -> ()
    }
    %scan3A_49 = arith.constant 20 : i32
    %barrier3A_50 = arith.constant 0 : index
    tpu.barrier barrier_id(%barrier3A_50)
    %dma_start3A_51 = arith.constant 0 : i32
    %dma_start3A_52 = arith.constant 0 : i32
    %dma_start3A_53 = arith.constant 0 : i32
    %dma_start3A_54 = arith.constant 0 : i32
    %dma_start3A_55 = tpu.memref_slice %arg10[%dma_start3A_52, %dma_start3A_53, %dma_start3A_54] : memref<2x128x128xf32, #tpu.memory_space<vmem>> -> memref<1x128x128xf32, #tpu.memory_space<vmem>>
    %dma_start3A_56 = tpu.memref_squeeze %dma_start3A_55 : memref<1x128x128xf32, #tpu.memory_space<vmem>> -> memref<128x128xf32, #tpu.memory_space<vmem>>
    %dma_start3A_57 = arith.constant 0 : i32
    %dma_start3A_58 = tpu.memref_slice %arg9[%dma_start3A_51, %dma_start3A_57] : memref<5x128xi32, #tpu.memory_space<vmem>> -> memref<1x128xi32, #tpu.memory_space<vmem>>
    %dma_start3A_59 = tpu.memref_squeeze %dma_start3A_58 : memref<1x128xi32, #tpu.memory_space<vmem>> -> memref<128xi32, #tpu.memory_space<vmem>>
    %dma_start3A_60 = arith.constant 0 : i32
    %dma_start3A_61 = arith.constant 0 : i32
    %dma_start3A_62 = tpu.memref_slice %arg11[%dma_start3A_60, %dma_start3A_61] : memref<10240x128xf32, #tpu.memory_space<vmem_shared>> -> memref<10240x128xf32, #tpu.memory_space<vmem_shared>>
    tpu.enqueue_indirect_dma source(%dma_start3A_62 : memref<10240x128xf32, #tpu.memory_space<vmem_shared>>) target(%dma_start3A_56 : memref<128x128xf32, #tpu.memory_space<vmem>>) offsets(%dma_start3A_59 : memref<128xi32, #tpu.memory_space<vmem>>) semaphore(%arg12 : memref<!tpu.dma_semaphore, #tpu.memory_space<semaphore_mem>>)
    %dma_wait3A = arith.constant 0 : i32
    %dma_wait3A_63 = arith.constant 0 : i32
    %dma_wait3A_64 = arith.constant 0 : i32
    %dma_wait3A_65 = arith.constant 0 : i32
    %dma_wait3A_66 = tpu.memref_slice %arg10[%dma_wait3A_63, %dma_wait3A_64, %dma_wait3A_65] : memref<2x128x128xf32, #tpu.memory_space<vmem>> -> memref<1x128x128xf32, #tpu.memory_space<vmem>>
    %dma_wait3A_67 = tpu.memref_squeeze %dma_wait3A_66 : memref<1x128x128xf32, #tpu.memory_space<vmem>> -> memref<128x128xf32, #tpu.memory_space<vmem>>
    %dma_wait3A_68 = arith.constant 0 : i32
    %dma_wait3A_69 = tpu.memref_slice %arg9[%dma_wait3A, %dma_wait3A_68] : memref<5x128xi32, #tpu.memory_space<vmem>> -> memref<1x128xi32, #tpu.memory_space<vmem>>
    %dma_wait3A_70 = tpu.memref_squeeze %dma_wait3A_69 : memref<1x128xi32, #tpu.memory_space<vmem>> -> memref<128xi32, #tpu.memory_space<vmem>>
    %dma_wait3A_71 = arith.constant 0 : i32
    %dma_wait3A_72 = arith.constant 0 : i32
    %dma_wait3A_73 = tpu.memref_slice %arg11[%dma_wait3A_71, %dma_wait3A_72] : memref<10240x128xf32, #tpu.memory_space<vmem_shared>> -> memref<10240x128xf32, #tpu.memory_space<vmem_shared>>
    tpu.wait_indirect_dma semaphore(%arg12 : memref<!tpu.dma_semaphore, #tpu.memory_space<semaphore_mem>>) src(%dma_wait3A_73 : memref<10240x128xf32, #tpu.memory_space<vmem_shared>>) dst(%dma_wait3A_67 : memref<128x128xf32, #tpu.memory_space<vmem>>)
    %mul3A = arith.constant 640 : i32
    %mul3A_74 = arith.muli %arg1, %mul3A : i32
    %add3A = arith.constant 0 : i32
    %add3A_75 = arith.addi %mul3A_74, %add3A : i32
    %run_scoped3A_76 = arith.constant 0 : i32
    "tpu.region"() ({
      %run_scoped3A_193 = tpu.sem_alloc : memref<!tpu.dma_semaphore, #tpu.memory_space<semaphore_mem>>
      %dma_start3A_194 = arith.constant 0 : i32
      %dma_start3A_195 = arith.constant 0 : i32
      %dma_start3A_196 = tpu.memref_slice %arg10[%run_scoped3A_76, %dma_start3A_194, %dma_start3A_195] : memref<2x128x128xf32, #tpu.memory_space<vmem>> -> memref<1x128x128xf32, #tpu.memory_space<vmem>>
      %dma_start3A_197 = tpu.memref_squeeze %dma_start3A_196 : memref<1x128x128xf32, #tpu.memory_space<vmem>> -> memref<128x128xf32, #tpu.memory_space<vmem>>
      %dma_start3A_198 = arith.constant 0 : i32
      %dma_start3A_199 = tpu.memref_slice %arg6[%arg0, %add3A_75, %dma_start3A_198] : memref<2x10240x128xf32, #tpu.memory_space<hbm>> -> memref<1x128x128xf32, #tpu.memory_space<hbm>>
      %dma_start3A_200 = tpu.memref_squeeze %dma_start3A_199 : memref<1x128x128xf32, #tpu.memory_space<hbm>> -> memref<128x128xf32, #tpu.memory_space<hbm>>
      %dma_start3A_201 = arith.constant 0 : i32
      %dma_start3A_202 = tpu.memref_slice %arg6[%arg0, %add3A_75, %dma_start3A_201] : memref<2x10240x128xf32, #tpu.memory_space<hbm>> -> memref<1x128x128xf32, #tpu.memory_space<hbm>>
      %dma_start3A_203 = tpu.memref_squeeze %dma_start3A_202 : memref<1x128x128xf32, #tpu.memory_space<hbm>> -> memref<128x128xf32, #tpu.memory_space<hbm>>
      %dma_start3A_204 = arith.constant 0 : i32
      %dma_start3A_205 = arith.constant 0 : i32
      %dma_start3A_206 = tpu.memref_slice %arg10[%run_scoped3A_76, %dma_start3A_204, %dma_start3A_205] : memref<2x128x128xf32, #tpu.memory_space<vmem>> -> memref<1x128x128xf32, #tpu.memory_space<vmem>>
      %dma_start3A_207 = tpu.memref_squeeze %dma_start3A_206 : memref<1x128x128xf32, #tpu.memory_space<vmem>> -> memref<128x128xf32, #tpu.memory_space<vmem>>
      tpu.enqueue_dma source(%dma_start3A_207 : memref<128x128xf32, #tpu.memory_space<vmem>>) target(%dma_start3A_203 : memref<128x128xf32, #tpu.memory_space<hbm>>) target_semaphore(%run_scoped3A_193 : memref<!tpu.dma_semaphore, #tpu.memory_space<semaphore_mem>>)
      %dma_wait3A_208 = arith.constant 0 : i32
      %dma_wait3A_209 = arith.constant 0 : i32
      %dma_wait3A_210 = tpu.memref_slice %arg10[%run_scoped3A_76, %dma_wait3A_208, %dma_wait3A_209] : memref<2x128x128xf32, #tpu.memory_space<vmem>> -> memref<1x128x128xf32, #tpu.memory_space<vmem>>
      %dma_wait3A_211 = tpu.memref_squeeze %dma_wait3A_210 : memref<1x128x128xf32, #tpu.memory_space<vmem>> -> memref<128x128xf32, #tpu.memory_space<vmem>>
      %dma_wait3A_212 = arith.constant 0 : i32
      %dma_wait3A_213 = tpu.memref_slice %arg6[%arg0, %add3A_75, %dma_wait3A_212] : memref<2x10240x128xf32, #tpu.memory_space<hbm>> -> memref<1x128x128xf32, #tpu.memory_space<hbm>>
      %dma_wait3A_214 = tpu.memref_squeeze %dma_wait3A_213 : memref<1x128x128xf32, #tpu.memory_space<hbm>> -> memref<128x128xf32, #tpu.memory_space<hbm>>
      %dma_wait3A_215 = arith.constant 0 : i32
      %dma_wait3A_216 = tpu.memref_slice %arg6[%arg0, %add3A_75, %dma_wait3A_215] : memref<2x10240x128xf32, #tpu.memory_space<hbm>> -> memref<1x128x128xf32, #tpu.memory_space<hbm>>
      %dma_wait3A_217 = tpu.memref_squeeze %dma_wait3A_216 : memref<1x128x128xf32, #tpu.memory_space<hbm>> -> memref<128x128xf32, #tpu.memory_space<hbm>>
      %dma_wait3A_218 = arith.constant 0 : i32
      %dma_wait3A_219 = arith.constant 0 : i32
      %dma_wait3A_220 = tpu.memref_slice %arg10[%run_scoped3A_76, %dma_wait3A_218, %dma_wait3A_219] : memref<2x128x128xf32, #tpu.memory_space<vmem>> -> memref<1x128x128xf32, #tpu.memory_space<vmem>>
      %dma_wait3A_221 = tpu.memref_squeeze %dma_wait3A_220 : memref<1x128x128xf32, #tpu.memory_space<vmem>> -> memref<128x128xf32, #tpu.memory_space<vmem>>
      tpu.wait_dma2 semaphore(%run_scoped3A_193 : memref<!tpu.dma_semaphore, #tpu.memory_space<semaphore_mem>>) src(%dma_wait3A_221 : memref<128x128xf32, #tpu.memory_space<vmem>>) dst(%dma_wait3A_217 : memref<128x128xf32, #tpu.memory_space<hbm>>)
      tpu.yield
    }) : () -> ()
    %dma_start3A_77 = arith.constant 1 : i32
    %dma_start3A_78 = arith.constant 0 : i32
    %dma_start3A_79 = arith.constant 0 : i32
    %dma_start3A_80 = arith.constant 0 : i32
    %dma_start3A_81 = tpu.memref_slice %arg10[%dma_start3A_78, %dma_start3A_79, %dma_start3A_80] : memref<2x128x128xf32, #tpu.memory_space<vmem>> -> memref<1x128x128xf32, #tpu.memory_space<vmem>>
    %dma_start3A_82 = tpu.memref_squeeze %dma_start3A_81 : memref<1x128x128xf32, #tpu.memory_space<vmem>> -> memref<128x128xf32, #tpu.memory_space<vmem>>
    %dma_start3A_83 = arith.constant 0 : i32
    %dma_start3A_84 = tpu.memref_slice %arg9[%dma_start3A_77, %dma_start3A_83] : memref<5x128xi32, #tpu.memory_space<vmem>> -> memref<1x128xi32, #tpu.memory_space<vmem>>
    %dma_start3A_85 = tpu.memref_squeeze %dma_start3A_84 : memref<1x128xi32, #tpu.memory_space<vmem>> -> memref<128xi32, #tpu.memory_space<vmem>>
    %dma_start3A_86 = arith.constant 0 : i32
    %dma_start3A_87 = arith.constant 0 : i32
    %dma_start3A_88 = tpu.memref_slice %arg11[%dma_start3A_86, %dma_start3A_87] : memref<10240x128xf32, #tpu.memory_space<vmem_shared>> -> memref<10240x128xf32, #tpu.memory_space<vmem_shared>>
    tpu.enqueue_indirect_dma source(%dma_start3A_88 : memref<10240x128xf32, #tpu.memory_space<vmem_shared>>) target(%dma_start3A_82 : memref<128x128xf32, #tpu.memory_space<vmem>>) offsets(%dma_start3A_85 : memref<128xi32, #tpu.memory_space<vmem>>) semaphore(%arg12 : memref<!tpu.dma_semaphore, #tpu.memory_space<semaphore_mem>>)
    %dma_wait3A_89 = arith.constant 1 : i32
    %dma_wait3A_90 = arith.constant 0 : i32
    %dma_wait3A_91 = arith.constant 0 : i32
    %dma_wait3A_92 = arith.constant 0 : i32
    %dma_wait3A_93 = tpu.memref_slice %arg10[%dma_wait3A_90, %dma_wait3A_91, %dma_wait3A_92] : memref<2x128x128xf32, #tpu.memory_space<vmem>> -> memref<1x128x128xf32, #tpu.memory_space<vmem>>
    %dma_wait3A_94 = tpu.memref_squeeze %dma_wait3A_93 : memref<1x128x128xf32, #tpu.memory_space<vmem>> -> memref<128x128xf32, #tpu.memory_space<vmem>>
    %dma_wait3A_95 = arith.constant 0 : i32
    %dma_wait3A_96 = tpu.memref_slice %arg9[%dma_wait3A_89, %dma_wait3A_95] : memref<5x128xi32, #tpu.memory_space<vmem>> -> memref<1x128xi32, #tpu.memory_space<vmem>>
    %dma_wait3A_97 = tpu.memref_squeeze %dma_wait3A_96 : memref<1x128xi32, #tpu.memory_space<vmem>> -> memref<128xi32, #tpu.memory_space<vmem>>
    %dma_wait3A_98 = arith.constant 0 : i32
    %dma_wait3A_99 = arith.constant 0 : i32
    %dma_wait3A_100 = tpu.memref_slice %arg11[%dma_wait3A_98, %dma_wait3A_99] : memref<10240x128xf32, #tpu.memory_space<vmem_shared>> -> memref<10240x128xf32, #tpu.memory_space<vmem_shared>>
    tpu.wait_indirect_dma semaphore(%arg12 : memref<!tpu.dma_semaphore, #tpu.memory_space<semaphore_mem>>) src(%dma_wait3A_100 : memref<10240x128xf32, #tpu.memory_space<vmem_shared>>) dst(%dma_wait3A_94 : memref<128x128xf32, #tpu.memory_space<vmem>>)
    %mul3A_101 = arith.constant 640 : i32
    %mul3A_102 = arith.muli %arg1, %mul3A_101 : i32
    %add3A_103 = arith.constant 128 : i32
    %add3A_104 = arith.addi %mul3A_102, %add3A_103 : i32
    %run_scoped3A_105 = arith.constant 0 : i32
    "tpu.region"() ({
      %run_scoped3A_193 = tpu.sem_alloc : memref<!tpu.dma_semaphore, #tpu.memory_space<semaphore_mem>>
      %dma_start3A_194 = arith.constant 0 : i32
      %dma_start3A_195 = arith.constant 0 : i32
      %dma_start3A_196 = tpu.memref_slice %arg10[%run_scoped3A_105, %dma_start3A_194, %dma_start3A_195] : memref<2x128x128xf32, #tpu.memory_space<vmem>> -> memref<1x128x128xf32, #tpu.memory_space<vmem>>
      %dma_start3A_197 = tpu.memref_squeeze %dma_start3A_196 : memref<1x128x128xf32, #tpu.memory_space<vmem>> -> memref<128x128xf32, #tpu.memory_space<vmem>>
      %dma_start3A_198 = arith.constant 0 : i32
      %dma_start3A_199 = tpu.memref_slice %arg6[%arg0, %add3A_104, %dma_start3A_198] : memref<2x10240x128xf32, #tpu.memory_space<hbm>> -> memref<1x128x128xf32, #tpu.memory_space<hbm>>
      %dma_start3A_200 = tpu.memref_squeeze %dma_start3A_199 : memref<1x128x128xf32, #tpu.memory_space<hbm>> -> memref<128x128xf32, #tpu.memory_space<hbm>>
      %dma_start3A_201 = arith.constant 0 : i32
      %dma_start3A_202 = tpu.memref_slice %arg6[%arg0, %add3A_104, %dma_start3A_201] : memref<2x10240x128xf32, #tpu.memory_space<hbm>> -> memref<1x128x128xf32, #tpu.memory_space<hbm>>
      %dma_start3A_203 = tpu.memref_squeeze %dma_start3A_202 : memref<1x128x128xf32, #tpu.memory_space<hbm>> -> memref<128x128xf32, #tpu.memory_space<hbm>>
      %dma_start3A_204 = arith.constant 0 : i32
      %dma_start3A_205 = arith.constant 0 : i32
      %dma_start3A_206 = tpu.memref_slice %arg10[%run_scoped3A_105, %dma_start3A_204, %dma_start3A_205] : memref<2x128x128xf32, #tpu.memory_space<vmem>> -> memref<1x128x128xf32, #tpu.memory_space<vmem>>
      %dma_start3A_207 = tpu.memref_squeeze %dma_start3A_206 : memref<1x128x128xf32, #tpu.memory_space<vmem>> -> memref<128x128xf32, #tpu.memory_space<vmem>>
      tpu.enqueue_dma source(%dma_start3A_207 : memref<128x128xf32, #tpu.memory_space<vmem>>) target(%dma_start3A_203 : memref<128x128xf32, #tpu.memory_space<hbm>>) target_semaphore(%run_scoped3A_193 : memref<!tpu.dma_semaphore, #tpu.memory_space<semaphore_mem>>)
      %dma_wait3A_208 = arith.constant 0 : i32
      %dma_wait3A_209 = arith.constant 0 : i32
      %dma_wait3A_210 = tpu.memref_slice %arg10[%run_scoped3A_105, %dma_wait3A_208, %dma_wait3A_209] : memref<2x128x128xf32, #tpu.memory_space<vmem>> -> memref<1x128x128xf32, #tpu.memory_space<vmem>>
      %dma_wait3A_211 = tpu.memref_squeeze %dma_wait3A_210 : memref<1x128x128xf32, #tpu.memory_space<vmem>> -> memref<128x128xf32, #tpu.memory_space<vmem>>
      %dma_wait3A_212 = arith.constant 0 : i32
      %dma_wait3A_213 = tpu.memref_slice %arg6[%arg0, %add3A_104, %dma_wait3A_212] : memref<2x10240x128xf32, #tpu.memory_space<hbm>> -> memref<1x128x128xf32, #tpu.memory_space<hbm>>
      %dma_wait3A_214 = tpu.memref_squeeze %dma_wait3A_213 : memref<1x128x128xf32, #tpu.memory_space<hbm>> -> memref<128x128xf32, #tpu.memory_space<hbm>>
      %dma_wait3A_215 = arith.constant 0 : i32
      %dma_wait3A_216 = tpu.memref_slice %arg6[%arg0, %add3A_104, %dma_wait3A_215] : memref<2x10240x128xf32, #tpu.memory_space<hbm>> -> memref<1x128x128xf32, #tpu.memory_space<hbm>>
      %dma_wait3A_217 = tpu.memref_squeeze %dma_wait3A_216 : memref<1x128x128xf32, #tpu.memory_space<hbm>> -> memref<128x128xf32, #tpu.memory_space<hbm>>
      %dma_wait3A_218 = arith.constant 0 : i32
      %dma_wait3A_219 = arith.constant 0 : i32
      %dma_wait3A_220 = tpu.memref_slice %arg10[%run_scoped3A_105, %dma_wait3A_218, %dma_wait3A_219] : memref<2x128x128xf32, #tpu.memory_space<vmem>> -> memref<1x128x128xf32, #tpu.memory_space<vmem>>
      %dma_wait3A_221 = tpu.memref_squeeze %dma_wait3A_220 : memref<1x128x128xf32, #tpu.memory_space<vmem>> -> memref<128x128xf32, #tpu.memory_space<vmem>>
      tpu.wait_dma2 semaphore(%run_scoped3A_193 : memref<!tpu.dma_semaphore, #tpu.memory_space<semaphore_mem>>) src(%dma_wait3A_221 : memref<128x128xf32, #tpu.memory_space<vmem>>) dst(%dma_wait3A_217 : memref<128x128xf32, #tpu.memory_space<hbm>>)
      tpu.yield
    }) : () -> ()
    %dma_start3A_106 = arith.constant 2 : i32
    %dma_start3A_107 = arith.constant 0 : i32
    %dma_start3A_108 = arith.constant 0 : i32
    %dma_start3A_109 = arith.constant 0 : i32
    %dma_start3A_110 = tpu.memref_slice %arg10[%dma_start3A_107, %dma_start3A_108, %dma_start3A_109] : memref<2x128x128xf32, #tpu.memory_space<vmem>> -> memref<1x128x128xf32, #tpu.memory_space<vmem>>
    %dma_start3A_111 = tpu.memref_squeeze %dma_start3A_110 : memref<1x128x128xf32, #tpu.memory_space<vmem>> -> memref<128x128xf32, #tpu.memory_space<vmem>>
    %dma_start3A_112 = arith.constant 0 : i32
    %dma_start3A_113 = tpu.memref_slice %arg9[%dma_start3A_106, %dma_start3A_112] : memref<5x128xi32, #tpu.memory_space<vmem>> -> memref<1x128xi32, #tpu.memory_space<vmem>>
    %dma_start3A_114 = tpu.memref_squeeze %dma_start3A_113 : memref<1x128xi32, #tpu.memory_space<vmem>> -> memref<128xi32, #tpu.memory_space<vmem>>
    %dma_start3A_115 = arith.constant 0 : i32
    %dma_start3A_116 = arith.constant 0 : i32
    %dma_start3A_117 = tpu.memref_slice %arg11[%dma_start3A_115, %dma_start3A_116] : memref<10240x128xf32, #tpu.memory_space<vmem_shared>> -> memref<10240x128xf32, #tpu.memory_space<vmem_shared>>
    tpu.enqueue_indirect_dma source(%dma_start3A_117 : memref<10240x128xf32, #tpu.memory_space<vmem_shared>>) target(%dma_start3A_111 : memref<128x128xf32, #tpu.memory_space<vmem>>) offsets(%dma_start3A_114 : memref<128xi32, #tpu.memory_space<vmem>>) semaphore(%arg12 : memref<!tpu.dma_semaphore, #tpu.memory_space<semaphore_mem>>)
    %dma_wait3A_118 = arith.constant 2 : i32
    %dma_wait3A_119 = arith.constant 0 : i32
    %dma_wait3A_120 = arith.constant 0 : i32
    %dma_wait3A_121 = arith.constant 0 : i32
    %dma_wait3A_122 = tpu.memref_slice %arg10[%dma_wait3A_119, %dma_wait3A_120, %dma_wait3A_121] : memref<2x128x128xf32, #tpu.memory_space<vmem>> -> memref<1x128x128xf32, #tpu.memory_space<vmem>>
    %dma_wait3A_123 = tpu.memref_squeeze %dma_wait3A_122 : memref<1x128x128xf32, #tpu.memory_space<vmem>> -> memref<128x128xf32, #tpu.memory_space<vmem>>
    %dma_wait3A_124 = arith.constant 0 : i32
    %dma_wait3A_125 = tpu.memref_slice %arg9[%dma_wait3A_118, %dma_wait3A_124] : memref<5x128xi32, #tpu.memory_space<vmem>> -> memref<1x128xi32, #tpu.memory_space<vmem>>
    %dma_wait3A_126 = tpu.memref_squeeze %dma_wait3A_125 : memref<1x128xi32, #tpu.memory_space<vmem>> -> memref<128xi32, #tpu.memory_space<vmem>>
    %dma_wait3A_127 = arith.constant 0 : i32
    %dma_wait3A_128 = arith.constant 0 : i32
    %dma_wait3A_129 = tpu.memref_slice %arg11[%dma_wait3A_127, %dma_wait3A_128] : memref<10240x128xf32, #tpu.memory_space<vmem_shared>> -> memref<10240x128xf32, #tpu.memory_space<vmem_shared>>
    tpu.wait_indirect_dma semaphore(%arg12 : memref<!tpu.dma_semaphore, #tpu.memory_space<semaphore_mem>>) src(%dma_wait3A_129 : memref<10240x128xf32, #tpu.memory_space<vmem_shared>>) dst(%dma_wait3A_123 : memref<128x128xf32, #tpu.memory_space<vmem>>)
    %mul3A_130 = arith.constant 640 : i32
    %mul3A_131 = arith.muli %arg1, %mul3A_130 : i32
    %add3A_132 = arith.constant 256 : i32
    %add3A_133 = arith.addi %mul3A_131, %add3A_132 : i32
    %run_scoped3A_134 = arith.constant 0 : i32
    "tpu.region"() ({
      %run_scoped3A_193 = tpu.sem_alloc : memref<!tpu.dma_semaphore, #tpu.memory_space<semaphore_mem>>
      %dma_start3A_194 = arith.constant 0 : i32
      %dma_start3A_195 = arith.constant 0 : i32
      %dma_start3A_196 = tpu.memref_slice %arg10[%run_scoped3A_134, %dma_start3A_194, %dma_start3A_195] : memref<2x128x128xf32, #tpu.memory_space<vmem>> -> memref<1x128x128xf32, #tpu.memory_space<vmem>>
      %dma_start3A_197 = tpu.memref_squeeze %dma_start3A_196 : memref<1x128x128xf32, #tpu.memory_space<vmem>> -> memref<128x128xf32, #tpu.memory_space<vmem>>
      %dma_start3A_198 = arith.constant 0 : i32
      %dma_start3A_199 = tpu.memref_slice %arg6[%arg0, %add3A_133, %dma_start3A_198] : memref<2x10240x128xf32, #tpu.memory_space<hbm>> -> memref<1x128x128xf32, #tpu.memory_space<hbm>>
      %dma_start3A_200 = tpu.memref_squeeze %dma_start3A_199 : memref<1x128x128xf32, #tpu.memory_space<hbm>> -> memref<128x128xf32, #tpu.memory_space<hbm>>
      %dma_start3A_201 = arith.constant 0 : i32
      %dma_start3A_202 = tpu.memref_slice %arg6[%arg0, %add3A_133, %dma_start3A_201] : memref<2x10240x128xf32, #tpu.memory_space<hbm>> -> memref<1x128x128xf32, #tpu.memory_space<hbm>>
      %dma_start3A_203 = tpu.memref_squeeze %dma_start3A_202 : memref<1x128x128xf32, #tpu.memory_space<hbm>> -> memref<128x128xf32, #tpu.memory_space<hbm>>
      %dma_start3A_204 = arith.constant 0 : i32
      %dma_start3A_205 = arith.constant 0 : i32
      %dma_start3A_206 = tpu.memref_slice %arg10[%run_scoped3A_134, %dma_start3A_204, %dma_start3A_205] : memref<2x128x128xf32, #tpu.memory_space<vmem>> -> memref<1x128x128xf32, #tpu.memory_space<vmem>>
      %dma_start3A_207 = tpu.memref_squeeze %dma_start3A_206 : memref<1x128x128xf32, #tpu.memory_space<vmem>> -> memref<128x128xf32, #tpu.memory_space<vmem>>
      tpu.enqueue_dma source(%dma_start3A_207 : memref<128x128xf32, #tpu.memory_space<vmem>>) target(%dma_start3A_203 : memref<128x128xf32, #tpu.memory_space<hbm>>) target_semaphore(%run_scoped3A_193 : memref<!tpu.dma_semaphore, #tpu.memory_space<semaphore_mem>>)
      %dma_wait3A_208 = arith.constant 0 : i32
      %dma_wait3A_209 = arith.constant 0 : i32
      %dma_wait3A_210 = tpu.memref_slice %arg10[%run_scoped3A_134, %dma_wait3A_208, %dma_wait3A_209] : memref<2x128x128xf32, #tpu.memory_space<vmem>> -> memref<1x128x128xf32, #tpu.memory_space<vmem>>
      %dma_wait3A_211 = tpu.memref_squeeze %dma_wait3A_210 : memref<1x128x128xf32, #tpu.memory_space<vmem>> -> memref<128x128xf32, #tpu.memory_space<vmem>>
      %dma_wait3A_212 = arith.constant 0 : i32
      %dma_wait3A_213 = tpu.memref_slice %arg6[%arg0, %add3A_133, %dma_wait3A_212] : memref<2x10240x128xf32, #tpu.memory_space<hbm>> -> memref<1x128x128xf32, #tpu.memory_space<hbm>>
      %dma_wait3A_214 = tpu.memref_squeeze %dma_wait3A_213 : memref<1x128x128xf32, #tpu.memory_space<hbm>> -> memref<128x128xf32, #tpu.memory_space<hbm>>
      %dma_wait3A_215 = arith.constant 0 : i32
      %dma_wait3A_216 = tpu.memref_slice %arg6[%arg0, %add3A_133, %dma_wait3A_215] : memref<2x10240x128xf32, #tpu.memory_space<hbm>> -> memref<1x128x128xf32, #tpu.memory_space<hbm>>
      %dma_wait3A_217 = tpu.memref_squeeze %dma_wait3A_216 : memref<1x128x128xf32, #tpu.memory_space<hbm>> -> memref<128x128xf32, #tpu.memory_space<hbm>>
      %dma_wait3A_218 = arith.constant 0 : i32
      %dma_wait3A_219 = arith.constant 0 : i32
      %dma_wait3A_220 = tpu.memref_slice %arg10[%run_scoped3A_134, %dma_wait3A_218, %dma_wait3A_219] : memref<2x128x128xf32, #tpu.memory_space<vmem>> -> memref<1x128x128xf32, #tpu.memory_space<vmem>>
      %dma_wait3A_221 = tpu.memref_squeeze %dma_wait3A_220 : memref<1x128x128xf32, #tpu.memory_space<vmem>> -> memref<128x128xf32, #tpu.memory_space<vmem>>
      tpu.wait_dma2 semaphore(%run_scoped3A_193 : memref<!tpu.dma_semaphore, #tpu.memory_space<semaphore_mem>>) src(%dma_wait3A_221 : memref<128x128xf32, #tpu.memory_space<vmem>>) dst(%dma_wait3A_217 : memref<128x128xf32, #tpu.memory_space<hbm>>)
      tpu.yield
    }) : () -> ()
    %dma_start3A_135 = arith.constant 3 : i32
    %dma_start3A_136 = arith.constant 0 : i32
    %dma_start3A_137 = arith.constant 0 : i32
    %dma_start3A_138 = arith.constant 0 : i32
    %dma_start3A_139 = tpu.memref_slice %arg10[%dma_start3A_136, %dma_start3A_137, %dma_start3A_138] : memref<2x128x128xf32, #tpu.memory_space<vmem>> -> memref<1x128x128xf32, #tpu.memory_space<vmem>>
    %dma_start3A_140 = tpu.memref_squeeze %dma_start3A_139 : memref<1x128x128xf32, #tpu.memory_space<vmem>> -> memref<128x128xf32, #tpu.memory_space<vmem>>
    %dma_start3A_141 = arith.constant 0 : i32
    %dma_start3A_142 = tpu.memref_slice %arg9[%dma_start3A_135, %dma_start3A_141] : memref<5x128xi32, #tpu.memory_space<vmem>> -> memref<1x128xi32, #tpu.memory_space<vmem>>
    %dma_start3A_143 = tpu.memref_squeeze %dma_start3A_142 : memref<1x128xi32, #tpu.memory_space<vmem>> -> memref<128xi32, #tpu.memory_space<vmem>>
    %dma_start3A_144 = arith.constant 0 : i32
    %dma_start3A_145 = arith.constant 0 : i32
    %dma_start3A_146 = tpu.memref_slice %arg11[%dma_start3A_144, %dma_start3A_145] : memref<10240x128xf32, #tpu.memory_space<vmem_shared>> -> memref<10240x128xf32, #tpu.memory_space<vmem_shared>>
    tpu.enqueue_indirect_dma source(%dma_start3A_146 : memref<10240x128xf32, #tpu.memory_space<vmem_shared>>) target(%dma_start3A_140 : memref<128x128xf32, #tpu.memory_space<vmem>>) offsets(%dma_start3A_143 : memref<128xi32, #tpu.memory_space<vmem>>) semaphore(%arg12 : memref<!tpu.dma_semaphore, #tpu.memory_space<semaphore_mem>>)
    %dma_wait3A_147 = arith.constant 3 : i32
    %dma_wait3A_148 = arith.constant 0 : i32
    %dma_wait3A_149 = arith.constant 0 : i32
    %dma_wait3A_150 = arith.constant 0 : i32
    %dma_wait3A_151 = tpu.memref_slice %arg10[%dma_wait3A_148, %dma_wait3A_149, %dma_wait3A_150] : memref<2x128x128xf32, #tpu.memory_space<vmem>> -> memref<1x128x128xf32, #tpu.memory_space<vmem>>
    %dma_wait3A_152 = tpu.memref_squeeze %dma_wait3A_151 : memref<1x128x128xf32, #tpu.memory_space<vmem>> -> memref<128x128xf32, #tpu.memory_space<vmem>>
    %dma_wait3A_153 = arith.constant 0 : i32
    %dma_wait3A_154 = tpu.memref_slice %arg9[%dma_wait3A_147, %dma_wait3A_153] : memref<5x128xi32, #tpu.memory_space<vmem>> -> memref<1x128xi32, #tpu.memory_space<vmem>>
    %dma_wait3A_155 = tpu.memref_squeeze %dma_wait3A_154 : memref<1x128xi32, #tpu.memory_space<vmem>> -> memref<128xi32, #tpu.memory_space<vmem>>
    %dma_wait3A_156 = arith.constant 0 : i32
    %dma_wait3A_157 = arith.constant 0 : i32
    %dma_wait3A_158 = tpu.memref_slice %arg11[%dma_wait3A_156, %dma_wait3A_157] : memref<10240x128xf32, #tpu.memory_space<vmem_shared>> -> memref<10240x128xf32, #tpu.memory_space<vmem_shared>>
    tpu.wait_indirect_dma semaphore(%arg12 : memref<!tpu.dma_semaphore, #tpu.memory_space<semaphore_mem>>) src(%dma_wait3A_158 : memref<10240x128xf32, #tpu.memory_space<vmem_shared>>) dst(%dma_wait3A_152 : memref<128x128xf32, #tpu.memory_space<vmem>>)
    %mul3A_159 = arith.constant 640 : i32
    %mul3A_160 = arith.muli %arg1, %mul3A_159 : i32
    %add3A_161 = arith.constant 384 : i32
    %add3A_162 = arith.addi %mul3A_160, %add3A_161 : i32
    %run_scoped3A_163 = arith.constant 0 : i32
    "tpu.region"() ({
      %run_scoped3A_193 = tpu.sem_alloc : memref<!tpu.dma_semaphore, #tpu.memory_space<semaphore_mem>>
      %dma_start3A_194 = arith.constant 0 : i32
      %dma_start3A_195 = arith.constant 0 : i32
      %dma_start3A_196 = tpu.memref_slice %arg10[%run_scoped3A_163, %dma_start3A_194, %dma_start3A_195] : memref<2x128x128xf32, #tpu.memory_space<vmem>> -> memref<1x128x128xf32, #tpu.memory_space<vmem>>
      %dma_start3A_197 = tpu.memref_squeeze %dma_start3A_196 : memref<1x128x128xf32, #tpu.memory_space<vmem>> -> memref<128x128xf32, #tpu.memory_space<vmem>>
      %dma_start3A_198 = arith.constant 0 : i32
      %dma_start3A_199 = tpu.memref_slice %arg6[%arg0, %add3A_162, %dma_start3A_198] : memref<2x10240x128xf32, #tpu.memory_space<hbm>> -> memref<1x128x128xf32, #tpu.memory_space<hbm>>
      %dma_start3A_200 = tpu.memref_squeeze %dma_start3A_199 : memref<1x128x128xf32, #tpu.memory_space<hbm>> -> memref<128x128xf32, #tpu.memory_space<hbm>>
      %dma_start3A_201 = arith.constant 0 : i32
      %dma_start3A_202 = tpu.memref_slice %arg6[%arg0, %add3A_162, %dma_start3A_201] : memref<2x10240x128xf32, #tpu.memory_space<hbm>> -> memref<1x128x128xf32, #tpu.memory_space<hbm>>
      %dma_start3A_203 = tpu.memref_squeeze %dma_start3A_202 : memref<1x128x128xf32, #tpu.memory_space<hbm>> -> memref<128x128xf32, #tpu.memory_space<hbm>>
      %dma_start3A_204 = arith.constant 0 : i32
      %dma_start3A_205 = arith.constant 0 : i32
      %dma_start3A_206 = tpu.memref_slice %arg10[%run_scoped3A_163, %dma_start3A_204, %dma_start3A_205] : memref<2x128x128xf32, #tpu.memory_space<vmem>> -> memref<1x128x128xf32, #tpu.memory_space<vmem>>
      %dma_start3A_207 = tpu.memref_squeeze %dma_start3A_206 : memref<1x128x128xf32, #tpu.memory_space<vmem>> -> memref<128x128xf32, #tpu.memory_space<vmem>>
      tpu.enqueue_dma source(%dma_start3A_207 : memref<128x128xf32, #tpu.memory_space<vmem>>) target(%dma_start3A_203 : memref<128x128xf32, #tpu.memory_space<hbm>>) target_semaphore(%run_scoped3A_193 : memref<!tpu.dma_semaphore, #tpu.memory_space<semaphore_mem>>)
      %dma_wait3A_208 = arith.constant 0 : i32
      %dma_wait3A_209 = arith.constant 0 : i32
      %dma_wait3A_210 = tpu.memref_slice %arg10[%run_scoped3A_163, %dma_wait3A_208, %dma_wait3A_209] : memref<2x128x128xf32, #tpu.memory_space<vmem>> -> memref<1x128x128xf32, #tpu.memory_space<vmem>>
      %dma_wait3A_211 = tpu.memref_squeeze %dma_wait3A_210 : memref<1x128x128xf32, #tpu.memory_space<vmem>> -> memref<128x128xf32, #tpu.memory_space<vmem>>
      %dma_wait3A_212 = arith.constant 0 : i32
      %dma_wait3A_213 = tpu.memref_slice %arg6[%arg0, %add3A_162, %dma_wait3A_212] : memref<2x10240x128xf32, #tpu.memory_space<hbm>> -> memref<1x128x128xf32, #tpu.memory_space<hbm>>
      %dma_wait3A_214 = tpu.memref_squeeze %dma_wait3A_213 : memref<1x128x128xf32, #tpu.memory_space<hbm>> -> memref<128x128xf32, #tpu.memory_space<hbm>>
      %dma_wait3A_215 = arith.constant 0 : i32
      %dma_wait3A_216 = tpu.memref_slice %arg6[%arg0, %add3A_162, %dma_wait3A_215] : memref<2x10240x128xf32, #tpu.memory_space<hbm>> -> memref<1x128x128xf32, #tpu.memory_space<hbm>>
      %dma_wait3A_217 = tpu.memref_squeeze %dma_wait3A_216 : memref<1x128x128xf32, #tpu.memory_space<hbm>> -> memref<128x128xf32, #tpu.memory_space<hbm>>
      %dma_wait3A_218 = arith.constant 0 : i32
      %dma_wait3A_219 = arith.constant 0 : i32
      %dma_wait3A_220 = tpu.memref_slice %arg10[%run_scoped3A_163, %dma_wait3A_218, %dma_wait3A_219] : memref<2x128x128xf32, #tpu.memory_space<vmem>> -> memref<1x128x128xf32, #tpu.memory_space<vmem>>
      %dma_wait3A_221 = tpu.memref_squeeze %dma_wait3A_220 : memref<1x128x128xf32, #tpu.memory_space<vmem>> -> memref<128x128xf32, #tpu.memory_space<vmem>>
      tpu.wait_dma2 semaphore(%run_scoped3A_193 : memref<!tpu.dma_semaphore, #tpu.memory_space<semaphore_mem>>) src(%dma_wait3A_221 : memref<128x128xf32, #tpu.memory_space<vmem>>) dst(%dma_wait3A_217 : memref<128x128xf32, #tpu.memory_space<hbm>>)
      tpu.yield
    }) : () -> ()
    %dma_start3A_164 = arith.constant 4 : i32
    %dma_start3A_165 = arith.constant 0 : i32
    %dma_start3A_166 = arith.constant 0 : i32
    %dma_start3A_167 = arith.constant 0 : i32
    %dma_start3A_168 = tpu.memref_slice %arg10[%dma_start3A_165, %dma_start3A_166, %dma_start3A_167] : memref<2x128x128xf32, #tpu.memory_space<vmem>> -> memref<1x128x128xf32, #tpu.memory_space<vmem>>
    %dma_start3A_169 = tpu.memref_squeeze %dma_start3A_168 : memref<1x128x128xf32, #tpu.memory_space<vmem>> -> memref<128x128xf32, #tpu.memory_space<vmem>>
    %dma_start3A_170 = arith.constant 0 : i32
    %dma_start3A_171 = tpu.memref_slice %arg9[%dma_start3A_164, %dma_start3A_170] : memref<5x128xi32, #tpu.memory_space<vmem>> -> memref<1x128xi32, #tpu.memory_space<vmem>>
    %dma_start3A_172 = tpu.memref_squeeze %dma_start3A_171 : memref<1x128xi32, #tpu.memory_space<vmem>> -> memref<128xi32, #tpu.memory_space<vmem>>
    %dma_start3A_173 = arith.constant 0 : i32
    %dma_start3A_174 = arith.constant 0 : i32
    %dma_start3A_175 = tpu.memref_slice %arg11[%dma_start3A_173, %dma_start3A_174] : memref<10240x128xf32, #tpu.memory_space<vmem_shared>> -> memref<10240x128xf32, #tpu.memory_space<vmem_shared>>
    tpu.enqueue_indirect_dma source(%dma_start3A_175 : memref<10240x128xf32, #tpu.memory_space<vmem_shared>>) target(%dma_start3A_169 : memref<128x128xf32, #tpu.memory_space<vmem>>) offsets(%dma_start3A_172 : memref<128xi32, #tpu.memory_space<vmem>>) semaphore(%arg12 : memref<!tpu.dma_semaphore, #tpu.memory_space<semaphore_mem>>)
    %dma_wait3A_176 = arith.constant 4 : i32
    %dma_wait3A_177 = arith.constant 0 : i32
    %dma_wait3A_178 = arith.constant 0 : i32
    %dma_wait3A_179 = arith.constant 0 : i32
    %dma_wait3A_180 = tpu.memref_slice %arg10[%dma_wait3A_177, %dma_wait3A_178, %dma_wait3A_179] : memref<2x128x128xf32, #tpu.memory_space<vmem>> -> memref<1x128x128xf32, #tpu.memory_space<vmem>>
    %dma_wait3A_181 = tpu.memref_squeeze %dma_wait3A_180 : memref<1x128x128xf32, #tpu.memory_space<vmem>> -> memref<128x128xf32, #tpu.memory_space<vmem>>
    %dma_wait3A_182 = arith.constant 0 : i32
    %dma_wait3A_183 = tpu.memref_slice %arg9[%dma_wait3A_176, %dma_wait3A_182] : memref<5x128xi32, #tpu.memory_space<vmem>> -> memref<1x128xi32, #tpu.memory_space<vmem>>
    %dma_wait3A_184 = tpu.memref_squeeze %dma_wait3A_183 : memref<1x128xi32, #tpu.memory_space<vmem>> -> memref<128xi32, #tpu.memory_space<vmem>>
    %dma_wait3A_185 = arith.constant 0 : i32
    %dma_wait3A_186 = arith.constant 0 : i32
    %dma_wait3A_187 = tpu.memref_slice %arg11[%dma_wait3A_185, %dma_wait3A_186] : memref<10240x128xf32, #tpu.memory_space<vmem_shared>> -> memref<10240x128xf32, #tpu.memory_space<vmem_shared>>
    tpu.wait_indirect_dma semaphore(%arg12 : memref<!tpu.dma_semaphore, #tpu.memory_space<semaphore_mem>>) src(%dma_wait3A_187 : memref<10240x128xf32, #tpu.memory_space<vmem_shared>>) dst(%dma_wait3A_181 : memref<128x128xf32, #tpu.memory_space<vmem>>)
    %mul3A_188 = arith.constant 640 : i32
    %mul3A_189 = arith.muli %arg1, %mul3A_188 : i32
    %add3A_190 = arith.constant 512 : i32
    %add3A_191 = arith.addi %mul3A_189, %add3A_190 : i32
    %run_scoped3A_192 = arith.constant 0 : i32
    "tpu.region"() ({
      %run_scoped3A_193 = tpu.sem_alloc : memref<!tpu.dma_semaphore, #tpu.memory_space<semaphore_mem>>
      %dma_start3A_194 = arith.constant 0 : i32
      %dma_start3A_195 = arith.constant 0 : i32
      %dma_start3A_196 = tpu.memref_slice %arg10[%run_scoped3A_192, %dma_start3A_194, %dma_start3A_195] : memref<2x128x128xf32, #tpu.memory_space<vmem>> -> memref<1x128x128xf32, #tpu.memory_space<vmem>>
      %dma_start3A_197 = tpu.memref_squeeze %dma_start3A_196 : memref<1x128x128xf32, #tpu.memory_space<vmem>> -> memref<128x128xf32, #tpu.memory_space<vmem>>
      %dma_start3A_198 = arith.constant 0 : i32
      %dma_start3A_199 = tpu.memref_slice %arg6[%arg0, %add3A_191, %dma_start3A_198] : memref<2x10240x128xf32, #tpu.memory_space<hbm>> -> memref<1x128x128xf32, #tpu.memory_space<hbm>>
      %dma_start3A_200 = tpu.memref_squeeze %dma_start3A_199 : memref<1x128x128xf32, #tpu.memory_space<hbm>> -> memref<128x128xf32, #tpu.memory_space<hbm>>
      %dma_start3A_201 = arith.constant 0 : i32
      %dma_start3A_202 = tpu.memref_slice %arg6[%arg0, %add3A_191, %dma_start3A_201] : memref<2x10240x128xf32, #tpu.memory_space<hbm>> -> memref<1x128x128xf32, #tpu.memory_space<hbm>>
      %dma_start3A_203 = tpu.memref_squeeze %dma_start3A_202 : memref<1x128x128xf32, #tpu.memory_space<hbm>> -> memref<128x128xf32, #tpu.memory_space<hbm>>
      %dma_start3A_204 = arith.constant 0 : i32
      %dma_start3A_205 = arith.constant 0 : i32
      %dma_start3A_206 = tpu.memref_slice %arg10[%run_scoped3A_192, %dma_start3A_204, %dma_start3A_205] : memref<2x128x128xf32, #tpu.memory_space<vmem>> -> memref<1x128x128xf32, #tpu.memory_space<vmem>>
      %dma_start3A_207 = tpu.memref_squeeze %dma_start3A_206 : memref<1x128x128xf32, #tpu.memory_space<vmem>> -> memref<128x128xf32, #tpu.memory_space<vmem>>
      tpu.enqueue_dma source(%dma_start3A_207 : memref<128x128xf32, #tpu.memory_space<vmem>>) target(%dma_start3A_203 : memref<128x128xf32, #tpu.memory_space<hbm>>) target_semaphore(%run_scoped3A_193 : memref<!tpu.dma_semaphore, #tpu.memory_space<semaphore_mem>>)
      %dma_wait3A_208 = arith.constant 0 : i32
      %dma_wait3A_209 = arith.constant 0 : i32
      %dma_wait3A_210 = tpu.memref_slice %arg10[%run_scoped3A_192, %dma_wait3A_208, %dma_wait3A_209] : memref<2x128x128xf32, #tpu.memory_space<vmem>> -> memref<1x128x128xf32, #tpu.memory_space<vmem>>
      %dma_wait3A_211 = tpu.memref_squeeze %dma_wait3A_210 : memref<1x128x128xf32, #tpu.memory_space<vmem>> -> memref<128x128xf32, #tpu.memory_space<vmem>>
      %dma_wait3A_212 = arith.constant 0 : i32
      %dma_wait3A_213 = tpu.memref_slice %arg6[%arg0, %add3A_191, %dma_wait3A_212] : memref<2x10240x128xf32, #tpu.memory_space<hbm>> -> memref<1x128x128xf32, #tpu.memory_space<hbm>>
      %dma_wait3A_214 = tpu.memref_squeeze %dma_wait3A_213 : memref<1x128x128xf32, #tpu.memory_space<hbm>> -> memref<128x128xf32, #tpu.memory_space<hbm>>
      %dma_wait3A_215 = arith.constant 0 : i32
      %dma_wait3A_216 = tpu.memref_slice %arg6[%arg0, %add3A_191, %dma_wait3A_215] : memref<2x10240x128xf32, #tpu.memory_space<hbm>> -> memref<1x128x128xf32, #tpu.memory_space<hbm>>
      %dma_wait3A_217 = tpu.memref_squeeze %dma_wait3A_216 : memref<1x128x128xf32, #tpu.memory_space<hbm>> -> memref<128x128xf32, #tpu.memory_space<hbm>>
      %dma_wait3A_218 = arith.constant 0 : i32
      %dma_wait3A_219 = arith.constant 0 : i32
      %dma_wait3A_220 = tpu.memref_slice %arg10[%run_scoped3A_192, %dma_wait3A_218, %dma_wait3A_219] : memref<2x128x128xf32, #tpu.memory_space<vmem>> -> memref<1x128x128xf32, #tpu.memory_space<vmem>>
      %dma_wait3A_221 = tpu.memref_squeeze %dma_wait3A_220 : memref<1x128x128xf32, #tpu.memory_space<vmem>> -> memref<128x128xf32, #tpu.memory_space<vmem>>
      tpu.wait_dma2 semaphore(%run_scoped3A_193 : memref<!tpu.dma_semaphore, #tpu.memory_space<semaphore_mem>>) src(%dma_wait3A_221 : memref<128x128xf32, #tpu.memory_space<vmem>>) dst(%dma_wait3A_217 : memref<128x128xf32, #tpu.memory_space<hbm>>)
      tpu.yield
    }) : () -> ()
    return
  }
}

#map = affine_map<(d0, d1) -> (0, 0)>
#map1 = affine_map<(d0, d1) -> (0, 0, 0, 0)>
#map2 = affine_map<(d0, d1) -> (0, 0, 0)>
module attributes {stable_mosaic.version = 14 : i64} {
  func.func @_seg_body(%arg0: i32, %arg1: i32, %arg2: memref<20000x128xf32, #tpu.memory_space<hbm>>, %arg3: memref<2x16x80x128xi32, #tpu.memory_space<hbm>>, %arg4: memref<16x80x128xi32, #tpu.memory_space<hbm>>, %arg5: memref<16x5x128xi32, #tpu.memory_space<hbm>>, %arg6: memref<2x10240x128xf32, #tpu.memory_space<hbm>>, %arg7: memref<40x128xi32, #tpu.memory_space<vmem>>, %arg8: memref<40x128xi32, #tpu.memory_space<vmem>>, %arg9: memref<5x128xi32, #tpu.memory_space<vmem>>, %arg10: memref<2x128x128xf32, #tpu.memory_space<vmem>>, %arg11: memref<10240x128xf32, #tpu.memory_space<vmem_shared>>, %arg12: memref<!tpu.dma_semaphore, #tpu.memory_space<semaphore_mem>>) attributes {dimension_semantics = [#tpu.dimension_semantics<core_parallel>, #tpu.dimension_semantics<subcore_parallel>], iteration_bounds = array<i64: 2, 16>, scalar_prefetch = 0 : i64, scratch_operands = 6 : i64, tpu.core_type = #tpu.core_type<sc_vector_subcore>, window_params = [{transform_indices = #map}, {transform_indices = #map1}, {transform_indices = #map2}, {transform_indices = #map2}, {transform_indices = #map2}]} {
    "tpu.region"() ({
      %run_scoped3A_193 = tpu.sem_alloc : memref<!tpu.dma_semaphore, #tpu.memory_space<semaphore_mem>>
      %dma_start3A_194 = arith.constant 0 : i32
      %dma_start3A_195 = arith.constant 0 : i32
      %dma_start3A_196 = tpu.memref_slice %arg5[%arg1, %dma_start3A_194, %dma_start3A_195] : memref<16x5x128xi32, #tpu.memory_space<hbm>> -> memref<1x5x128xi32, #tpu.memory_space<hbm>>
      %dma_start3A_197 = tpu.memref_squeeze %dma_start3A_196 : memref<1x5x128xi32, #tpu.memory_space<hbm>> -> memref<5x128xi32, #tpu.memory_space<hbm>>
      %dma_start3A_198 = arith.constant 0 : i32
      %dma_start3A_199 = arith.constant 0 : i32
      %dma_start3A_200 = tpu.memref_slice %arg5[%arg1, %dma_start3A_198, %dma_start3A_199] : memref<16x5x128xi32, #tpu.memory_space<hbm>> -> memref<1x5x128xi32, #tpu.memory_space<hbm>>
      %dma_start3A_201 = tpu.memref_squeeze %dma_start3A_200 : memref<1x5x128xi32, #tpu.memory_space<hbm>> -> memref<5x128xi32, #tpu.memory_space<hbm>>
      tpu.enqueue_dma source(%dma_start3A_201 : memref<5x128xi32, #tpu.memory_space<hbm>>) target(%arg9 : memref<5x128xi32, #tpu.memory_space<vmem>>) target_semaphore(%run_scoped3A_193 : memref<!tpu.dma_semaphore, #tpu.memory_space<semaphore_mem>>)
      %dma_wait3A_202 = arith.constant 0 : i32
      %dma_wait3A_203 = arith.constant 0 : i32
      %dma_wait3A_204 = tpu.memref_slice %arg5[%arg1, %dma_wait3A_202, %dma_wait3A_203] : memref<16x5x128xi32, #tpu.memory_space<hbm>> -> memref<1x5x128xi32, #tpu.memory_space<hbm>>
      %dma_wait3A_205 = tpu.memref_squeeze %dma_wait3A_204 : memref<1x5x128xi32, #tpu.memory_space<hbm>> -> memref<5x128xi32, #tpu.memory_space<hbm>>
      %dma_wait3A_206 = arith.constant 0 : i32
      %dma_wait3A_207 = arith.constant 0 : i32
      %dma_wait3A_208 = tpu.memref_slice %arg5[%arg1, %dma_wait3A_206, %dma_wait3A_207] : memref<16x5x128xi32, #tpu.memory_space<hbm>> -> memref<1x5x128xi32, #tpu.memory_space<hbm>>
      %dma_wait3A_209 = tpu.memref_squeeze %dma_wait3A_208 : memref<1x5x128xi32, #tpu.memory_space<hbm>> -> memref<5x128xi32, #tpu.memory_space<hbm>>
      tpu.wait_dma2 semaphore(%run_scoped3A_193 : memref<!tpu.dma_semaphore, #tpu.memory_space<semaphore_mem>>) src(%dma_wait3A_209 : memref<5x128xi32, #tpu.memory_space<hbm>>) dst(%arg9 : memref<5x128xi32, #tpu.memory_space<vmem>>)
      tpu.yield
    }) : () -> ()
    %broadcast_in_dim3A = arith.constant 0.000000e+00 : f32
    %broadcast_in_dim3A_0 = vector.broadcast %broadcast_in_dim3A : f32 to vector<16xf32>
    %scan3A = arith.constant 0 : i32
    %scan3A_1 = arith.constant 0 : i32
    %scan3A_2 = arith.constant 128 : i32
    %scan3A_3 = arith.addi %scan3A_1, %scan3A_2 : i32
    %scan3A_4 = arith.constant 1 : i32
    scf.for %scan3A_193 = %scan3A_1 to %scan3A_3 step %scan3A_4  : i32 {
      %swap3A = arith.constant 0 : i32
      %swap3A_194 = arith.index_cast %swap3A : i32 to index
      %swap3A_195 = arith.index_cast %scan3A_193 : i32 to index
      %swap3A_196 = arith.constant 0 : index
      %swap3A_197 = tpu.vector_load %arg10[%swap3A_194, %swap3A_195, %swap3A_196] {strides = array<i32>} : memref<2x128x128xf32, #tpu.memory_space<vmem>>, vector<1x1x16xf32>,
      %swap3A_198 = vector.shape_cast %swap3A_197 : vector<1x1x16xf32> to vector<16xf32>
      %swap3A_199 = vector.shape_cast %broadcast_in_dim3A_0 : vector<16xf32> to vector<1x1x16xf32>
      tpu.vector_store %arg10[%swap3A_194, %swap3A_195, %swap3A_196], %swap3A_199 {strides = array<i32>} : memref<2x128x128xf32, #tpu.memory_space<vmem>>, vector<1x1x16xf32>,
      %swap3A_200 = arith.constant 0 : i32
      %swap3A_201 = arith.index_cast %swap3A_200 : i32 to index
      %swap3A_202 = arith.index_cast %scan3A_193 : i32 to index
      %swap3A_203 = arith.constant 16 : index
      %swap3A_204 = tpu.vector_load %arg10[%swap3A_201, %swap3A_202, %swap3A_203] {strides = array<i32>} : memref<2x128x128xf32, #tpu.memory_space<vmem>>, vector<1x1x16xf32>,
      %swap3A_205 = vector.shape_cast %swap3A_204 : vector<1x1x16xf32> to vector<16xf32>
      %swap3A_206 = vector.shape_cast %broadcast_in_dim3A_0 : vector<16xf32> to vector<1x1x16xf32>
      tpu.vector_store %arg10[%swap3A_201, %swap3A_202, %swap3A_203], %swap3A_206 {strides = array<i32>} : memref<2x128x128xf32, #tpu.memory_space<vmem>>, vector<1x1x16xf32>,
      %swap3A_207 = arith.constant 0 : i32
      %swap3A_208 = arith.index_cast %swap3A_207 : i32 to index
      %swap3A_209 = arith.index_cast %scan3A_193 : i32 to index
      %swap3A_210 = arith.constant 32 : index
      %swap3A_211 = tpu.vector_load %arg10[%swap3A_208, %swap3A_209, %swap3A_210] {strides = array<i32>} : memref<2x128x128xf32, #tpu.memory_space<vmem>>, vector<1x1x16xf32>,
      %swap3A_212 = vector.shape_cast %swap3A_211 : vector<1x1x16xf32> to vector<16xf32>
      %swap3A_213 = vector.shape_cast %broadcast_in_dim3A_0 : vector<16xf32> to vector<1x1x16xf32>
      tpu.vector_store %arg10[%swap3A_208, %swap3A_209, %swap3A_210], %swap3A_213 {strides = array<i32>} : memref<2x128x128xf32, #tpu.memory_space<vmem>>, vector<1x1x16xf32>,
      %swap3A_214 = arith.constant 0 : i32
      %swap3A_215 = arith.index_cast %swap3A_214 : i32 to index
      %swap3A_216 = arith.index_cast %scan3A_193 : i32 to index
      %swap3A_217 = arith.constant 48 : index
      %swap3A_218 = tpu.vector_load %arg10[%swap3A_215, %swap3A_216, %swap3A_217] {strides = array<i32>} : memref<2x128x128xf32, #tpu.memory_space<vmem>>, vector<1x1x16xf32>,
      %swap3A_219 = vector.shape_cast %swap3A_218 : vector<1x1x16xf32> to vector<16xf32>
      %swap3A_220 = vector.shape_cast %broadcast_in_dim3A_0 : vector<16xf32> to vector<1x1x16xf32>
      tpu.vector_store %arg10[%swap3A_215, %swap3A_216, %swap3A_217], %swap3A_220 {strides = array<i32>} : memref<2x128x128xf32, #tpu.memory_space<vmem>>, vector<1x1x16xf32>,
      %swap3A_221 = arith.constant 0 : i32
      %swap3A_222 = arith.index_cast %swap3A_221 : i32 to index
      %swap3A_223 = arith.index_cast %scan3A_193 : i32 to index
      %swap3A_224 = arith.constant 64 : index
      %swap3A_225 = tpu.vector_load %arg10[%swap3A_222, %swap3A_223, %swap3A_224] {strides = array<i32>} : memref<2x128x128xf32, #tpu.memory_space<vmem>>, vector<1x1x16xf32>,
      %swap3A_226 = vector.shape_cast %swap3A_225 : vector<1x1x16xf32> to vector<16xf32>
      %swap3A_227 = vector.shape_cast %broadcast_in_dim3A_0 : vector<16xf32> to vector<1x1x16xf32>
      tpu.vector_store %arg10[%swap3A_222, %swap3A_223, %swap3A_224], %swap3A_227 {strides = array<i32>} : memref<2x128x128xf32, #tpu.memory_space<vmem>>, vector<1x1x16xf32>,
      %swap3A_228 = arith.constant 0 : i32
      %swap3A_229 = arith.index_cast %swap3A_228 : i32 to index
      %swap3A_230 = arith.index_cast %scan3A_193 : i32 to index
      %swap3A_231 = arith.constant 80 : index
      %swap3A_232 = tpu.vector_load %arg10[%swap3A_229, %swap3A_230, %swap3A_231] {strides = array<i32>} : memref<2x128x128xf32, #tpu.memory_space<vmem>>, vector<1x1x16xf32>,
      %swap3A_233 = vector.shape_cast %swap3A_232 : vector<1x1x16xf32> to vector<16xf32>
      %swap3A_234 = vector.shape_cast %broadcast_in_dim3A_0 : vector<16xf32> to vector<1x1x16xf32>
      tpu.vector_store %arg10[%swap3A_229, %swap3A_230, %swap3A_231], %swap3A_234 {strides = array<i32>} : memref<2x128x128xf32, #tpu.memory_space<vmem>>, vector<1x1x16xf32>,
      %swap3A_235 = arith.constant 0 : i32
      %swap3A_236 = arith.index_cast %swap3A_235 : i32 to index
      %swap3A_237 = arith.index_cast %scan3A_193 : i32 to index
      %swap3A_238 = arith.constant 96 : index
      %swap3A_239 = tpu.vector_load %arg10[%swap3A_236, %swap3A_237, %swap3A_238] {strides = array<i32>} : memref<2x128x128xf32, #tpu.memory_space<vmem>>, vector<1x1x16xf32>,
      %swap3A_240 = vector.shape_cast %swap3A_239 : vector<1x1x16xf32> to vector<16xf32>
      %swap3A_241 = vector.shape_cast %broadcast_in_dim3A_0 : vector<16xf32> to vector<1x1x16xf32>
      tpu.vector_store %arg10[%swap3A_236, %swap3A_237, %swap3A_238], %swap3A_241 {strides = array<i32>} : memref<2x128x128xf32, #tpu.memory_space<vmem>>, vector<1x1x16xf32>,
      %swap3A_242 = arith.constant 0 : i32
      %swap3A_243 = arith.index_cast %swap3A_242 : i32 to index
      %swap3A_244 = arith.index_cast %scan3A_193 : i32 to index
      %swap3A_245 = arith.constant 112 : index
      %swap3A_246 = tpu.vector_load %arg10[%swap3A_243, %swap3A_244, %swap3A_245] {strides = array<i32>} : memref<2x128x128xf32, #tpu.memory_space<vmem>>, vector<1x1x16xf32>,
      %swap3A_247 = vector.shape_cast %swap3A_246 : vector<1x1x16xf32> to vector<16xf32>
      %swap3A_248 = vector.shape_cast %broadcast_in_dim3A_0 : vector<16xf32> to vector<1x1x16xf32>
      tpu.vector_store %arg10[%swap3A_243, %swap3A_244, %swap3A_245], %swap3A_248 {strides = array<i32>} : memref<2x128x128xf32, #tpu.memory_space<vmem>>, vector<1x1x16xf32>,
    }
    %scan3A_5 = arith.constant 128 : i32
    %run_scoped3A = arith.constant 0 : i32
    %run_scoped3A_6 = arith.constant 0 : i32
    "tpu.region"() ({
      %run_scoped3A_193 = tpu.sem_alloc : memref<!tpu.dma_semaphore, #tpu.memory_space<semaphore_mem>>
      %dma_start3A_194 = arith.constant 0 : i32
      %dma_start3A_195 = arith.constant 0 : i32
      %dma_start3A_196 = tpu.memref_slice %arg10[%run_scoped3A, %dma_start3A_194, %dma_start3A_195] : memref<2x128x128xf32, #tpu.memory_space<vmem>> -> memref<1x128x128xf32, #tpu.memory_space<vmem>>
      %dma_start3A_197 = tpu.memref_squeeze %dma_start3A_196 : memref<1x128x128xf32, #tpu.memory_space<vmem>> -> memref<128x128xf32, #tpu.memory_space<vmem>>
      %dma_start3A_198 = arith.constant 0 : i32
      %dma_start3A_199 = tpu.memref_slice %arg9[%run_scoped3A_6, %dma_start3A_198] : memref<5x128xi32, #tpu.memory_space<vmem>> -> memref<1x128xi32, #tpu.memory_space<vmem>>
      %dma_start3A_200 = tpu.memref_squeeze %dma_start3A_199 : memref<1x128xi32, #tpu.memory_space<vmem>> -> memref<128xi32, #tpu.memory_space<vmem>>
      %dma_start3A_201 = arith.constant 0 : i32
      %dma_start3A_202 = arith.constant 0 : i32
      %dma_start3A_203 = tpu.memref_slice %arg11[%dma_start3A_201, %dma_start3A_202] : memref<10240x128xf32, #tpu.memory_space<vmem_shared>> -> memref<10240x128xf32, #tpu.memory_space<vmem_shared>>
      tpu.enqueue_indirect_dma source(%dma_start3A_197 : memref<128x128xf32, #tpu.memory_space<vmem>>) target(%dma_start3A_203 : memref<10240x128xf32, #tpu.memory_space<vmem_shared>>) offsets(%dma_start3A_200 : memref<128xi32, #tpu.memory_space<vmem>>) semaphore(%run_scoped3A_193 : memref<!tpu.dma_semaphore, #tpu.memory_space<semaphore_mem>>)
      %dma_wait3A_204 = arith.constant 0 : i32
      %dma_wait3A_205 = arith.constant 0 : i32
      %dma_wait3A_206 = tpu.memref_slice %arg10[%run_scoped3A, %dma_wait3A_204, %dma_wait3A_205] : memref<2x128x128xf32, #tpu.memory_space<vmem>> -> memref<1x128x128xf32, #tpu.memory_space<vmem>>
      %dma_wait3A_207 = tpu.memref_squeeze %dma_wait3A_206 : memref<1x128x128xf32, #tpu.memory_space<vmem>> -> memref<128x128xf32, #tpu.memory_space<vmem>>
      %dma_wait3A_208 = arith.constant 0 : i32
      %dma_wait3A_209 = tpu.memref_slice %arg9[%run_scoped3A_6, %dma_wait3A_208] : memref<5x128xi32, #tpu.memory_space<vmem>> -> memref<1x128xi32, #tpu.memory_space<vmem>>
      %dma_wait3A_210 = tpu.memref_squeeze %dma_wait3A_209 : memref<1x128xi32, #tpu.memory_space<vmem>> -> memref<128xi32, #tpu.memory_space<vmem>>
      %dma_wait3A_211 = arith.constant 0 : i32
      %dma_wait3A_212 = arith.constant 0 : i32
      %dma_wait3A_213 = tpu.memref_slice %arg11[%dma_wait3A_211, %dma_wait3A_212] : memref<10240x128xf32, #tpu.memory_space<vmem_shared>> -> memref<10240x128xf32, #tpu.memory_space<vmem_shared>>
      tpu.wait_indirect_dma semaphore(%run_scoped3A_193 : memref<!tpu.dma_semaphore, #tpu.memory_space<semaphore_mem>>) src(%dma_wait3A_207 : memref<128x128xf32, #tpu.memory_space<vmem>>) dst(%dma_wait3A_213 : memref<10240x128xf32, #tpu.memory_space<vmem_shared>>)
      tpu.yield
    }) : () -> ()
    %run_scoped3A_7 = arith.constant 0 : i32
    %run_scoped3A_8 = arith.constant 1 : i32
    "tpu.region"() ({
      %run_scoped3A_193 = tpu.sem_alloc : memref<!tpu.dma_semaphore, #tpu.memory_space<semaphore_mem>>
      %dma_start3A_194 = arith.constant 0 : i32
      %dma_start3A_195 = arith.constant 0 : i32
      %dma_start3A_196 = tpu.memref_slice %arg10[%run_scoped3A_7, %dma_start3A_194, %dma_start3A_195] : memref<2x128x128xf32, #tpu.memory_space<vmem>> -> memref<1x128x128xf32, #tpu.memory_space<vmem>>
      %dma_start3A_197 = tpu.memref_squeeze %dma_start3A_196 : memref<1x128x128xf32, #tpu.memory_space<vmem>> -> memref<128x128xf32, #tpu.memory_space<vmem>>
      %dma_start3A_198 = arith.constant 0 : i32
      %dma_start3A_199 = tpu.memref_slice %arg9[%run_scoped3A_8, %dma_start3A_198] : memref<5x128xi32, #tpu.memory_space<vmem>> -> memref<1x128xi32, #tpu.memory_space<vmem>>
      %dma_start3A_200 = tpu.memref_squeeze %dma_start3A_199 : memref<1x128xi32, #tpu.memory_space<vmem>> -> memref<128xi32, #tpu.memory_space<vmem>>
      %dma_start3A_201 = arith.constant 0 : i32
      %dma_start3A_202 = arith.constant 0 : i32
      %dma_start3A_203 = tpu.memref_slice %arg11[%dma_start3A_201, %dma_start3A_202] : memref<10240x128xf32, #tpu.memory_space<vmem_shared>> -> memref<10240x128xf32, #tpu.memory_space<vmem_shared>>
      tpu.enqueue_indirect_dma source(%dma_start3A_197 : memref<128x128xf32, #tpu.memory_space<vmem>>) target(%dma_start3A_203 : memref<10240x128xf32, #tpu.memory_space<vmem_shared>>) offsets(%dma_start3A_200 : memref<128xi32, #tpu.memory_space<vmem>>) semaphore(%run_scoped3A_193 : memref<!tpu.dma_semaphore, #tpu.memory_space<semaphore_mem>>)
      %dma_wait3A_204 = arith.constant 0 : i32
      %dma_wait3A_205 = arith.constant 0 : i32
      %dma_wait3A_206 = tpu.memref_slice %arg10[%run_scoped3A_7, %dma_wait3A_204, %dma_wait3A_205] : memref<2x128x128xf32, #tpu.memory_space<vmem>> -> memref<1x128x128xf32, #tpu.memory_space<vmem>>
      %dma_wait3A_207 = tpu.memref_squeeze %dma_wait3A_206 : memref<1x128x128xf32, #tpu.memory_space<vmem>> -> memref<128x128xf32, #tpu.memory_space<vmem>>
      %dma_wait3A_208 = arith.constant 0 : i32
      %dma_wait3A_209 = tpu.memref_slice %arg9[%run_scoped3A_8, %dma_wait3A_208] : memref<5x128xi32, #tpu.memory_space<vmem>> -> memref<1x128xi32, #tpu.memory_space<vmem>>
      %dma_wait3A_210 = tpu.memref_squeeze %dma_wait3A_209 : memref<1x128xi32, #tpu.memory_space<vmem>> -> memref<128xi32, #tpu.memory_space<vmem>>
      %dma_wait3A_211 = arith.constant 0 : i32
      %dma_wait3A_212 = arith.constant 0 : i32
      %dma_wait3A_213 = tpu.memref_slice %arg11[%dma_wait3A_211, %dma_wait3A_212] : memref<10240x128xf32, #tpu.memory_space<vmem_shared>> -> memref<10240x128xf32, #tpu.memory_space<vmem_shared>>
      tpu.wait_indirect_dma semaphore(%run_scoped3A_193 : memref<!tpu.dma_semaphore, #tpu.memory_space<semaphore_mem>>) src(%dma_wait3A_207 : memref<128x128xf32, #tpu.memory_space<vmem>>) dst(%dma_wait3A_213 : memref<10240x128xf32, #tpu.memory_space<vmem_shared>>)
      tpu.yield
    }) : () -> ()
    %run_scoped3A_9 = arith.constant 0 : i32
    %run_scoped3A_10 = arith.constant 2 : i32
    "tpu.region"() ({
      %run_scoped3A_193 = tpu.sem_alloc : memref<!tpu.dma_semaphore, #tpu.memory_space<semaphore_mem>>
      %dma_start3A_194 = arith.constant 0 : i32
      %dma_start3A_195 = arith.constant 0 : i32
      %dma_start3A_196 = tpu.memref_slice %arg10[%run_scoped3A_9, %dma_start3A_194, %dma_start3A_195] : memref<2x128x128xf32, #tpu.memory_space<vmem>> -> memref<1x128x128xf32, #tpu.memory_space<vmem>>
      %dma_start3A_197 = tpu.memref_squeeze %dma_start3A_196 : memref<1x128x128xf32, #tpu.memory_space<vmem>> -> memref<128x128xf32, #tpu.memory_space<vmem>>
      %dma_start3A_198 = arith.constant 0 : i32
      %dma_start3A_199 = tpu.memref_slice %arg9[%run_scoped3A_10, %dma_start3A_198] : memref<5x128xi32, #tpu.memory_space<vmem>> -> memref<1x128xi32, #tpu.memory_space<vmem>>
      %dma_start3A_200 = tpu.memref_squeeze %dma_start3A_199 : memref<1x128xi32, #tpu.memory_space<vmem>> -> memref<128xi32, #tpu.memory_space<vmem>>
      %dma_start3A_201 = arith.constant 0 : i32
      %dma_start3A_202 = arith.constant 0 : i32
      %dma_start3A_203 = tpu.memref_slice %arg11[%dma_start3A_201, %dma_start3A_202] : memref<10240x128xf32, #tpu.memory_space<vmem_shared>> -> memref<10240x128xf32, #tpu.memory_space<vmem_shared>>
      tpu.enqueue_indirect_dma source(%dma_start3A_197 : memref<128x128xf32, #tpu.memory_space<vmem>>) target(%dma_start3A_203 : memref<10240x128xf32, #tpu.memory_space<vmem_shared>>) offsets(%dma_start3A_200 : memref<128xi32, #tpu.memory_space<vmem>>) semaphore(%run_scoped3A_193 : memref<!tpu.dma_semaphore, #tpu.memory_space<semaphore_mem>>)
      %dma_wait3A_204 = arith.constant 0 : i32
      %dma_wait3A_205 = arith.constant 0 : i32
      %dma_wait3A_206 = tpu.memref_slice %arg10[%run_scoped3A_9, %dma_wait3A_204, %dma_wait3A_205] : memref<2x128x128xf32, #tpu.memory_space<vmem>> -> memref<1x128x128xf32, #tpu.memory_space<vmem>>
      %dma_wait3A_207 = tpu.memref_squeeze %dma_wait3A_206 : memref<1x128x128xf32, #tpu.memory_space<vmem>> -> memref<128x128xf32, #tpu.memory_space<vmem>>
      %dma_wait3A_208 = arith.constant 0 : i32
      %dma_wait3A_209 = tpu.memref_slice %arg9[%run_scoped3A_10, %dma_wait3A_208] : memref<5x128xi32, #tpu.memory_space<vmem>> -> memref<1x128xi32, #tpu.memory_space<vmem>>
      %dma_wait3A_210 = tpu.memref_squeeze %dma_wait3A_209 : memref<1x128xi32, #tpu.memory_space<vmem>> -> memref<128xi32, #tpu.memory_space<vmem>>
      %dma_wait3A_211 = arith.constant 0 : i32
      %dma_wait3A_212 = arith.constant 0 : i32
      %dma_wait3A_213 = tpu.memref_slice %arg11[%dma_wait3A_211, %dma_wait3A_212] : memref<10240x128xf32, #tpu.memory_space<vmem_shared>> -> memref<10240x128xf32, #tpu.memory_space<vmem_shared>>
      tpu.wait_indirect_dma semaphore(%run_scoped3A_193 : memref<!tpu.dma_semaphore, #tpu.memory_space<semaphore_mem>>) src(%dma_wait3A_207 : memref<128x128xf32, #tpu.memory_space<vmem>>) dst(%dma_wait3A_213 : memref<10240x128xf32, #tpu.memory_space<vmem_shared>>)
      tpu.yield
    }) : () -> ()
    %run_scoped3A_11 = arith.constant 0 : i32
    %run_scoped3A_12 = arith.constant 3 : i32
    "tpu.region"() ({
      %run_scoped3A_193 = tpu.sem_alloc : memref<!tpu.dma_semaphore, #tpu.memory_space<semaphore_mem>>
      %dma_start3A_194 = arith.constant 0 : i32
      %dma_start3A_195 = arith.constant 0 : i32
      %dma_start3A_196 = tpu.memref_slice %arg10[%run_scoped3A_11, %dma_start3A_194, %dma_start3A_195] : memref<2x128x128xf32, #tpu.memory_space<vmem>> -> memref<1x128x128xf32, #tpu.memory_space<vmem>>
      %dma_start3A_197 = tpu.memref_squeeze %dma_start3A_196 : memref<1x128x128xf32, #tpu.memory_space<vmem>> -> memref<128x128xf32, #tpu.memory_space<vmem>>
      %dma_start3A_198 = arith.constant 0 : i32
      %dma_start3A_199 = tpu.memref_slice %arg9[%run_scoped3A_12, %dma_start3A_198] : memref<5x128xi32, #tpu.memory_space<vmem>> -> memref<1x128xi32, #tpu.memory_space<vmem>>
      %dma_start3A_200 = tpu.memref_squeeze %dma_start3A_199 : memref<1x128xi32, #tpu.memory_space<vmem>> -> memref<128xi32, #tpu.memory_space<vmem>>
      %dma_start3A_201 = arith.constant 0 : i32
      %dma_start3A_202 = arith.constant 0 : i32
      %dma_start3A_203 = tpu.memref_slice %arg11[%dma_start3A_201, %dma_start3A_202] : memref<10240x128xf32, #tpu.memory_space<vmem_shared>> -> memref<10240x128xf32, #tpu.memory_space<vmem_shared>>
      tpu.enqueue_indirect_dma source(%dma_start3A_197 : memref<128x128xf32, #tpu.memory_space<vmem>>) target(%dma_start3A_203 : memref<10240x128xf32, #tpu.memory_space<vmem_shared>>) offsets(%dma_start3A_200 : memref<128xi32, #tpu.memory_space<vmem>>) semaphore(%run_scoped3A_193 : memref<!tpu.dma_semaphore, #tpu.memory_space<semaphore_mem>>)
      %dma_wait3A_204 = arith.constant 0 : i32
      %dma_wait3A_205 = arith.constant 0 : i32
      %dma_wait3A_206 = tpu.memref_slice %arg10[%run_scoped3A_11, %dma_wait3A_204, %dma_wait3A_205] : memref<2x128x128xf32, #tpu.memory_space<vmem>> -> memref<1x128x128xf32, #tpu.memory_space<vmem>>
      %dma_wait3A_207 = tpu.memref_squeeze %dma_wait3A_206 : memref<1x128x128xf32, #tpu.memory_space<vmem>> -> memref<128x128xf32, #tpu.memory_space<vmem>>
      %dma_wait3A_208 = arith.constant 0 : i32
      %dma_wait3A_209 = tpu.memref_slice %arg9[%run_scoped3A_12, %dma_wait3A_208] : memref<5x128xi32, #tpu.memory_space<vmem>> -> memref<1x128xi32, #tpu.memory_space<vmem>>
      %dma_wait3A_210 = tpu.memref_squeeze %dma_wait3A_209 : memref<1x128xi32, #tpu.memory_space<vmem>> -> memref<128xi32, #tpu.memory_space<vmem>>
      %dma_wait3A_211 = arith.constant 0 : i32
      %dma_wait3A_212 = arith.constant 0 : i32
      %dma_wait3A_213 = tpu.memref_slice %arg11[%dma_wait3A_211, %dma_wait3A_212] : memref<10240x128xf32, #tpu.memory_space<vmem_shared>> -> memref<10240x128xf32, #tpu.memory_space<vmem_shared>>
      tpu.wait_indirect_dma semaphore(%run_scoped3A_193 : memref<!tpu.dma_semaphore, #tpu.memory_space<semaphore_mem>>) src(%dma_wait3A_207 : memref<128x128xf32, #tpu.memory_space<vmem>>) dst(%dma_wait3A_213 : memref<10240x128xf32, #tpu.memory_space<vmem_shared>>)
      tpu.yield
    }) : () -> ()
    %run_scoped3A_13 = arith.constant 0 : i32
    %run_scoped3A_14 = arith.constant 4 : i32
    "tpu.region"() ({
      %run_scoped3A_193 = tpu.sem_alloc : memref<!tpu.dma_semaphore, #tpu.memory_space<semaphore_mem>>
      %dma_start3A_194 = arith.constant 0 : i32
      %dma_start3A_195 = arith.constant 0 : i32
      %dma_start3A_196 = tpu.memref_slice %arg10[%run_scoped3A_13, %dma_start3A_194, %dma_start3A_195] : memref<2x128x128xf32, #tpu.memory_space<vmem>> -> memref<1x128x128xf32, #tpu.memory_space<vmem>>
      %dma_start3A_197 = tpu.memref_squeeze %dma_start3A_196 : memref<1x128x128xf32, #tpu.memory_space<vmem>> -> memref<128x128xf32, #tpu.memory_space<vmem>>
      %dma_start3A_198 = arith.constant 0 : i32
      %dma_start3A_199 = tpu.memref_slice %arg9[%run_scoped3A_14, %dma_start3A_198] : memref<5x128xi32, #tpu.memory_space<vmem>> -> memref<1x128xi32, #tpu.memory_space<vmem>>
      %dma_start3A_200 = tpu.memref_squeeze %dma_start3A_199 : memref<1x128xi32, #tpu.memory_space<vmem>> -> memref<128xi32, #tpu.memory_space<vmem>>
      %dma_start3A_201 = arith.constant 0 : i32
      %dma_start3A_202 = arith.constant 0 : i32
      %dma_start3A_203 = tpu.memref_slice %arg11[%dma_start3A_201, %dma_start3A_202] : memref<10240x128xf32, #tpu.memory_space<vmem_shared>> -> memref<10240x128xf32, #tpu.memory_space<vmem_shared>>
      tpu.enqueue_indirect_dma source(%dma_start3A_197 : memref<128x128xf32, #tpu.memory_space<vmem>>) target(%dma_start3A_203 : memref<10240x128xf32, #tpu.memory_space<vmem_shared>>) offsets(%dma_start3A_200 : memref<128xi32, #tpu.memory_space<vmem>>) semaphore(%run_scoped3A_193 : memref<!tpu.dma_semaphore, #tpu.memory_space<semaphore_mem>>)
      %dma_wait3A_204 = arith.constant 0 : i32
      %dma_wait3A_205 = arith.constant 0 : i32
      %dma_wait3A_206 = tpu.memref_slice %arg10[%run_scoped3A_13, %dma_wait3A_204, %dma_wait3A_205] : memref<2x128x128xf32, #tpu.memory_space<vmem>> -> memref<1x128x128xf32, #tpu.memory_space<vmem>>
      %dma_wait3A_207 = tpu.memref_squeeze %dma_wait3A_206 : memref<1x128x128xf32, #tpu.memory_space<vmem>> -> memref<128x128xf32, #tpu.memory_space<vmem>>
      %dma_wait3A_208 = arith.constant 0 : i32
      %dma_wait3A_209 = tpu.memref_slice %arg9[%run_scoped3A_14, %dma_wait3A_208] : memref<5x128xi32, #tpu.memory_space<vmem>> -> memref<1x128xi32, #tpu.memory_space<vmem>>
      %dma_wait3A_210 = tpu.memref_squeeze %dma_wait3A_209 : memref<1x128xi32, #tpu.memory_space<vmem>> -> memref<128xi32, #tpu.memory_space<vmem>>
      %dma_wait3A_211 = arith.constant 0 : i32
      %dma_wait3A_212 = arith.constant 0 : i32
      %dma_wait3A_213 = tpu.memref_slice %arg11[%dma_wait3A_211, %dma_wait3A_212] : memref<10240x128xf32, #tpu.memory_space<vmem_shared>> -> memref<10240x128xf32, #tpu.memory_space<vmem_shared>>
      tpu.wait_indirect_dma semaphore(%run_scoped3A_193 : memref<!tpu.dma_semaphore, #tpu.memory_space<semaphore_mem>>) src(%dma_wait3A_207 : memref<128x128xf32, #tpu.memory_space<vmem>>) dst(%dma_wait3A_213 : memref<10240x128xf32, #tpu.memory_space<vmem_shared>>)
      tpu.yield
    }) : () -> ()
    %barrier3A = arith.constant 0 : index
    tpu.barrier barrier_id(%barrier3A)
    "tpu.region"() ({
      %run_scoped3A_193 = tpu.sem_alloc : memref<!tpu.dma_semaphore, #tpu.memory_space<semaphore_mem>>
      %dma_start3A_194 = arith.constant 0 : i32
      %dma_start3A_195 = arith.constant 0 : i32
      %dma_start3A_196 = tpu.memref_slice %arg3[%arg0, %arg1, %dma_start3A_194, %dma_start3A_195] : memref<2x16x80x128xi32, #tpu.memory_space<hbm>> -> memref<1x1x40x128xi32, #tpu.memory_space<hbm>>
      %dma_start3A_197 = tpu.memref_squeeze %dma_start3A_196 : memref<1x1x40x128xi32, #tpu.memory_space<hbm>> -> memref<40x128xi32, #tpu.memory_space<hbm>>
      %dma_start3A_198 = arith.constant 0 : i32
      %dma_start3A_199 = arith.constant 0 : i32
      %dma_start3A_200 = tpu.memref_slice %arg3[%arg0, %arg1, %dma_start3A_198, %dma_start3A_199] : memref<2x16x80x128xi32, #tpu.memory_space<hbm>> -> memref<1x1x40x128xi32, #tpu.memory_space<hbm>>
      %dma_start3A_201 = tpu.memref_squeeze %dma_start3A_200 : memref<1x1x40x128xi32, #tpu.memory_space<hbm>> -> memref<40x128xi32, #tpu.memory_space<hbm>>
      tpu.enqueue_dma source(%dma_start3A_201 : memref<40x128xi32, #tpu.memory_space<hbm>>) target(%arg7 : memref<40x128xi32, #tpu.memory_space<vmem>>) target_semaphore(%run_scoped3A_193 : memref<!tpu.dma_semaphore, #tpu.memory_space<semaphore_mem>>)
      %dma_wait3A_202 = arith.constant 0 : i32
      %dma_wait3A_203 = arith.constant 0 : i32
      %dma_wait3A_204 = tpu.memref_slice %arg3[%arg0, %arg1, %dma_wait3A_202, %dma_wait3A_203] : memref<2x16x80x128xi32, #tpu.memory_space<hbm>> -> memref<1x1x40x128xi32, #tpu.memory_space<hbm>>
      %dma_wait3A_205 = tpu.memref_squeeze %dma_wait3A_204 : memref<1x1x40x128xi32, #tpu.memory_space<hbm>> -> memref<40x128xi32, #tpu.memory_space<hbm>>
      %dma_wait3A_206 = arith.constant 0 : i32
      %dma_wait3A_207 = arith.constant 0 : i32
      %dma_wait3A_208 = tpu.memref_slice %arg3[%arg0, %arg1, %dma_wait3A_206, %dma_wait3A_207] : memref<2x16x80x128xi32, #tpu.memory_space<hbm>> -> memref<1x1x40x128xi32, #tpu.memory_space<hbm>>
      %dma_wait3A_209 = tpu.memref_squeeze %dma_wait3A_208 : memref<1x1x40x128xi32, #tpu.memory_space<hbm>> -> memref<40x128xi32, #tpu.memory_space<hbm>>
      tpu.wait_dma2 semaphore(%run_scoped3A_193 : memref<!tpu.dma_semaphore, #tpu.memory_space<semaphore_mem>>) src(%dma_wait3A_209 : memref<40x128xi32, #tpu.memory_space<hbm>>) dst(%arg7 : memref<40x128xi32, #tpu.memory_space<vmem>>)
      tpu.yield
    }) : () -> ()
    "tpu.region"() ({
      %run_scoped3A_193 = tpu.sem_alloc : memref<!tpu.dma_semaphore, #tpu.memory_space<semaphore_mem>>
      %dma_start3A_194 = arith.constant 0 : i32
      %dma_start3A_195 = arith.constant 0 : i32
      %dma_start3A_196 = tpu.memref_slice %arg4[%arg1, %dma_start3A_194, %dma_start3A_195] : memref<16x80x128xi32, #tpu.memory_space<hbm>> -> memref<1x40x128xi32, #tpu.memory_space<hbm>>
      %dma_start3A_197 = tpu.memref_squeeze %dma_start3A_196 : memref<1x40x128xi32, #tpu.memory_space<hbm>> -> memref<40x128xi32, #tpu.memory_space<hbm>>
      %dma_start3A_198 = arith.constant 0 : i32
      %dma_start3A_199 = arith.constant 0 : i32
      %dma_start3A_200 = tpu.memref_slice %arg4[%arg1, %dma_start3A_198, %dma_start3A_199] : memref<16x80x128xi32, #tpu.memory_space<hbm>> -> memref<1x40x128xi32, #tpu.memory_space<hbm>>
      %dma_start3A_201 = tpu.memref_squeeze %dma_start3A_200 : memref<1x40x128xi32, #tpu.memory_space<hbm>> -> memref<40x128xi32, #tpu.memory_space<hbm>>
      tpu.enqueue_dma source(%dma_start3A_201 : memref<40x128xi32, #tpu.memory_space<hbm>>) target(%arg8 : memref<40x128xi32, #tpu.memory_space<vmem>>) target_semaphore(%run_scoped3A_193 : memref<!tpu.dma_semaphore, #tpu.memory_space<semaphore_mem>>)
      %dma_wait3A_202 = arith.constant 0 : i32
      %dma_wait3A_203 = arith.constant 0 : i32
      %dma_wait3A_204 = tpu.memref_slice %arg4[%arg1, %dma_wait3A_202, %dma_wait3A_203] : memref<16x80x128xi32, #tpu.memory_space<hbm>> -> memref<1x40x128xi32, #tpu.memory_space<hbm>>
      %dma_wait3A_205 = tpu.memref_squeeze %dma_wait3A_204 : memref<1x40x128xi32, #tpu.memory_space<hbm>> -> memref<40x128xi32, #tpu.memory_space<hbm>>
      %dma_wait3A_206 = arith.constant 0 : i32
      %dma_wait3A_207 = arith.constant 0 : i32
      %dma_wait3A_208 = tpu.memref_slice %arg4[%arg1, %dma_wait3A_206, %dma_wait3A_207] : memref<16x80x128xi32, #tpu.memory_space<hbm>> -> memref<1x40x128xi32, #tpu.memory_space<hbm>>
      %dma_wait3A_209 = tpu.memref_squeeze %dma_wait3A_208 : memref<1x40x128xi32, #tpu.memory_space<hbm>> -> memref<40x128xi32, #tpu.memory_space<hbm>>
      tpu.wait_dma2 semaphore(%run_scoped3A_193 : memref<!tpu.dma_semaphore, #tpu.memory_space<semaphore_mem>>) src(%dma_wait3A_209 : memref<40x128xi32, #tpu.memory_space<hbm>>) dst(%arg8 : memref<40x128xi32, #tpu.memory_space<vmem>>)
      tpu.yield
    }) : () -> ()
    %dma_start3A = arith.constant 0 : i32
    %dma_start3A_15 = arith.constant 0 : i32
    %dma_start3A_16 = arith.constant 0 : i32
    %dma_start3A_17 = arith.constant 0 : i32
    %dma_start3A_18 = tpu.memref_slice %arg10[%dma_start3A_15, %dma_start3A_16, %dma_start3A_17] : memref<2x128x128xf32, #tpu.memory_space<vmem>> -> memref<1x128x128xf32, #tpu.memory_space<vmem>>
    %dma_start3A_19 = tpu.memref_squeeze %dma_start3A_18 : memref<1x128x128xf32, #tpu.memory_space<vmem>> -> memref<128x128xf32, #tpu.memory_space<vmem>>
    %dma_start3A_20 = arith.constant 0 : i32
    %dma_start3A_21 = tpu.memref_slice %arg7[%dma_start3A, %dma_start3A_20] : memref<40x128xi32, #tpu.memory_space<vmem>> -> memref<1x128xi32, #tpu.memory_space<vmem>>
    %dma_start3A_22 = tpu.memref_squeeze %dma_start3A_21 : memref<1x128xi32, #tpu.memory_space<vmem>> -> memref<128xi32, #tpu.memory_space<vmem>>
    %dma_start3A_23 = arith.constant 0 : i32
    %dma_start3A_24 = arith.constant 0 : i32
    %dma_start3A_25 = tpu.memref_slice %arg2[%dma_start3A_23, %dma_start3A_24] : memref<20000x128xf32, #tpu.memory_space<hbm>> -> memref<20000x128xf32, #tpu.memory_space<hbm>>
    tpu.enqueue_indirect_dma source(%dma_start3A_25 : memref<20000x128xf32, #tpu.memory_space<hbm>>) target(%dma_start3A_19 : memref<128x128xf32, #tpu.memory_space<vmem>>) offsets(%dma_start3A_22 : memref<128xi32, #tpu.memory_space<vmem>>) semaphore(%arg12 : memref<!tpu.dma_semaphore, #tpu.memory_space<semaphore_mem>>)
    %scan3A_26 = arith.constant 0 : i32
    %scan3A_27 = arith.constant 0 : i32
    %scan3A_28 = arith.constant 20 : i32
    %scan3A_29 = arith.addi %scan3A_27, %scan3A_28 : i32
    %scan3A_30 = arith.constant 1 : i32
    scf.for %scan3A_193 = %scan3A_27 to %scan3A_29 step %scan3A_30  : i32 {
      %mul3A_194 = arith.constant 2 : i32
      %mul3A_195 = arith.muli %scan3A_193, %mul3A_194 : i32
      %add3A_196 = arith.constant 0 : i32
      %add3A_197 = arith.addi %mul3A_195, %add3A_196 : i32
      %add3A_198 = arith.constant 1 : i32
      %add3A_199 = arith.addi %add3A_197, %add3A_198 : i32
      %lt3A = arith.constant 40 : i32
      %lt3A_200 = arith.cmpi slt, %add3A_199, %lt3A : i32
      %convert_element_type3A = arith.extui %lt3A_200 : i1 to i32
      %cond3A = arith.constant 0 : i32
      %cond3A_201 = arith.cmpi ne, %convert_element_type3A, %cond3A : i32
      scf.if %cond3A_201 {
        %add3A_237 = arith.constant 1 : i32
        %add3A_238 = arith.addi %add3A_197, %add3A_237 : i32
        %dma_start3A_239 = arith.constant 1 : i32
        %dma_start3A_240 = arith.constant 0 : i32
        %dma_start3A_241 = arith.constant 0 : i32
        %dma_start3A_242 = tpu.memref_slice %arg10[%dma_start3A_239, %dma_start3A_240, %dma_start3A_241] : memref<2x128x128xf32, #tpu.memory_space<vmem>> -> memref<1x128x128xf32, #tpu.memory_space<vmem>>
        %dma_start3A_243 = tpu.memref_squeeze %dma_start3A_242 : memref<1x128x128xf32, #tpu.memory_space<vmem>> -> memref<128x128xf32, #tpu.memory_space<vmem>>
        %dma_start3A_244 = arith.constant 0 : i32
        %dma_start3A_245 = tpu.memref_slice %arg7[%add3A_238, %dma_start3A_244] : memref<40x128xi32, #tpu.memory_space<vmem>> -> memref<1x128xi32, #tpu.memory_space<vmem>>
        %dma_start3A_246 = tpu.memref_squeeze %dma_start3A_245 : memref<1x128xi32, #tpu.memory_space<vmem>> -> memref<128xi32, #tpu.memory_space<vmem>>
        %dma_start3A_247 = arith.constant 0 : i32
        %dma_start3A_248 = arith.constant 0 : i32
        %dma_start3A_249 = tpu.memref_slice %arg2[%dma_start3A_247, %dma_start3A_248] : memref<20000x128xf32, #tpu.memory_space<hbm>> -> memref<20000x128xf32, #tpu.memory_space<hbm>>
        tpu.enqueue_indirect_dma source(%dma_start3A_249 : memref<20000x128xf32, #tpu.memory_space<hbm>>) target(%dma_start3A_243 : memref<128x128xf32, #tpu.memory_space<vmem>>) offsets(%dma_start3A_246 : memref<128xi32, #tpu.memory_space<vmem>>) semaphore(%arg12 : memref<!tpu.dma_semaphore, #tpu.memory_space<semaphore_mem>>)
      } else {
      }
      %dma_wait3A_202 = arith.constant 0 : i32
      %dma_wait3A_203 = arith.constant 0 : i32
      %dma_wait3A_204 = arith.constant 0 : i32
      %dma_wait3A_205 = tpu.memref_slice %arg10[%dma_wait3A_202, %dma_wait3A_203, %dma_wait3A_204] : memref<2x128x128xf32, #tpu.memory_space<vmem>> -> memref<1x128x128xf32, #tpu.memory_space<vmem>>
      %dma_wait3A_206 = tpu.memref_squeeze %dma_wait3A_205 : memref<1x128x128xf32, #tpu.memory_space<vmem>> -> memref<128x128xf32, #tpu.memory_space<vmem>>
      %dma_wait3A_207 = arith.constant 0 : i32
      %dma_wait3A_208 = tpu.memref_slice %arg7[%add3A_197, %dma_wait3A_207] : memref<40x128xi32, #tpu.memory_space<vmem>> -> memref<1x128xi32, #tpu.memory_space<vmem>>
      %dma_wait3A_209 = tpu.memref_squeeze %dma_wait3A_208 : memref<1x128xi32, #tpu.memory_space<vmem>> -> memref<128xi32, #tpu.memory_space<vmem>>
      %dma_wait3A_210 = arith.constant 0 : i32
      %dma_wait3A_211 = arith.constant 0 : i32
      %dma_wait3A_212 = tpu.memref_slice %arg2[%dma_wait3A_210, %dma_wait3A_211] : memref<20000x128xf32, #tpu.memory_space<hbm>> -> memref<20000x128xf32, #tpu.memory_space<hbm>>
      tpu.wait_indirect_dma semaphore(%arg12 : memref<!tpu.dma_semaphore, #tpu.memory_space<semaphore_mem>>) src(%dma_wait3A_212 : memref<20000x128xf32, #tpu.memory_space<hbm>>) dst(%dma_wait3A_206 : memref<128x128xf32, #tpu.memory_space<vmem>>)
      %run_scoped3A_213 = arith.constant 0 : i32
      "tpu.region"() ({
        %run_scoped3A_237 = tpu.sem_alloc : memref<!tpu.dma_semaphore, #tpu.memory_space<semaphore_mem>>
        %dma_start3A_238 = arith.constant 0 : i32
        %dma_start3A_239 = arith.constant 0 : i32
        %dma_start3A_240 = tpu.memref_slice %arg10[%run_scoped3A_213, %dma_start3A_238, %dma_start3A_239] : memref<2x128x128xf32, #tpu.memory_space<vmem>> -> memref<1x128x128xf32, #tpu.memory_space<vmem>>
        %dma_start3A_241 = tpu.memref_squeeze %dma_start3A_240 : memref<1x128x128xf32, #tpu.memory_space<vmem>> -> memref<128x128xf32, #tpu.memory_space<vmem>>
        %dma_start3A_242 = arith.constant 0 : i32
        %dma_start3A_243 = tpu.memref_slice %arg8[%add3A_197, %dma_start3A_242] : memref<40x128xi32, #tpu.memory_space<vmem>> -> memref<1x128xi32, #tpu.memory_space<vmem>>
        %dma_start3A_244 = tpu.memref_squeeze %dma_start3A_243 : memref<1x128xi32, #tpu.memory_space<vmem>> -> memref<128xi32, #tpu.memory_space<vmem>>
        %dma_start3A_245 = arith.constant 0 : i32
        %dma_start3A_246 = arith.constant 0 : i32
        %dma_start3A_247 = tpu.memref_slice %arg11[%dma_start3A_245, %dma_start3A_246] : memref<10240x128xf32, #tpu.memory_space<vmem_shared>> -> memref<10240x128xf32, #tpu.memory_space<vmem_shared>>
        tpu.enqueue_indirect_dma source(%dma_start3A_241 : memref<128x128xf32, #tpu.memory_space<vmem>>) target(%dma_start3A_247 : memref<10240x128xf32, #tpu.memory_space<vmem_shared>>) offsets(%dma_start3A_244 : memref<128xi32, #tpu.memory_space<vmem>>) semaphore(%run_scoped3A_237 : memref<!tpu.dma_semaphore, #tpu.memory_space<semaphore_mem>>) {add = true}
        %dma_wait3A_248 = arith.constant 0 : i32
        %dma_wait3A_249 = arith.constant 0 : i32
        %dma_wait3A_250 = tpu.memref_slice %arg10[%run_scoped3A_213, %dma_wait3A_248, %dma_wait3A_249] : memref<2x128x128xf32, #tpu.memory_space<vmem>> -> memref<1x128x128xf32, #tpu.memory_space<vmem>>
        %dma_wait3A_251 = tpu.memref_squeeze %dma_wait3A_250 : memref<1x128x128xf32, #tpu.memory_space<vmem>> -> memref<128x128xf32, #tpu.memory_space<vmem>>
        %dma_wait3A_252 = arith.constant 0 : i32
        %dma_wait3A_253 = tpu.memref_slice %arg8[%add3A_197, %dma_wait3A_252] : memref<40x128xi32, #tpu.memory_space<vmem>> -> memref<1x128xi32, #tpu.memory_space<vmem>>
        %dma_wait3A_254 = tpu.memref_squeeze %dma_wait3A_253 : memref<1x128xi32, #tpu.memory_space<vmem>> -> memref<128xi32, #tpu.memory_space<vmem>>
        %dma_wait3A_255 = arith.constant 0 : i32
        %dma_wait3A_256 = arith.constant 0 : i32
        %dma_wait3A_257 = tpu.memref_slice %arg11[%dma_wait3A_255, %dma_wait3A_256] : memref<10240x128xf32, #tpu.memory_space<vmem_shared>> -> memref<10240x128xf32, #tpu.memory_space<vmem_shared>>
        tpu.wait_indirect_dma semaphore(%run_scoped3A_237 : memref<!tpu.dma_semaphore, #tpu.memory_space<semaphore_mem>>) src(%dma_wait3A_251 : memref<128x128xf32, #tpu.memory_space<vmem>>) dst(%dma_wait3A_257 : memref<10240x128xf32, #tpu.memory_space<vmem_shared>>)
        tpu.yield
      }) : () -> ()
      %mul3A_214 = arith.constant 2 : i32
      %mul3A_215 = arith.muli %scan3A_193, %mul3A_214 : i32
      %add3A_216 = arith.constant 1 : i32
      %add3A_217 = arith.addi %mul3A_215, %add3A_216 : i32
      %add3A_218 = arith.constant 1 : i32
      %add3A_219 = arith.addi %add3A_217, %add3A_218 : i32
      %lt3A_220 = arith.constant 40 : i32
      %lt3A_221 = arith.cmpi slt, %add3A_219, %lt3A_220 : i32
      %convert_element_type3A_222 = arith.extui %lt3A_221 : i1 to i32
      %cond3A_223 = arith.constant 0 : i32
      %cond3A_224 = arith.cmpi ne, %convert_element_type3A_222, %cond3A_223 : i32
      scf.if %cond3A_224 {
        %add3A_237 = arith.constant 1 : i32
        %add3A_238 = arith.addi %add3A_217, %add3A_237 : i32
        %dma_start3A_239 = arith.constant 0 : i32
        %dma_start3A_240 = arith.constant 0 : i32
        %dma_start3A_241 = arith.constant 0 : i32
        %dma_start3A_242 = tpu.memref_slice %arg10[%dma_start3A_239, %dma_start3A_240, %dma_start3A_241] : memref<2x128x128xf32, #tpu.memory_space<vmem>> -> memref<1x128x128xf32, #tpu.memory_space<vmem>>
        %dma_start3A_243 = tpu.memref_squeeze %dma_start3A_242 : memref<1x128x128xf32, #tpu.memory_space<vmem>> -> memref<128x128xf32, #tpu.memory_space<vmem>>
        %dma_start3A_244 = arith.constant 0 : i32
        %dma_start3A_245 = tpu.memref_slice %arg7[%add3A_238, %dma_start3A_244] : memref<40x128xi32, #tpu.memory_space<vmem>> -> memref<1x128xi32, #tpu.memory_space<vmem>>
        %dma_start3A_246 = tpu.memref_squeeze %dma_start3A_245 : memref<1x128xi32, #tpu.memory_space<vmem>> -> memref<128xi32, #tpu.memory_space<vmem>>
        %dma_start3A_247 = arith.constant 0 : i32
        %dma_start3A_248 = arith.constant 0 : i32
        %dma_start3A_249 = tpu.memref_slice %arg2[%dma_start3A_247, %dma_start3A_248] : memref<20000x128xf32, #tpu.memory_space<hbm>> -> memref<20000x128xf32, #tpu.memory_space<hbm>>
        tpu.enqueue_indirect_dma source(%dma_start3A_249 : memref<20000x128xf32, #tpu.memory_space<hbm>>) target(%dma_start3A_243 : memref<128x128xf32, #tpu.memory_space<vmem>>) offsets(%dma_start3A_246 : memref<128xi32, #tpu.memory_space<vmem>>) semaphore(%arg12 : memref<!tpu.dma_semaphore, #tpu.memory_space<semaphore_mem>>)
      } else {
      }
      %dma_wait3A_225 = arith.constant 1 : i32
      %dma_wait3A_226 = arith.constant 0 : i32
      %dma_wait3A_227 = arith.constant 0 : i32
      %dma_wait3A_228 = tpu.memref_slice %arg10[%dma_wait3A_225, %dma_wait3A_226, %dma_wait3A_227] : memref<2x128x128xf32, #tpu.memory_space<vmem>> -> memref<1x128x128xf32, #tpu.memory_space<vmem>>
      %dma_wait3A_229 = tpu.memref_squeeze %dma_wait3A_228 : memref<1x128x128xf32, #tpu.memory_space<vmem>> -> memref<128x128xf32, #tpu.memory_space<vmem>>
      %dma_wait3A_230 = arith.constant 0 : i32
      %dma_wait3A_231 = tpu.memref_slice %arg7[%add3A_217, %dma_wait3A_230] : memref<40x128xi32, #tpu.memory_space<vmem>> -> memref<1x128xi32, #tpu.memory_space<vmem>>
      %dma_wait3A_232 = tpu.memref_squeeze %dma_wait3A_231 : memref<1x128xi32, #tpu.memory_space<vmem>> -> memref<128xi32, #tpu.memory_space<vmem>>
      %dma_wait3A_233 = arith.constant 0 : i32
      %dma_wait3A_234 = arith.constant 0 : i32
      %dma_wait3A_235 = tpu.memref_slice %arg2[%dma_wait3A_233, %dma_wait3A_234] : memref<20000x128xf32, #tpu.memory_space<hbm>> -> memref<20000x128xf32, #tpu.memory_space<hbm>>
      tpu.wait_indirect_dma semaphore(%arg12 : memref<!tpu.dma_semaphore, #tpu.memory_space<semaphore_mem>>) src(%dma_wait3A_235 : memref<20000x128xf32, #tpu.memory_space<hbm>>) dst(%dma_wait3A_229 : memref<128x128xf32, #tpu.memory_space<vmem>>)
      %run_scoped3A_236 = arith.constant 1 : i32
      "tpu.region"() ({
        %run_scoped3A_237 = tpu.sem_alloc : memref<!tpu.dma_semaphore, #tpu.memory_space<semaphore_mem>>
        %dma_start3A_238 = arith.constant 0 : i32
        %dma_start3A_239 = arith.constant 0 : i32
        %dma_start3A_240 = tpu.memref_slice %arg10[%run_scoped3A_236, %dma_start3A_238, %dma_start3A_239] : memref<2x128x128xf32, #tpu.memory_space<vmem>> -> memref<1x128x128xf32, #tpu.memory_space<vmem>>
        %dma_start3A_241 = tpu.memref_squeeze %dma_start3A_240 : memref<1x128x128xf32, #tpu.memory_space<vmem>> -> memref<128x128xf32, #tpu.memory_space<vmem>>
        %dma_start3A_242 = arith.constant 0 : i32
        %dma_start3A_243 = tpu.memref_slice %arg8[%add3A_217, %dma_start3A_242] : memref<40x128xi32, #tpu.memory_space<vmem>> -> memref<1x128xi32, #tpu.memory_space<vmem>>
        %dma_start3A_244 = tpu.memref_squeeze %dma_start3A_243 : memref<1x128xi32, #tpu.memory_space<vmem>> -> memref<128xi32, #tpu.memory_space<vmem>>
        %dma_start3A_245 = arith.constant 0 : i32
        %dma_start3A_246 = arith.constant 0 : i32
        %dma_start3A_247 = tpu.memref_slice %arg11[%dma_start3A_245, %dma_start3A_246] : memref<10240x128xf32, #tpu.memory_space<vmem_shared>> -> memref<10240x128xf32, #tpu.memory_space<vmem_shared>>
        tpu.enqueue_indirect_dma source(%dma_start3A_241 : memref<128x128xf32, #tpu.memory_space<vmem>>) target(%dma_start3A_247 : memref<10240x128xf32, #tpu.memory_space<vmem_shared>>) offsets(%dma_start3A_244 : memref<128xi32, #tpu.memory_space<vmem>>) semaphore(%run_scoped3A_237 : memref<!tpu.dma_semaphore, #tpu.memory_space<semaphore_mem>>) {add = true}
        %dma_wait3A_248 = arith.constant 0 : i32
        %dma_wait3A_249 = arith.constant 0 : i32
        %dma_wait3A_250 = tpu.memref_slice %arg10[%run_scoped3A_236, %dma_wait3A_248, %dma_wait3A_249] : memref<2x128x128xf32, #tpu.memory_space<vmem>> -> memref<1x128x128xf32, #tpu.memory_space<vmem>>
        %dma_wait3A_251 = tpu.memref_squeeze %dma_wait3A_250 : memref<1x128x128xf32, #tpu.memory_space<vmem>> -> memref<128x128xf32, #tpu.memory_space<vmem>>
        %dma_wait3A_252 = arith.constant 0 : i32
        %dma_wait3A_253 = tpu.memref_slice %arg8[%add3A_217, %dma_wait3A_252] : memref<40x128xi32, #tpu.memory_space<vmem>> -> memref<1x128xi32, #tpu.memory_space<vmem>>
        %dma_wait3A_254 = tpu.memref_squeeze %dma_wait3A_253 : memref<1x128xi32, #tpu.memory_space<vmem>> -> memref<128xi32, #tpu.memory_space<vmem>>
        %dma_wait3A_255 = arith.constant 0 : i32
        %dma_wait3A_256 = arith.constant 0 : i32
        %dma_wait3A_257 = tpu.memref_slice %arg11[%dma_wait3A_255, %dma_wait3A_256] : memref<10240x128xf32, #tpu.memory_space<vmem_shared>> -> memref<10240x128xf32, #tpu.memory_space<vmem_shared>>
        tpu.wait_indirect_dma semaphore(%run_scoped3A_237 : memref<!tpu.dma_semaphore, #tpu.memory_space<semaphore_mem>>) src(%dma_wait3A_251 : memref<128x128xf32, #tpu.memory_space<vmem>>) dst(%dma_wait3A_257 : memref<10240x128xf32, #tpu.memory_space<vmem_shared>>)
        tpu.yield
      }) : () -> ()
    }
    %scan3A_31 = arith.constant 20 : i32
    "tpu.region"() ({
      %run_scoped3A_193 = tpu.sem_alloc : memref<!tpu.dma_semaphore, #tpu.memory_space<semaphore_mem>>
      %dma_start3A_194 = arith.constant 40 : i32
      %dma_start3A_195 = arith.constant 0 : i32
      %dma_start3A_196 = tpu.memref_slice %arg3[%arg0, %arg1, %dma_start3A_194, %dma_start3A_195] : memref<2x16x80x128xi32, #tpu.memory_space<hbm>> -> memref<1x1x40x128xi32, #tpu.memory_space<hbm>>
      %dma_start3A_197 = tpu.memref_squeeze %dma_start3A_196 : memref<1x1x40x128xi32, #tpu.memory_space<hbm>> -> memref<40x128xi32, #tpu.memory_space<hbm>>
      %dma_start3A_198 = arith.constant 40 : i32
      %dma_start3A_199 = arith.constant 0 : i32
      %dma_start3A_200 = tpu.memref_slice %arg3[%arg0, %arg1, %dma_start3A_198, %dma_start3A_199] : memref<2x16x80x128xi32, #tpu.memory_space<hbm>> -> memref<1x1x40x128xi32, #tpu.memory_space<hbm>>
      %dma_start3A_201 = tpu.memref_squeeze %dma_start3A_200 : memref<1x1x40x128xi32, #tpu.memory_space<hbm>> -> memref<40x128xi32, #tpu.memory_space<hbm>>
      tpu.enqueue_dma source(%dma_start3A_201 : memref<40x128xi32, #tpu.memory_space<hbm>>) target(%arg7 : memref<40x128xi32, #tpu.memory_space<vmem>>) target_semaphore(%run_scoped3A_193 : memref<!tpu.dma_semaphore, #tpu.memory_space<semaphore_mem>>)
      %dma_wait3A_202 = arith.constant 40 : i32
      %dma_wait3A_203 = arith.constant 0 : i32
      %dma_wait3A_204 = tpu.memref_slice %arg3[%arg0, %arg1, %dma_wait3A_202, %dma_wait3A_203] : memref<2x16x80x128xi32, #tpu.memory_space<hbm>> -> memref<1x1x40x128xi32, #tpu.memory_space<hbm>>
      %dma_wait3A_205 = tpu.memref_squeeze %dma_wait3A_204 : memref<1x1x40x128xi32, #tpu.memory_space<hbm>> -> memref<40x128xi32, #tpu.memory_space<hbm>>
      %dma_wait3A_206 = arith.constant 40 : i32
      %dma_wait3A_207 = arith.constant 0 : i32
      %dma_wait3A_208 = tpu.memref_slice %arg3[%arg0, %arg1, %dma_wait3A_206, %dma_wait3A_207] : memref<2x16x80x128xi32, #tpu.memory_space<hbm>> -> memref<1x1x40x128xi32, #tpu.memory_space<hbm>>
      %dma_wait3A_209 = tpu.memref_squeeze %dma_wait3A_208 : memref<1x1x40x128xi32, #tpu.memory_space<hbm>> -> memref<40x128xi32, #tpu.memory_space<hbm>>
      tpu.wait_dma2 semaphore(%run_scoped3A_193 : memref<!tpu.dma_semaphore, #tpu.memory_space<semaphore_mem>>) src(%dma_wait3A_209 : memref<40x128xi32, #tpu.memory_space<hbm>>) dst(%arg7 : memref<40x128xi32, #tpu.memory_space<vmem>>)
      tpu.yield
    }) : () -> ()
    "tpu.region"() ({
      %run_scoped3A_193 = tpu.sem_alloc : memref<!tpu.dma_semaphore, #tpu.memory_space<semaphore_mem>>
      %dma_start3A_194 = arith.constant 40 : i32
      %dma_start3A_195 = arith.constant 0 : i32
      %dma_start3A_196 = tpu.memref_slice %arg4[%arg1, %dma_start3A_194, %dma_start3A_195] : memref<16x80x128xi32, #tpu.memory_space<hbm>> -> memref<1x40x128xi32, #tpu.memory_space<hbm>>
      %dma_start3A_197 = tpu.memref_squeeze %dma_start3A_196 : memref<1x40x128xi32, #tpu.memory_space<hbm>> -> memref<40x128xi32, #tpu.memory_space<hbm>>
      %dma_start3A_198 = arith.constant 40 : i32
      %dma_start3A_199 = arith.constant 0 : i32
      %dma_start3A_200 = tpu.memref_slice %arg4[%arg1, %dma_start3A_198, %dma_start3A_199] : memref<16x80x128xi32, #tpu.memory_space<hbm>> -> memref<1x40x128xi32, #tpu.memory_space<hbm>>
      %dma_start3A_201 = tpu.memref_squeeze %dma_start3A_200 : memref<1x40x128xi32, #tpu.memory_space<hbm>> -> memref<40x128xi32, #tpu.memory_space<hbm>>
      tpu.enqueue_dma source(%dma_start3A_201 : memref<40x128xi32, #tpu.memory_space<hbm>>) target(%arg8 : memref<40x128xi32, #tpu.memory_space<vmem>>) target_semaphore(%run_scoped3A_193 : memref<!tpu.dma_semaphore, #tpu.memory_space<semaphore_mem>>)
      %dma_wait3A_202 = arith.constant 40 : i32
      %dma_wait3A_203 = arith.constant 0 : i32
      %dma_wait3A_204 = tpu.memref_slice %arg4[%arg1, %dma_wait3A_202, %dma_wait3A_203] : memref<16x80x128xi32, #tpu.memory_space<hbm>> -> memref<1x40x128xi32, #tpu.memory_space<hbm>>
      %dma_wait3A_205 = tpu.memref_squeeze %dma_wait3A_204 : memref<1x40x128xi32, #tpu.memory_space<hbm>> -> memref<40x128xi32, #tpu.memory_space<hbm>>
      %dma_wait3A_206 = arith.constant 40 : i32
      %dma_wait3A_207 = arith.constant 0 : i32
      %dma_wait3A_208 = tpu.memref_slice %arg4[%arg1, %dma_wait3A_206, %dma_wait3A_207] : memref<16x80x128xi32, #tpu.memory_space<hbm>> -> memref<1x40x128xi32, #tpu.memory_space<hbm>>
      %dma_wait3A_209 = tpu.memref_squeeze %dma_wait3A_208 : memref<1x40x128xi32, #tpu.memory_space<hbm>> -> memref<40x128xi32, #tpu.memory_space<hbm>>
      tpu.wait_dma2 semaphore(%run_scoped3A_193 : memref<!tpu.dma_semaphore, #tpu.memory_space<semaphore_mem>>) src(%dma_wait3A_209 : memref<40x128xi32, #tpu.memory_space<hbm>>) dst(%arg8 : memref<40x128xi32, #tpu.memory_space<vmem>>)
      tpu.yield
    }) : () -> ()
    %dma_start3A_32 = arith.constant 0 : i32
    %dma_start3A_33 = arith.constant 0 : i32
    %dma_start3A_34 = arith.constant 0 : i32
    %dma_start3A_35 = arith.constant 0 : i32
    %dma_start3A_36 = tpu.memref_slice %arg10[%dma_start3A_33, %dma_start3A_34, %dma_start3A_35] : memref<2x128x128xf32, #tpu.memory_space<vmem>> -> memref<1x128x128xf32, #tpu.memory_space<vmem>>
    %dma_start3A_37 = tpu.memref_squeeze %dma_start3A_36 : memref<1x128x128xf32, #tpu.memory_space<vmem>> -> memref<128x128xf32, #tpu.memory_space<vmem>>
    %dma_start3A_38 = arith.constant 0 : i32
    %dma_start3A_39 = tpu.memref_slice %arg7[%dma_start3A_32, %dma_start3A_38] : memref<40x128xi32, #tpu.memory_space<vmem>> -> memref<1x128xi32, #tpu.memory_space<vmem>>
    %dma_start3A_40 = tpu.memref_squeeze %dma_start3A_39 : memref<1x128xi32, #tpu.memory_space<vmem>> -> memref<128xi32, #tpu.memory_space<vmem>>
    %dma_start3A_41 = arith.constant 0 : i32
    %dma_start3A_42 = arith.constant 0 : i32
    %dma_start3A_43 = tpu.memref_slice %arg2[%dma_start3A_41, %dma_start3A_42] : memref<20000x128xf32, #tpu.memory_space<hbm>> -> memref<20000x128xf32, #tpu.memory_space<hbm>>
    tpu.enqueue_indirect_dma source(%dma_start3A_43 : memref<20000x128xf32, #tpu.memory_space<hbm>>) target(%dma_start3A_37 : memref<128x128xf32, #tpu.memory_space<vmem>>) offsets(%dma_start3A_40 : memref<128xi32, #tpu.memory_space<vmem>>) semaphore(%arg12 : memref<!tpu.dma_semaphore, #tpu.memory_space<semaphore_mem>>)
    %scan3A_44 = arith.constant 0 : i32
    %scan3A_45 = arith.constant 0 : i32
    %scan3A_46 = arith.constant 20 : i32
    %scan3A_47 = arith.addi %scan3A_45, %scan3A_46 : i32
    %scan3A_48 = arith.constant 1 : i32
    scf.for %scan3A_193 = %scan3A_45 to %scan3A_47 step %scan3A_48  : i32 {
      %mul3A_194 = arith.constant 2 : i32
      %mul3A_195 = arith.muli %scan3A_193, %mul3A_194 : i32
      %add3A_196 = arith.constant 0 : i32
      %add3A_197 = arith.addi %mul3A_195, %add3A_196 : i32
      %add3A_198 = arith.constant 1 : i32
      %add3A_199 = arith.addi %add3A_197, %add3A_198 : i32
      %lt3A = arith.constant 40 : i32
      %lt3A_200 = arith.cmpi slt, %add3A_199, %lt3A : i32
      %convert_element_type3A = arith.extui %lt3A_200 : i1 to i32
      %cond3A = arith.constant 0 : i32
      %cond3A_201 = arith.cmpi ne, %convert_element_type3A, %cond3A : i32
      scf.if %cond3A_201 {
        %add3A_237 = arith.constant 1 : i32
        %add3A_238 = arith.addi %add3A_197, %add3A_237 : i32
        %dma_start3A_239 = arith.constant 1 : i32
        %dma_start3A_240 = arith.constant 0 : i32
        %dma_start3A_241 = arith.constant 0 : i32
        %dma_start3A_242 = tpu.memref_slice %arg10[%dma_start3A_239, %dma_start3A_240, %dma_start3A_241] : memref<2x128x128xf32, #tpu.memory_space<vmem>> -> memref<1x128x128xf32, #tpu.memory_space<vmem>>
        %dma_start3A_243 = tpu.memref_squeeze %dma_start3A_242 : memref<1x128x128xf32, #tpu.memory_space<vmem>> -> memref<128x128xf32, #tpu.memory_space<vmem>>
        %dma_start3A_244 = arith.constant 0 : i32
        %dma_start3A_245 = tpu.memref_slice %arg7[%add3A_238, %dma_start3A_244] : memref<40x128xi32, #tpu.memory_space<vmem>> -> memref<1x128xi32, #tpu.memory_space<vmem>>
        %dma_start3A_246 = tpu.memref_squeeze %dma_start3A_245 : memref<1x128xi32, #tpu.memory_space<vmem>> -> memref<128xi32, #tpu.memory_space<vmem>>
        %dma_start3A_247 = arith.constant 0 : i32
        %dma_start3A_248 = arith.constant 0 : i32
        %dma_start3A_249 = tpu.memref_slice %arg2[%dma_start3A_247, %dma_start3A_248] : memref<20000x128xf32, #tpu.memory_space<hbm>> -> memref<20000x128xf32, #tpu.memory_space<hbm>>
        tpu.enqueue_indirect_dma source(%dma_start3A_249 : memref<20000x128xf32, #tpu.memory_space<hbm>>) target(%dma_start3A_243 : memref<128x128xf32, #tpu.memory_space<vmem>>) offsets(%dma_start3A_246 : memref<128xi32, #tpu.memory_space<vmem>>) semaphore(%arg12 : memref<!tpu.dma_semaphore, #tpu.memory_space<semaphore_mem>>)
      } else {
      }
      %dma_wait3A_202 = arith.constant 0 : i32
      %dma_wait3A_203 = arith.constant 0 : i32
      %dma_wait3A_204 = arith.constant 0 : i32
      %dma_wait3A_205 = tpu.memref_slice %arg10[%dma_wait3A_202, %dma_wait3A_203, %dma_wait3A_204] : memref<2x128x128xf32, #tpu.memory_space<vmem>> -> memref<1x128x128xf32, #tpu.memory_space<vmem>>
      %dma_wait3A_206 = tpu.memref_squeeze %dma_wait3A_205 : memref<1x128x128xf32, #tpu.memory_space<vmem>> -> memref<128x128xf32, #tpu.memory_space<vmem>>
      %dma_wait3A_207 = arith.constant 0 : i32
      %dma_wait3A_208 = tpu.memref_slice %arg7[%add3A_197, %dma_wait3A_207] : memref<40x128xi32, #tpu.memory_space<vmem>> -> memref<1x128xi32, #tpu.memory_space<vmem>>
      %dma_wait3A_209 = tpu.memref_squeeze %dma_wait3A_208 : memref<1x128xi32, #tpu.memory_space<vmem>> -> memref<128xi32, #tpu.memory_space<vmem>>
      %dma_wait3A_210 = arith.constant 0 : i32
      %dma_wait3A_211 = arith.constant 0 : i32
      %dma_wait3A_212 = tpu.memref_slice %arg2[%dma_wait3A_210, %dma_wait3A_211] : memref<20000x128xf32, #tpu.memory_space<hbm>> -> memref<20000x128xf32, #tpu.memory_space<hbm>>
      tpu.wait_indirect_dma semaphore(%arg12 : memref<!tpu.dma_semaphore, #tpu.memory_space<semaphore_mem>>) src(%dma_wait3A_212 : memref<20000x128xf32, #tpu.memory_space<hbm>>) dst(%dma_wait3A_206 : memref<128x128xf32, #tpu.memory_space<vmem>>)
      %run_scoped3A_213 = arith.constant 0 : i32
      "tpu.region"() ({
        %run_scoped3A_237 = tpu.sem_alloc : memref<!tpu.dma_semaphore, #tpu.memory_space<semaphore_mem>>
        %dma_start3A_238 = arith.constant 0 : i32
        %dma_start3A_239 = arith.constant 0 : i32
        %dma_start3A_240 = tpu.memref_slice %arg10[%run_scoped3A_213, %dma_start3A_238, %dma_start3A_239] : memref<2x128x128xf32, #tpu.memory_space<vmem>> -> memref<1x128x128xf32, #tpu.memory_space<vmem>>
        %dma_start3A_241 = tpu.memref_squeeze %dma_start3A_240 : memref<1x128x128xf32, #tpu.memory_space<vmem>> -> memref<128x128xf32, #tpu.memory_space<vmem>>
        %dma_start3A_242 = arith.constant 0 : i32
        %dma_start3A_243 = tpu.memref_slice %arg8[%add3A_197, %dma_start3A_242] : memref<40x128xi32, #tpu.memory_space<vmem>> -> memref<1x128xi32, #tpu.memory_space<vmem>>
        %dma_start3A_244 = tpu.memref_squeeze %dma_start3A_243 : memref<1x128xi32, #tpu.memory_space<vmem>> -> memref<128xi32, #tpu.memory_space<vmem>>
        %dma_start3A_245 = arith.constant 0 : i32
        %dma_start3A_246 = arith.constant 0 : i32
        %dma_start3A_247 = tpu.memref_slice %arg11[%dma_start3A_245, %dma_start3A_246] : memref<10240x128xf32, #tpu.memory_space<vmem_shared>> -> memref<10240x128xf32, #tpu.memory_space<vmem_shared>>
        tpu.enqueue_indirect_dma source(%dma_start3A_241 : memref<128x128xf32, #tpu.memory_space<vmem>>) target(%dma_start3A_247 : memref<10240x128xf32, #tpu.memory_space<vmem_shared>>) offsets(%dma_start3A_244 : memref<128xi32, #tpu.memory_space<vmem>>) semaphore(%run_scoped3A_237 : memref<!tpu.dma_semaphore, #tpu.memory_space<semaphore_mem>>) {add = true}
        %dma_wait3A_248 = arith.constant 0 : i32
        %dma_wait3A_249 = arith.constant 0 : i32
        %dma_wait3A_250 = tpu.memref_slice %arg10[%run_scoped3A_213, %dma_wait3A_248, %dma_wait3A_249] : memref<2x128x128xf32, #tpu.memory_space<vmem>> -> memref<1x128x128xf32, #tpu.memory_space<vmem>>
        %dma_wait3A_251 = tpu.memref_squeeze %dma_wait3A_250 : memref<1x128x128xf32, #tpu.memory_space<vmem>> -> memref<128x128xf32, #tpu.memory_space<vmem>>
        %dma_wait3A_252 = arith.constant 0 : i32
        %dma_wait3A_253 = tpu.memref_slice %arg8[%add3A_197, %dma_wait3A_252] : memref<40x128xi32, #tpu.memory_space<vmem>> -> memref<1x128xi32, #tpu.memory_space<vmem>>
        %dma_wait3A_254 = tpu.memref_squeeze %dma_wait3A_253 : memref<1x128xi32, #tpu.memory_space<vmem>> -> memref<128xi32, #tpu.memory_space<vmem>>
        %dma_wait3A_255 = arith.constant 0 : i32
        %dma_wait3A_256 = arith.constant 0 : i32
        %dma_wait3A_257 = tpu.memref_slice %arg11[%dma_wait3A_255, %dma_wait3A_256] : memref<10240x128xf32, #tpu.memory_space<vmem_shared>> -> memref<10240x128xf32, #tpu.memory_space<vmem_shared>>
        tpu.wait_indirect_dma semaphore(%run_scoped3A_237 : memref<!tpu.dma_semaphore, #tpu.memory_space<semaphore_mem>>) src(%dma_wait3A_251 : memref<128x128xf32, #tpu.memory_space<vmem>>) dst(%dma_wait3A_257 : memref<10240x128xf32, #tpu.memory_space<vmem_shared>>)
        tpu.yield
      }) : () -> ()
      %mul3A_214 = arith.constant 2 : i32
      %mul3A_215 = arith.muli %scan3A_193, %mul3A_214 : i32
      %add3A_216 = arith.constant 1 : i32
      %add3A_217 = arith.addi %mul3A_215, %add3A_216 : i32
      %add3A_218 = arith.constant 1 : i32
      %add3A_219 = arith.addi %add3A_217, %add3A_218 : i32
      %lt3A_220 = arith.constant 40 : i32
      %lt3A_221 = arith.cmpi slt, %add3A_219, %lt3A_220 : i32
      %convert_element_type3A_222 = arith.extui %lt3A_221 : i1 to i32
      %cond3A_223 = arith.constant 0 : i32
      %cond3A_224 = arith.cmpi ne, %convert_element_type3A_222, %cond3A_223 : i32
      scf.if %cond3A_224 {
        %add3A_237 = arith.constant 1 : i32
        %add3A_238 = arith.addi %add3A_217, %add3A_237 : i32
        %dma_start3A_239 = arith.constant 0 : i32
        %dma_start3A_240 = arith.constant 0 : i32
        %dma_start3A_241 = arith.constant 0 : i32
        %dma_start3A_242 = tpu.memref_slice %arg10[%dma_start3A_239, %dma_start3A_240, %dma_start3A_241] : memref<2x128x128xf32, #tpu.memory_space<vmem>> -> memref<1x128x128xf32, #tpu.memory_space<vmem>>
        %dma_start3A_243 = tpu.memref_squeeze %dma_start3A_242 : memref<1x128x128xf32, #tpu.memory_space<vmem>> -> memref<128x128xf32, #tpu.memory_space<vmem>>
        %dma_start3A_244 = arith.constant 0 : i32
        %dma_start3A_245 = tpu.memref_slice %arg7[%add3A_238, %dma_start3A_244] : memref<40x128xi32, #tpu.memory_space<vmem>> -> memref<1x128xi32, #tpu.memory_space<vmem>>
        %dma_start3A_246 = tpu.memref_squeeze %dma_start3A_245 : memref<1x128xi32, #tpu.memory_space<vmem>> -> memref<128xi32, #tpu.memory_space<vmem>>
        %dma_start3A_247 = arith.constant 0 : i32
        %dma_start3A_248 = arith.constant 0 : i32
        %dma_start3A_249 = tpu.memref_slice %arg2[%dma_start3A_247, %dma_start3A_248] : memref<20000x128xf32, #tpu.memory_space<hbm>> -> memref<20000x128xf32, #tpu.memory_space<hbm>>
        tpu.enqueue_indirect_dma source(%dma_start3A_249 : memref<20000x128xf32, #tpu.memory_space<hbm>>) target(%dma_start3A_243 : memref<128x128xf32, #tpu.memory_space<vmem>>) offsets(%dma_start3A_246 : memref<128xi32, #tpu.memory_space<vmem>>) semaphore(%arg12 : memref<!tpu.dma_semaphore, #tpu.memory_space<semaphore_mem>>)
      } else {
      }
      %dma_wait3A_225 = arith.constant 1 : i32
      %dma_wait3A_226 = arith.constant 0 : i32
      %dma_wait3A_227 = arith.constant 0 : i32
      %dma_wait3A_228 = tpu.memref_slice %arg10[%dma_wait3A_225, %dma_wait3A_226, %dma_wait3A_227] : memref<2x128x128xf32, #tpu.memory_space<vmem>> -> memref<1x128x128xf32, #tpu.memory_space<vmem>>
      %dma_wait3A_229 = tpu.memref_squeeze %dma_wait3A_228 : memref<1x128x128xf32, #tpu.memory_space<vmem>> -> memref<128x128xf32, #tpu.memory_space<vmem>>
      %dma_wait3A_230 = arith.constant 0 : i32
      %dma_wait3A_231 = tpu.memref_slice %arg7[%add3A_217, %dma_wait3A_230] : memref<40x128xi32, #tpu.memory_space<vmem>> -> memref<1x128xi32, #tpu.memory_space<vmem>>
      %dma_wait3A_232 = tpu.memref_squeeze %dma_wait3A_231 : memref<1x128xi32, #tpu.memory_space<vmem>> -> memref<128xi32, #tpu.memory_space<vmem>>
      %dma_wait3A_233 = arith.constant 0 : i32
      %dma_wait3A_234 = arith.constant 0 : i32
      %dma_wait3A_235 = tpu.memref_slice %arg2[%dma_wait3A_233, %dma_wait3A_234] : memref<20000x128xf32, #tpu.memory_space<hbm>> -> memref<20000x128xf32, #tpu.memory_space<hbm>>
      tpu.wait_indirect_dma semaphore(%arg12 : memref<!tpu.dma_semaphore, #tpu.memory_space<semaphore_mem>>) src(%dma_wait3A_235 : memref<20000x128xf32, #tpu.memory_space<hbm>>) dst(%dma_wait3A_229 : memref<128x128xf32, #tpu.memory_space<vmem>>)
      %run_scoped3A_236 = arith.constant 1 : i32
      "tpu.region"() ({
        %run_scoped3A_237 = tpu.sem_alloc : memref<!tpu.dma_semaphore, #tpu.memory_space<semaphore_mem>>
        %dma_start3A_238 = arith.constant 0 : i32
        %dma_start3A_239 = arith.constant 0 : i32
        %dma_start3A_240 = tpu.memref_slice %arg10[%run_scoped3A_236, %dma_start3A_238, %dma_start3A_239] : memref<2x128x128xf32, #tpu.memory_space<vmem>> -> memref<1x128x128xf32, #tpu.memory_space<vmem>>
        %dma_start3A_241 = tpu.memref_squeeze %dma_start3A_240 : memref<1x128x128xf32, #tpu.memory_space<vmem>> -> memref<128x128xf32, #tpu.memory_space<vmem>>
        %dma_start3A_242 = arith.constant 0 : i32
        %dma_start3A_243 = tpu.memref_slice %arg8[%add3A_217, %dma_start3A_242] : memref<40x128xi32, #tpu.memory_space<vmem>> -> memref<1x128xi32, #tpu.memory_space<vmem>>
        %dma_start3A_244 = tpu.memref_squeeze %dma_start3A_243 : memref<1x128xi32, #tpu.memory_space<vmem>> -> memref<128xi32, #tpu.memory_space<vmem>>
        %dma_start3A_245 = arith.constant 0 : i32
        %dma_start3A_246 = arith.constant 0 : i32
        %dma_start3A_247 = tpu.memref_slice %arg11[%dma_start3A_245, %dma_start3A_246] : memref<10240x128xf32, #tpu.memory_space<vmem_shared>> -> memref<10240x128xf32, #tpu.memory_space<vmem_shared>>
        tpu.enqueue_indirect_dma source(%dma_start3A_241 : memref<128x128xf32, #tpu.memory_space<vmem>>) target(%dma_start3A_247 : memref<10240x128xf32, #tpu.memory_space<vmem_shared>>) offsets(%dma_start3A_244 : memref<128xi32, #tpu.memory_space<vmem>>) semaphore(%run_scoped3A_237 : memref<!tpu.dma_semaphore, #tpu.memory_space<semaphore_mem>>) {add = true}
        %dma_wait3A_248 = arith.constant 0 : i32
        %dma_wait3A_249 = arith.constant 0 : i32
        %dma_wait3A_250 = tpu.memref_slice %arg10[%run_scoped3A_236, %dma_wait3A_248, %dma_wait3A_249] : memref<2x128x128xf32, #tpu.memory_space<vmem>> -> memref<1x128x128xf32, #tpu.memory_space<vmem>>
        %dma_wait3A_251 = tpu.memref_squeeze %dma_wait3A_250 : memref<1x128x128xf32, #tpu.memory_space<vmem>> -> memref<128x128xf32, #tpu.memory_space<vmem>>
        %dma_wait3A_252 = arith.constant 0 : i32
        %dma_wait3A_253 = tpu.memref_slice %arg8[%add3A_217, %dma_wait3A_252] : memref<40x128xi32, #tpu.memory_space<vmem>> -> memref<1x128xi32, #tpu.memory_space<vmem>>
        %dma_wait3A_254 = tpu.memref_squeeze %dma_wait3A_253 : memref<1x128xi32, #tpu.memory_space<vmem>> -> memref<128xi32, #tpu.memory_space<vmem>>
        %dma_wait3A_255 = arith.constant 0 : i32
        %dma_wait3A_256 = arith.constant 0 : i32
        %dma_wait3A_257 = tpu.memref_slice %arg11[%dma_wait3A_255, %dma_wait3A_256] : memref<10240x128xf32, #tpu.memory_space<vmem_shared>> -> memref<10240x128xf32, #tpu.memory_space<vmem_shared>>
        tpu.wait_indirect_dma semaphore(%run_scoped3A_237 : memref<!tpu.dma_semaphore, #tpu.memory_space<semaphore_mem>>) src(%dma_wait3A_251 : memref<128x128xf32, #tpu.memory_space<vmem>>) dst(%dma_wait3A_257 : memref<10240x128xf32, #tpu.memory_space<vmem_shared>>)
        tpu.yield
      }) : () -> ()
    }
    %scan3A_49 = arith.constant 20 : i32
    %barrier3A_50 = arith.constant 0 : index
    tpu.barrier barrier_id(%barrier3A_50)
    %dma_start3A_51 = arith.constant 0 : i32
    %dma_start3A_52 = arith.constant 0 : i32
    %dma_start3A_53 = arith.constant 0 : i32
    %dma_start3A_54 = arith.constant 0 : i32
    %dma_start3A_55 = tpu.memref_slice %arg10[%dma_start3A_52, %dma_start3A_53, %dma_start3A_54] : memref<2x128x128xf32, #tpu.memory_space<vmem>> -> memref<1x128x128xf32, #tpu.memory_space<vmem>>
    %dma_start3A_56 = tpu.memref_squeeze %dma_start3A_55 : memref<1x128x128xf32, #tpu.memory_space<vmem>> -> memref<128x128xf32, #tpu.memory_space<vmem>>
    %dma_start3A_57 = arith.constant 0 : i32
    %dma_start3A_58 = tpu.memref_slice %arg9[%dma_start3A_51, %dma_start3A_57] : memref<5x128xi32, #tpu.memory_space<vmem>> -> memref<1x128xi32, #tpu.memory_space<vmem>>
    %dma_start3A_59 = tpu.memref_squeeze %dma_start3A_58 : memref<1x128xi32, #tpu.memory_space<vmem>> -> memref<128xi32, #tpu.memory_space<vmem>>
    %dma_start3A_60 = arith.constant 0 : i32
    %dma_start3A_61 = arith.constant 0 : i32
    %dma_start3A_62 = tpu.memref_slice %arg11[%dma_start3A_60, %dma_start3A_61] : memref<10240x128xf32, #tpu.memory_space<vmem_shared>> -> memref<10240x128xf32, #tpu.memory_space<vmem_shared>>
    tpu.enqueue_indirect_dma source(%dma_start3A_62 : memref<10240x128xf32, #tpu.memory_space<vmem_shared>>) target(%dma_start3A_56 : memref<128x128xf32, #tpu.memory_space<vmem>>) offsets(%dma_start3A_59 : memref<128xi32, #tpu.memory_space<vmem>>) semaphore(%arg12 : memref<!tpu.dma_semaphore, #tpu.memory_space<semaphore_mem>>)
    %dma_wait3A = arith.constant 0 : i32
    %dma_wait3A_63 = arith.constant 0 : i32
    %dma_wait3A_64 = arith.constant 0 : i32
    %dma_wait3A_65 = arith.constant 0 : i32
    %dma_wait3A_66 = tpu.memref_slice %arg10[%dma_wait3A_63, %dma_wait3A_64, %dma_wait3A_65] : memref<2x128x128xf32, #tpu.memory_space<vmem>> -> memref<1x128x128xf32, #tpu.memory_space<vmem>>
    %dma_wait3A_67 = tpu.memref_squeeze %dma_wait3A_66 : memref<1x128x128xf32, #tpu.memory_space<vmem>> -> memref<128x128xf32, #tpu.memory_space<vmem>>
    %dma_wait3A_68 = arith.constant 0 : i32
    %dma_wait3A_69 = tpu.memref_slice %arg9[%dma_wait3A, %dma_wait3A_68] : memref<5x128xi32, #tpu.memory_space<vmem>> -> memref<1x128xi32, #tpu.memory_space<vmem>>
    %dma_wait3A_70 = tpu.memref_squeeze %dma_wait3A_69 : memref<1x128xi32, #tpu.memory_space<vmem>> -> memref<128xi32, #tpu.memory_space<vmem>>
    %dma_wait3A_71 = arith.constant 0 : i32
    %dma_wait3A_72 = arith.constant 0 : i32
    %dma_wait3A_73 = tpu.memref_slice %arg11[%dma_wait3A_71, %dma_wait3A_72] : memref<10240x128xf32, #tpu.memory_space<vmem_shared>> -> memref<10240x128xf32, #tpu.memory_space<vmem_shared>>
    tpu.wait_indirect_dma semaphore(%arg12 : memref<!tpu.dma_semaphore, #tpu.memory_space<semaphore_mem>>) src(%dma_wait3A_73 : memref<10240x128xf32, #tpu.memory_space<vmem_shared>>) dst(%dma_wait3A_67 : memref<128x128xf32, #tpu.memory_space<vmem>>)
    %mul3A = arith.constant 640 : i32
    %mul3A_74 = arith.muli %arg1, %mul3A : i32
    %add3A = arith.constant 0 : i32
    %add3A_75 = arith.addi %mul3A_74, %add3A : i32
    %run_scoped3A_76 = arith.constant 0 : i32
    "tpu.region"() ({
      %run_scoped3A_193 = tpu.sem_alloc : memref<!tpu.dma_semaphore, #tpu.memory_space<semaphore_mem>>
      %dma_start3A_194 = arith.constant 0 : i32
      %dma_start3A_195 = arith.constant 0 : i32
      %dma_start3A_196 = tpu.memref_slice %arg10[%run_scoped3A_76, %dma_start3A_194, %dma_start3A_195] : memref<2x128x128xf32, #tpu.memory_space<vmem>> -> memref<1x128x128xf32, #tpu.memory_space<vmem>>
      %dma_start3A_197 = tpu.memref_squeeze %dma_start3A_196 : memref<1x128x128xf32, #tpu.memory_space<vmem>> -> memref<128x128xf32, #tpu.memory_space<vmem>>
      %dma_start3A_198 = arith.constant 0 : i32
      %dma_start3A_199 = tpu.memref_slice %arg6[%arg0, %add3A_75, %dma_start3A_198] : memref<2x10240x128xf32, #tpu.memory_space<hbm>> -> memref<1x128x128xf32, #tpu.memory_space<hbm>>
      %dma_start3A_200 = tpu.memref_squeeze %dma_start3A_199 : memref<1x128x128xf32, #tpu.memory_space<hbm>> -> memref<128x128xf32, #tpu.memory_space<hbm>>
      %dma_start3A_201 = arith.constant 0 : i32
      %dma_start3A_202 = tpu.memref_slice %arg6[%arg0, %add3A_75, %dma_start3A_201] : memref<2x10240x128xf32, #tpu.memory_space<hbm>> -> memref<1x128x128xf32, #tpu.memory_space<hbm>>
      %dma_start3A_203 = tpu.memref_squeeze %dma_start3A_202 : memref<1x128x128xf32, #tpu.memory_space<hbm>> -> memref<128x128xf32, #tpu.memory_space<hbm>>
      %dma_start3A_204 = arith.constant 0 : i32
      %dma_start3A_205 = arith.constant 0 : i32
      %dma_start3A_206 = tpu.memref_slice %arg10[%run_scoped3A_76, %dma_start3A_204, %dma_start3A_205] : memref<2x128x128xf32, #tpu.memory_space<vmem>> -> memref<1x128x128xf32, #tpu.memory_space<vmem>>
      %dma_start3A_207 = tpu.memref_squeeze %dma_start3A_206 : memref<1x128x128xf32, #tpu.memory_space<vmem>> -> memref<128x128xf32, #tpu.memory_space<vmem>>
      tpu.enqueue_dma source(%dma_start3A_207 : memref<128x128xf32, #tpu.memory_space<vmem>>) target(%dma_start3A_203 : memref<128x128xf32, #tpu.memory_space<hbm>>) target_semaphore(%run_scoped3A_193 : memref<!tpu.dma_semaphore, #tpu.memory_space<semaphore_mem>>)
      %dma_wait3A_208 = arith.constant 0 : i32
      %dma_wait3A_209 = arith.constant 0 : i32
      %dma_wait3A_210 = tpu.memref_slice %arg10[%run_scoped3A_76, %dma_wait3A_208, %dma_wait3A_209] : memref<2x128x128xf32, #tpu.memory_space<vmem>> -> memref<1x128x128xf32, #tpu.memory_space<vmem>>
      %dma_wait3A_211 = tpu.memref_squeeze %dma_wait3A_210 : memref<1x128x128xf32, #tpu.memory_space<vmem>> -> memref<128x128xf32, #tpu.memory_space<vmem>>
      %dma_wait3A_212 = arith.constant 0 : i32
      %dma_wait3A_213 = tpu.memref_slice %arg6[%arg0, %add3A_75, %dma_wait3A_212] : memref<2x10240x128xf32, #tpu.memory_space<hbm>> -> memref<1x128x128xf32, #tpu.memory_space<hbm>>
      %dma_wait3A_214 = tpu.memref_squeeze %dma_wait3A_213 : memref<1x128x128xf32, #tpu.memory_space<hbm>> -> memref<128x128xf32, #tpu.memory_space<hbm>>
      %dma_wait3A_215 = arith.constant 0 : i32
      %dma_wait3A_216 = tpu.memref_slice %arg6[%arg0, %add3A_75, %dma_wait3A_215] : memref<2x10240x128xf32, #tpu.memory_space<hbm>> -> memref<1x128x128xf32, #tpu.memory_space<hbm>>
      %dma_wait3A_217 = tpu.memref_squeeze %dma_wait3A_216 : memref<1x128x128xf32, #tpu.memory_space<hbm>> -> memref<128x128xf32, #tpu.memory_space<hbm>>
      %dma_wait3A_218 = arith.constant 0 : i32
      %dma_wait3A_219 = arith.constant 0 : i32
      %dma_wait3A_220 = tpu.memref_slice %arg10[%run_scoped3A_76, %dma_wait3A_218, %dma_wait3A_219] : memref<2x128x128xf32, #tpu.memory_space<vmem>> -> memref<1x128x128xf32, #tpu.memory_space<vmem>>
      %dma_wait3A_221 = tpu.memref_squeeze %dma_wait3A_220 : memref<1x128x128xf32, #tpu.memory_space<vmem>> -> memref<128x128xf32, #tpu.memory_space<vmem>>
      tpu.wait_dma2 semaphore(%run_scoped3A_193 : memref<!tpu.dma_semaphore, #tpu.memory_space<semaphore_mem>>) src(%dma_wait3A_221 : memref<128x128xf32, #tpu.memory_space<vmem>>) dst(%dma_wait3A_217 : memref<128x128xf32, #tpu.memory_space<hbm>>)
      tpu.yield
    }) : () -> ()
    %dma_start3A_77 = arith.constant 1 : i32
    %dma_start3A_78 = arith.constant 0 : i32
    %dma_start3A_79 = arith.constant 0 : i32
    %dma_start3A_80 = arith.constant 0 : i32
    %dma_start3A_81 = tpu.memref_slice %arg10[%dma_start3A_78, %dma_start3A_79, %dma_start3A_80] : memref<2x128x128xf32, #tpu.memory_space<vmem>> -> memref<1x128x128xf32, #tpu.memory_space<vmem>>
    %dma_start3A_82 = tpu.memref_squeeze %dma_start3A_81 : memref<1x128x128xf32, #tpu.memory_space<vmem>> -> memref<128x128xf32, #tpu.memory_space<vmem>>
    %dma_start3A_83 = arith.constant 0 : i32
    %dma_start3A_84 = tpu.memref_slice %arg9[%dma_start3A_77, %dma_start3A_83] : memref<5x128xi32, #tpu.memory_space<vmem>> -> memref<1x128xi32, #tpu.memory_space<vmem>>
    %dma_start3A_85 = tpu.memref_squeeze %dma_start3A_84 : memref<1x128xi32, #tpu.memory_space<vmem>> -> memref<128xi32, #tpu.memory_space<vmem>>
    %dma_start3A_86 = arith.constant 0 : i32
    %dma_start3A_87 = arith.constant 0 : i32
    %dma_start3A_88 = tpu.memref_slice %arg11[%dma_start3A_86, %dma_start3A_87] : memref<10240x128xf32, #tpu.memory_space<vmem_shared>> -> memref<10240x128xf32, #tpu.memory_space<vmem_shared>>
    tpu.enqueue_indirect_dma source(%dma_start3A_88 : memref<10240x128xf32, #tpu.memory_space<vmem_shared>>) target(%dma_start3A_82 : memref<128x128xf32, #tpu.memory_space<vmem>>) offsets(%dma_start3A_85 : memref<128xi32, #tpu.memory_space<vmem>>) semaphore(%arg12 : memref<!tpu.dma_semaphore, #tpu.memory_space<semaphore_mem>>)
    %dma_wait3A_89 = arith.constant 1 : i32
    %dma_wait3A_90 = arith.constant 0 : i32
    %dma_wait3A_91 = arith.constant 0 : i32
    %dma_wait3A_92 = arith.constant 0 : i32
    %dma_wait3A_93 = tpu.memref_slice %arg10[%dma_wait3A_90, %dma_wait3A_91, %dma_wait3A_92] : memref<2x128x128xf32, #tpu.memory_space<vmem>> -> memref<1x128x128xf32, #tpu.memory_space<vmem>>
    %dma_wait3A_94 = tpu.memref_squeeze %dma_wait3A_93 : memref<1x128x128xf32, #tpu.memory_space<vmem>> -> memref<128x128xf32, #tpu.memory_space<vmem>>
    %dma_wait3A_95 = arith.constant 0 : i32
    %dma_wait3A_96 = tpu.memref_slice %arg9[%dma_wait3A_89, %dma_wait3A_95] : memref<5x128xi32, #tpu.memory_space<vmem>> -> memref<1x128xi32, #tpu.memory_space<vmem>>
    %dma_wait3A_97 = tpu.memref_squeeze %dma_wait3A_96 : memref<1x128xi32, #tpu.memory_space<vmem>> -> memref<128xi32, #tpu.memory_space<vmem>>
    %dma_wait3A_98 = arith.constant 0 : i32
    %dma_wait3A_99 = arith.constant 0 : i32
    %dma_wait3A_100 = tpu.memref_slice %arg11[%dma_wait3A_98, %dma_wait3A_99] : memref<10240x128xf32, #tpu.memory_space<vmem_shared>> -> memref<10240x128xf32, #tpu.memory_space<vmem_shared>>
    tpu.wait_indirect_dma semaphore(%arg12 : memref<!tpu.dma_semaphore, #tpu.memory_space<semaphore_mem>>) src(%dma_wait3A_100 : memref<10240x128xf32, #tpu.memory_space<vmem_shared>>) dst(%dma_wait3A_94 : memref<128x128xf32, #tpu.memory_space<vmem>>)
    %mul3A_101 = arith.constant 640 : i32
    %mul3A_102 = arith.muli %arg1, %mul3A_101 : i32
    %add3A_103 = arith.constant 128 : i32
    %add3A_104 = arith.addi %mul3A_102, %add3A_103 : i32
    %run_scoped3A_105 = arith.constant 0 : i32
    "tpu.region"() ({
      %run_scoped3A_193 = tpu.sem_alloc : memref<!tpu.dma_semaphore, #tpu.memory_space<semaphore_mem>>
      %dma_start3A_194 = arith.constant 0 : i32
      %dma_start3A_195 = arith.constant 0 : i32
      %dma_start3A_196 = tpu.memref_slice %arg10[%run_scoped3A_105, %dma_start3A_194, %dma_start3A_195] : memref<2x128x128xf32, #tpu.memory_space<vmem>> -> memref<1x128x128xf32, #tpu.memory_space<vmem>>
      %dma_start3A_197 = tpu.memref_squeeze %dma_start3A_196 : memref<1x128x128xf32, #tpu.memory_space<vmem>> -> memref<128x128xf32, #tpu.memory_space<vmem>>
      %dma_start3A_198 = arith.constant 0 : i32
      %dma_start3A_199 = tpu.memref_slice %arg6[%arg0, %add3A_104, %dma_start3A_198] : memref<2x10240x128xf32, #tpu.memory_space<hbm>> -> memref<1x128x128xf32, #tpu.memory_space<hbm>>
      %dma_start3A_200 = tpu.memref_squeeze %dma_start3A_199 : memref<1x128x128xf32, #tpu.memory_space<hbm>> -> memref<128x128xf32, #tpu.memory_space<hbm>>
      %dma_start3A_201 = arith.constant 0 : i32
      %dma_start3A_202 = tpu.memref_slice %arg6[%arg0, %add3A_104, %dma_start3A_201] : memref<2x10240x128xf32, #tpu.memory_space<hbm>> -> memref<1x128x128xf32, #tpu.memory_space<hbm>>
      %dma_start3A_203 = tpu.memref_squeeze %dma_start3A_202 : memref<1x128x128xf32, #tpu.memory_space<hbm>> -> memref<128x128xf32, #tpu.memory_space<hbm>>
      %dma_start3A_204 = arith.constant 0 : i32
      %dma_start3A_205 = arith.constant 0 : i32
      %dma_start3A_206 = tpu.memref_slice %arg10[%run_scoped3A_105, %dma_start3A_204, %dma_start3A_205] : memref<2x128x128xf32, #tpu.memory_space<vmem>> -> memref<1x128x128xf32, #tpu.memory_space<vmem>>
      %dma_start3A_207 = tpu.memref_squeeze %dma_start3A_206 : memref<1x128x128xf32, #tpu.memory_space<vmem>> -> memref<128x128xf32, #tpu.memory_space<vmem>>
      tpu.enqueue_dma source(%dma_start3A_207 : memref<128x128xf32, #tpu.memory_space<vmem>>) target(%dma_start3A_203 : memref<128x128xf32, #tpu.memory_space<hbm>>) target_semaphore(%run_scoped3A_193 : memref<!tpu.dma_semaphore, #tpu.memory_space<semaphore_mem>>)
      %dma_wait3A_208 = arith.constant 0 : i32
      %dma_wait3A_209 = arith.constant 0 : i32
      %dma_wait3A_210 = tpu.memref_slice %arg10[%run_scoped3A_105, %dma_wait3A_208, %dma_wait3A_209] : memref<2x128x128xf32, #tpu.memory_space<vmem>> -> memref<1x128x128xf32, #tpu.memory_space<vmem>>
      %dma_wait3A_211 = tpu.memref_squeeze %dma_wait3A_210 : memref<1x128x128xf32, #tpu.memory_space<vmem>> -> memref<128x128xf32, #tpu.memory_space<vmem>>
      %dma_wait3A_212 = arith.constant 0 : i32
      %dma_wait3A_213 = tpu.memref_slice %arg6[%arg0, %add3A_104, %dma_wait3A_212] : memref<2x10240x128xf32, #tpu.memory_space<hbm>> -> memref<1x128x128xf32, #tpu.memory_space<hbm>>
      %dma_wait3A_214 = tpu.memref_squeeze %dma_wait3A_213 : memref<1x128x128xf32, #tpu.memory_space<hbm>> -> memref<128x128xf32, #tpu.memory_space<hbm>>
      %dma_wait3A_215 = arith.constant 0 : i32
      %dma_wait3A_216 = tpu.memref_slice %arg6[%arg0, %add3A_104, %dma_wait3A_215] : memref<2x10240x128xf32, #tpu.memory_space<hbm>> -> memref<1x128x128xf32, #tpu.memory_space<hbm>>
      %dma_wait3A_217 = tpu.memref_squeeze %dma_wait3A_216 : memref<1x128x128xf32, #tpu.memory_space<hbm>> -> memref<128x128xf32, #tpu.memory_space<hbm>>
      %dma_wait3A_218 = arith.constant 0 : i32
      %dma_wait3A_219 = arith.constant 0 : i32
      %dma_wait3A_220 = tpu.memref_slice %arg10[%run_scoped3A_105, %dma_wait3A_218, %dma_wait3A_219] : memref<2x128x128xf32, #tpu.memory_space<vmem>> -> memref<1x128x128xf32, #tpu.memory_space<vmem>>
      %dma_wait3A_221 = tpu.memref_squeeze %dma_wait3A_220 : memref<1x128x128xf32, #tpu.memory_space<vmem>> -> memref<128x128xf32, #tpu.memory_space<vmem>>
      tpu.wait_dma2 semaphore(%run_scoped3A_193 : memref<!tpu.dma_semaphore, #tpu.memory_space<semaphore_mem>>) src(%dma_wait3A_221 : memref<128x128xf32, #tpu.memory_space<vmem>>) dst(%dma_wait3A_217 : memref<128x128xf32, #tpu.memory_space<hbm>>)
      tpu.yield
    }) : () -> ()
    %dma_start3A_106 = arith.constant 2 : i32
    %dma_start3A_107 = arith.constant 0 : i32
    %dma_start3A_108 = arith.constant 0 : i32
    %dma_start3A_109 = arith.constant 0 : i32
    %dma_start3A_110 = tpu.memref_slice %arg10[%dma_start3A_107, %dma_start3A_108, %dma_start3A_109] : memref<2x128x128xf32, #tpu.memory_space<vmem>> -> memref<1x128x128xf32, #tpu.memory_space<vmem>>
    %dma_start3A_111 = tpu.memref_squeeze %dma_start3A_110 : memref<1x128x128xf32, #tpu.memory_space<vmem>> -> memref<128x128xf32, #tpu.memory_space<vmem>>
    %dma_start3A_112 = arith.constant 0 : i32
    %dma_start3A_113 = tpu.memref_slice %arg9[%dma_start3A_106, %dma_start3A_112] : memref<5x128xi32, #tpu.memory_space<vmem>> -> memref<1x128xi32, #tpu.memory_space<vmem>>
    %dma_start3A_114 = tpu.memref_squeeze %dma_start3A_113 : memref<1x128xi32, #tpu.memory_space<vmem>> -> memref<128xi32, #tpu.memory_space<vmem>>
    %dma_start3A_115 = arith.constant 0 : i32
    %dma_start3A_116 = arith.constant 0 : i32
    %dma_start3A_117 = tpu.memref_slice %arg11[%dma_start3A_115, %dma_start3A_116] : memref<10240x128xf32, #tpu.memory_space<vmem_shared>> -> memref<10240x128xf32, #tpu.memory_space<vmem_shared>>
    tpu.enqueue_indirect_dma source(%dma_start3A_117 : memref<10240x128xf32, #tpu.memory_space<vmem_shared>>) target(%dma_start3A_111 : memref<128x128xf32, #tpu.memory_space<vmem>>) offsets(%dma_start3A_114 : memref<128xi32, #tpu.memory_space<vmem>>) semaphore(%arg12 : memref<!tpu.dma_semaphore, #tpu.memory_space<semaphore_mem>>)
    %dma_wait3A_118 = arith.constant 2 : i32
    %dma_wait3A_119 = arith.constant 0 : i32
    %dma_wait3A_120 = arith.constant 0 : i32
    %dma_wait3A_121 = arith.constant 0 : i32
    %dma_wait3A_122 = tpu.memref_slice %arg10[%dma_wait3A_119, %dma_wait3A_120, %dma_wait3A_121] : memref<2x128x128xf32, #tpu.memory_space<vmem>> -> memref<1x128x128xf32, #tpu.memory_space<vmem>>
    %dma_wait3A_123 = tpu.memref_squeeze %dma_wait3A_122 : memref<1x128x128xf32, #tpu.memory_space<vmem>> -> memref<128x128xf32, #tpu.memory_space<vmem>>
    %dma_wait3A_124 = arith.constant 0 : i32
    %dma_wait3A_125 = tpu.memref_slice %arg9[%dma_wait3A_118, %dma_wait3A_124] : memref<5x128xi32, #tpu.memory_space<vmem>> -> memref<1x128xi32, #tpu.memory_space<vmem>>
    %dma_wait3A_126 = tpu.memref_squeeze %dma_wait3A_125 : memref<1x128xi32, #tpu.memory_space<vmem>> -> memref<128xi32, #tpu.memory_space<vmem>>
    %dma_wait3A_127 = arith.constant 0 : i32
    %dma_wait3A_128 = arith.constant 0 : i32
    %dma_wait3A_129 = tpu.memref_slice %arg11[%dma_wait3A_127, %dma_wait3A_128] : memref<10240x128xf32, #tpu.memory_space<vmem_shared>> -> memref<10240x128xf32, #tpu.memory_space<vmem_shared>>
    tpu.wait_indirect_dma semaphore(%arg12 : memref<!tpu.dma_semaphore, #tpu.memory_space<semaphore_mem>>) src(%dma_wait3A_129 : memref<10240x128xf32, #tpu.memory_space<vmem_shared>>) dst(%dma_wait3A_123 : memref<128x128xf32, #tpu.memory_space<vmem>>)
    %mul3A_130 = arith.constant 640 : i32
    %mul3A_131 = arith.muli %arg1, %mul3A_130 : i32
    %add3A_132 = arith.constant 256 : i32
    %add3A_133 = arith.addi %mul3A_131, %add3A_132 : i32
    %run_scoped3A_134 = arith.constant 0 : i32
    "tpu.region"() ({
      %run_scoped3A_193 = tpu.sem_alloc : memref<!tpu.dma_semaphore, #tpu.memory_space<semaphore_mem>>
      %dma_start3A_194 = arith.constant 0 : i32
      %dma_start3A_195 = arith.constant 0 : i32
      %dma_start3A_196 = tpu.memref_slice %arg10[%run_scoped3A_134, %dma_start3A_194, %dma_start3A_195] : memref<2x128x128xf32, #tpu.memory_space<vmem>> -> memref<1x128x128xf32, #tpu.memory_space<vmem>>
      %dma_start3A_197 = tpu.memref_squeeze %dma_start3A_196 : memref<1x128x128xf32, #tpu.memory_space<vmem>> -> memref<128x128xf32, #tpu.memory_space<vmem>>
      %dma_start3A_198 = arith.constant 0 : i32
      %dma_start3A_199 = tpu.memref_slice %arg6[%arg0, %add3A_133, %dma_start3A_198] : memref<2x10240x128xf32, #tpu.memory_space<hbm>> -> memref<1x128x128xf32, #tpu.memory_space<hbm>>
      %dma_start3A_200 = tpu.memref_squeeze %dma_start3A_199 : memref<1x128x128xf32, #tpu.memory_space<hbm>> -> memref<128x128xf32, #tpu.memory_space<hbm>>
      %dma_start3A_201 = arith.constant 0 : i32
      %dma_start3A_202 = tpu.memref_slice %arg6[%arg0, %add3A_133, %dma_start3A_201] : memref<2x10240x128xf32, #tpu.memory_space<hbm>> -> memref<1x128x128xf32, #tpu.memory_space<hbm>>
      %dma_start3A_203 = tpu.memref_squeeze %dma_start3A_202 : memref<1x128x128xf32, #tpu.memory_space<hbm>> -> memref<128x128xf32, #tpu.memory_space<hbm>>
      %dma_start3A_204 = arith.constant 0 : i32
      %dma_start3A_205 = arith.constant 0 : i32
      %dma_start3A_206 = tpu.memref_slice %arg10[%run_scoped3A_134, %dma_start3A_204, %dma_start3A_205] : memref<2x128x128xf32, #tpu.memory_space<vmem>> -> memref<1x128x128xf32, #tpu.memory_space<vmem>>
      %dma_start3A_207 = tpu.memref_squeeze %dma_start3A_206 : memref<1x128x128xf32, #tpu.memory_space<vmem>> -> memref<128x128xf32, #tpu.memory_space<vmem>>
      tpu.enqueue_dma source(%dma_start3A_207 : memref<128x128xf32, #tpu.memory_space<vmem>>) target(%dma_start3A_203 : memref<128x128xf32, #tpu.memory_space<hbm>>) target_semaphore(%run_scoped3A_193 : memref<!tpu.dma_semaphore, #tpu.memory_space<semaphore_mem>>)
      %dma_wait3A_208 = arith.constant 0 : i32
      %dma_wait3A_209 = arith.constant 0 : i32
      %dma_wait3A_210 = tpu.memref_slice %arg10[%run_scoped3A_134, %dma_wait3A_208, %dma_wait3A_209] : memref<2x128x128xf32, #tpu.memory_space<vmem>> -> memref<1x128x128xf32, #tpu.memory_space<vmem>>
      %dma_wait3A_211 = tpu.memref_squeeze %dma_wait3A_210 : memref<1x128x128xf32, #tpu.memory_space<vmem>> -> memref<128x128xf32, #tpu.memory_space<vmem>>
      %dma_wait3A_212 = arith.constant 0 : i32
      %dma_wait3A_213 = tpu.memref_slice %arg6[%arg0, %add3A_133, %dma_wait3A_212] : memref<2x10240x128xf32, #tpu.memory_space<hbm>> -> memref<1x128x128xf32, #tpu.memory_space<hbm>>
      %dma_wait3A_214 = tpu.memref_squeeze %dma_wait3A_213 : memref<1x128x128xf32, #tpu.memory_space<hbm>> -> memref<128x128xf32, #tpu.memory_space<hbm>>
      %dma_wait3A_215 = arith.constant 0 : i32
      %dma_wait3A_216 = tpu.memref_slice %arg6[%arg0, %add3A_133, %dma_wait3A_215] : memref<2x10240x128xf32, #tpu.memory_space<hbm>> -> memref<1x128x128xf32, #tpu.memory_space<hbm>>
      %dma_wait3A_217 = tpu.memref_squeeze %dma_wait3A_216 : memref<1x128x128xf32, #tpu.memory_space<hbm>> -> memref<128x128xf32, #tpu.memory_space<hbm>>
      %dma_wait3A_218 = arith.constant 0 : i32
      %dma_wait3A_219 = arith.constant 0 : i32
      %dma_wait3A_220 = tpu.memref_slice %arg10[%run_scoped3A_134, %dma_wait3A_218, %dma_wait3A_219] : memref<2x128x128xf32, #tpu.memory_space<vmem>> -> memref<1x128x128xf32, #tpu.memory_space<vmem>>
      %dma_wait3A_221 = tpu.memref_squeeze %dma_wait3A_220 : memref<1x128x128xf32, #tpu.memory_space<vmem>> -> memref<128x128xf32, #tpu.memory_space<vmem>>
      tpu.wait_dma2 semaphore(%run_scoped3A_193 : memref<!tpu.dma_semaphore, #tpu.memory_space<semaphore_mem>>) src(%dma_wait3A_221 : memref<128x128xf32, #tpu.memory_space<vmem>>) dst(%dma_wait3A_217 : memref<128x128xf32, #tpu.memory_space<hbm>>)
      tpu.yield
    }) : () -> ()
    %dma_start3A_135 = arith.constant 3 : i32
    %dma_start3A_136 = arith.constant 0 : i32
    %dma_start3A_137 = arith.constant 0 : i32
    %dma_start3A_138 = arith.constant 0 : i32
    %dma_start3A_139 = tpu.memref_slice %arg10[%dma_start3A_136, %dma_start3A_137, %dma_start3A_138] : memref<2x128x128xf32, #tpu.memory_space<vmem>> -> memref<1x128x128xf32, #tpu.memory_space<vmem>>
    %dma_start3A_140 = tpu.memref_squeeze %dma_start3A_139 : memref<1x128x128xf32, #tpu.memory_space<vmem>> -> memref<128x128xf32, #tpu.memory_space<vmem>>
    %dma_start3A_141 = arith.constant 0 : i32
    %dma_start3A_142 = tpu.memref_slice %arg9[%dma_start3A_135, %dma_start3A_141] : memref<5x128xi32, #tpu.memory_space<vmem>> -> memref<1x128xi32, #tpu.memory_space<vmem>>
    %dma_start3A_143 = tpu.memref_squeeze %dma_start3A_142 : memref<1x128xi32, #tpu.memory_space<vmem>> -> memref<128xi32, #tpu.memory_space<vmem>>
    %dma_start3A_144 = arith.constant 0 : i32
    %dma_start3A_145 = arith.constant 0 : i32
    %dma_start3A_146 = tpu.memref_slice %arg11[%dma_start3A_144, %dma_start3A_145] : memref<10240x128xf32, #tpu.memory_space<vmem_shared>> -> memref<10240x128xf32, #tpu.memory_space<vmem_shared>>
    tpu.enqueue_indirect_dma source(%dma_start3A_146 : memref<10240x128xf32, #tpu.memory_space<vmem_shared>>) target(%dma_start3A_140 : memref<128x128xf32, #tpu.memory_space<vmem>>) offsets(%dma_start3A_143 : memref<128xi32, #tpu.memory_space<vmem>>) semaphore(%arg12 : memref<!tpu.dma_semaphore, #tpu.memory_space<semaphore_mem>>)
    %dma_wait3A_147 = arith.constant 3 : i32
    %dma_wait3A_148 = arith.constant 0 : i32
    %dma_wait3A_149 = arith.constant 0 : i32
    %dma_wait3A_150 = arith.constant 0 : i32
    %dma_wait3A_151 = tpu.memref_slice %arg10[%dma_wait3A_148, %dma_wait3A_149, %dma_wait3A_150] : memref<2x128x128xf32, #tpu.memory_space<vmem>> -> memref<1x128x128xf32, #tpu.memory_space<vmem>>
    %dma_wait3A_152 = tpu.memref_squeeze %dma_wait3A_151 : memref<1x128x128xf32, #tpu.memory_space<vmem>> -> memref<128x128xf32, #tpu.memory_space<vmem>>
    %dma_wait3A_153 = arith.constant 0 : i32
    %dma_wait3A_154 = tpu.memref_slice %arg9[%dma_wait3A_147, %dma_wait3A_153] : memref<5x128xi32, #tpu.memory_space<vmem>> -> memref<1x128xi32, #tpu.memory_space<vmem>>
    %dma_wait3A_155 = tpu.memref_squeeze %dma_wait3A_154 : memref<1x128xi32, #tpu.memory_space<vmem>> -> memref<128xi32, #tpu.memory_space<vmem>>
    %dma_wait3A_156 = arith.constant 0 : i32
    %dma_wait3A_157 = arith.constant 0 : i32
    %dma_wait3A_158 = tpu.memref_slice %arg11[%dma_wait3A_156, %dma_wait3A_157] : memref<10240x128xf32, #tpu.memory_space<vmem_shared>> -> memref<10240x128xf32, #tpu.memory_space<vmem_shared>>
    tpu.wait_indirect_dma semaphore(%arg12 : memref<!tpu.dma_semaphore, #tpu.memory_space<semaphore_mem>>) src(%dma_wait3A_158 : memref<10240x128xf32, #tpu.memory_space<vmem_shared>>) dst(%dma_wait3A_152 : memref<128x128xf32, #tpu.memory_space<vmem>>)
    %mul3A_159 = arith.constant 640 : i32
    %mul3A_160 = arith.muli %arg1, %mul3A_159 : i32
    %add3A_161 = arith.constant 384 : i32
    %add3A_162 = arith.addi %mul3A_160, %add3A_161 : i32
    %run_scoped3A_163 = arith.constant 0 : i32
    "tpu.region"() ({
      %run_scoped3A_193 = tpu.sem_alloc : memref<!tpu.dma_semaphore, #tpu.memory_space<semaphore_mem>>
      %dma_start3A_194 = arith.constant 0 : i32
      %dma_start3A_195 = arith.constant 0 : i32
      %dma_start3A_196 = tpu.memref_slice %arg10[%run_scoped3A_163, %dma_start3A_194, %dma_start3A_195] : memref<2x128x128xf32, #tpu.memory_space<vmem>> -> memref<1x128x128xf32, #tpu.memory_space<vmem>>
      %dma_start3A_197 = tpu.memref_squeeze %dma_start3A_196 : memref<1x128x128xf32, #tpu.memory_space<vmem>> -> memref<128x128xf32, #tpu.memory_space<vmem>>
      %dma_start3A_198 = arith.constant 0 : i32
      %dma_start3A_199 = tpu.memref_slice %arg6[%arg0, %add3A_162, %dma_start3A_198] : memref<2x10240x128xf32, #tpu.memory_space<hbm>> -> memref<1x128x128xf32, #tpu.memory_space<hbm>>
      %dma_start3A_200 = tpu.memref_squeeze %dma_start3A_199 : memref<1x128x128xf32, #tpu.memory_space<hbm>> -> memref<128x128xf32, #tpu.memory_space<hbm>>
      %dma_start3A_201 = arith.constant 0 : i32
      %dma_start3A_202 = tpu.memref_slice %arg6[%arg0, %add3A_162, %dma_start3A_201] : memref<2x10240x128xf32, #tpu.memory_space<hbm>> -> memref<1x128x128xf32, #tpu.memory_space<hbm>>
      %dma_start3A_203 = tpu.memref_squeeze %dma_start3A_202 : memref<1x128x128xf32, #tpu.memory_space<hbm>> -> memref<128x128xf32, #tpu.memory_space<hbm>>
      %dma_start3A_204 = arith.constant 0 : i32
      %dma_start3A_205 = arith.constant 0 : i32
      %dma_start3A_206 = tpu.memref_slice %arg10[%run_scoped3A_163, %dma_start3A_204, %dma_start3A_205] : memref<2x128x128xf32, #tpu.memory_space<vmem>> -> memref<1x128x128xf32, #tpu.memory_space<vmem>>
      %dma_start3A_207 = tpu.memref_squeeze %dma_start3A_206 : memref<1x128x128xf32, #tpu.memory_space<vmem>> -> memref<128x128xf32, #tpu.memory_space<vmem>>
      tpu.enqueue_dma source(%dma_start3A_207 : memref<128x128xf32, #tpu.memory_space<vmem>>) target(%dma_start3A_203 : memref<128x128xf32, #tpu.memory_space<hbm>>) target_semaphore(%run_scoped3A_193 : memref<!tpu.dma_semaphore, #tpu.memory_space<semaphore_mem>>)
      %dma_wait3A_208 = arith.constant 0 : i32
      %dma_wait3A_209 = arith.constant 0 : i32
      %dma_wait3A_210 = tpu.memref_slice %arg10[%run_scoped3A_163, %dma_wait3A_208, %dma_wait3A_209] : memref<2x128x128xf32, #tpu.memory_space<vmem>> -> memref<1x128x128xf32, #tpu.memory_space<vmem>>
      %dma_wait3A_211 = tpu.memref_squeeze %dma_wait3A_210 : memref<1x128x128xf32, #tpu.memory_space<vmem>> -> memref<128x128xf32, #tpu.memory_space<vmem>>
      %dma_wait3A_212 = arith.constant 0 : i32
      %dma_wait3A_213 = tpu.memref_slice %arg6[%arg0, %add3A_162, %dma_wait3A_212] : memref<2x10240x128xf32, #tpu.memory_space<hbm>> -> memref<1x128x128xf32, #tpu.memory_space<hbm>>
      %dma_wait3A_214 = tpu.memref_squeeze %dma_wait3A_213 : memref<1x128x128xf32, #tpu.memory_space<hbm>> -> memref<128x128xf32, #tpu.memory_space<hbm>>
      %dma_wait3A_215 = arith.constant 0 : i32
      %dma_wait3A_216 = tpu.memref_slice %arg6[%arg0, %add3A_162, %dma_wait3A_215] : memref<2x10240x128xf32, #tpu.memory_space<hbm>> -> memref<1x128x128xf32, #tpu.memory_space<hbm>>
      %dma_wait3A_217 = tpu.memref_squeeze %dma_wait3A_216 : memref<1x128x128xf32, #tpu.memory_space<hbm>> -> memref<128x128xf32, #tpu.memory_space<hbm>>
      %dma_wait3A_218 = arith.constant 0 : i32
      %dma_wait3A_219 = arith.constant 0 : i32
      %dma_wait3A_220 = tpu.memref_slice %arg10[%run_scoped3A_163, %dma_wait3A_218, %dma_wait3A_219] : memref<2x128x128xf32, #tpu.memory_space<vmem>> -> memref<1x128x128xf32, #tpu.memory_space<vmem>>
      %dma_wait3A_221 = tpu.memref_squeeze %dma_wait3A_220 : memref<1x128x128xf32, #tpu.memory_space<vmem>> -> memref<128x128xf32, #tpu.memory_space<vmem>>
      tpu.wait_dma2 semaphore(%run_scoped3A_193 : memref<!tpu.dma_semaphore, #tpu.memory_space<semaphore_mem>>) src(%dma_wait3A_221 : memref<128x128xf32, #tpu.memory_space<vmem>>) dst(%dma_wait3A_217 : memref<128x128xf32, #tpu.memory_space<hbm>>)
      tpu.yield
    }) : () -> ()
    %dma_start3A_164 = arith.constant 4 : i32
    %dma_start3A_165 = arith.constant 0 : i32
    %dma_start3A_166 = arith.constant 0 : i32
    %dma_start3A_167 = arith.constant 0 : i32
    %dma_start3A_168 = tpu.memref_slice %arg10[%dma_start3A_165, %dma_start3A_166, %dma_start3A_167] : memref<2x128x128xf32, #tpu.memory_space<vmem>> -> memref<1x128x128xf32, #tpu.memory_space<vmem>>
    %dma_start3A_169 = tpu.memref_squeeze %dma_start3A_168 : memref<1x128x128xf32, #tpu.memory_space<vmem>> -> memref<128x128xf32, #tpu.memory_space<vmem>>
    %dma_start3A_170 = arith.constant 0 : i32
    %dma_start3A_171 = tpu.memref_slice %arg9[%dma_start3A_164, %dma_start3A_170] : memref<5x128xi32, #tpu.memory_space<vmem>> -> memref<1x128xi32, #tpu.memory_space<vmem>>
    %dma_start3A_172 = tpu.memref_squeeze %dma_start3A_171 : memref<1x128xi32, #tpu.memory_space<vmem>> -> memref<128xi32, #tpu.memory_space<vmem>>
    %dma_start3A_173 = arith.constant 0 : i32
    %dma_start3A_174 = arith.constant 0 : i32
    %dma_start3A_175 = tpu.memref_slice %arg11[%dma_start3A_173, %dma_start3A_174] : memref<10240x128xf32, #tpu.memory_space<vmem_shared>> -> memref<10240x128xf32, #tpu.memory_space<vmem_shared>>
    tpu.enqueue_indirect_dma source(%dma_start3A_175 : memref<10240x128xf32, #tpu.memory_space<vmem_shared>>) target(%dma_start3A_169 : memref<128x128xf32, #tpu.memory_space<vmem>>) offsets(%dma_start3A_172 : memref<128xi32, #tpu.memory_space<vmem>>) semaphore(%arg12 : memref<!tpu.dma_semaphore, #tpu.memory_space<semaphore_mem>>)
    %dma_wait3A_176 = arith.constant 4 : i32
    %dma_wait3A_177 = arith.constant 0 : i32
    %dma_wait3A_178 = arith.constant 0 : i32
    %dma_wait3A_179 = arith.constant 0 : i32
    %dma_wait3A_180 = tpu.memref_slice %arg10[%dma_wait3A_177, %dma_wait3A_178, %dma_wait3A_179] : memref<2x128x128xf32, #tpu.memory_space<vmem>> -> memref<1x128x128xf32, #tpu.memory_space<vmem>>
    %dma_wait3A_181 = tpu.memref_squeeze %dma_wait3A_180 : memref<1x128x128xf32, #tpu.memory_space<vmem>> -> memref<128x128xf32, #tpu.memory_space<vmem>>
    %dma_wait3A_182 = arith.constant 0 : i32
    %dma_wait3A_183 = tpu.memref_slice %arg9[%dma_wait3A_176, %dma_wait3A_182] : memref<5x128xi32, #tpu.memory_space<vmem>> -> memref<1x128xi32, #tpu.memory_space<vmem>>
    %dma_wait3A_184 = tpu.memref_squeeze %dma_wait3A_183 : memref<1x128xi32, #tpu.memory_space<vmem>> -> memref<128xi32, #tpu.memory_space<vmem>>
    %dma_wait3A_185 = arith.constant 0 : i32
    %dma_wait3A_186 = arith.constant 0 : i32
    %dma_wait3A_187 = tpu.memref_slice %arg11[%dma_wait3A_185, %dma_wait3A_186] : memref<10240x128xf32, #tpu.memory_space<vmem_shared>> -> memref<10240x128xf32, #tpu.memory_space<vmem_shared>>
    tpu.wait_indirect_dma semaphore(%arg12 : memref<!tpu.dma_semaphore, #tpu.memory_space<semaphore_mem>>) src(%dma_wait3A_187 : memref<10240x128xf32, #tpu.memory_space<vmem_shared>>) dst(%dma_wait3A_181 : memref<128x128xf32, #tpu.memory_space<vmem>>)
    %mul3A_188 = arith.constant 640 : i32
    %mul3A_189 = arith.muli %arg1, %mul3A_188 : i32
    %add3A_190 = arith.constant 512 : i32
    %add3A_191 = arith.addi %mul3A_189, %add3A_190 : i32
    %run_scoped3A_192 = arith.constant 0 : i32
    "tpu.region"() ({
      %run_scoped3A_193 = tpu.sem_alloc : memref<!tpu.dma_semaphore, #tpu.memory_space<semaphore_mem>>
      %dma_start3A_194 = arith.constant 0 : i32
      %dma_start3A_195 = arith.constant 0 : i32
      %dma_start3A_196 = tpu.memref_slice %arg10[%run_scoped3A_192, %dma_start3A_194, %dma_start3A_195] : memref<2x128x128xf32, #tpu.memory_space<vmem>> -> memref<1x128x128xf32, #tpu.memory_space<vmem>>
      %dma_start3A_197 = tpu.memref_squeeze %dma_start3A_196 : memref<1x128x128xf32, #tpu.memory_space<vmem>> -> memref<128x128xf32, #tpu.memory_space<vmem>>
      %dma_start3A_198 = arith.constant 0 : i32
      %dma_start3A_199 = tpu.memref_slice %arg6[%arg0, %add3A_191, %dma_start3A_198] : memref<2x10240x128xf32, #tpu.memory_space<hbm>> -> memref<1x128x128xf32, #tpu.memory_space<hbm>>
      %dma_start3A_200 = tpu.memref_squeeze %dma_start3A_199 : memref<1x128x128xf32, #tpu.memory_space<hbm>> -> memref<128x128xf32, #tpu.memory_space<hbm>>
      %dma_start3A_201 = arith.constant 0 : i32
      %dma_start3A_202 = tpu.memref_slice %arg6[%arg0, %add3A_191, %dma_start3A_201] : memref<2x10240x128xf32, #tpu.memory_space<hbm>> -> memref<1x128x128xf32, #tpu.memory_space<hbm>>
      %dma_start3A_203 = tpu.memref_squeeze %dma_start3A_202 : memref<1x128x128xf32, #tpu.memory_space<hbm>> -> memref<128x128xf32, #tpu.memory_space<hbm>>
      %dma_start3A_204 = arith.constant 0 : i32
      %dma_start3A_205 = arith.constant 0 : i32
      %dma_start3A_206 = tpu.memref_slice %arg10[%run_scoped3A_192, %dma_start3A_204, %dma_start3A_205] : memref<2x128x128xf32, #tpu.memory_space<vmem>> -> memref<1x128x128xf32, #tpu.memory_space<vmem>>
      %dma_start3A_207 = tpu.memref_squeeze %dma_start3A_206 : memref<1x128x128xf32, #tpu.memory_space<vmem>> -> memref<128x128xf32, #tpu.memory_space<vmem>>
      tpu.enqueue_dma source(%dma_start3A_207 : memref<128x128xf32, #tpu.memory_space<vmem>>) target(%dma_start3A_203 : memref<128x128xf32, #tpu.memory_space<hbm>>) target_semaphore(%run_scoped3A_193 : memref<!tpu.dma_semaphore, #tpu.memory_space<semaphore_mem>>)
      %dma_wait3A_208 = arith.constant 0 : i32
      %dma_wait3A_209 = arith.constant 0 : i32
      %dma_wait3A_210 = tpu.memref_slice %arg10[%run_scoped3A_192, %dma_wait3A_208, %dma_wait3A_209] : memref<2x128x128xf32, #tpu.memory_space<vmem>> -> memref<1x128x128xf32, #tpu.memory_space<vmem>>
      %dma_wait3A_211 = tpu.memref_squeeze %dma_wait3A_210 : memref<1x128x128xf32, #tpu.memory_space<vmem>> -> memref<128x128xf32, #tpu.memory_space<vmem>>
      %dma_wait3A_212 = arith.constant 0 : i32
      %dma_wait3A_213 = tpu.memref_slice %arg6[%arg0, %add3A_191, %dma_wait3A_212] : memref<2x10240x128xf32, #tpu.memory_space<hbm>> -> memref<1x128x128xf32, #tpu.memory_space<hbm>>
      %dma_wait3A_214 = tpu.memref_squeeze %dma_wait3A_213 : memref<1x128x128xf32, #tpu.memory_space<hbm>> -> memref<128x128xf32, #tpu.memory_space<hbm>>
      %dma_wait3A_215 = arith.constant 0 : i32
      %dma_wait3A_216 = tpu.memref_slice %arg6[%arg0, %add3A_191, %dma_wait3A_215] : memref<2x10240x128xf32, #tpu.memory_space<hbm>> -> memref<1x128x128xf32, #tpu.memory_space<hbm>>
      %dma_wait3A_217 = tpu.memref_squeeze %dma_wait3A_216 : memref<1x128x128xf32, #tpu.memory_space<hbm>> -> memref<128x128xf32, #tpu.memory_space<hbm>>
      %dma_wait3A_218 = arith.constant 0 : i32
      %dma_wait3A_219 = arith.constant 0 : i32
      %dma_wait3A_220 = tpu.memref_slice %arg10[%run_scoped3A_192, %dma_wait3A_218, %dma_wait3A_219] : memref<2x128x128xf32, #tpu.memory_space<vmem>> -> memref<1x128x128xf32, #tpu.memory_space<vmem>>
      %dma_wait3A_221 = tpu.memref_squeeze %dma_wait3A_220 : memref<1x128x128xf32, #tpu.memory_space<vmem>> -> memref<128x128xf32, #tpu.memory_space<vmem>>
      tpu.wait_dma2 semaphore(%run_scoped3A_193 : memref<!tpu.dma_semaphore, #tpu.memory_space<semaphore_mem>>) src(%dma_wait3A_221 : memref<128x128xf32, #tpu.memory_space<vmem>>) dst(%dma_wait3A_217 : memref<128x128xf32, #tpu.memory_space<hbm>>)
      tpu.yield
    }) : () -> ()
    return
  }
}

module attributes {stable_mosaic.version = 14 : i64} {
  func.func @_mm1_body(%arg0: i32, %arg1: i32, %arg2: memref<1000x256xf32, #tpu.memory_space<vmem>>, %arg3: memref<256x128xf32, #tpu.memory_space<vmem>>, %arg4: memref<2x1000x16xf32, #tpu.memory_space<vmem>>, %arg5: memref<1x1000x128xf32, #tpu.memory_space<vmem>>) attributes {dimension_semantics = [#tpu.dimension_semantics<arbitrary>, #tpu.dimension_semantics<arbitrary>], iteration_bounds = array<i64: 10, 2>, scalar_prefetch = 0 : i64, scratch_operands = 0 : i64, tpu.core_type = #tpu.core_type<tc>, window_params = [{transform_indices = @transform_0, window_bounds = array<i64: 1000, 256>}, {transform_indices = @transform_1, window_bounds = array<i64: 256, 128>}, {transform_indices = @transform_2, window_bounds = array<i64: 2, 1000, 16>}, {transform_indices = @transform_3, window_bounds = array<i64: 1, 1000, 128>}]} {
    %get3A = arith.constant 0 : index
    %get3A_0 = arith.constant 0 : index
    %get3A_1 = vector.load %arg2[%get3A, %get3A_0] : memref<1000x256xf32, #tpu.memory_space<vmem>>, vector<1000x256xf32>
    %get3A_2 = arith.constant 0 : index
    %get3A_3 = arith.constant 0 : index
    %get3A_4 = vector.load %arg3[%get3A_2, %get3A_3] : memref<256x128xf32, #tpu.memory_space<vmem>>, vector<256x128xf32>
    %dot_general3A = arith.constant dense<0.000000e+00> : vector<1000x128xf32>
    %dot_general3A_5 = tpu.matmul %get3A_1, %get3A_4, %dot_general3A {dimension_numbers = #tpu.dot_dimension_numbers<[1], [0], [0], [1], [0, 0, 1, 1], [], []>, transpose_lhs_hint = false} : vector<1000x256xf32>, vector<256x128xf32>, vector<1000x128xf32> -> vector<1000x128xf32>
    %get3A_6 = arith.constant 0 : index
    %get3A_7 = arith.constant 0 : index
    %get3A_8 = arith.constant 0 : index
    %get3A_9 = vector.load %arg4[%get3A_6, %get3A_7, %get3A_8] : memref<2x1000x16xf32, #tpu.memory_space<vmem>>, vector<2x1000x16xf32>
    %slice3A = vector.extract_strided_slice %get3A_9 {offsets = [0, 0, 0], sizes = [1, 1000, 16], strides = [1, 1, 1]} : vector<2x1000x16xf32> to vector<1x1000x16xf32>
    %squeeze3A = vector.shape_cast %slice3A : vector<1x1000x16xf32> to vector<1000x16xf32>
    %reduce_sum3A = arith.constant dense<0.000000e+00> : vector<1000xf32>
    %reduce_sum3A_10 = vector.multi_reduction <add>, %squeeze3A, %reduce_sum3A [1] : vector<1000x16xf32> to vector<1000xf32>
    %slice3A_11 = vector.extract_strided_slice %get3A_9 {offsets = [1, 0, 0], sizes = [1, 1000, 16], strides = [1, 1, 1]} : vector<2x1000x16xf32> to vector<1x1000x16xf32>
    %squeeze3A_12 = vector.shape_cast %slice3A_11 : vector<1x1000x16xf32> to vector<1000x16xf32>
    %reduce_sum3A_13 = arith.constant dense<0.000000e+00> : vector<1000xf32>
    %reduce_sum3A_14 = vector.multi_reduction <add>, %squeeze3A_12, %reduce_sum3A_13 [1] : vector<1000x16xf32> to vector<1000xf32>
    %add3A = arith.addf %reduce_sum3A_10, %reduce_sum3A_14 : vector<1000xf32>
    %add3A_15 = arith.constant 1.000000e+00 : f32
    %add3A_16 = vector.broadcast %add3A_15 : f32 to vector<1000xf32>
    %add3A_17 = arith.addf %add3A, %add3A_16 : vector<1000xf32>
    %rsqrt3A = math.rsqrt %add3A_17 : vector<1000xf32>
    %broadcast_in_dim3A = vector.shape_cast %rsqrt3A : vector<1000xf32> to vector<1000x1xf32>
    %mul3A = vector.broadcast %broadcast_in_dim3A : vector<1000x1xf32> to vector<1000x128xf32>
    %mul3A_18 = arith.mulf %dot_general3A_5, %mul3A : vector<1000x128xf32>
    %swap3A = arith.constant 0 : index
    %swap3A_19 = arith.constant 0 : index
    %swap3A_20 = arith.constant 0 : index
    %swap3A_21 = vector.load %arg5[%swap3A, %swap3A_19, %swap3A_20] : memref<1x1000x128xf32, #tpu.memory_space<vmem>>, vector<1x1000x128xf32>
    %swap3A_22 = vector.shape_cast %swap3A_21 : vector<1x1000x128xf32> to vector<1000x128xf32>
    %swap3A_23 = vector.shape_cast %mul3A_18 : vector<1000x128xf32> to vector<1x1000x128xf32>
    tpu.vector_store %arg5[%swap3A, %swap3A_19, %swap3A_20], %swap3A_23 {strides = array<i32>} : memref<1x1000x128xf32, #tpu.memory_space<vmem>>, vector<1x1000x128xf32>,
    return
  }
  func.func @transform_0(%arg0: i32, %arg1: i32) -> (i32, i32) {
    %c0_i32 = arith.constant 0 : i32
    %c0_i32_0 = arith.constant 0 : i32
    return %arg0, %c0_i32 : i32, i32
  }
  func.func @transform_1(%arg0: i32, %arg1: i32) -> (i32, i32) {
    %c0_i32 = arith.constant 0 : i32
    %c0_i32_0 = arith.constant 0 : i32
    return %c0_i32, %arg1 : i32, i32
  }
  func.func @transform_2(%arg0: i32, %arg1: i32) -> (i32, i32, i32) {
    %c0_i32 = arith.constant 0 : i32
    %c0_i32_0 = arith.constant 0 : i32
    %c0_i32_1 = arith.constant 0 : i32
    return %c0_i32, %arg0, %c0_i32_0 : i32, i32, i32
  }
  func.func @transform_3(%arg0: i32, %arg1: i32) -> (i32, i32, i32) {
    %c0_i32 = arith.constant 0 : i32
    %c0_i32_0 = arith.constant 0 : i32
    return %arg1, %arg0, %c0_i32 : i32, i32, i32
  }
}

module attributes {stable_mosaic.version = 14 : i64} {
  func.func @_mid_body(%arg0: i32, %arg1: memref<2x1000x128xf32, #tpu.memory_space<vmem>>, %arg2: memref<2x1000x128xf32, #tpu.memory_space<vmem>>, %arg3: memref<2x1000x16xf32, #tpu.memory_space<vmem>>, %arg4: memref<1x256xf32, #tpu.memory_space<vmem>>, %arg5: memref<256x256xf32, #tpu.memory_space<vmem>>, %arg6: memref<2x1000x128xf32, #tpu.memory_space<vmem>>) attributes {dimension_semantics = [#tpu.dimension_semantics<arbitrary>], iteration_bounds = array<i64: 10>, scalar_prefetch = 0 : i64, scratch_operands = 0 : i64, tpu.core_type = #tpu.core_type<tc>, window_params = [{transform_indices = @transform_0, window_bounds = array<i64: 2, 1000, 128>}, {transform_indices = @transform_1, window_bounds = array<i64: 2, 1000, 128>}, {transform_indices = @transform_2, window_bounds = array<i64: 2, 1000, 16>}, {pipeline_mode = #tpu.pipeline_mode<synchronous>, transform_indices = @transform_3, window_bounds = array<i64: 1, 256>}, {pipeline_mode = #tpu.pipeline_mode<synchronous>, transform_indices = @transform_4, window_bounds = array<i64: 256, 256>}, {transform_indices = @transform_5, window_bounds = array<i64: 2, 1000, 128>}]} {
    %get3A = arith.constant 0 : index
    %get3A_0 = arith.constant 0 : index
    %get3A_1 = arith.constant 0 : index
    %get3A_2 = vector.load %arg3[%get3A, %get3A_0, %get3A_1] : memref<2x1000x16xf32, #tpu.memory_space<vmem>>, vector<2x1000x16xf32>
    %slice3A = vector.extract_strided_slice %get3A_2 {offsets = [0, 0, 0], sizes = [1, 1000, 16], strides = [1, 1, 1]} : vector<2x1000x16xf32> to vector<1x1000x16xf32>
    %squeeze3A = vector.shape_cast %slice3A : vector<1x1000x16xf32> to vector<1000x16xf32>
    %reduce_sum3A = arith.constant dense<0.000000e+00> : vector<1000xf32>
    %reduce_sum3A_3 = vector.multi_reduction <add>, %squeeze3A, %reduce_sum3A [1] : vector<1000x16xf32> to vector<1000xf32>
    %slice3A_4 = vector.extract_strided_slice %get3A_2 {offsets = [1, 0, 0], sizes = [1, 1000, 16], strides = [1, 1, 1]} : vector<2x1000x16xf32> to vector<1x1000x16xf32>
    %squeeze3A_5 = vector.shape_cast %slice3A_4 : vector<1x1000x16xf32> to vector<1000x16xf32>
    %reduce_sum3A_6 = arith.constant dense<0.000000e+00> : vector<1000xf32>
    %reduce_sum3A_7 = vector.multi_reduction <add>, %squeeze3A_5, %reduce_sum3A_6 [1] : vector<1000x16xf32> to vector<1000xf32>
    %add3A = arith.addf %reduce_sum3A_3, %reduce_sum3A_7 : vector<1000xf32>
    %add3A_8 = arith.constant 1.000000e+00 : f32
    %add3A_9 = vector.broadcast %add3A_8 : f32 to vector<1000xf32>
    %add3A_10 = arith.addf %add3A, %add3A_9 : vector<1000xf32>
    %rsqrt3A = math.rsqrt %add3A_10 : vector<1000xf32>
    %get3A_11 = arith.constant 0 : index
    %get3A_12 = arith.constant 0 : index
    %get3A_13 = vector.load %arg4[%get3A_11, %get3A_12] : memref<1x256xf32, #tpu.memory_space<vmem>>, vector<1x256xf32>
    %broadcast_in_dim3A = vector.shape_cast %rsqrt3A : vector<1000xf32> to vector<1000x1xf32>
    %get3A_14 = arith.constant 0 : index
    %get3A_15 = arith.constant 0 : index
    %get3A_16 = arith.constant 0 : index
    %get3A_17 = vector.load %arg1[%get3A_14, %get3A_15, %get3A_16] : memref<2x1000x128xf32, #tpu.memory_space<vmem>>, vector<1x1000x128xf32>
    %get3A_18 = vector.shape_cast %get3A_17 : vector<1x1000x128xf32> to vector<1000x128xf32>
    %get3A_19 = arith.constant 0 : index
    %get3A_20 = arith.constant 0 : index
    %get3A_21 = arith.constant 0 : index
    %get3A_22 = vector.load %arg2[%get3A_19, %get3A_20, %get3A_21] : memref<2x1000x128xf32, #tpu.memory_space<vmem>>, vector<1x1000x128xf32>
    %get3A_23 = vector.shape_cast %get3A_22 : vector<1x1000x128xf32> to vector<1000x128xf32>
    %add3A_24 = arith.addf %get3A_18, %get3A_23 : vector<1000x128xf32>
    %mul3A = vector.broadcast %broadcast_in_dim3A : vector<1000x1xf32> to vector<1000x128xf32>
    %mul3A_25 = arith.mulf %mul3A, %add3A_24 : vector<1000x128xf32>
    %slice3A_26 = vector.extract_strided_slice %get3A_13 {offsets = [0, 0], sizes = [1, 128], strides = [1, 1]} : vector<1x256xf32> to vector<1x128xf32>
    %squeeze3A_27 = vector.shape_cast %slice3A_26 : vector<1x128xf32> to vector<128xf32>
    %broadcast_in_dim3A_28 = vector.shape_cast %squeeze3A_27 : vector<128xf32> to vector<1x128xf32>
    %add3A_29 = vector.broadcast %broadcast_in_dim3A_28 : vector<1x128xf32> to vector<1000x128xf32>
    %add3A_30 = arith.addf %mul3A_25, %add3A_29 : vector<1000x128xf32>
    %broadcast_in_dim3A_31 = vector.shape_cast %rsqrt3A : vector<1000xf32> to vector<1000x1xf32>
    %get3A_32 = arith.constant 1 : index
    %get3A_33 = arith.constant 0 : index
    %get3A_34 = arith.constant 0 : index
    %get3A_35 = vector.load %arg1[%get3A_32, %get3A_33, %get3A_34] : memref<2x1000x128xf32, #tpu.memory_space<vmem>>, vector<1x1000x128xf32>
    %get3A_36 = vector.shape_cast %get3A_35 : vector<1x1000x128xf32> to vector<1000x128xf32>
    %get3A_37 = arith.constant 1 : index
    %get3A_38 = arith.constant 0 : index
    %get3A_39 = arith.constant 0 : index
    %get3A_40 = vector.load %arg2[%get3A_37, %get3A_38, %get3A_39] : memref<2x1000x128xf32, #tpu.memory_space<vmem>>, vector<1x1000x128xf32>
    %get3A_41 = vector.shape_cast %get3A_40 : vector<1x1000x128xf32> to vector<1000x128xf32>
    %add3A_42 = arith.addf %get3A_36, %get3A_41 : vector<1000x128xf32>
    %mul3A_43 = vector.broadcast %broadcast_in_dim3A_31 : vector<1000x1xf32> to vector<1000x128xf32>
    %mul3A_44 = arith.mulf %mul3A_43, %add3A_42 : vector<1000x128xf32>
    %slice3A_45 = vector.extract_strided_slice %get3A_13 {offsets = [0, 128], sizes = [1, 128], strides = [1, 1]} : vector<1x256xf32> to vector<1x128xf32>
    %squeeze3A_46 = vector.shape_cast %slice3A_45 : vector<1x128xf32> to vector<128xf32>
    %broadcast_in_dim3A_47 = vector.shape_cast %squeeze3A_46 : vector<128xf32> to vector<1x128xf32>
    %add3A_48 = vector.broadcast %broadcast_in_dim3A_47 : vector<1x128xf32> to vector<1000x128xf32>
    %add3A_49 = arith.addf %mul3A_44, %add3A_48 : vector<1000x128xf32>
    %concatenate3A = tpu.concatenate %add3A_30, %add3A_49 in 1 : vector<1000x128xf32>, vector<1000x128xf32> -> vector<1000x256xf32>
    %max3A = arith.constant 0.000000e+00 : f32
    %max3A_50 = vector.broadcast %max3A : f32 to vector<1000x256xf32>
    %max3A_51 = arith.maximumf %concatenate3A, %max3A_50 : vector<1000x256xf32>
    %get3A_52 = arith.constant 0 : index
    %get3A_53 = arith.constant 0 : index
    %get3A_54 = vector.load %arg5[%get3A_52, %get3A_53] : memref<256x256xf32, #tpu.memory_space<vmem>>, vector<256x256xf32>
    %dot_general3A = arith.constant dense<0.000000e+00> : vector<1000x256xf32>
    %dot_general3A_55 = tpu.matmul %max3A_51, %get3A_54, %dot_general3A {dimension_numbers = #tpu.dot_dimension_numbers<[1], [0], [0], [1], [0, 0, 1, 1], [], []>, transpose_lhs_hint = false} : vector<1000x256xf32>, vector<256x256xf32>, vector<1000x256xf32> -> vector<1000x256xf32>
    %slice3A_56 = vector.extract_strided_slice %dot_general3A_55 {offsets = [0, 0], sizes = [1000, 128], strides = [1, 1]} : vector<1000x256xf32> to vector<1000x128xf32>
    %broadcast_in_dim3A_57 = vector.shape_cast %rsqrt3A : vector<1000xf32> to vector<1000x1xf32>
    %mul3A_58 = vector.broadcast %broadcast_in_dim3A_57 : vector<1000x1xf32> to vector<1000x128xf32>
    %mul3A_59 = arith.mulf %slice3A_56, %mul3A_58 : vector<1000x128xf32>
    %swap3A = arith.constant 0 : index
    %swap3A_60 = arith.constant 0 : index
    %swap3A_61 = arith.constant 0 : index
    %swap3A_62 = vector.load %arg6[%swap3A, %swap3A_60, %swap3A_61] : memref<2x1000x128xf32, #tpu.memory_space<vmem>>, vector<1x1000x128xf32>
    %swap3A_63 = vector.shape_cast %swap3A_62 : vector<1x1000x128xf32> to vector<1000x128xf32>
    %swap3A_64 = vector.shape_cast %mul3A_59 : vector<1000x128xf32> to vector<1x1000x128xf32>
    tpu.vector_store %arg6[%swap3A, %swap3A_60, %swap3A_61], %swap3A_64 {strides = array<i32>} : memref<2x1000x128xf32, #tpu.memory_space<vmem>>, vector<1x1000x128xf32>,
    %slice3A_65 = vector.extract_strided_slice %dot_general3A_55 {offsets = [0, 128], sizes = [1000, 128], strides = [1, 1]} : vector<1000x256xf32> to vector<1000x128xf32>
    %broadcast_in_dim3A_66 = vector.shape_cast %rsqrt3A : vector<1000xf32> to vector<1000x1xf32>
    %mul3A_67 = vector.broadcast %broadcast_in_dim3A_66 : vector<1000x1xf32> to vector<1000x128xf32>
    %mul3A_68 = arith.mulf %slice3A_65, %mul3A_67 : vector<1000x128xf32>
    %swap3A_69 = arith.constant 1 : index
    %swap3A_70 = arith.constant 0 : index
    %swap3A_71 = arith.constant 0 : index
    %swap3A_72 = vector.load %arg6[%swap3A_69, %swap3A_70, %swap3A_71] : memref<2x1000x128xf32, #tpu.memory_space<vmem>>, vector<1x1000x128xf32>
    %swap3A_73 = vector.shape_cast %swap3A_72 : vector<1x1000x128xf32> to vector<1000x128xf32>
    %swap3A_74 = vector.shape_cast %mul3A_68 : vector<1000x128xf32> to vector<1x1000x128xf32>
    tpu.vector_store %arg6[%swap3A_69, %swap3A_70, %swap3A_71], %swap3A_74 {strides = array<i32>} : memref<2x1000x128xf32, #tpu.memory_space<vmem>>, vector<1x1000x128xf32>,
    return
  }
  func.func @transform_0(%arg0: i32) -> (i32, i32, i32) {
    %c0_i32 = arith.constant 0 : i32
    %c0_i32_0 = arith.constant 0 : i32
    %c0_i32_1 = arith.constant 0 : i32
    return %c0_i32, %arg0, %c0_i32_0 : i32, i32, i32
  }
  func.func @transform_1(%arg0: i32) -> (i32, i32, i32) {
    %c0_i32 = arith.constant 0 : i32
    %c0_i32_0 = arith.constant 0 : i32
    %c0_i32_1 = arith.constant 0 : i32
    return %c0_i32, %arg0, %c0_i32_0 : i32, i32, i32
  }
  func.func @transform_2(%arg0: i32) -> (i32, i32, i32) {
    %c0_i32 = arith.constant 0 : i32
    %c0_i32_0 = arith.constant 0 : i32
    %c0_i32_1 = arith.constant 0 : i32
    return %c0_i32, %arg0, %c0_i32_0 : i32, i32, i32
  }
  func.func @transform_3(%arg0: i32) -> (i32, i32) {
    %c0_i32 = arith.constant 0 : i32
    %c0_i32_0 = arith.constant 0 : i32
    %c0_i32_1 = arith.constant 0 : i32
    return %c0_i32, %c0_i32_0 : i32, i32
  }
  func.func @transform_4(%arg0: i32) -> (i32, i32) {
    %c0_i32 = arith.constant 0 : i32
    %c0_i32_0 = arith.constant 0 : i32
    %c0_i32_1 = arith.constant 0 : i32
    return %c0_i32, %c0_i32_0 : i32, i32
  }
  func.func @transform_5(%arg0: i32) -> (i32, i32, i32) {
    %c0_i32 = arith.constant 0 : i32
    %c0_i32_0 = arith.constant 0 : i32
    %c0_i32_1 = arith.constant 0 : i32
    return %c0_i32, %arg0, %c0_i32_0 : i32, i32, i32
  }
}

module attributes {stable_mosaic.version = 14 : i64} {
  func.func @_out_body(%arg0: i32, %arg1: memref<2x1000x128xf32, #tpu.memory_space<vmem>>, %arg2: memref<2x1000x128xf32, #tpu.memory_space<vmem>>, %arg3: memref<2x1000x16xf32, #tpu.memory_space<vmem>>, %arg4: memref<1x256xf32, #tpu.memory_space<vmem>>, %arg5: memref<1000x256xf32, #tpu.memory_space<vmem>>) attributes {dimension_semantics = [#tpu.dimension_semantics<arbitrary>], iteration_bounds = array<i64: 10>, scalar_prefetch = 0 : i64, scratch_operands = 0 : i64, tpu.core_type = #tpu.core_type<tc>, window_params = [{transform_indices = @transform_0, window_bounds = array<i64: 2, 1000, 128>}, {transform_indices = @transform_1, window_bounds = array<i64: 2, 1000, 128>}, {transform_indices = @transform_2, window_bounds = array<i64: 2, 1000, 16>}, {pipeline_mode = #tpu.pipeline_mode<synchronous>, transform_indices = @transform_3, window_bounds = array<i64: 1, 256>}, {transform_indices = @transform_4, window_bounds = array<i64: 1000, 256>}]} {
    %get3A = arith.constant 0 : index
    %get3A_0 = arith.constant 0 : index
    %get3A_1 = arith.constant 0 : index
    %get3A_2 = vector.load %arg3[%get3A, %get3A_0, %get3A_1] : memref<2x1000x16xf32, #tpu.memory_space<vmem>>, vector<2x1000x16xf32>
    %slice3A = vector.extract_strided_slice %get3A_2 {offsets = [0, 0, 0], sizes = [1, 1000, 16], strides = [1, 1, 1]} : vector<2x1000x16xf32> to vector<1x1000x16xf32>
    %squeeze3A = vector.shape_cast %slice3A : vector<1x1000x16xf32> to vector<1000x16xf32>
    %reduce_sum3A = arith.constant dense<0.000000e+00> : vector<1000xf32>
    %reduce_sum3A_3 = vector.multi_reduction <add>, %squeeze3A, %reduce_sum3A [1] : vector<1000x16xf32> to vector<1000xf32>
    %slice3A_4 = vector.extract_strided_slice %get3A_2 {offsets = [1, 0, 0], sizes = [1, 1000, 16], strides = [1, 1, 1]} : vector<2x1000x16xf32> to vector<1x1000x16xf32>
    %squeeze3A_5 = vector.shape_cast %slice3A_4 : vector<1x1000x16xf32> to vector<1000x16xf32>
    %reduce_sum3A_6 = arith.constant dense<0.000000e+00> : vector<1000xf32>
    %reduce_sum3A_7 = vector.multi_reduction <add>, %squeeze3A_5, %reduce_sum3A_6 [1] : vector<1000x16xf32> to vector<1000xf32>
    %add3A = arith.addf %reduce_sum3A_3, %reduce_sum3A_7 : vector<1000xf32>
    %add3A_8 = arith.constant 1.000000e+00 : f32
    %add3A_9 = vector.broadcast %add3A_8 : f32 to vector<1000xf32>
    %add3A_10 = arith.addf %add3A, %add3A_9 : vector<1000xf32>
    %rsqrt3A = math.rsqrt %add3A_10 : vector<1000xf32>
    %get3A_11 = arith.constant 0 : index
    %get3A_12 = arith.constant 0 : index
    %get3A_13 = vector.load %arg4[%get3A_11, %get3A_12] : memref<1x256xf32, #tpu.memory_space<vmem>>, vector<1x256xf32>
    %broadcast_in_dim3A = vector.shape_cast %rsqrt3A : vector<1000xf32> to vector<1000x1xf32>
    %get3A_14 = arith.constant 0 : index
    %get3A_15 = arith.constant 0 : index
    %get3A_16 = arith.constant 0 : index
    %get3A_17 = vector.load %arg1[%get3A_14, %get3A_15, %get3A_16] : memref<2x1000x128xf32, #tpu.memory_space<vmem>>, vector<1x1000x128xf32>
    %get3A_18 = vector.shape_cast %get3A_17 : vector<1x1000x128xf32> to vector<1000x128xf32>
    %get3A_19 = arith.constant 0 : index
    %get3A_20 = arith.constant 0 : index
    %get3A_21 = arith.constant 0 : index
    %get3A_22 = vector.load %arg2[%get3A_19, %get3A_20, %get3A_21] : memref<2x1000x128xf32, #tpu.memory_space<vmem>>, vector<1x1000x128xf32>
    %get3A_23 = vector.shape_cast %get3A_22 : vector<1x1000x128xf32> to vector<1000x128xf32>
    %add3A_24 = arith.addf %get3A_18, %get3A_23 : vector<1000x128xf32>
    %mul3A = vector.broadcast %broadcast_in_dim3A : vector<1000x1xf32> to vector<1000x128xf32>
    %mul3A_25 = arith.mulf %mul3A, %add3A_24 : vector<1000x128xf32>
    %slice3A_26 = vector.extract_strided_slice %get3A_13 {offsets = [0, 0], sizes = [1, 128], strides = [1, 1]} : vector<1x256xf32> to vector<1x128xf32>
    %squeeze3A_27 = vector.shape_cast %slice3A_26 : vector<1x128xf32> to vector<128xf32>
    %broadcast_in_dim3A_28 = vector.shape_cast %squeeze3A_27 : vector<128xf32> to vector<1x128xf32>
    %add3A_29 = vector.broadcast %broadcast_in_dim3A_28 : vector<1x128xf32> to vector<1000x128xf32>
    %add3A_30 = arith.addf %mul3A_25, %add3A_29 : vector<1000x128xf32>
    %broadcast_in_dim3A_31 = vector.shape_cast %rsqrt3A : vector<1000xf32> to vector<1000x1xf32>
    %get3A_32 = arith.constant 1 : index
    %get3A_33 = arith.constant 0 : index
    %get3A_34 = arith.constant 0 : index
    %get3A_35 = vector.load %arg1[%get3A_32, %get3A_33, %get3A_34] : memref<2x1000x128xf32, #tpu.memory_space<vmem>>, vector<1x1000x128xf32>
    %get3A_36 = vector.shape_cast %get3A_35 : vector<1x1000x128xf32> to vector<1000x128xf32>
    %get3A_37 = arith.constant 1 : index
    %get3A_38 = arith.constant 0 : index
    %get3A_39 = arith.constant 0 : index
    %get3A_40 = vector.load %arg2[%get3A_37, %get3A_38, %get3A_39] : memref<2x1000x128xf32, #tpu.memory_space<vmem>>, vector<1x1000x128xf32>
    %get3A_41 = vector.shape_cast %get3A_40 : vector<1x1000x128xf32> to vector<1000x128xf32>
    %add3A_42 = arith.addf %get3A_36, %get3A_41 : vector<1000x128xf32>
    %mul3A_43 = vector.broadcast %broadcast_in_dim3A_31 : vector<1000x1xf32> to vector<1000x128xf32>
    %mul3A_44 = arith.mulf %mul3A_43, %add3A_42 : vector<1000x128xf32>
    %slice3A_45 = vector.extract_strided_slice %get3A_13 {offsets = [0, 128], sizes = [1, 128], strides = [1, 1]} : vector<1x256xf32> to vector<1x128xf32>
    %squeeze3A_46 = vector.shape_cast %slice3A_45 : vector<1x128xf32> to vector<128xf32>
    %broadcast_in_dim3A_47 = vector.shape_cast %squeeze3A_46 : vector<128xf32> to vector<1x128xf32>
    %add3A_48 = vector.broadcast %broadcast_in_dim3A_47 : vector<1x128xf32> to vector<1000x128xf32>
    %add3A_49 = arith.addf %mul3A_44, %add3A_48 : vector<1000x128xf32>
    %concatenate3A = tpu.concatenate %add3A_30, %add3A_49 in 1 : vector<1000x128xf32>, vector<1000x128xf32> -> vector<1000x256xf32>
    %swap3A = arith.constant 0 : index
    %swap3A_50 = arith.constant 0 : index
    %swap3A_51 = vector.load %arg5[%swap3A, %swap3A_50] : memref<1000x256xf32, #tpu.memory_space<vmem>>, vector<1000x256xf32>
    tpu.vector_store %arg5[%swap3A, %swap3A_50], %concatenate3A {strides = array<i32>} : memref<1000x256xf32, #tpu.memory_space<vmem>>, vector<1000x256xf32>,
    return
  }
  func.func @transform_0(%arg0: i32) -> (i32, i32, i32) {
    %c0_i32 = arith.constant 0 : i32
    %c0_i32_0 = arith.constant 0 : i32
    %c0_i32_1 = arith.constant 0 : i32
    return %c0_i32, %arg0, %c0_i32_0 : i32, i32, i32
  }
  func.func @transform_1(%arg0: i32) -> (i32, i32, i32) {
    %c0_i32 = arith.constant 0 : i32
    %c0_i32_0 = arith.constant 0 : i32
    %c0_i32_1 = arith.constant 0 : i32
    return %c0_i32, %arg0, %c0_i32_0 : i32, i32, i32
  }
  func.func @transform_2(%arg0: i32) -> (i32, i32, i32) {
    %c0_i32 = arith.constant 0 : i32
    %c0_i32_0 = arith.constant 0 : i32
    %c0_i32_1 = arith.constant 0 : i32
    return %c0_i32, %arg0, %c0_i32_0 : i32, i32, i32
  }
  func.func @transform_3(%arg0: i32) -> (i32, i32) {
    %c0_i32 = arith.constant 0 : i32
    %c0_i32_0 = arith.constant 0 : i32
    %c0_i32_1 = arith.constant 0 : i32
    return %c0_i32, %c0_i32_0 : i32, i32
  }
  func.func @transform_4(%arg0: i32) -> (i32, i32) {
    %c0_i32 = arith.constant 0 : i32
    %c0_i32_0 = arith.constant 0 : i32
    return %arg0, %c0_i32 : i32, i32
  }
}

</mosaic_0001>

<sc_bundles>
// kernel: kernel.11.cloned.1.call-start
scs
__scs_entry_jumppad:
0x0: {  	(pc) =	sbr.rel $0x88, $3  }
0x1: {  	(tag) =	ssettag $0x0;
	lr =	simm.s32 $0x1  }
0x2: {  	[smem:$0x3F9B] =	sst lr;
	_ =	strace $0xD0000000  }
0x3: {  	_ = 	snop  }
0x4: {  	_ = 	snop  }
0x5: {  	_ = 	snop  }
0x6: {  	_ = 	snop  }
0x7: {  	_ = 	snop  }
__scs_overlays_trampoline_lowered:
0x8: {  	[smem:$0x3FAA] =	sst s0  }
0x9: {  	[smem:$0x3FAB] =	sst s1  }
0xa: {  	[smem:$0x3FAC] =	sst s2  }
0xb: {  	[smem:$0x3FAD] =	sst s3  }
0xc: {  	[smem:$0x3FAE] =	sst s4  }
0xd: {  	[smem:$0x3FAF] =	sst s5  }
0xe: {  	[smem:$0x3FB0] =	sst s6  }
0xf: {  	[smem:$0x3FB1] =	sst s7  }
0x10: {  	[smem:$0x3FB2] =	sst s8  }
0x11: {  	[smem:$0x3FB3] =	sst s9;
	s0 =	simm.s32 @!p0 $0x0  }
0x12: {  	s1 =	sld [smem:$0x3F99];
	s0 =	simm.s32 @p0 $0x1  }
0x13: {  	[smem:$0x3FB4] =	sst s0;
	s0 =	simm.s32 @!p1 $0x0  }
0x14: {  	s2 =	sld [smem:$0x3F98];
	s0 =	simm.s32 @p1 $0x1  }
0x15: {  	[smem:$0x3FB5] =	sst s0;
	s0 =	simm.s32 @!p2 $0x0  }
0x16: {  	s3 =	sld [smem:$0x3FDB];
	s0 =	simm.s32 @p2 $0x1  }
0x17: {  	s4 =	simm.s32 $0x1BF5;
	[smem:$0x3FB7] =	sst s0  }
0x18: {  	s0 =	sld [smem:$0x3F9A];
	_ =	swait.ge [sflag:s4], $0x0  }
0x19: {  	s7 =	sld [smem:$0x3F9B]  }
0x1a: {  	s8 =	sadd.s32 $0xFFFFE003, lr  }
0x1b: {  	s9 =	sadd.s32 $0xFFFFFEF7, lr;
	s5 =	simm.s32 $0xFFFFFFFF;
	p2 =	slt.u32 s8, $0xFFFFF086  }
0x1c: {  	p1 =	slt.u32 s9, $0xF7A;
	s5 =	simm.s32 @!p2 $0x0  }
0x1d: {  	s5 =	simm.s32 @p1 $0x1;
	p0 =	seq.s32 s7, s2  }
0x1e: {  	s7 =	smul.u32 @!p0 $0xF7A, s2;
	p2 =	seq.s32 @!p0 s5, $0x0  }
0x1f: {  	s9 =	smul.u32 $0xF7A, s1;
	s8 =	simm.s32 @!p0 $0x1BF5;
	p2 =	por !p2, p0  }
0x20: {  	[sflag:s8] =	ssyncset.s32 @!p0 $0xFFFFF086;
	s6 =	sadd.s32 @!p0 s3, s7;
	s7 =	simm.s32 @!p0 $0x108  }
0x21: {  	s3 =	sadd.s32 s3, s9;
	s6 =	sadd.s32 @!p0 $0x88, s6;
	s7 =	simm.s32 @p2 $0x1082  }
0x22: {  	[simem:s7], [sflag:s8] =	dma.local @!p0 [hbm:s6], $0xF7A  }
0x23: {  	s9 =	sor.u32 $0xD0000000, s2;
	s6 =	simm.s32 $0x108;
	_ =	swait.ge @!p0 [sflag:s8], $0x0  }
0x24: {  	s3 =	sadd.s32 $0x88, s3;
	s6 =	simm.s32 @!p1 $0x1082;
	[sflag:s4] =	ssyncset.s32 $0xFFFFF086  }
0x25: {  	[simem:s6], [sflag:s4] =	dma.local [hbm:s3], $0xF7A  }
0x26: {  	[smem:$0x3F9B] =	sst s1;
	(tag) =	ssettag s2;
	_ =	strace s9  }
0x27: {  	s1 =	sld [smem:$0x3FAB]  }
0x28: {  	s2 =	sld [smem:$0x3FAC]  }
0x29: {  	s4 =	sld [smem:$0x3FAE]  }
0x2a: {  	p0 =	seq.s32 s5, $0x0;
	s5 =	sld [smem:$0x3FAF]  }
0x2b: {  	s6 =	sld [smem:$0x3FB0]  }
0x2c: {  	s7 =	sld [smem:$0x3FB1]  }
0x2d: {  	s3 =	simm.s32 $0x108;
	s8 =	sld [smem:$0x3FB2]  }
0x2e: {  	s3 =	simm.s32 @!p0 $0x1082;
	s9 =	sld [smem:$0x3FB3]  }
0x2f: {  	lr =	sadd.s32 s0, s3;
	s0 =	sld [smem:$0x3FAA]  }
0x30: {  	s3 =	sld [smem:$0x3FAD]  }
0x31: {  	[smem:$0x3FB6] =	sst s10  }
0x32: {  	s10 =	sld [smem:$0x3FB4];
	_ =	sdelay $0x3  }
0x33: {  	p0 =	seq.s32 s10, $0x1;
	s10 =	sld [smem:$0x3FB6];
	_ =	sdelay $0x3  }
0x34: {  	[smem:$0x3FB6] =	sst s10  }
0x35: {  	s10 =	sld [smem:$0x3FB5];
	_ =	sdelay $0x3  }
0x36: {  	p1 =	seq.s32 s10, $0x1;
	s10 =	sld [smem:$0x3FB6];
	_ =	sdelay $0x3  }
0x37: {  	[smem:$0x3FB6] =	sst s10  }
0x38: {  	s10 =	sld [smem:$0x3FB7]  }
0x39: {  	_ = 	snop;
	(pc) =	sbr.ind lr, $3  }
0x3a: {  	_ = 	snop  }
0x3b: {  	_ = 	snop  }
0x3c: {  	p2 =	seq.s32 s10, $0x1;
	s10 =	sld [smem:$0x3FB6]  }
0x3d: {  	_ =	shalt  }
0x3e: {  	_ =	shalt  }
0x3f: {  	_ =	shalt  }
0x40: {  	_ =	shalt  }
0x41: {  	_ =	shalt  }
0x42: {  	_ =	shalt  }
0x43: {  	_ =	shalt  }
0x44: {  	_ =	shalt  }
0x45: {  	_ =	shalt  }
0x46: {  	_ =	shalt  }
0x47: {  	_ =	shalt  }
0x48: {  	_ =	shalt  }
0x49: {  	_ =	shalt  }
0x4a: {  	_ =	shalt  }
0x4b: {  	_ =	shalt  }
0x4c: {  	_ =	shalt  }
0x4d: {  	_ =	shalt  }
0x4e: {  	_ =	shalt  }
0x4f: {  	_ =	shalt  }
0x50: {  	_ =	shalt  }
0x51: {  	_ =	shalt  }
0x52: {  	_ =	shalt  }
0x53: {  	_ =	shalt  }
0x54: {  	_ =	shalt  }
0x55: {  	_ =	shalt  }
0x56: {  	_ =	shalt  }
0x57: {  	_ =	shalt  }
0x58: {  	_ =	shalt  }
0x59: {  	_ =	shalt  }
0x5a: {  	_ =	shalt  }
0x5b: {  	_ =	shalt  }
0x5c: {  	_ =	shalt  }
0x5d: {  	_ =	shalt  }
0x5e: {  	_ =	shalt  }
0x5f: {  	_ =	shalt  }
0x60: {  	_ =	shalt  }
0x61: {  	_ =	shalt  }
0x62: {  	_ =	shalt  }
0x63: {  	_ =	shalt  }
0x64: {  	_ =	shalt  }
0x65: {  	_ =	shalt  }
0x66: {  	_ =	shalt  }
0x67: {  	_ =	shalt  }
0x68: {  	_ =	shalt  }
0x69: {  	_ =	shalt  }
0x6a: {  	_ =	shalt  }
0x6b: {  	_ =	shalt  }
0x6c: {  	_ =	shalt  }
0x6d: {  	_ =	shalt  }
0x6e: {  	_ =	shalt  }
0x6f: {  	_ =	shalt  }
0x70: {  	_ =	shalt  }
0x71: {  	_ =	shalt  }
0x72: {  	_ =	shalt  }
0x73: {  	_ =	shalt  }
0x74: {  	_ =	shalt  }
0x75: {  	_ =	shalt  }
0x76: {  	_ =	shalt  }
0x77: {  	_ =	shalt  }
0x78: {  	_ =	shalt  }
0x79: {  	_ =	shalt  }
0x7a: {  	_ =	shalt  }
0x7b: {  	_ =	shalt  }
0x7c: {  	_ =	shalt  }
0x7d: {  	_ =	shalt  }
0x7e: {  	_ =	shalt  }
0x7f: {  	_ =	shalt  }
0x80: {  	_ =	shalt  }
0x81: {  	_ =	shalt  }
0x82: {  	_ =	shalt  }
0x83: {  	_ =	shalt  }
0x84: {  	_ =	shalt  }
0x85: {  	_ =	shalt  }
0x86: {  	_ =	shalt  }
0x87: {  	_ =	shalt  }
.Lfunc_end0:
.L_simem_size_0:
called_computation.1_lowered:
.L_overlay_start_0:
0x88: {  	s2 =	sld [smem:$0x3FD9]  }
0x89: {  	s3 =	sld [smem:$0x3FFE];
	_ =	sdelay $0x1  }
0x8a: {  	s1 =	srdreg.scid  }
0x8b: {  	s0 =	sand.u32 $0x1, s1  }
0x8c: {  	s17 =	sshll.u32 s0, $0xA;
	s2 =	sadd.s32 s3, s2  }
0x8d: {  	s2 =	sadd.s32 s2, s17  }
0x8e: {  	[smem:$0x3FC2] =	sst s2  }
0x8f: {  	_ = 	snop  }
0x90: {  	s2 =	sld [smem:$0x3FD0];
	(tm) =	ssettm $0x1  }
0x91: {  	s18 =	sld [smem:$0x3FFB];
	_ =	sdelay $0x3  }
0x92: {  	_ =	strace s18  }
0x93: {  	s3 =	sld [smem:$0x3FFC];
	_ =	sdelay $0x3  }
0x94: {  	_ =	strace s3  }
0x95: {  	s3 =	sld [smem:$0x3FFD];
	_ =	sdelay $0x3  }
0x96: {  	_ =	strace s3  }
0x97: {  	_ =	strace $0x8FFFFFFF  }
0x98: {  	s19 =	sld [smem:$0x3FDB];
	_ =	sdelay $0x1  }
0x99: {  	s4 =	simm.s32 $_scs_section_size  }
0x9a: {  	s5 =	simm.s32 $_size__tile_overlayer_lowered;
	s6 =	simm.s32 $_tile_overlayer_lowered  }
0x9b: {  	s22 =	simm.s32 $0x1BFF;
	s21 =	sshll.u32 s6, $0x1;
	s3 =	sadd.s32 s4, s19  }
0x9c: {  	s7 =	simm.s32 $0x0;
	s20 =	sshll.u32 s5, $0x1;
	s5 =	sadd.s32 s21, s3  }
0x9d: {  	[timem:s7], [sflag:s22] =	dma.local [hbm:s5], s20  }
0x9e: {  	_ =	swait.ge [sflag:s22], s20  }
0x9f: {  	s4 =	ssub.s32 $0x0, s20;
	[sflag:s22] =	ssyncset.done $0x0  }
0xa0: {  	[sflag:s22] =	ssyncadd.s32 s4;
	_ =	sdelay $0x1  }
0xa1: {  	s23 =	simm.s32 $0x1B8B  }
0xa2: {  	_ =	swait.ge [sflag:s23], $0x1  }
0xa3: {  	[sflag:s23] =	ssyncset.done $0x0  }
0xa4: {  	s25 =	simm.s32 $0x1B8E;
	s24 =	sld [smem:$0x3FFE];
	[sflag:s23] =	ssyncadd.s32 $0xFFFFFFFF  }
0xa5: {  	s26 =	simm.s32 $execute0_lowered;
	[smem:$0x3FD2] =	sst s25  }
0xa6: {  	s5 =	sshll.u32 s26, $0x1;
	_ =	strace $0x80000049;
	[dreg:$0x1] =	wrdreg $0xFFFFFFFF  }
0xa7: {  	s28 =	simm.s32 $_size_execute0_lowered;
	s3 =	sadd.s32 s3, s5;
	[dreg:$0x0] =	wrdreg $0x0  }
0xa8: {  	s5 =	sshll.u32 s28, $0x1;
	[dreg:$0x2] =	wrdreg s3  }
0xa9: {  	[dreg:$0x3] =	wrdreg s5  }
0xaa: {  	[dreg:$0x4] =	wrdreg $0xC0  }
0xab: {  	_ =	task [dreg:s7], $0x5FFFF  }
0xac: {  	[dreg:$0x1] =	wrdreg $0xFFFFFFFF  }
0xad: {  	[dreg:$0x0] =	wrdreg $0x60  }
0xae: {  	[dreg:$0x2] =	wrdreg s2  }
0xaf: {  	[dreg:$0x3] =	wrdreg s24  }
0xb0: {  	[dreg:$0x4] =	wrdreg $0xAC000  }
0xb1: {  	[dreg:$0x5] =	wrdreg $0x9  }
0xb2: {  	_ =	task.clear_ibuf [dreg:s7], $0x6FFFF;
	_ =	strace $0x90000049  }
0xb3: {  	s29 =	simm.s32 $0x9;
	_ =	strace $0x8000004B  }
0xb4: {  	_ =	swait.ge [sflag:s29], $0x1  }
0xb5: {  	[sflag:s29] =	ssyncadd.s32 $0xFFFFFFFF  }
0xb6: {  	_ =	strace $0x9000004B  }
0xb7: {  	_ =	sfence  }
0xb8: {  	s30 =	sld [smem:$0x0];
	_ =	sdelay $0x2  }
0xb9: {  	s31 =	sshll.u32 s1, $0xD;
	s1 =	sshrl.u32 s1, $0x2  }
0xba: {  	s3 =	sand.u32 $0x4000, s31;
	s1 =	sadd.s32 s1, s30  }
0xbb: {  	s0 =	sor.u32 s3, s0;
	s1 =	sshll.u32 s1, $0x11  }
0xbc: {  	s0 =	sor.u32 s1, s0  }
0xbd: {  	s0 =	sadd.s32 $0x8F2B, s0  }
0xbe: {  	[sflag:s0] =	ssyncadd.remote.s32 $0x1  }
0xbf: {  	_ =	sfence.sel $0xFFFF  }
0xc0: {  	[dreg:$0x0] =	wrdreg $0xFFFFFFFF;
	(pc) =	sbr.abs _section_cstart, $3  }
0xc1: {  	[dreg:$0x1] =	wrdreg $0xFFFFFFFF  }
0xc2: {  	_ =	task.clear_ibuf [dreg:s7], $0x2FFFF;
	_ =	strace $0x9FFFFFFF  }
0xc3: {  	(tm) =	ssettm $0x7FFFFFFF  }
tec
execute0_lowered:
.L_overlay_start_1:
0x0: {  	(tag) =	ssettag $0x1  }
0x1: {  	s1 =	rddreg [dreg:$0x0];
	s0 =	srdreg.scid  }
0x2: {  	s2 =	rddreg [dreg:$0x1];
	s11 =	stileid.u32  }
0x3: {  	s3 =	rddreg [dreg:$0x2];
	s4 =	simm.s32 $0x0;
	s16 =	simm.s32 $0x2800  }
0x4: {  	s17 =	simm.s32 $0x2;
	s18 =	simm.s32 $0x80;
	s19 =	simm.s32 $0x2C00  }
0x5: {  	s20 =	simm.s32 $0x2880;
	s28 =	simm.s32 $0x1380;
	s6 =	smul.u32 $0x2800, s11  }
0x6: {  	s29 =	simm.s32 $0x2700;
	s0 =	sand.u32 $0x1, s0;
	s8 =	smul.u32 $0x14000, s11  }
0x7: {  	s30 =	simm.s32 $0x2780;
	s31 =	simm.s32 $0x0;
	s5 =	smul.u32 $0x28000, s0  }
0x8: {  	[smem:$0x7FF] =	sst s4;
	s7 =	smul.u32 $0x140000, s0;
	s0 =	ssub.s32 $0x2, s0  }
0x9: {  	s22 =	sshll.u32 s11, $0x7;
	_ =	strace $0x8000004A;
	s23 =	sshrl.u32 s0, $0x1  }
0xa: {  	s5 =	sadd.s32 s6, s5;
	s6 =	sshrl.u32 s6, $0x3;
	s21 =	sadd.s32 s8, s7  }
0xb: {  	s0 =	ssub.s32 s0, s23;
	s23 =	simm.s32 $0x2A00;
	s5 =	sshrl.u32 s5, $0x3  }
0xc: {  	s10 =	sadd.s32 s6, s2;
	s6 =	sadd.s32 s22, s2;
	s15 =	smax.u32 s0, $0x1  }
0xd: {  	s22 =	simm.s32 $0x2980;
	s9 =	sadd.s32 s5, s2;
	s5 =	sshrl.u32 s21, $0x3  }
0xe: {  	s24 =	sadd.s32 $0x2200, s6;
	s26 =	sadd.s32 $0x2A00, s10;
	s21 =	simm.s32 $0x2900  }
0xf: {  	s2 =	sadd.s32 s5, s2;
	[dreg:$0x4] =	wrdreg s24;
	s25 =	sadd.s32 $0x57A00, s9  }
0x10: {  	[dreg:$0x6] =	wrdreg s26;
	s8 =	sadd.s32 $0x57C80, s9;
	s9 =	sadd.s32 $0x2C80, s10  }
0x11: {  	s24 =	simm.s32 $0x1400;
	s26 =	simm.s32 $0x1;
	[dreg:$0x5] =	wrdreg s25  }
0x12: {  	s10 =	sadd.s32 $0x61A00, s2;
	s11 =	sadd.s32 $0x62200, s2;
	s12 =	sadd.s32 $0x62A00, s2  }
0x13: {  	v0 =	vimm.f32 $0.0e+00;
	s13 =	sadd.s32 $0x63200, s2;
	s14 =	sadd.s32 $0x63A00, s2;
	s25 =	simm.s32 $0x6C00  }
.LBB2_1:
0x14: {  	s0 =	rddreg [dreg:$0x4]  }
0x15: {  	[tilespmem:s16], [sflag:$0x2] =	stream.linear.gather [hbm4b:s0+s4], $0x280, $0x38;
	[tilespmem:$0x1EC00] =	vst v63  }
0x16: {  	_ =	swait.ge [sflag:s17], $0x280  }
0x17: {  	[sflag:s17] =	ssyncset.done $0x0  }
0x18: {  	s2 =	simm.s32 $0x0;
	s0 =	simm.s32 $0x200;
	[sflag:s17] =	ssyncadd.s32 $0xFFFFFD80  }
.LBB2_2:
0x19: {  	p0 =	sne.s32 s0, $0xFE00;
	[tilespmem:s2+$0x2C70] =	vst v0  }
0x1a: {  	[tilespmem:s2+$0x2C00] =	vst v0  }
0x1b: {  	[tilespmem:s2+$0x2C10] =	vst v0  }
.Ltmp0:
0x1c: {  	[tilespmem:s2+$0x2C20] =	vst v0;
	(pc) =	sbr.rel @p0 .LBB2_2-.Ltmp0, $4  }
0x1d: {  	[tilespmem:s2+$0x2C30] =	vst v0  }
0x1e: {  	[tilespmem:s2+$0x2C40] =	vst v0  }
0x1f: {  	[tilespmem:s2+$0x2C50] =	vst v0  }
0x20: {  	[tilespmem:s2+$0x2C60] =	vst v0;
	s2 =	sshra.s32 s0, $0x2;
	s0 =	sadd.s32 $0x200, s0  }
0x21: {  	[tilespmem:s2+$0x2C70] =	vst v0  }
0x22: {  	[tilespmem:s2+$0x2C00] =	vst v0  }
0x23: {  	[tilespmem:s2+$0x2C10] =	vst v0  }
0x24: {  	[tilespmem:s2+$0x2C20] =	vst v0  }
0x25: {  	[tilespmem:s2+$0x2C30] =	vst v0  }
0x26: {  	[tilespmem:s2+$0x2C40] =	vst v0  }
0x27: {  	[tilespmem:s2+$0x2C50] =	vst v0  }
0x28: {  	[tilespmem:s2+$0x2C60] =	vst v0  }
0x29: {  	[spmem:s3] =	stream.indirect.scatter [tilespmem:s19], [sflag:$0x2], $0x80, s16, s18, $0xb8;
	[tilespmem:$0x1EC00] =	vst v63  }
0x2a: {  	_ =	swait.ge [sflag:s17], $0x4000  }
0x2b: {  	[sflag:s17] =	ssyncset.done $0x0  }
0x2c: {  	[sflag:s17] =	ssyncadd.s32 $0xFFFFC000  }
0x2d: {  	[spmem:s3] =	stream.indirect.scatter [tilespmem:s19], [sflag:$0x2], $0x80, s20, s18, $0xb8;
	[tilespmem:$0x1EC00] =	vst v63  }
0x2e: {  	_ =	swait.ge [sflag:s17], $0x4000  }
0x2f: {  	[sflag:s17] =	ssyncset.done $0x0  }
0x30: {  	[sflag:s17] =	ssyncadd.s32 $0xFFFFC000  }
0x31: {  	[spmem:s3] =	stream.indirect.scatter [tilespmem:s19], [sflag:$0x2], $0x80, s21, s18, $0xb8;
	[tilespmem:$0x1EC00] =	vst v63  }
0x32: {  	_ =	swait.ge [sflag:s17], $0x4000  }
0x33: {  	[sflag:s17] =	ssyncset.done $0x0  }
0x34: {  	[sflag:s17] =	ssyncadd.s32 $0xFFFFC000  }
0x35: {  	[spmem:s3] =	stream.indirect.scatter [tilespmem:s19], [sflag:$0x2], $0x80, s22, s18, $0xb8;
	[tilespmem:$0x1EC00] =	vst v63  }
0x36: {  	_ =	swait.ge [sflag:s17], $0x4000  }
0x37: {  	[sflag:s17] =	ssyncset.done $0x0  }
0x38: {  	[sflag:s17] =	ssyncadd.s32 $0xFFFFC000  }
0x39: {  	[spmem:s3] =	stream.indirect.scatter [tilespmem:s19], [sflag:$0x2], $0x80, s23, s18, $0xb8;
	[tilespmem:$0x1EC00] =	vst v63  }
0x3a: {  	_ =	swait.ge [sflag:s17], $0x4000  }
0x3b: {  	[sflag:s17] =	ssyncset.done $0x0  }
0x3c: {  	[sflag:s17] =	ssyncadd.s32 $0xFFFFC000  }
0x3d: {  	[bflag:$0x0] =	sbarrier.arrive $0xFFFF  }
0x3e: {  	s0 =	simm.s32 $0x0;
	s6 =	rddreg [dreg:$0x5]  }
0x3f: {  	[tilespmem:s0], [sflag:$0x2] =	stream.linear.gather [hbm4b:s6+s0], $0x1400, $0x38;
	[tilespmem:$0x1EC00] =	vst v63  }
0x40: {  	_ =	swait.ge [sflag:s17], $0x1400  }
0x41: {  	[sflag:s17] =	ssyncset.done $0x0  }
0x42: {  	s7 =	rddreg [dreg:$0x6];
	[sflag:s17] =	ssyncadd.s32 $0xFFFFEC00  }
0x43: {  	[tilespmem:s24], [sflag:$0x2] =	stream.linear.gather [hbm4b:s7+s0], $0x1400, $0x38;
	[tilespmem:$0x1EC00] =	vst v63  }
0x44: {  	_ =	swait.ge [sflag:s17], $0x1400  }
0x45: {  	[sflag:s17] =	ssyncset.done $0x0  }
0x46: {  	[sflag:s17] =	ssyncadd.s32 $0xFFFFEC00  }
0x47: {  	[tilespmem:s19], [sflag:$0x1] =	stream.indirect.gather [hbm4b:s1+s18], $0x80, s0, s18, $0xb8;
	[tilespmem:$0x1EC00] =	vst v63  }
0x48: {  	s2 =	simm.s32 $0x80  }
0x49: {  	[tilespmem:s25], [sflag:$0x1] =	stream.indirect.gather [hbm4b:s1+s18], $0x80, s2, s18, $0xb8;
	[tilespmem:$0x1EC00] =	vst v63  }
0x4a: {  	_ =	swait.ge [sflag:s26], $0x4000  }
0x4b: {  	[sflag:s26] =	ssyncset.done $0x0  }
0x4c: {  	s5 =	simm.s32 $0x1400;
	[sflag:s26] =	ssyncadd.s32 $0xFFFFC000  }
0x4d: {  	[spmem:s3] =	stream.indirect.scatter.add.f32 [tilespmem:s19], [sflag:$0x2], $0x80, s5, s18, $0xb8;
	[tilespmem:$0x1EC00] =	vst v63  }
0x4e: {  	_ =	swait.ge [sflag:s17], $0x4000  }
0x4f: {  	[sflag:s17] =	ssyncset.done $0x0  }
0x50: {  	s6 =	simm.s32 $0x100;
	[sflag:s17] =	ssyncadd.s32 $0xFFFFC000  }
0x51: {  	[tilespmem:s19], [sflag:$0x1] =	stream.indirect.gather [hbm4b:s1+s18], $0x80, s6, s18, $0xb8;
	[tilespmem:$0x1EC00] =	vst v63  }
0x52: {  	_ =	swait.ge [sflag:s26], $0x4000  }
0x53: {  	[sflag:s26] =	ssyncset.done $0x0  }
0x54: {  	s7 =	simm.s32 $0x1480;
	[sflag:s26] =	ssyncadd.s32 $0xFFFFC000  }
0x55: {  	[spmem:s3] =	stream.indirect.scatter.add.f32 [tilespmem:s25], [sflag:$0x2], $0x80, s7, s18, $0xb8;
	[tilespmem:$0x1EC00] =	vst v63  }
0x56: {  	_ =	swait.ge [sflag:s17], $0x4000  }
0x57: {  	s0 =	simm.s32 $0x800;
	s2 =	simm.s32 $0x100;
	[sflag:s17] =	ssyncset.done $0x0  }
.LBB2_4:
0x58: {  	s5 =	sadd.s32 $0x80, s2  }
0x59: {  	[sflag:s17] =	ssyncadd.s32 $0xFFFFC000;
	s6 =	smov.u32 s0;
	s7 =	sadd.s32 $0x400, s0  }
0x5a: {  	[tilespmem:s25], [sflag:$0x1] =	stream.indirect.gather [hbm4b:s1+s18], $0x80, s5, s18, $0xb8;
	[tilespmem:$0x1EC00] =	vst v63  }
0x5b: {  	p0 =	sne.s32 s0, $0x4800;
	_ =	swait.ge [sflag:s26], $0x4000  }
0x5c: {  	[sflag:s26] =	ssyncset.done $0x0  }
0x5d: {  	s0 =	sadd.s32 $0x1400, s2;
	[sflag:s26] =	ssyncadd.s32 $0xFFFFC000  }
0x5e: {  	[spmem:s3] =	stream.indirect.scatter.add.f32 [tilespmem:s19], [sflag:$0x2], $0x80, s0, s18, $0xb8;
	[tilespmem:$0x1EC00] =	vst v63  }
0x5f: {  	_ =	swait.ge [sflag:s17], $0x4000  }
0x60: {  	[sflag:s17] =	ssyncset.done $0x0  }
0x61: {  	s0 =	sadd.s32 $0x100, s2;
	[sflag:s17] =	ssyncadd.s32 $0xFFFFC000  }
0x62: {  	[tilespmem:s19], [sflag:$0x1] =	stream.indirect.gather [hbm4b:s1+s18], $0x80, s0, s18, $0xb8;
	[tilespmem:$0x1EC00] =	vst v63  }
0x63: {  	_ =	swait.ge [sflag:s26], $0x4000  }
.Ltmp1:
0x64: {  	[sflag:s26] =	ssyncset.done $0x0;
	(pc) =	sbr.rel @p0 .LBB2_4-.Ltmp1, $4  }
0x65: {  	s0 =	sadd.s32 $0x1480, s2;
	[sflag:s26] =	ssyncadd.s32 $0xFFFFC000  }
0x66: {  	[spmem:s3] =	stream.indirect.scatter.add.f32 [tilespmem:s25], [sflag:$0x2], $0x80, s0, s18, $0xb8;
	[tilespmem:$0x1EC00] =	vst v63  }
0x67: {  	_ =	swait.ge [sflag:s17], $0x4000  }
0x68: {  	s2 =	sshra.s32 s6, $0x2;
	s0 =	smov.u32 s7;
	[sflag:s17] =	ssyncset.done $0x0  }
0x69: {  	s0 =	sadd.s32 $0x80, s2;
	[sflag:s17] =	ssyncadd.s32 $0xFFFFC000  }
0x6a: {  	[tilespmem:s25], [sflag:$0x1] =	stream.indirect.gather [hbm4b:s1+s18], $0x80, s0, s18, $0xb8;
	[tilespmem:$0x1EC00] =	vst v63  }
0x6b: {  	_ =	swait.ge [sflag:s26], $0x4000  }
0x6c: {  	[sflag:s26] =	ssyncset.done $0x0  }
0x6d: {  	s7 =	sadd.s32 $0x1400, s2;
	[sflag:s26] =	ssyncadd.s32 $0xFFFFC000  }
0x6e: {  	[spmem:s3] =	stream.indirect.scatter.add.f32 [tilespmem:s19], [sflag:$0x2], $0x80, s7, s18, $0xb8;
	[tilespmem:$0x1EC00] =	vst v63  }
0x6f: {  	_ =	swait.ge [sflag:s17], $0x4000  }
0x70: {  	[sflag:s17] =	ssyncset.done $0x0  }
0x71: {  	s5 =	sadd.s32 $0x100, s2;
	[sflag:s17] =	ssyncadd.s32 $0xFFFFC000  }
0x72: {  	[tilespmem:s19], [sflag:$0x1] =	stream.indirect.gather [hbm4b:s1+s18], $0x80, s5, s18, $0xb8;
	[tilespmem:$0x1EC00] =	vst v63  }
0x73: {  	_ =	swait.ge [sflag:s26], $0x4000  }
0x74: {  	[sflag:s26] =	ssyncset.done $0x0  }
0x75: {  	s6 =	sadd.s32 $0x1480, s2;
	[sflag:s26] =	ssyncadd.s32 $0xFFFFC000  }
0x76: {  	[spmem:s3] =	stream.indirect.scatter.add.f32 [tilespmem:s25], [sflag:$0x2], $0x80, s6, s18, $0xb8;
	[tilespmem:$0x1EC00] =	vst v63  }
0x77: {  	_ =	swait.ge [sflag:s17], $0x4000  }
0x78: {  	[sflag:s17] =	ssyncset.done $0x0  }
0x79: {  	[sflag:s17] =	ssyncadd.s32 $0xFFFFC000  }
0x7a: {  	[tilespmem:s25], [sflag:$0x1] =	stream.indirect.gather [hbm4b:s1+s18], $0x80, s28, s18, $0xb8;
	[tilespmem:$0x1EC00] =	vst v63  }
0x7b: {  	_ =	swait.ge [sflag:s26], $0x4000  }
0x7c: {  	[sflag:s26] =	ssyncset.done $0x0  }
0x7d: {  	[sflag:s26] =	ssyncadd.s32 $0xFFFFC000  }
0x7e: {  	[spmem:s3] =	stream.indirect.scatter.add.f32 [tilespmem:s19], [sflag:$0x2], $0x80, s29, s18, $0xb8;
	[tilespmem:$0x1EC00] =	vst v63  }
0x7f: {  	_ =	swait.ge [sflag:s17], $0x4000  }
0x80: {  	[sflag:s17] =	ssyncset.done $0x0  }
0x81: {  	[sflag:s17] =	ssyncadd.s32 $0xFFFFC000  }
0x82: {  	_ =	swait.ge [sflag:s26], $0x4000  }
0x83: {  	[sflag:s26] =	ssyncset.done $0x0  }
0x84: {  	[sflag:s26] =	ssyncadd.s32 $0xFFFFC000  }
0x85: {  	[spmem:s3] =	stream.indirect.scatter.add.f32 [tilespmem:s25], [sflag:$0x2], $0x80, s30, s18, $0xb8;
	[tilespmem:$0x1EC00] =	vst v63  }
0x86: {  	_ =	swait.ge [sflag:s17], $0x4000  }
0x87: {  	[sflag:s17] =	ssyncset.done $0x0  }
0x88: {  	s7 =	simm.s32 $0x0;
	[sflag:s17] =	ssyncadd.s32 $0xFFFFC000  }
0x89: {  	[tilespmem:s7], [sflag:$0x2] =	stream.linear.gather [hbm4b:s8+s7], $0x1400, $0x38;
	[tilespmem:$0x1EC00] =	vst v63  }
0x8a: {  	_ =	swait.ge [sflag:s17], $0x1400  }
0x8b: {  	[sflag:s17] =	ssyncset.done $0x0  }
0x8c: {  	[sflag:s17] =	ssyncadd.s32 $0xFFFFEC00  }
0x8d: {  	[tilespmem:s24], [sflag:$0x2] =	stream.linear.gather [hbm4b:s9+s7], $0x1400, $0x38;
	[tilespmem:$0x1EC00] =	vst v63  }
0x8e: {  	_ =	swait.ge [sflag:s17], $0x1400  }
0x8f: {  	[sflag:s17] =	ssyncset.done $0x0  }
0x90: {  	[sflag:s17] =	ssyncadd.s32 $0xFFFFEC00  }
0x91: {  	[tilespmem:s19], [sflag:$0x1] =	stream.indirect.gather [hbm4b:s1+s18], $0x80, s7, s18, $0xb8;
	[tilespmem:$0x1EC00] =	vst v63  }
0x92: {  	s2 =	simm.s32 $0x80  }
0x93: {  	[tilespmem:s25], [sflag:$0x1] =	stream.indirect.gather [hbm4b:s1+s18], $0x80, s2, s18, $0xb8;
	[tilespmem:$0x1EC00] =	vst v63  }
0x94: {  	_ =	swait.ge [sflag:s26], $0x4000  }
0x95: {  	[sflag:s26] =	ssyncset.done $0x0  }
0x96: {  	s5 =	simm.s32 $0x1400;
	[sflag:s26] =	ssyncadd.s32 $0xFFFFC000  }
0x97: {  	[spmem:s3] =	stream.indirect.scatter.add.f32 [tilespmem:s19], [sflag:$0x2], $0x80, s5, s18, $0xb8;
	[tilespmem:$0x1EC00] =	vst v63  }
0x98: {  	_ =	swait.ge [sflag:s17], $0x4000  }
0x99: {  	[sflag:s17] =	ssyncset.done $0x0  }
0x9a: {  	s6 =	simm.s32 $0x100;
	[sflag:s17] =	ssyncadd.s32 $0xFFFFC000  }
0x9b: {  	[tilespmem:s19], [sflag:$0x1] =	stream.indirect.gather [hbm4b:s1+s18], $0x80, s6, s18, $0xb8;
	[tilespmem:$0x1EC00] =	vst v63  }
0x9c: {  	_ =	swait.ge [sflag:s26], $0x4000  }
0x9d: {  	[sflag:s26] =	ssyncset.done $0x0  }
0x9e: {  	s7 =	simm.s32 $0x1480;
	[sflag:s26] =	ssyncadd.s32 $0xFFFFC000  }
0x9f: {  	[spmem:s3] =	stream.indirect.scatter.add.f32 [tilespmem:s25], [sflag:$0x2], $0x80, s7, s18, $0xb8;
	[tilespmem:$0x1EC00] =	vst v63  }
0xa0: {  	_ =	swait.ge [sflag:s17], $0x4000  }
0xa1: {  	s0 =	simm.s32 $0x800;
	s2 =	simm.s32 $0x100;
	[sflag:s17] =	ssyncset.done $0x0  }
.LBB2_6:
0xa2: {  	s5 =	sadd.s32 $0x80, s2  }
0xa3: {  	[sflag:s17] =	ssyncadd.s32 $0xFFFFC000;
	s6 =	smov.u32 s0;
	s7 =	sadd.s32 $0x400, s0  }
0xa4: {  	[tilespmem:s25], [sflag:$0x1] =	stream.indirect.gather [hbm4b:s1+s18], $0x80, s5, s18, $0xb8;
	[tilespmem:$0x1EC00] =	vst v63  }
0xa5: {  	p0 =	sne.s32 s0, $0x4800;
	_ =	swait.ge [sflag:s26], $0x4000  }
0xa6: {  	[sflag:s26] =	ssyncset.done $0x0  }
0xa7: {  	s0 =	sadd.s32 $0x1400, s2;
	[sflag:s26] =	ssyncadd.s32 $0xFFFFC000  }
0xa8: {  	[spmem:s3] =	stream.indirect.scatter.add.f32 [tilespmem:s19], [sflag:$0x2], $0x80, s0, s18, $0xb8;
	[tilespmem:$0x1EC00] =	vst v63  }
0xa9: {  	_ =	swait.ge [sflag:s17], $0x4000  }
0xaa: {  	[sflag:s17] =	ssyncset.done $0x0  }
0xab: {  	s0 =	sadd.s32 $0x100, s2;
	[sflag:s17] =	ssyncadd.s32 $0xFFFFC000  }
0xac: {  	[tilespmem:s19], [sflag:$0x1] =	stream.indirect.gather [hbm4b:s1+s18], $0x80, s0, s18, $0xb8;
	[tilespmem:$0x1EC00] =	vst v63  }
0xad: {  	_ =	swait.ge [sflag:s26], $0x4000  }
.Ltmp2:
0xae: {  	[sflag:s26] =	ssyncset.done $0x0;
	(pc) =	sbr.rel @p0 .LBB2_6-.Ltmp2, $4  }
0xaf: {  	s0 =	sadd.s32 $0x1480, s2;
	[sflag:s26] =	ssyncadd.s32 $0xFFFFC000  }
0xb0: {  	[spmem:s3] =	stream.indirect.scatter.add.f32 [tilespmem:s25], [sflag:$0x2], $0x80, s0, s18, $0xb8;
	[tilespmem:$0x1EC00] =	vst v63  }
0xb1: {  	_ =	swait.ge [sflag:s17], $0x4000  }
0xb2: {  	s2 =	sshra.s32 s6, $0x2;
	s0 =	smov.u32 s7;
	[sflag:s17] =	ssyncset.done $0x0  }
0xb3: {  	s0 =	sadd.s32 $0x80, s2;
	[sflag:s17] =	ssyncadd.s32 $0xFFFFC000  }
0xb4: {  	[tilespmem:s25], [sflag:$0x1] =	stream.indirect.gather [hbm4b:s1+s18], $0x80, s0, s18, $0xb8;
	[tilespmem:$0x1EC00] =	vst v63  }
0xb5: {  	_ =	swait.ge [sflag:s26], $0x4000  }
0xb6: {  	[sflag:s26] =	ssyncset.done $0x0  }
0xb7: {  	s5 =	sadd.s32 $0x1400, s2;
	[sflag:s26] =	ssyncadd.s32 $0xFFFFC000  }
0xb8: {  	[spmem:s3] =	stream.indirect.scatter.add.f32 [tilespmem:s19], [sflag:$0x2], $0x80, s5, s18, $0xb8;
	[tilespmem:$0x1EC00] =	vst v63  }
0xb9: {  	_ =	swait.ge [sflag:s17], $0x4000  }
0xba: {  	[sflag:s17] =	ssyncset.done $0x0  }
0xbb: {  	s6 =	sadd.s32 $0x100, s2;
	[sflag:s17] =	ssyncadd.s32 $0xFFFFC000  }
0xbc: {  	[tilespmem:s19], [sflag:$0x1] =	stream.indirect.gather [hbm4b:s1+s18], $0x80, s6, s18, $0xb8;
	[tilespmem:$0x1EC00] =	vst v63  }
0xbd: {  	_ =	swait.ge [sflag:s26], $0x4000  }
0xbe: {  	[sflag:s26] =	ssyncset.done $0x0  }
0xbf: {  	s7 =	sadd.s32 $0x1480, s2;
	[sflag:s26] =	ssyncadd.s32 $0xFFFFC000  }
0xc0: {  	[spmem:s3] =	stream.indirect.scatter.add.f32 [tilespmem:s25], [sflag:$0x2], $0x80, s7, s18, $0xb8;
	[tilespmem:$0x1EC00] =	vst v63  }
0xc1: {  	_ =	swait.ge [sflag:s17], $0x4000  }
0xc2: {  	[sflag:s17] =	ssyncset.done $0x0  }
0xc3: {  	[sflag:s17] =	ssyncadd.s32 $0xFFFFC000  }
0xc4: {  	[tilespmem:s25], [sflag:$0x1] =	stream.indirect.gather [hbm4b:s1+s18], $0x80, s28, s18, $0xb8;
	[tilespmem:$0x1EC00] =	vst v63  }
0xc5: {  	_ =	swait.ge [sflag:s26], $0x4000  }
0xc6: {  	[sflag:s26] =	ssyncset.done $0x0  }
0xc7: {  	[sflag:s26] =	ssyncadd.s32 $0xFFFFC000  }
0xc8: {  	[spmem:s3] =	stream.indirect.scatter.add.f32 [tilespmem:s19], [sflag:$0x2], $0x80, s29, s18, $0xb8;
	[tilespmem:$0x1EC00] =	vst v63  }
0xc9: {  	_ =	swait.ge [sflag:s17], $0x4000  }
0xca: {  	[sflag:s17] =	ssyncset.done $0x0  }
0xcb: {  	[sflag:s17] =	ssyncadd.s32 $0xFFFFC000  }
0xcc: {  	_ =	swait.ge [sflag:s26], $0x4000  }
0xcd: {  	[sflag:s26] =	ssyncset.done $0x0  }
0xce: {  	[sflag:s26] =	ssyncadd.s32 $0xFFFFC000  }
0xcf: {  	[spmem:s3] =	stream.indirect.scatter.add.f32 [tilespmem:s25], [sflag:$0x2], $0x80, s30, s18, $0xb8;
	[tilespmem:$0x1EC00] =	vst v63  }
0xd0: {  	_ =	swait.ge [sflag:s17], $0x4000  }
0xd1: {  	[sflag:s17] =	ssyncset.done $0x0  }
0xd2: {  	[sflag:s17] =	ssyncadd.s32 $0xFFFFC000  }
0xd3: {  	[bflag:$0x0] =	sbarrier.arrive $0xFFFF  }
0xd4: {  	[tilespmem:s19], [sflag:$0x1] =	stream.indirect.gather [spmem:s3], $0x80, s16, s18, $0xb8;
	[tilespmem:$0x1EC00] =	vst v63  }
0xd5: {  	_ =	swait.ge [sflag:s26], $0x4000  }
0xd6: {  	[sflag:s26] =	ssyncset.done $0x0  }
0xd7: {  	[sflag:s26] =	ssyncadd.s32 $0xFFFFC000  }
0xd8: {  	[hbm4b:s10+s4] =	stream.linear.scatter [tilespmem:s19], [sflag:$0x2], $0x4000, $0x38;
	[tilespmem:$0x1EC00] =	vst v63  }
0xd9: {  	_ =	swait.ge [sflag:s17], $0x4000  }
0xda: {  	[sflag:s17] =	ssyncset.done $0x0  }
0xdb: {  	[sflag:s17] =	ssyncadd.s32 $0xFFFFC000  }
0xdc: {  	[tilespmem:s19], [sflag:$0x1] =	stream.indirect.gather [spmem:s3], $0x80, s20, s18, $0xb8;
	[tilespmem:$0x1EC00] =	vst v63  }
0xdd: {  	_ =	swait.ge [sflag:s26], $0x4000  }
0xde: {  	[sflag:s26] =	ssyncset.done $0x0  }
0xdf: {  	[sflag:s26] =	ssyncadd.s32 $0xFFFFC000  }
0xe0: {  	[hbm4b:s11+s4] =	stream.linear.scatter [tilespmem:s19], [sflag:$0x2], $0x4000, $0x38;
	[tilespmem:$0x1EC00] =	vst v63  }
0xe1: {  	_ =	swait.ge [sflag:s17], $0x4000  }
0xe2: {  	[sflag:s17] =	ssyncset.done $0x0  }
0xe3: {  	[sflag:s17] =	ssyncadd.s32 $0xFFFFC000  }
0xe4: {  	[tilespmem:s19], [sflag:$0x1] =	stream.indirect.gather [spmem:s3], $0x80, s21, s18, $0xb8;
	[tilespmem:$0x1EC00] =	vst v63  }
0xe5: {  	_ =	swait.ge [sflag:s26], $0x4000  }
0xe6: {  	[sflag:s26] =	ssyncset.done $0x0  }
0xe7: {  	[sflag:s26] =	ssyncadd.s32 $0xFFFFC000  }
0xe8: {  	[hbm4b:s12+s4] =	stream.linear.scatter [tilespmem:s19], [sflag:$0x2], $0x4000, $0x38;
	[tilespmem:$0x1EC00] =	vst v63  }
0xe9: {  	_ =	swait.ge [sflag:s17], $0x4000  }
0xea: {  	[sflag:s17] =	ssyncset.done $0x0  }
0xeb: {  	[sflag:s17] =	ssyncadd.s32 $0xFFFFC000  }
0xec: {  	[tilespmem:s19], [sflag:$0x1] =	stream.indirect.gather [spmem:s3], $0x80, s22, s18, $0xb8;
	[tilespmem:$0x1EC00] =	vst v63  }
0xed: {  	_ =	swait.ge [sflag:s26], $0x4000  }
0xee: {  	[sflag:s26] =	ssyncset.done $0x0  }
0xef: {  	[sflag:s26] =	ssyncadd.s32 $0xFFFFC000  }
0xf0: {  	[hbm4b:s13+s4] =	stream.linear.scatter [tilespmem:s19], [sflag:$0x2], $0x4000, $0x38;
	[tilespmem:$0x1EC00] =	vst v63  }
0xf1: {  	_ =	swait.ge [sflag:s17], $0x4000  }
0xf2: {  	[sflag:s17] =	ssyncset.done $0x0  }
0xf3: {  	[sflag:s17] =	ssyncadd.s32 $0xFFFFC000  }
0xf4: {  	[tilespmem:s19], [sflag:$0x1] =	stream.indirect.gather [spmem:s3], $0x80, s23, s18, $0xb8;
	[tilespmem:$0x1EC00] =	vst v63  }
0xf5: {  	s31 =	sadd.s32 $0x1, s31;
	_ =	swait.ge [sflag:s26], $0x4000  }
0xf6: {  	p0 =	sne.s32 s31, s15;
	[sflag:s26] =	ssyncset.done $0x0  }
.Ltmp3:
0xf7: {  	[sflag:s26] =	ssyncadd.s32 $0xFFFFC000;
	(pc) =	sbr.rel @p0 .LBB2_1-.Ltmp3, $4  }
0xf8: {  	[hbm4b:s14+s4] =	stream.linear.scatter [tilespmem:s19], [sflag:$0x2], $0x4000, $0x38;
	[tilespmem:$0x1EC00] =	vst v63  }
0xf9: {  	_ =	swait.ge [sflag:s17], $0x4000  }
0xfa: {  	[sflag:s17] =	ssyncset.done $0x0  }
0xfb: {  	[sflag:s17] =	ssyncadd.s32 $0xFFFFC000  }
0xfc: {  	_ =	sfence.sel $0x180000  }
0xfd: {  	[bflag:$0x0] =	sbarrier.arrive $0xFFFF  }
0xfe: {  	_ =	strace $0x9000004A  }
0xff: {  	s0 =	stileid.u32;
	[bflag:$0x2] =	sbarrier.arrive $0xFFFF  }
0x100: {  	p0 =	sne.s32 s0, $0x0;
	s0 =	rddreg [dreg:$0x3]  }
0x101: {  	s0 =	sadd.s32 @!p0 $0x100000, s0  }
0x102: {  	[sflag:s0] =	ssyncadd.tile.s32 @!p0 $0x1;
	_ =	shalt  }
.Lfunc_end2:
_tile_overlayer_lowered:
.L_overlay_start_2:
0x103: {  	(tag) =	ssettag $0x2  }
0x104: {  	s0 =	rddreg [dreg:$0x0];
	s2 =	stileid.u32  }
0x105: {  	s1 =	rddreg [dreg:$0x1];
	p0 =	sne.s32 s2, $0x0  }
0x106: {  	s3 =	rddreg [dreg:$0x2];
	[bflag:$0x3] =	sbarrier.arrive $0xFFFF;
	s2 =	simm.s32 @!p0 $0x1C02  }
0x107: {  	[timem:s3], [sflag:s2] =	dma.local @!p0 [hbm:s0], s1  }
0x108: {  	s0 =	simm.s32 @!p0 $0x2  }
0x109: {  	_ =	swait.ge @!p0 [sflag:s0], s1  }
0x10a: {  	s1 =	ssub.s32 @!p0 $0x0, s1;
	[sflag:s0] =	ssyncset.done @!p0 $0x0  }
0x10b: {  	[sflag:s0] =	ssyncadd.s32 @!p0 s1  }
0x10c: {  	[bflag:$0x3] =	sbarrier.arrive $0xFFFF  }
0x10d: {  	_ =	shalt  }

// kernel: kernel.14.cloned.1.call-start
scs
__scs_entry_jumppad:
0x0: {  	(pc) =	sbr.rel $0x88, $3  }
0x1: {  	(tag) =	ssettag $0x0;
	lr =	simm.s32 $0x1  }
0x2: {  	[smem:$0x3F9B] =	sst lr;
	_ =	strace $0xD0000000  }
0x3: {  	_ = 	snop  }
0x4: {  	_ = 	snop  }
0x5: {  	_ = 	snop  }
0x6: {  	_ = 	snop  }
0x7: {  	_ = 	snop  }
__scs_overlays_trampoline_lowered:
0x8: {  	[smem:$0x3FAA] =	sst s0  }
0x9: {  	[smem:$0x3FAB] =	sst s1  }
0xa: {  	[smem:$0x3FAC] =	sst s2  }
0xb: {  	[smem:$0x3FAD] =	sst s3  }
0xc: {  	[smem:$0x3FAE] =	sst s4  }
0xd: {  	[smem:$0x3FAF] =	sst s5  }
0xe: {  	[smem:$0x3FB0] =	sst s6  }
0xf: {  	[smem:$0x3FB1] =	sst s7  }
0x10: {  	[smem:$0x3FB2] =	sst s8  }
0x11: {  	[smem:$0x3FB3] =	sst s9;
	s0 =	simm.s32 @!p0 $0x0  }
0x12: {  	s1 =	sld [smem:$0x3F99];
	s0 =	simm.s32 @p0 $0x1  }
0x13: {  	[smem:$0x3FB4] =	sst s0;
	s0 =	simm.s32 @!p1 $0x0  }
0x14: {  	s2 =	sld [smem:$0x3F98];
	s0 =	simm.s32 @p1 $0x1  }
0x15: {  	[smem:$0x3FB5] =	sst s0;
	s0 =	simm.s32 @!p2 $0x0  }
0x16: {  	s3 =	sld [smem:$0x3FDB];
	s0 =	simm.s32 @p2 $0x1  }
0x17: {  	s4 =	simm.s32 $0x1BF5;
	[smem:$0x3FB7] =	sst s0  }
0x18: {  	s0 =	sld [smem:$0x3F9A];
	_ =	swait.ge [sflag:s4], $0x0  }
0x19: {  	s7 =	sld [smem:$0x3F9B]  }
0x1a: {  	s8 =	sadd.s32 $0xFFFFE003, lr  }
0x1b: {  	s9 =	sadd.s32 $0xFFFFFEF7, lr;
	s5 =	simm.s32 $0xFFFFFFFF;
	p2 =	slt.u32 s8, $0xFFFFF086  }
0x1c: {  	p1 =	slt.u32 s9, $0xF7A;
	s5 =	simm.s32 @!p2 $0x0  }
0x1d: {  	s5 =	simm.s32 @p1 $0x1;
	p0 =	seq.s32 s7, s2  }
0x1e: {  	s7 =	smul.u32 @!p0 $0xF7A, s2;
	p2 =	seq.s32 @!p0 s5, $0x0  }
0x1f: {  	s9 =	smul.u32 $0xF7A, s1;
	s8 =	simm.s32 @!p0 $0x1BF5;
	p2 =	por !p2, p0  }
0x20: {  	[sflag:s8] =	ssyncset.s32 @!p0 $0xFFFFF086;
	s6 =	sadd.s32 @!p0 s3, s7;
	s7 =	simm.s32 @!p0 $0x108  }
0x21: {  	s3 =	sadd.s32 s3, s9;
	s6 =	sadd.s32 @!p0 $0x88, s6;
	s7 =	simm.s32 @p2 $0x1082  }
0x22: {  	[simem:s7], [sflag:s8] =	dma.local @!p0 [hbm:s6], $0xF7A  }
0x23: {  	s9 =	sor.u32 $0xD0000000, s2;
	s6 =	simm.s32 $0x108;
	_ =	swait.ge @!p0 [sflag:s8], $0x0  }
0x24: {  	s3 =	sadd.s32 $0x88, s3;
	s6 =	simm.s32 @!p1 $0x1082;
	[sflag:s4] =	ssyncset.s32 $0xFFFFF086  }
0x25: {  	[simem:s6], [sflag:s4] =	dma.local [hbm:s3], $0xF7A  }
0x26: {  	[smem:$0x3F9B] =	sst s1;
	(tag) =	ssettag s2;
	_ =	strace s9  }
0x27: {  	s1 =	sld [smem:$0x3FAB]  }
0x28: {  	s2 =	sld [smem:$0x3FAC]  }
0x29: {  	s4 =	sld [smem:$0x3FAE]  }
0x2a: {  	p0 =	seq.s32 s5, $0x0;
	s5 =	sld [smem:$0x3FAF]  }
0x2b: {  	s6 =	sld [smem:$0x3FB0]  }
0x2c: {  	s7 =	sld [smem:$0x3FB1]  }
0x2d: {  	s3 =	simm.s32 $0x108;
	s8 =	sld [smem:$0x3FB2]  }
0x2e: {  	s3 =	simm.s32 @!p0 $0x1082;
	s9 =	sld [smem:$0x3FB3]  }
0x2f: {  	lr =	sadd.s32 s0, s3;
	s0 =	sld [smem:$0x3FAA]  }
0x30: {  	s3 =	sld [smem:$0x3FAD]  }
0x31: {  	[smem:$0x3FB6] =	sst s10  }
0x32: {  	s10 =	sld [smem:$0x3FB4];
	_ =	sdelay $0x3  }
0x33: {  	p0 =	seq.s32 s10, $0x1;
	s10 =	sld [smem:$0x3FB6];
	_ =	sdelay $0x3  }
0x34: {  	[smem:$0x3FB6] =	sst s10  }
0x35: {  	s10 =	sld [smem:$0x3FB5];
	_ =	sdelay $0x3  }
0x36: {  	p1 =	seq.s32 s10, $0x1;
	s10 =	sld [smem:$0x3FB6];
	_ =	sdelay $0x3  }
0x37: {  	[smem:$0x3FB6] =	sst s10  }
0x38: {  	s10 =	sld [smem:$0x3FB7]  }
0x39: {  	_ = 	snop;
	(pc) =	sbr.ind lr, $3  }
0x3a: {  	_ = 	snop  }
0x3b: {  	_ = 	snop  }
0x3c: {  	p2 =	seq.s32 s10, $0x1;
	s10 =	sld [smem:$0x3FB6]  }
0x3d: {  	_ =	shalt  }
0x3e: {  	_ =	shalt  }
0x3f: {  	_ =	shalt  }
0x40: {  	_ =	shalt  }
0x41: {  	_ =	shalt  }
0x42: {  	_ =	shalt  }
0x43: {  	_ =	shalt  }
0x44: {  	_ =	shalt  }
0x45: {  	_ =	shalt  }
0x46: {  	_ =	shalt  }
0x47: {  	_ =	shalt  }
0x48: {  	_ =	shalt  }
0x49: {  	_ =	shalt  }
0x4a: {  	_ =	shalt  }
0x4b: {  	_ =	shalt  }
0x4c: {  	_ =	shalt  }
0x4d: {  	_ =	shalt  }
0x4e: {  	_ =	shalt  }
0x4f: {  	_ =	shalt  }
0x50: {  	_ =	shalt  }
0x51: {  	_ =	shalt  }
0x52: {  	_ =	shalt  }
0x53: {  	_ =	shalt  }
0x54: {  	_ =	shalt  }
0x55: {  	_ =	shalt  }
0x56: {  	_ =	shalt  }
0x57: {  	_ =	shalt  }
0x58: {  	_ =	shalt  }
0x59: {  	_ =	shalt  }
0x5a: {  	_ =	shalt  }
0x5b: {  	_ =	shalt  }
0x5c: {  	_ =	shalt  }
0x5d: {  	_ =	shalt  }
0x5e: {  	_ =	shalt  }
0x5f: {  	_ =	shalt  }
0x60: {  	_ =	shalt  }
0x61: {  	_ =	shalt  }
0x62: {  	_ =	shalt  }
0x63: {  	_ =	shalt  }
0x64: {  	_ =	shalt  }
0x65: {  	_ =	shalt  }
0x66: {  	_ =	shalt  }
0x67: {  	_ =	shalt  }
0x68: {  	_ =	shalt  }
0x69: {  	_ =	shalt  }
0x6a: {  	_ =	shalt  }
0x6b: {  	_ =	shalt  }
0x6c: {  	_ =	shalt  }
0x6d: {  	_ =	shalt  }
0x6e: {  	_ =	shalt  }
0x6f: {  	_ =	shalt  }
0x70: {  	_ =	shalt  }
0x71: {  	_ =	shalt  }
0x72: {  	_ =	shalt  }
0x73: {  	_ =	shalt  }
0x74: {  	_ =	shalt  }
0x75: {  	_ =	shalt  }
0x76: {  	_ =	shalt  }
0x77: {  	_ =	shalt  }
0x78: {  	_ =	shalt  }
0x79: {  	_ =	shalt  }
0x7a: {  	_ =	shalt  }
0x7b: {  	_ =	shalt  }
0x7c: {  	_ =	shalt  }
0x7d: {  	_ =	shalt  }
0x7e: {  	_ =	shalt  }
0x7f: {  	_ =	shalt  }
0x80: {  	_ =	shalt  }
0x81: {  	_ =	shalt  }
0x82: {  	_ =	shalt  }
0x83: {  	_ =	shalt  }
0x84: {  	_ =	shalt  }
0x85: {  	_ =	shalt  }
0x86: {  	_ =	shalt  }
0x87: {  	_ =	shalt  }
.Lfunc_end0:
.L_simem_size_0:
called_computation.2_lowered:
.L_overlay_start_0:
0x88: {  	s2 =	sld [smem:$0x3FD9]  }
0x89: {  	s3 =	sld [smem:$0x3FFE];
	_ =	sdelay $0x1  }
0x8a: {  	s1 =	srdreg.scid  }
0x8b: {  	s0 =	sand.u32 $0x1, s1  }
0x8c: {  	s17 =	sshll.u32 s0, $0xA;
	s2 =	sadd.s32 s3, s2  }
0x8d: {  	s2 =	sadd.s32 s2, s17  }
0x8e: {  	[smem:$0x3FC2] =	sst s2  }
0x8f: {  	_ = 	snop  }
0x90: {  	s2 =	sld [smem:$0x3FD0];
	(tm) =	ssettm $0x1  }
0x91: {  	s18 =	sld [smem:$0x3FFB];
	_ =	sdelay $0x3  }
0x92: {  	_ =	strace s18  }
0x93: {  	s3 =	sld [smem:$0x3FFC];
	_ =	sdelay $0x3  }
0x94: {  	_ =	strace s3  }
0x95: {  	s3 =	sld [smem:$0x3FFD];
	_ =	sdelay $0x3  }
0x96: {  	_ =	strace s3  }
0x97: {  	_ =	strace $0x8FFFFFFF  }
0x98: {  	s19 =	sld [smem:$0x3FDB];
	_ =	sdelay $0x1  }
0x99: {  	s4 =	simm.s32 $_scs_section_size  }
0x9a: {  	s5 =	simm.s32 $_size__tile_overlayer_lowered;
	s6 =	simm.s32 $_tile_overlayer_lowered  }
0x9b: {  	s22 =	simm.s32 $0x1BFF;
	s21 =	sshll.u32 s6, $0x1;
	s3 =	sadd.s32 s4, s19  }
0x9c: {  	s7 =	simm.s32 $0x0;
	s20 =	sshll.u32 s5, $0x1;
	s5 =	sadd.s32 s21, s3  }
0x9d: {  	[timem:s7], [sflag:s22] =	dma.local [hbm:s5], s20  }
0x9e: {  	_ =	swait.ge [sflag:s22], s20  }
0x9f: {  	s4 =	ssub.s32 $0x0, s20;
	[sflag:s22] =	ssyncset.done $0x0  }
0xa0: {  	[sflag:s22] =	ssyncadd.s32 s4;
	_ =	sdelay $0x1  }
0xa1: {  	s23 =	simm.s32 $0x1B8B  }
0xa2: {  	_ =	swait.ge [sflag:s23], $0x1  }
0xa3: {  	[sflag:s23] =	ssyncset.done $0x0  }
0xa4: {  	s25 =	simm.s32 $0x1B8E;
	s24 =	sld [smem:$0x3FFE];
	[sflag:s23] =	ssyncadd.s32 $0xFFFFFFFF  }
0xa5: {  	s26 =	simm.s32 $execute0_lowered;
	[smem:$0x3FD2] =	sst s25  }
0xa6: {  	s5 =	sshll.u32 s26, $0x1;
	_ =	strace $0x8000004C;
	[dreg:$0x1] =	wrdreg $0xFFFFFFFF  }
0xa7: {  	s28 =	simm.s32 $_size_execute0_lowered;
	s3 =	sadd.s32 s3, s5;
	[dreg:$0x0] =	wrdreg $0x0  }
0xa8: {  	s5 =	sshll.u32 s28, $0x1;
	[dreg:$0x2] =	wrdreg s3  }
0xa9: {  	[dreg:$0x3] =	wrdreg s5  }
0xaa: {  	[dreg:$0x4] =	wrdreg $0xC0  }
0xab: {  	_ =	task [dreg:s7], $0x5FFFF  }
0xac: {  	[dreg:$0x1] =	wrdreg $0xFFFFFFFF  }
0xad: {  	[dreg:$0x0] =	wrdreg $0x60  }
0xae: {  	[dreg:$0x2] =	wrdreg s2  }
0xaf: {  	[dreg:$0x3] =	wrdreg s24  }
0xb0: {  	[dreg:$0x4] =	wrdreg $0xAC000  }
0xb1: {  	[dreg:$0x5] =	wrdreg $0x9  }
0xb2: {  	_ =	task.clear_ibuf [dreg:s7], $0x6FFFF;
	_ =	strace $0x9000004C  }
0xb3: {  	s29 =	simm.s32 $0x9;
	_ =	strace $0x8000004E  }
0xb4: {  	_ =	swait.ge [sflag:s29], $0x1  }
0xb5: {  	[sflag:s29] =	ssyncadd.s32 $0xFFFFFFFF  }
0xb6: {  	_ =	strace $0x9000004E  }
0xb7: {  	_ =	sfence  }
0xb8: {  	s30 =	sld [smem:$0x0];
	_ =	sdelay $0x2  }
0xb9: {  	s31 =	sshll.u32 s1, $0xD;
	s1 =	sshrl.u32 s1, $0x2  }
0xba: {  	s3 =	sand.u32 $0x4000, s31;
	s1 =	sadd.s32 s1, s30  }
0xbb: {  	s0 =	sor.u32 s3, s0;
	s1 =	sshll.u32 s1, $0x11  }
0xbc: {  	s0 =	sor.u32 s1, s0  }
0xbd: {  	s0 =	sadd.s32 $0x8F2B, s0  }
0xbe: {  	[sflag:s0] =	ssyncadd.remote.s32 $0x1  }
0xbf: {  	_ =	sfence.sel $0xFFFF  }
0xc0: {  	[dreg:$0x0] =	wrdreg $0xFFFFFFFF;
	(pc) =	sbr.abs _section_cstart, $3  }
0xc1: {  	[dreg:$0x1] =	wrdreg $0xFFFFFFFF  }
0xc2: {  	_ =	task.clear_ibuf [dreg:s7], $0x2FFFF;
	_ =	strace $0x9FFFFFFF  }
0xc3: {  	(tm) =	ssettm $0x7FFFFFFF  }
tec
execute0_lowered:
.L_overlay_start_1:
0x0: {  	(tag) =	ssettag $0x1  }
0x1: {  	s1 =	rddreg [dreg:$0x0];
	s0 =	srdreg.scid  }
0x2: {  	s2 =	rddreg [dreg:$0x1];
	s11 =	stileid.u32  }
0x3: {  	s3 =	rddreg [dreg:$0x2];
	s4 =	simm.s32 $0x0;
	s16 =	simm.s32 $0x2800  }
0x4: {  	s17 =	simm.s32 $0x2;
	s18 =	simm.s32 $0x80;
	s19 =	simm.s32 $0x2C00  }
0x5: {  	s20 =	simm.s32 $0x2880;
	s28 =	simm.s32 $0x1380;
	s6 =	smul.u32 $0x2800, s11  }
0x6: {  	s29 =	simm.s32 $0x2700;
	s0 =	sand.u32 $0x1, s0;
	s8 =	smul.u32 $0x14000, s11  }
0x7: {  	s30 =	simm.s32 $0x2780;
	s31 =	simm.s32 $0x0;
	s5 =	smul.u32 $0x28000, s0  }
0x8: {  	[smem:$0x7FF] =	sst s4;
	s7 =	smul.u32 $0x140000, s0;
	s0 =	ssub.s32 $0x2, s0  }
0x9: {  	s22 =	sshll.u32 s11, $0x7;
	_ =	strace $0x8000004D;
	s23 =	sshrl.u32 s0, $0x1  }
0xa: {  	s5 =	sadd.s32 s6, s5;
	s6 =	sshrl.u32 s6, $0x3;
	s21 =	sadd.s32 s8, s7  }
0xb: {  	s0 =	ssub.s32 s0, s23;
	s23 =	simm.s32 $0x2A00;
	s5 =	sshrl.u32 s5, $0x3  }
0xc: {  	s10 =	sadd.s32 s6, s2;
	s6 =	sadd.s32 s22, s2;
	s15 =	smax.u32 s0, $0x1  }
0xd: {  	s22 =	simm.s32 $0x2980;
	s9 =	sadd.s32 s5, s2;
	s5 =	sshrl.u32 s21, $0x3  }
0xe: {  	s24 =	sadd.s32 $0x2200, s6;
	s26 =	sadd.s32 $0x2A00, s10;
	s21 =	simm.s32 $0x2900  }
0xf: {  	s2 =	sadd.s32 s5, s2;
	[dreg:$0x4] =	wrdreg s24;
	s25 =	sadd.s32 $0x57A00, s9  }
0x10: {  	[dreg:$0x6] =	wrdreg s26;
	s8 =	sadd.s32 $0x57C80, s9;
	s9 =	sadd.s32 $0x2C80, s10  }
0x11: {  	s24 =	simm.s32 $0x1400;
	s26 =	simm.s32 $0x1;
	[dreg:$0x5] =	wrdreg s25  }
0x12: {  	s10 =	sadd.s32 $0x61A00, s2;
	s11 =	sadd.s32 $0x62200, s2;
	s12 =	sadd.s32 $0x62A00, s2  }
0x13: {  	v0 =	vimm.f32 $0.0e+00;
	s13 =	sadd.s32 $0x63200, s2;
	s14 =	sadd.s32 $0x63A00, s2;
	s25 =	simm.s32 $0x6C00  }
.LBB2_1:
0x14: {  	s0 =	rddreg [dreg:$0x4]  }
0x15: {  	[tilespmem:s16], [sflag:$0x2] =	stream.linear.gather [hbm4b:s0+s4], $0x280, $0x38;
	[tilespmem:$0x1EC00] =	vst v63  }
0x16: {  	_ =	swait.ge [sflag:s17], $0x280  }
0x17: {  	[sflag:s17] =	ssyncset.done $0x0  }
0x18: {  	s2 =	simm.s32 $0x0;
	s0 =	simm.s32 $0x200;
	[sflag:s17] =	ssyncadd.s32 $0xFFFFFD80  }
.LBB2_2:
0x19: {  	p0 =	sne.s32 s0, $0xFE00;
	[tilespmem:s2+$0x2C70] =	vst v0  }
0x1a: {  	[tilespmem:s2+$0x2C00] =	vst v0  }
0x1b: {  	[tilespmem:s2+$0x2C10] =	vst v0  }
.Ltmp0:
0x1c: {  	[tilespmem:s2+$0x2C20] =	vst v0;
	(pc) =	sbr.rel @p0 .LBB2_2-.Ltmp0, $4  }
0x1d: {  	[tilespmem:s2+$0x2C30] =	vst v0  }
0x1e: {  	[tilespmem:s2+$0x2C40] =	vst v0  }
0x1f: {  	[tilespmem:s2+$0x2C50] =	vst v0  }
0x20: {  	[tilespmem:s2+$0x2C60] =	vst v0;
	s2 =	sshra.s32 s0, $0x2;
	s0 =	sadd.s32 $0x200, s0  }
0x21: {  	[tilespmem:s2+$0x2C70] =	vst v0  }
0x22: {  	[tilespmem:s2+$0x2C00] =	vst v0  }
0x23: {  	[tilespmem:s2+$0x2C10] =	vst v0  }
0x24: {  	[tilespmem:s2+$0x2C20] =	vst v0  }
0x25: {  	[tilespmem:s2+$0x2C30] =	vst v0  }
0x26: {  	[tilespmem:s2+$0x2C40] =	vst v0  }
0x27: {  	[tilespmem:s2+$0x2C50] =	vst v0  }
0x28: {  	[tilespmem:s2+$0x2C60] =	vst v0  }
0x29: {  	[spmem:s3] =	stream.indirect.scatter [tilespmem:s19], [sflag:$0x2], $0x80, s16, s18, $0xb8;
	[tilespmem:$0x1EC00] =	vst v63  }
0x2a: {  	_ =	swait.ge [sflag:s17], $0x4000  }
0x2b: {  	[sflag:s17] =	ssyncset.done $0x0  }
0x2c: {  	[sflag:s17] =	ssyncadd.s32 $0xFFFFC000  }
0x2d: {  	[spmem:s3] =	stream.indirect.scatter [tilespmem:s19], [sflag:$0x2], $0x80, s20, s18, $0xb8;
	[tilespmem:$0x1EC00] =	vst v63  }
0x2e: {  	_ =	swait.ge [sflag:s17], $0x4000  }
0x2f: {  	[sflag:s17] =	ssyncset.done $0x0  }
0x30: {  	[sflag:s17] =	ssyncadd.s32 $0xFFFFC000  }
0x31: {  	[spmem:s3] =	stream.indirect.scatter [tilespmem:s19], [sflag:$0x2], $0x80, s21, s18, $0xb8;
	[tilespmem:$0x1EC00] =	vst v63  }
0x32: {  	_ =	swait.ge [sflag:s17], $0x4000  }
0x33: {  	[sflag:s17] =	ssyncset.done $0x0  }
0x34: {  	[sflag:s17] =	ssyncadd.s32 $0xFFFFC000  }
0x35: {  	[spmem:s3] =	stream.indirect.scatter [tilespmem:s19], [sflag:$0x2], $0x80, s22, s18, $0xb8;
	[tilespmem:$0x1EC00] =	vst v63  }
0x36: {  	_ =	swait.ge [sflag:s17], $0x4000  }
0x37: {  	[sflag:s17] =	ssyncset.done $0x0  }
0x38: {  	[sflag:s17] =	ssyncadd.s32 $0xFFFFC000  }
0x39: {  	[spmem:s3] =	stream.indirect.scatter [tilespmem:s19], [sflag:$0x2], $0x80, s23, s18, $0xb8;
	[tilespmem:$0x1EC00] =	vst v63  }
0x3a: {  	_ =	swait.ge [sflag:s17], $0x4000  }
0x3b: {  	[sflag:s17] =	ssyncset.done $0x0  }
0x3c: {  	[sflag:s17] =	ssyncadd.s32 $0xFFFFC000  }
0x3d: {  	[bflag:$0x0] =	sbarrier.arrive $0xFFFF  }
0x3e: {  	s0 =	simm.s32 $0x0;
	s6 =	rddreg [dreg:$0x5]  }
0x3f: {  	[tilespmem:s0], [sflag:$0x2] =	stream.linear.gather [hbm4b:s6+s0], $0x1400, $0x38;
	[tilespmem:$0x1EC00] =	vst v63  }
0x40: {  	_ =	swait.ge [sflag:s17], $0x1400  }
0x41: {  	[sflag:s17] =	ssyncset.done $0x0  }
0x42: {  	s7 =	rddreg [dreg:$0x6];
	[sflag:s17] =	ssyncadd.s32 $0xFFFFEC00  }
0x43: {  	[tilespmem:s24], [sflag:$0x2] =	stream.linear.gather [hbm4b:s7+s0], $0x1400, $0x38;
	[tilespmem:$0x1EC00] =	vst v63  }
0x44: {  	_ =	swait.ge [sflag:s17], $0x1400  }
0x45: {  	[sflag:s17] =	ssyncset.done $0x0  }
0x46: {  	[sflag:s17] =	ssyncadd.s32 $0xFFFFEC00  }
0x47: {  	[tilespmem:s19], [sflag:$0x1] =	stream.indirect.gather [hbm4b:s1+s18], $0x80, s0, s18, $0xb8;
	[tilespmem:$0x1EC00] =	vst v63  }
0x48: {  	s2 =	simm.s32 $0x80  }
0x49: {  	[tilespmem:s25], [sflag:$0x1] =	stream.indirect.gather [hbm4b:s1+s18], $0x80, s2, s18, $0xb8;
	[tilespmem:$0x1EC00] =	vst v63  }
0x4a: {  	_ =	swait.ge [sflag:s26], $0x4000  }
0x4b: {  	[sflag:s26] =	ssyncset.done $0x0  }
0x4c: {  	s5 =	simm.s32 $0x1400;
	[sflag:s26] =	ssyncadd.s32 $0xFFFFC000  }
0x4d: {  	[spmem:s3] =	stream.indirect.scatter.add.f32 [tilespmem:s19], [sflag:$0x2], $0x80, s5, s18, $0xb8;
	[tilespmem:$0x1EC00] =	vst v63  }
0x4e: {  	_ =	swait.ge [sflag:s17], $0x4000  }
0x4f: {  	[sflag:s17] =	ssyncset.done $0x0  }
0x50: {  	s6 =	simm.s32 $0x100;
	[sflag:s17] =	ssyncadd.s32 $0xFFFFC000  }
0x51: {  	[tilespmem:s19], [sflag:$0x1] =	stream.indirect.gather [hbm4b:s1+s18], $0x80, s6, s18, $0xb8;
	[tilespmem:$0x1EC00] =	vst v63  }
0x52: {  	_ =	swait.ge [sflag:s26], $0x4000  }
0x53: {  	[sflag:s26] =	ssyncset.done $0x0  }
0x54: {  	s7 =	simm.s32 $0x1480;
	[sflag:s26] =	ssyncadd.s32 $0xFFFFC000  }
0x55: {  	[spmem:s3] =	stream.indirect.scatter.add.f32 [tilespmem:s25], [sflag:$0x2], $0x80, s7, s18, $0xb8;
	[tilespmem:$0x1EC00] =	vst v63  }
0x56: {  	_ =	swait.ge [sflag:s17], $0x4000  }
0x57: {  	s0 =	simm.s32 $0x800;
	s2 =	simm.s32 $0x100;
	[sflag:s17] =	ssyncset.done $0x0  }
.LBB2_4:
0x58: {  	s5 =	sadd.s32 $0x80, s2  }
0x59: {  	[sflag:s17] =	ssyncadd.s32 $0xFFFFC000;
	s6 =	smov.u32 s0;
	s7 =	sadd.s32 $0x400, s0  }
0x5a: {  	[tilespmem:s25], [sflag:$0x1] =	stream.indirect.gather [hbm4b:s1+s18], $0x80, s5, s18, $0xb8;
	[tilespmem:$0x1EC00] =	vst v63  }
0x5b: {  	p0 =	sne.s32 s0, $0x4800;
	_ =	swait.ge [sflag:s26], $0x4000  }
0x5c: {  	[sflag:s26] =	ssyncset.done $0x0  }
0x5d: {  	s0 =	sadd.s32 $0x1400, s2;
	[sflag:s26] =	ssyncadd.s32 $0xFFFFC000  }
0x5e: {  	[spmem:s3] =	stream.indirect.scatter.add.f32 [tilespmem:s19], [sflag:$0x2], $0x80, s0, s18, $0xb8;
	[tilespmem:$0x1EC00] =	vst v63  }
0x5f: {  	_ =	swait.ge [sflag:s17], $0x4000  }
0x60: {  	[sflag:s17] =	ssyncset.done $0x0  }
0x61: {  	s0 =	sadd.s32 $0x100, s2;
	[sflag:s17] =	ssyncadd.s32 $0xFFFFC000  }
0x62: {  	[tilespmem:s19], [sflag:$0x1] =	stream.indirect.gather [hbm4b:s1+s18], $0x80, s0, s18, $0xb8;
	[tilespmem:$0x1EC00] =	vst v63  }
0x63: {  	_ =	swait.ge [sflag:s26], $0x4000  }
.Ltmp1:
0x64: {  	[sflag:s26] =	ssyncset.done $0x0;
	(pc) =	sbr.rel @p0 .LBB2_4-.Ltmp1, $4  }
0x65: {  	s0 =	sadd.s32 $0x1480, s2;
	[sflag:s26] =	ssyncadd.s32 $0xFFFFC000  }
0x66: {  	[spmem:s3] =	stream.indirect.scatter.add.f32 [tilespmem:s25], [sflag:$0x2], $0x80, s0, s18, $0xb8;
	[tilespmem:$0x1EC00] =	vst v63  }
0x67: {  	_ =	swait.ge [sflag:s17], $0x4000  }
0x68: {  	s2 =	sshra.s32 s6, $0x2;
	s0 =	smov.u32 s7;
	[sflag:s17] =	ssyncset.done $0x0  }
0x69: {  	s0 =	sadd.s32 $0x80, s2;
	[sflag:s17] =	ssyncadd.s32 $0xFFFFC000  }
0x6a: {  	[tilespmem:s25], [sflag:$0x1] =	stream.indirect.gather [hbm4b:s1+s18], $0x80, s0, s18, $0xb8;
	[tilespmem:$0x1EC00] =	vst v63  }
0x6b: {  	_ =	swait.ge [sflag:s26], $0x4000  }
0x6c: {  	[sflag:s26] =	ssyncset.done $0x0  }
0x6d: {  	s7 =	sadd.s32 $0x1400, s2;
	[sflag:s26] =	ssyncadd.s32 $0xFFFFC000  }
0x6e: {  	[spmem:s3] =	stream.indirect.scatter.add.f32 [tilespmem:s19], [sflag:$0x2], $0x80, s7, s18, $0xb8;
	[tilespmem:$0x1EC00] =	vst v63  }
0x6f: {  	_ =	swait.ge [sflag:s17], $0x4000  }
0x70: {  	[sflag:s17] =	ssyncset.done $0x0  }
0x71: {  	s5 =	sadd.s32 $0x100, s2;
	[sflag:s17] =	ssyncadd.s32 $0xFFFFC000  }
0x72: {  	[tilespmem:s19], [sflag:$0x1] =	stream.indirect.gather [hbm4b:s1+s18], $0x80, s5, s18, $0xb8;
	[tilespmem:$0x1EC00] =	vst v63  }
0x73: {  	_ =	swait.ge [sflag:s26], $0x4000  }
0x74: {  	[sflag:s26] =	ssyncset.done $0x0  }
0x75: {  	s6 =	sadd.s32 $0x1480, s2;
	[sflag:s26] =	ssyncadd.s32 $0xFFFFC000  }
0x76: {  	[spmem:s3] =	stream.indirect.scatter.add.f32 [tilespmem:s25], [sflag:$0x2], $0x80, s6, s18, $0xb8;
	[tilespmem:$0x1EC00] =	vst v63  }
0x77: {  	_ =	swait.ge [sflag:s17], $0x4000  }
0x78: {  	[sflag:s17] =	ssyncset.done $0x0  }
0x79: {  	[sflag:s17] =	ssyncadd.s32 $0xFFFFC000  }
0x7a: {  	[tilespmem:s25], [sflag:$0x1] =	stream.indirect.gather [hbm4b:s1+s18], $0x80, s28, s18, $0xb8;
	[tilespmem:$0x1EC00] =	vst v63  }
0x7b: {  	_ =	swait.ge [sflag:s26], $0x4000  }
0x7c: {  	[sflag:s26] =	ssyncset.done $0x0  }
0x7d: {  	[sflag:s26] =	ssyncadd.s32 $0xFFFFC000  }
0x7e: {  	[spmem:s3] =	stream.indirect.scatter.add.f32 [tilespmem:s19], [sflag:$0x2], $0x80, s29, s18, $0xb8;
	[tilespmem:$0x1EC00] =	vst v63  }
0x7f: {  	_ =	swait.ge [sflag:s17], $0x4000  }
0x80: {  	[sflag:s17] =	ssyncset.done $0x0  }
0x81: {  	[sflag:s17] =	ssyncadd.s32 $0xFFFFC000  }
0x82: {  	_ =	swait.ge [sflag:s26], $0x4000  }
0x83: {  	[sflag:s26] =	ssyncset.done $0x0  }
0x84: {  	[sflag:s26] =	ssyncadd.s32 $0xFFFFC000  }
0x85: {  	[spmem:s3] =	stream.indirect.scatter.add.f32 [tilespmem:s25], [sflag:$0x2], $0x80, s30, s18, $0xb8;
	[tilespmem:$0x1EC00] =	vst v63  }
0x86: {  	_ =	swait.ge [sflag:s17], $0x4000  }
0x87: {  	[sflag:s17] =	ssyncset.done $0x0  }
0x88: {  	s7 =	simm.s32 $0x0;
	[sflag:s17] =	ssyncadd.s32 $0xFFFFC000  }
0x89: {  	[tilespmem:s7], [sflag:$0x2] =	stream.linear.gather [hbm4b:s8+s7], $0x1400, $0x38;
	[tilespmem:$0x1EC00] =	vst v63  }
0x8a: {  	_ =	swait.ge [sflag:s17], $0x1400  }
0x8b: {  	[sflag:s17] =	ssyncset.done $0x0  }
0x8c: {  	[sflag:s17] =	ssyncadd.s32 $0xFFFFEC00  }
0x8d: {  	[tilespmem:s24], [sflag:$0x2] =	stream.linear.gather [hbm4b:s9+s7], $0x1400, $0x38;
	[tilespmem:$0x1EC00] =	vst v63  }
0x8e: {  	_ =	swait.ge [sflag:s17], $0x1400  }
0x8f: {  	[sflag:s17] =	ssyncset.done $0x0  }
0x90: {  	[sflag:s17] =	ssyncadd.s32 $0xFFFFEC00  }
0x91: {  	[tilespmem:s19], [sflag:$0x1] =	stream.indirect.gather [hbm4b:s1+s18], $0x80, s7, s18, $0xb8;
	[tilespmem:$0x1EC00] =	vst v63  }
0x92: {  	s2 =	simm.s32 $0x80  }
0x93: {  	[tilespmem:s25], [sflag:$0x1] =	stream.indirect.gather [hbm4b:s1+s18], $0x80, s2, s18, $0xb8;
	[tilespmem:$0x1EC00] =	vst v63  }
0x94: {  	_ =	swait.ge [sflag:s26], $0x4000  }
0x95: {  	[sflag:s26] =	ssyncset.done $0x0  }
0x96: {  	s5 =	simm.s32 $0x1400;
	[sflag:s26] =	ssyncadd.s32 $0xFFFFC000  }
0x97: {  	[spmem:s3] =	stream.indirect.scatter.add.f32 [tilespmem:s19], [sflag:$0x2], $0x80, s5, s18, $0xb8;
	[tilespmem:$0x1EC00] =	vst v63  }
0x98: {  	_ =	swait.ge [sflag:s17], $0x4000  }
0x99: {  	[sflag:s17] =	ssyncset.done $0x0  }
0x9a: {  	s6 =	simm.s32 $0x100;
	[sflag:s17] =	ssyncadd.s32 $0xFFFFC000  }
0x9b: {  	[tilespmem:s19], [sflag:$0x1] =	stream.indirect.gather [hbm4b:s1+s18], $0x80, s6, s18, $0xb8;
	[tilespmem:$0x1EC00] =	vst v63  }
0x9c: {  	_ =	swait.ge [sflag:s26], $0x4000  }
0x9d: {  	[sflag:s26] =	ssyncset.done $0x0  }
0x9e: {  	s7 =	simm.s32 $0x1480;
	[sflag:s26] =	ssyncadd.s32 $0xFFFFC000  }
0x9f: {  	[spmem:s3] =	stream.indirect.scatter.add.f32 [tilespmem:s25], [sflag:$0x2], $0x80, s7, s18, $0xb8;
	[tilespmem:$0x1EC00] =	vst v63  }
0xa0: {  	_ =	swait.ge [sflag:s17], $0x4000  }
0xa1: {  	s0 =	simm.s32 $0x800;
	s2 =	simm.s32 $0x100;
	[sflag:s17] =	ssyncset.done $0x0  }
.LBB2_6:
0xa2: {  	s5 =	sadd.s32 $0x80, s2  }
0xa3: {  	[sflag:s17] =	ssyncadd.s32 $0xFFFFC000;
	s6 =	smov.u32 s0;
	s7 =	sadd.s32 $0x400, s0  }
0xa4: {  	[tilespmem:s25], [sflag:$0x1] =	stream.indirect.gather [hbm4b:s1+s18], $0x80, s5, s18, $0xb8;
	[tilespmem:$0x1EC00] =	vst v63  }
0xa5: {  	p0 =	sne.s32 s0, $0x4800;
	_ =	swait.ge [sflag:s26], $0x4000  }
0xa6: {  	[sflag:s26] =	ssyncset.done $0x0  }
0xa7: {  	s0 =	sadd.s32 $0x1400, s2;
	[sflag:s26] =	ssyncadd.s32 $0xFFFFC000  }
0xa8: {  	[spmem:s3] =	stream.indirect.scatter.add.f32 [tilespmem:s19], [sflag:$0x2], $0x80, s0, s18, $0xb8;
	[tilespmem:$0x1EC00] =	vst v63  }
0xa9: {  	_ =	swait.ge [sflag:s17], $0x4000  }
0xaa: {  	[sflag:s17] =	ssyncset.done $0x0  }
0xab: {  	s0 =	sadd.s32 $0x100, s2;
	[sflag:s17] =	ssyncadd.s32 $0xFFFFC000  }
0xac: {  	[tilespmem:s19], [sflag:$0x1] =	stream.indirect.gather [hbm4b:s1+s18], $0x80, s0, s18, $0xb8;
	[tilespmem:$0x1EC00] =	vst v63  }
0xad: {  	_ =	swait.ge [sflag:s26], $0x4000  }
.Ltmp2:
0xae: {  	[sflag:s26] =	ssyncset.done $0x0;
	(pc) =	sbr.rel @p0 .LBB2_6-.Ltmp2, $4  }
0xaf: {  	s0 =	sadd.s32 $0x1480, s2;
	[sflag:s26] =	ssyncadd.s32 $0xFFFFC000  }
0xb0: {  	[spmem:s3] =	stream.indirect.scatter.add.f32 [tilespmem:s25], [sflag:$0x2], $0x80, s0, s18, $0xb8;
	[tilespmem:$0x1EC00] =	vst v63  }
0xb1: {  	_ =	swait.ge [sflag:s17], $0x4000  }
0xb2: {  	s2 =	sshra.s32 s6, $0x2;
	s0 =	smov.u32 s7;
	[sflag:s17] =	ssyncset.done $0x0  }
0xb3: {  	s0 =	sadd.s32 $0x80, s2;
	[sflag:s17] =	ssyncadd.s32 $0xFFFFC000  }
0xb4: {  	[tilespmem:s25], [sflag:$0x1] =	stream.indirect.gather [hbm4b:s1+s18], $0x80, s0, s18, $0xb8;
	[tilespmem:$0x1EC00] =	vst v63  }
0xb5: {  	_ =	swait.ge [sflag:s26], $0x4000  }
0xb6: {  	[sflag:s26] =	ssyncset.done $0x0  }
0xb7: {  	s5 =	sadd.s32 $0x1400, s2;
	[sflag:s26] =	ssyncadd.s32 $0xFFFFC000  }
0xb8: {  	[spmem:s3] =	stream.indirect.scatter.add.f32 [tilespmem:s19], [sflag:$0x2], $0x80, s5, s18, $0xb8;
	[tilespmem:$0x1EC00] =	vst v63  }
0xb9: {  	_ =	swait.ge [sflag:s17], $0x4000  }
0xba: {  	[sflag:s17] =	ssyncset.done $0x0  }
0xbb: {  	s6 =	sadd.s32 $0x100, s2;
	[sflag:s17] =	ssyncadd.s32 $0xFFFFC000  }
0xbc: {  	[tilespmem:s19], [sflag:$0x1] =	stream.indirect.gather [hbm4b:s1+s18], $0x80, s6, s18, $0xb8;
	[tilespmem:$0x1EC00] =	vst v63  }
0xbd: {  	_ =	swait.ge [sflag:s26], $0x4000  }
0xbe: {  	[sflag:s26] =	ssyncset.done $0x0  }
0xbf: {  	s7 =	sadd.s32 $0x1480, s2;
	[sflag:s26] =	ssyncadd.s32 $0xFFFFC000  }
0xc0: {  	[spmem:s3] =	stream.indirect.scatter.add.f32 [tilespmem:s25], [sflag:$0x2], $0x80, s7, s18, $0xb8;
	[tilespmem:$0x1EC00] =	vst v63  }
0xc1: {  	_ =	swait.ge [sflag:s17], $0x4000  }
0xc2: {  	[sflag:s17] =	ssyncset.done $0x0  }
0xc3: {  	[sflag:s17] =	ssyncadd.s32 $0xFFFFC000  }
0xc4: {  	[tilespmem:s25], [sflag:$0x1] =	stream.indirect.gather [hbm4b:s1+s18], $0x80, s28, s18, $0xb8;
	[tilespmem:$0x1EC00] =	vst v63  }
0xc5: {  	_ =	swait.ge [sflag:s26], $0x4000  }
0xc6: {  	[sflag:s26] =	ssyncset.done $0x0  }
0xc7: {  	[sflag:s26] =	ssyncadd.s32 $0xFFFFC000  }
0xc8: {  	[spmem:s3] =	stream.indirect.scatter.add.f32 [tilespmem:s19], [sflag:$0x2], $0x80, s29, s18, $0xb8;
	[tilespmem:$0x1EC00] =	vst v63  }
0xc9: {  	_ =	swait.ge [sflag:s17], $0x4000  }
0xca: {  	[sflag:s17] =	ssyncset.done $0x0  }
0xcb: {  	[sflag:s17] =	ssyncadd.s32 $0xFFFFC000  }
0xcc: {  	_ =	swait.ge [sflag:s26], $0x4000  }
0xcd: {  	[sflag:s26] =	ssyncset.done $0x0  }
0xce: {  	[sflag:s26] =	ssyncadd.s32 $0xFFFFC000  }
0xcf: {  	[spmem:s3] =	stream.indirect.scatter.add.f32 [tilespmem:s25], [sflag:$0x2], $0x80, s30, s18, $0xb8;
	[tilespmem:$0x1EC00] =	vst v63  }
0xd0: {  	_ =	swait.ge [sflag:s17], $0x4000  }
0xd1: {  	[sflag:s17] =	ssyncset.done $0x0  }
0xd2: {  	[sflag:s17] =	ssyncadd.s32 $0xFFFFC000  }
0xd3: {  	[bflag:$0x0] =	sbarrier.arrive $0xFFFF  }
0xd4: {  	[tilespmem:s19], [sflag:$0x1] =	stream.indirect.gather [spmem:s3], $0x80, s16, s18, $0xb8;
	[tilespmem:$0x1EC00] =	vst v63  }
0xd5: {  	_ =	swait.ge [sflag:s26], $0x4000  }
0xd6: {  	[sflag:s26] =	ssyncset.done $0x0  }
0xd7: {  	[sflag:s26] =	ssyncadd.s32 $0xFFFFC000  }
0xd8: {  	[hbm4b:s10+s4] =	stream.linear.scatter [tilespmem:s19], [sflag:$0x2], $0x4000, $0x38;
	[tilespmem:$0x1EC00] =	vst v63  }
0xd9: {  	_ =	swait.ge [sflag:s17], $0x4000  }
0xda: {  	[sflag:s17] =	ssyncset.done $0x0  }
0xdb: {  	[sflag:s17] =	ssyncadd.s32 $0xFFFFC000  }
0xdc: {  	[tilespmem:s19], [sflag:$0x1] =	stream.indirect.gather [spmem:s3], $0x80, s20, s18, $0xb8;
	[tilespmem:$0x1EC00] =	vst v63  }
0xdd: {  	_ =	swait.ge [sflag:s26], $0x4000  }
0xde: {  	[sflag:s26] =	ssyncset.done $0x0  }
0xdf: {  	[sflag:s26] =	ssyncadd.s32 $0xFFFFC000  }
0xe0: {  	[hbm4b:s11+s4] =	stream.linear.scatter [tilespmem:s19], [sflag:$0x2], $0x4000, $0x38;
	[tilespmem:$0x1EC00] =	vst v63  }
0xe1: {  	_ =	swait.ge [sflag:s17], $0x4000  }
0xe2: {  	[sflag:s17] =	ssyncset.done $0x0  }
0xe3: {  	[sflag:s17] =	ssyncadd.s32 $0xFFFFC000  }
0xe4: {  	[tilespmem:s19], [sflag:$0x1] =	stream.indirect.gather [spmem:s3], $0x80, s21, s18, $0xb8;
	[tilespmem:$0x1EC00] =	vst v63  }
0xe5: {  	_ =	swait.ge [sflag:s26], $0x4000  }
0xe6: {  	[sflag:s26] =	ssyncset.done $0x0  }
0xe7: {  	[sflag:s26] =	ssyncadd.s32 $0xFFFFC000  }
0xe8: {  	[hbm4b:s12+s4] =	stream.linear.scatter [tilespmem:s19], [sflag:$0x2], $0x4000, $0x38;
	[tilespmem:$0x1EC00] =	vst v63  }
0xe9: {  	_ =	swait.ge [sflag:s17], $0x4000  }
0xea: {  	[sflag:s17] =	ssyncset.done $0x0  }
0xeb: {  	[sflag:s17] =	ssyncadd.s32 $0xFFFFC000  }
0xec: {  	[tilespmem:s19], [sflag:$0x1] =	stream.indirect.gather [spmem:s3], $0x80, s22, s18, $0xb8;
	[tilespmem:$0x1EC00] =	vst v63  }
0xed: {  	_ =	swait.ge [sflag:s26], $0x4000  }
0xee: {  	[sflag:s26] =	ssyncset.done $0x0  }
0xef: {  	[sflag:s26] =	ssyncadd.s32 $0xFFFFC000  }
0xf0: {  	[hbm4b:s13+s4] =	stream.linear.scatter [tilespmem:s19], [sflag:$0x2], $0x4000, $0x38;
	[tilespmem:$0x1EC00] =	vst v63  }
0xf1: {  	_ =	swait.ge [sflag:s17], $0x4000  }
0xf2: {  	[sflag:s17] =	ssyncset.done $0x0  }
0xf3: {  	[sflag:s17] =	ssyncadd.s32 $0xFFFFC000  }
0xf4: {  	[tilespmem:s19], [sflag:$0x1] =	stream.indirect.gather [spmem:s3], $0x80, s23, s18, $0xb8;
	[tilespmem:$0x1EC00] =	vst v63  }
0xf5: {  	s31 =	sadd.s32 $0x1, s31;
	_ =	swait.ge [sflag:s26], $0x4000  }
0xf6: {  	p0 =	sne.s32 s31, s15;
	[sflag:s26] =	ssyncset.done $0x0  }
.Ltmp3:
0xf7: {  	[sflag:s26] =	ssyncadd.s32 $0xFFFFC000;
	(pc) =	sbr.rel @p0 .LBB2_1-.Ltmp3, $4  }
0xf8: {  	[hbm4b:s14+s4] =	stream.linear.scatter [tilespmem:s19], [sflag:$0x2], $0x4000, $0x38;
	[tilespmem:$0x1EC00] =	vst v63  }
0xf9: {  	_ =	swait.ge [sflag:s17], $0x4000  }
0xfa: {  	[sflag:s17] =	ssyncset.done $0x0  }
0xfb: {  	[sflag:s17] =	ssyncadd.s32 $0xFFFFC000  }
0xfc: {  	_ =	sfence.sel $0x180000  }
0xfd: {  	[bflag:$0x0] =	sbarrier.arrive $0xFFFF  }
0xfe: {  	_ =	strace $0x9000004D  }
0xff: {  	s0 =	stileid.u32;
	[bflag:$0x2] =	sbarrier.arrive $0xFFFF  }
0x100: {  	p0 =	sne.s32 s0, $0x0;
	s0 =	rddreg [dreg:$0x3]  }
0x101: {  	s0 =	sadd.s32 @!p0 $0x100000, s0  }
0x102: {  	[sflag:s0] =	ssyncadd.tile.s32 @!p0 $0x1;
	_ =	shalt  }
.Lfunc_end2:
_tile_overlayer_lowered:
.L_overlay_start_2:
0x103: {  	(tag) =	ssettag $0x2  }
0x104: {  	s0 =	rddreg [dreg:$0x0];
	s2 =	stileid.u32  }
0x105: {  	s1 =	rddreg [dreg:$0x1];
	p0 =	sne.s32 s2, $0x0  }
0x106: {  	s3 =	rddreg [dreg:$0x2];
	[bflag:$0x3] =	sbarrier.arrive $0xFFFF;
	s2 =	simm.s32 @!p0 $0x1C02  }
0x107: {  	[timem:s3], [sflag:s2] =	dma.local @!p0 [hbm:s0], s1  }
0x108: {  	s0 =	simm.s32 @!p0 $0x2  }
0x109: {  	_ =	swait.ge @!p0 [sflag:s0], s1  }
0x10a: {  	s1 =	ssub.s32 @!p0 $0x0, s1;
	[sflag:s0] =	ssyncset.done @!p0 $0x0  }
0x10b: {  	[sflag:s0] =	ssyncadd.s32 @!p0 s1  }
0x10c: {  	[bflag:$0x3] =	sbarrier.arrive $0xFFFF  }
0x10d: {  	_ =	shalt  }

// kernel: kernel.8.cloned.1.call-start
scs
__scs_entry_jumppad:
0x0: {  	(pc) =	sbr.rel $0x88, $3  }
0x1: {  	(tag) =	ssettag $0x0;
	lr =	simm.s32 $0x1  }
0x2: {  	[smem:$0x3F9B] =	sst lr;
	_ =	strace $0xD0000000  }
0x3: {  	_ = 	snop  }
0x4: {  	_ = 	snop  }
0x5: {  	_ = 	snop  }
0x6: {  	_ = 	snop  }
0x7: {  	_ = 	snop  }
__scs_overlays_trampoline_lowered:
0x8: {  	[smem:$0x3FAA] =	sst s0  }
0x9: {  	[smem:$0x3FAB] =	sst s1  }
0xa: {  	[smem:$0x3FAC] =	sst s2  }
0xb: {  	[smem:$0x3FAD] =	sst s3  }
0xc: {  	[smem:$0x3FAE] =	sst s4  }
0xd: {  	[smem:$0x3FAF] =	sst s5  }
0xe: {  	[smem:$0x3FB0] =	sst s6  }
0xf: {  	[smem:$0x3FB1] =	sst s7  }
0x10: {  	[smem:$0x3FB2] =	sst s8  }
0x11: {  	[smem:$0x3FB3] =	sst s9;
	s0 =	simm.s32 @!p0 $0x0  }
0x12: {  	s1 =	sld [smem:$0x3F99];
	s0 =	simm.s32 @p0 $0x1  }
0x13: {  	[smem:$0x3FB4] =	sst s0;
	s0 =	simm.s32 @!p1 $0x0  }
0x14: {  	s2 =	sld [smem:$0x3F98];
	s0 =	simm.s32 @p1 $0x1  }
0x15: {  	[smem:$0x3FB5] =	sst s0;
	s0 =	simm.s32 @!p2 $0x0  }
0x16: {  	s3 =	sld [smem:$0x3FDB];
	s0 =	simm.s32 @p2 $0x1  }
0x17: {  	s4 =	simm.s32 $0x1BF5;
	[smem:$0x3FB7] =	sst s0  }
0x18: {  	s0 =	sld [smem:$0x3F9A];
	_ =	swait.ge [sflag:s4], $0x0  }
0x19: {  	s7 =	sld [smem:$0x3F9B]  }
0x1a: {  	s8 =	sadd.s32 $0xFFFFE003, lr  }
0x1b: {  	s9 =	sadd.s32 $0xFFFFFEF7, lr;
	s5 =	simm.s32 $0xFFFFFFFF;
	p2 =	slt.u32 s8, $0xFFFFF086  }
0x1c: {  	p1 =	slt.u32 s9, $0xF7A;
	s5 =	simm.s32 @!p2 $0x0  }
0x1d: {  	s5 =	simm.s32 @p1 $0x1;
	p0 =	seq.s32 s7, s2  }
0x1e: {  	s7 =	smul.u32 @!p0 $0xF7A, s2;
	p2 =	seq.s32 @!p0 s5, $0x0  }
0x1f: {  	s9 =	smul.u32 $0xF7A, s1;
	s8 =	simm.s32 @!p0 $0x1BF5;
	p2 =	por !p2, p0  }
0x20: {  	[sflag:s8] =	ssyncset.s32 @!p0 $0xFFFFF086;
	s6 =	sadd.s32 @!p0 s3, s7;
	s7 =	simm.s32 @!p0 $0x108  }
0x21: {  	s3 =	sadd.s32 s3, s9;
	s6 =	sadd.s32 @!p0 $0x88, s6;
	s7 =	simm.s32 @p2 $0x1082  }
0x22: {  	[simem:s7], [sflag:s8] =	dma.local @!p0 [hbm:s6], $0xF7A  }
0x23: {  	s9 =	sor.u32 $0xD0000000, s2;
	s6 =	simm.s32 $0x108;
	_ =	swait.ge @!p0 [sflag:s8], $0x0  }
0x24: {  	s3 =	sadd.s32 $0x88, s3;
	s6 =	simm.s32 @!p1 $0x1082;
	[sflag:s4] =	ssyncset.s32 $0xFFFFF086  }
0x25: {  	[simem:s6], [sflag:s4] =	dma.local [hbm:s3], $0xF7A  }
0x26: {  	[smem:$0x3F9B] =	sst s1;
	(tag) =	ssettag s2;
	_ =	strace s9  }
0x27: {  	s1 =	sld [smem:$0x3FAB]  }
0x28: {  	s2 =	sld [smem:$0x3FAC]  }
0x29: {  	s4 =	sld [smem:$0x3FAE]  }
0x2a: {  	p0 =	seq.s32 s5, $0x0;
	s5 =	sld [smem:$0x3FAF]  }
0x2b: {  	s6 =	sld [smem:$0x3FB0]  }
0x2c: {  	s7 =	sld [smem:$0x3FB1]  }
0x2d: {  	s3 =	simm.s32 $0x108;
	s8 =	sld [smem:$0x3FB2]  }
0x2e: {  	s3 =	simm.s32 @!p0 $0x1082;
	s9 =	sld [smem:$0x3FB3]  }
0x2f: {  	lr =	sadd.s32 s0, s3;
	s0 =	sld [smem:$0x3FAA]  }
0x30: {  	s3 =	sld [smem:$0x3FAD]  }
0x31: {  	[smem:$0x3FB6] =	sst s10  }
0x32: {  	s10 =	sld [smem:$0x3FB4];
	_ =	sdelay $0x3  }
0x33: {  	p0 =	seq.s32 s10, $0x1;
	s10 =	sld [smem:$0x3FB6];
	_ =	sdelay $0x3  }
0x34: {  	[smem:$0x3FB6] =	sst s10  }
0x35: {  	s10 =	sld [smem:$0x3FB5];
	_ =	sdelay $0x3  }
0x36: {  	p1 =	seq.s32 s10, $0x1;
	s10 =	sld [smem:$0x3FB6];
	_ =	sdelay $0x3  }
0x37: {  	[smem:$0x3FB6] =	sst s10  }
0x38: {  	s10 =	sld [smem:$0x3FB7]  }
0x39: {  	_ = 	snop;
	(pc) =	sbr.ind lr, $3  }
0x3a: {  	_ = 	snop  }
0x3b: {  	_ = 	snop  }
0x3c: {  	p2 =	seq.s32 s10, $0x1;
	s10 =	sld [smem:$0x3FB6]  }
0x3d: {  	_ =	shalt  }
0x3e: {  	_ =	shalt  }
0x3f: {  	_ =	shalt  }
0x40: {  	_ =	shalt  }
0x41: {  	_ =	shalt  }
0x42: {  	_ =	shalt  }
0x43: {  	_ =	shalt  }
0x44: {  	_ =	shalt  }
0x45: {  	_ =	shalt  }
0x46: {  	_ =	shalt  }
0x47: {  	_ =	shalt  }
0x48: {  	_ =	shalt  }
0x49: {  	_ =	shalt  }
0x4a: {  	_ =	shalt  }
0x4b: {  	_ =	shalt  }
0x4c: {  	_ =	shalt  }
0x4d: {  	_ =	shalt  }
0x4e: {  	_ =	shalt  }
0x4f: {  	_ =	shalt  }
0x50: {  	_ =	shalt  }
0x51: {  	_ =	shalt  }
0x52: {  	_ =	shalt  }
0x53: {  	_ =	shalt  }
0x54: {  	_ =	shalt  }
0x55: {  	_ =	shalt  }
0x56: {  	_ =	shalt  }
0x57: {  	_ =	shalt  }
0x58: {  	_ =	shalt  }
0x59: {  	_ =	shalt  }
0x5a: {  	_ =	shalt  }
0x5b: {  	_ =	shalt  }
0x5c: {  	_ =	shalt  }
0x5d: {  	_ =	shalt  }
0x5e: {  	_ =	shalt  }
0x5f: {  	_ =	shalt  }
0x60: {  	_ =	shalt  }
0x61: {  	_ =	shalt  }
0x62: {  	_ =	shalt  }
0x63: {  	_ =	shalt  }
0x64: {  	_ =	shalt  }
0x65: {  	_ =	shalt  }
0x66: {  	_ =	shalt  }
0x67: {  	_ =	shalt  }
0x68: {  	_ =	shalt  }
0x69: {  	_ =	shalt  }
0x6a: {  	_ =	shalt  }
0x6b: {  	_ =	shalt  }
0x6c: {  	_ =	shalt  }
0x6d: {  	_ =	shalt  }
0x6e: {  	_ =	shalt  }
0x6f: {  	_ =	shalt  }
0x70: {  	_ =	shalt  }
0x71: {  	_ =	shalt  }
0x72: {  	_ =	shalt  }
0x73: {  	_ =	shalt  }
0x74: {  	_ =	shalt  }
0x75: {  	_ =	shalt  }
0x76: {  	_ =	shalt  }
0x77: {  	_ =	shalt  }
0x78: {  	_ =	shalt  }
0x79: {  	_ =	shalt  }
0x7a: {  	_ =	shalt  }
0x7b: {  	_ =	shalt  }
0x7c: {  	_ =	shalt  }
0x7d: {  	_ =	shalt  }
0x7e: {  	_ =	shalt  }
0x7f: {  	_ =	shalt  }
0x80: {  	_ =	shalt  }
0x81: {  	_ =	shalt  }
0x82: {  	_ =	shalt  }
0x83: {  	_ =	shalt  }
0x84: {  	_ =	shalt  }
0x85: {  	_ =	shalt  }
0x86: {  	_ =	shalt  }
0x87: {  	_ =	shalt  }
.Lfunc_end0:
.L_simem_size_0:
called_computation_lowered:
.L_overlay_start_0:
0x88: {  	s2 =	sld [smem:$0x3FD9]  }
0x89: {  	s3 =	sld [smem:$0x3FFE];
	_ =	sdelay $0x1  }
0x8a: {  	s1 =	srdreg.scid  }
0x8b: {  	s0 =	sand.u32 $0x1, s1  }
0x8c: {  	s16 =	sshll.u32 s0, $0xA;
	s2 =	sadd.s32 s3, s2  }
0x8d: {  	s2 =	sadd.s32 s2, s16  }
0x8e: {  	[smem:$0x3FC2] =	sst s2  }
0x8f: {  	_ = 	snop  }
0x90: {  	(tm) =	ssettm $0x1  }
0x91: {  	s17 =	sld [smem:$0x3FFB];
	_ =	sdelay $0x3  }
0x92: {  	_ =	strace s17  }
0x93: {  	s2 =	sld [smem:$0x3FFC];
	_ =	sdelay $0x3  }
0x94: {  	_ =	strace s2  }
0x95: {  	s2 =	sld [smem:$0x3FFD];
	_ =	sdelay $0x3  }
0x96: {  	_ =	strace s2  }
0x97: {  	_ =	strace $0x8FFFFFFF  }
0x98: {  	s18 =	sld [smem:$0x3FDB];
	_ =	sdelay $0x1  }
0x99: {  	s19 =	simm.s32 $_scs_section_size  }
0x9a: {  	s4 =	simm.s32 $_size__tile_overlayer_lowered;
	s5 =	simm.s32 $_tile_overlayer_lowered  }
0x9b: {  	s22 =	simm.s32 $0x1BFF;
	s21 =	sshll.u32 s5, $0x1;
	s2 =	sadd.s32 s19, s18  }
0x9c: {  	s6 =	simm.s32 $0x0;
	s20 =	sshll.u32 s4, $0x1;
	s4 =	sadd.s32 s21, s2  }
0x9d: {  	[timem:s6], [sflag:s22] =	dma.local [hbm:s4], s20  }
0x9e: {  	_ =	swait.ge [sflag:s22], s20  }
0x9f: {  	s3 =	ssub.s32 $0x0, s20;
	[sflag:s22] =	ssyncset.done $0x0  }
0xa0: {  	[sflag:s22] =	ssyncadd.s32 s3;
	_ =	sdelay $0x1  }
0xa1: {  	s23 =	simm.s32 $0x1B8B  }
0xa2: {  	_ =	swait.ge [sflag:s23], $0x1  }
0xa3: {  	[sflag:s23] =	ssyncset.done $0x0  }
0xa4: {  	s25 =	simm.s32 $0x1B8E;
	s24 =	sld [smem:$0x3FFE];
	[sflag:s23] =	ssyncadd.s32 $0xFFFFFFFF  }
0xa5: {  	s26 =	simm.s32 $execute0_lowered;
	[smem:$0x3FD2] =	sst s25  }
0xa6: {  	s4 =	sshll.u32 s26, $0x1;
	_ =	strace $0x80000046;
	[dreg:$0x1] =	wrdreg $0xFFFFFFFF  }
0xa7: {  	s28 =	simm.s32 $_size_execute0_lowered;
	s2 =	sadd.s32 s2, s4;
	[dreg:$0x0] =	wrdreg $0x0  }
0xa8: {  	s4 =	sshll.u32 s28, $0x1;
	[dreg:$0x2] =	wrdreg s2  }
0xa9: {  	[dreg:$0x3] =	wrdreg s4  }
0xaa: {  	[dreg:$0x4] =	wrdreg $0xC0  }
0xab: {  	_ =	task [dreg:s6], $0x5FFFF  }
0xac: {  	[dreg:$0x1] =	wrdreg $0xFFFFFFFF  }
0xad: {  	[dreg:$0x0] =	wrdreg $0x60  }
0xae: {  	[dreg:$0x2] =	wrdreg s24  }
0xaf: {  	[dreg:$0x3] =	wrdreg $0xD8000  }
0xb0: {  	[dreg:$0x4] =	wrdreg $0x9  }
0xb1: {  	_ =	task.clear_ibuf [dreg:s6], $0x5FFFF;
	_ =	strace $0x90000046  }
0xb2: {  	s29 =	simm.s32 $0x9;
	_ =	strace $0x80000048  }
0xb3: {  	_ =	swait.ge [sflag:s29], $0x1  }
0xb4: {  	[sflag:s29] =	ssyncadd.s32 $0xFFFFFFFF  }
0xb5: {  	_ =	strace $0x90000048  }
0xb6: {  	_ =	sfence  }
0xb7: {  	s30 =	sld [smem:$0x0];
	_ =	sdelay $0x2  }
0xb8: {  	s31 =	sshll.u32 s1, $0xD;
	s1 =	sshrl.u32 s1, $0x2  }
0xb9: {  	s3 =	sand.u32 $0x4000, s31;
	s1 =	sadd.s32 s1, s30  }
0xba: {  	s0 =	sor.u32 s3, s0;
	s1 =	sshll.u32 s1, $0x11  }
0xbb: {  	s0 =	sor.u32 s1, s0  }
0xbc: {  	s0 =	sadd.s32 $0x8F2B, s0  }
0xbd: {  	[sflag:s0] =	ssyncadd.remote.s32 $0x1  }
0xbe: {  	_ =	sfence.sel $0xFFFF  }
0xbf: {  	[dreg:$0x0] =	wrdreg $0xFFFFFFFF;
	(pc) =	sbr.abs _section_cstart, $3  }
0xc0: {  	[dreg:$0x1] =	wrdreg $0xFFFFFFFF  }
0xc1: {  	_ =	task.clear_ibuf [dreg:s6], $0x2FFFF;
	_ =	strace $0x9FFFFFFF  }
0xc2: {  	(tm) =	ssettm $0x7FFFFFFF  }
0xc3: {  	_ =	shalt  }
tec
execute0_lowered:
.L_overlay_start_1:
0x0: {  	(tag) =	ssettag $0x1  }
0x1: {  	s4 =	rddreg [dreg:$0x0]  }
0x2: {  	s2 =	rddreg [dreg:$0x1]  }
0x3: {  	s0 =	srdreg.scid;
	s1 =	rddreg [dreg:$0x2];
	s3 =	simm.s32 $0x0  }
0x4: {  	s12 =	simm.s32 $0x2;
	s13 =	simm.s32 $0x1400;
	s14 =	simm.s32 $0x80  }
0x5: {  	s15 =	simm.s32 $0x5800;
	s16 =	simm.s32 $0x1480;
	s17 =	simm.s32 $0x1500  }
0x6: {  	s18 =	simm.s32 $0x1580;
	s19 =	simm.s32 $0x1600;
	s5 =	sand.u32 $0x1, s0  }
0x7: {  	s20 =	simm.s32 $0x1800;
	s0 =	stileid.u32;
	s6 =	smul.u32 $0x14000, s5  }
0x8: {  	s21 =	simm.s32 $0x9800;
	s22 =	simm.s32 $0x1;
	s7 =	smul.u32 $0x1400, s0  }
0x9: {  	s23 =	simm.s32 $0x0;
	[smem:$0x7FF] =	sst s3;
	s8 =	smul.u32 $0x140000, s5  }
0xa: {  	s29 =	smul.u32 $0x14000, s0;
	_ =	strace $0x80000047;
	s5 =	ssub.s32 $0x2, s5  }
0xb: {  	s30 =	sshll.u32 s0, $0x7;
	s31 =	sshrl.u32 s5, $0x1;
	s6 =	sadd.s32 s7, s6  }
0xc: {  	s7 =	sadd.s32 s29, s8;
	s8 =	sadd.s32 s30, s4;
	s11 =	ssub.s32 s5, s31  }
0xd: {  	s6 =	sshrl.u32 s6, $0x3;
	s7 =	sshrl.u32 s7, $0x3;
	s5 =	sadd.s32 $0x2200, s8  }
0xe: {  	s11 =	smax.u32 s11, $0x1;
	s6 =	sadd.s32 s6, s4;
	s10 =	sadd.s32 s7, s4  }
0xf: {  	v0 =	vimm.f32 $0.0e+00;
	vm0 =	vcmask $0x300;
	s4 =	sadd.s32 $0x2A00, s6;
	s6 =	sadd.s32 $0x7A00, s10;
	s7 =	sadd.s32 $0x8200, s10  }
0x10: {  	v1 =	vsel vm0, $0x3F800000, v0;
	s8 =	sadd.s32 $0x8A00, s10;
	s9 =	sadd.s32 $0x9200, s10;
	s10 =	sadd.s32 $0x9A00, s10  }
.LBB2_1:
0x11: {  	[tilespmem:s3], [sflag:$0x2] =	stream.linear.gather [hbm4b:s4+s3], $0x1400, $0x38;
	[tilespmem:$0x10000] =	vst v63  }
0x12: {  	_ =	swait.ge [sflag:s12], $0x1400  }
0x13: {  	[sflag:s12] =	ssyncset.done $0x0  }
0x14: {  	[sflag:s12] =	ssyncadd.s32 $0xFFFFEC00  }
0x15: {  	[tilespmem:s13], [sflag:$0x2] =	stream.linear.gather [hbm4b:s5+s3], $0x280, $0x38;
	[tilespmem:$0x10000] =	vst v63  }
0x16: {  	_ =	swait.ge [sflag:s12], $0x280  }
0x17: {  	[sflag:s12] =	ssyncset.done $0x0  }
0x18: {  	s24 =	simm.s32 $0x0;
	[sflag:s12] =	ssyncadd.s32 $0xFFFFFD80  }
.LBB2_2:
0x19: {  	p0 =	sne.s32 s24, $0xFE00  }
.Ltmp0:
0x1a: {  	_ = 	snop;
	(pc) =	sbr.rel @p0 .LBB2_2-.Ltmp0, $3  }
0x1b: {  	_ =	sdelay $0x1  }
0x1c: {  	s25 =	sshra.s32 s24, $0x2  }
0x1d: {  	s24 =	sadd.s32 $0x200, s24;
	[tilespmem:s25+$0x1800] =	vst v1  }
0x1e: {  	s24 =	simm.s32 $0x200;
	s25 =	simm.s32 $0x0  }
.LBB2_4:
0x1f: {  	p0 =	sne.s32 s24, $0xFE00;
	[tilespmem:s25+$0x5800] =	vst v0;
	s25 =	smov.u32 s24;
	s24 =	sadd.s32 $0x200, s24  }
.Ltmp1:
0x20: {  	(pc) =	sbr.rel @p0 .LBB2_4-.Ltmp1, $2  }
0x21: {  	_ =	sdelay $0x2  }
0x22: {  	s25 =	sshra.s32 s25, $0x2  }
0x23: {  	[tilespmem:s25+$0x5800] =	vst v0  }
0x24: {  	[spmem:s2] =	stream.indirect.scatter [tilespmem:s15], [sflag:$0x2], $0x10, s13, s14, $0xb8;
	[tilespmem:$0x10000] =	vst v63  }
0x25: {  	_ =	swait.ge [sflag:s12], $0x800  }
0x26: {  	[sflag:s12] =	ssyncset.done $0x0  }
0x27: {  	[sflag:s12] =	ssyncadd.s32 $0xFFFFF800  }
0x28: {  	[spmem:s2] =	stream.indirect.scatter [tilespmem:s15], [sflag:$0x2], $0x10, s16, s14, $0xb8;
	[tilespmem:$0x10000] =	vst v63  }
0x29: {  	_ =	swait.ge [sflag:s12], $0x800  }
0x2a: {  	[sflag:s12] =	ssyncset.done $0x0  }
0x2b: {  	[sflag:s12] =	ssyncadd.s32 $0xFFFFF800  }
0x2c: {  	[spmem:s2] =	stream.indirect.scatter [tilespmem:s15], [sflag:$0x2], $0x10, s17, s14, $0xb8;
	[tilespmem:$0x10000] =	vst v63  }
0x2d: {  	_ =	swait.ge [sflag:s12], $0x800  }
0x2e: {  	[sflag:s12] =	ssyncset.done $0x0  }
0x2f: {  	[sflag:s12] =	ssyncadd.s32 $0xFFFFF800  }
0x30: {  	[spmem:s2] =	stream.indirect.scatter [tilespmem:s15], [sflag:$0x2], $0x10, s18, s14, $0xb8;
	[tilespmem:$0x10000] =	vst v63  }
0x31: {  	_ =	swait.ge [sflag:s12], $0x800  }
0x32: {  	[sflag:s12] =	ssyncset.done $0x0  }
0x33: {  	[sflag:s12] =	ssyncadd.s32 $0xFFFFF800  }
0x34: {  	[spmem:s2] =	stream.indirect.scatter [tilespmem:s15], [sflag:$0x2], $0x10, s19, s14, $0xb8;
	[tilespmem:$0x10000] =	vst v63  }
0x35: {  	_ =	swait.ge [sflag:s12], $0x800  }
0x36: {  	[sflag:s12] =	ssyncset.done $0x0  }
0x37: {  	[sflag:s12] =	ssyncadd.s32 $0xFFFFF800  }
0x38: {  	s24 =	simm.s32 $0x0;
	[bflag:$0x0] =	sbarrier.arrive $0xFFFF  }
0x39: {  	[spmem:s2] =	stream.indirect.scatter.add.f32 [tilespmem:s20], [sflag:$0x2], $0x10, s24, s14, $0xb8;
	[tilespmem:$0x10000] =	vst v63  }
0x3a: {  	_ =	swait.ge [sflag:s12], $0x800  }
0x3b: {  	s24 =	simm.s32 $0x200;
	[sflag:s12] =	ssyncset.done $0x0  }
.LBB2_6:
0x3c: {  	s25 =	sshra.s32 s24, $0x2;
	[sflag:s12] =	ssyncadd.s32 $0xFFFFF800;
	p0 =	sne.s32 s24, $0x4E00  }
0x3d: {  	[spmem:s2] =	stream.indirect.scatter.add.f32 [tilespmem:s20], [sflag:$0x2], $0x10, s25, s14, $0xb8;
	[tilespmem:$0x10000] =	vst v63  }
.Ltmp2:
0x3e: {  	_ = 	snop;
	(pc) =	sbr.rel @p0 .LBB2_6-.Ltmp2, $4  }
0x3f: {  	_ = 	snop  }
0x40: {  	s24 =	sadd.s32 $0x200, s24  }
0x41: {  	_ =	swait.ge [sflag:s12], $0x800  }
0x42: {  	[sflag:s12] =	ssyncset.done $0x0  }
0x43: {  	[sflag:s12] =	ssyncadd.s32 $0xFFFFF800  }
0x44: {  	[bflag:$0x0] =	sbarrier.arrive $0xFFFF  }
0x45: {  	[tilespmem:s21], [sflag:$0x1] =	stream.indirect.gather [spmem:s2], $0x10, s13, s14, $0xb8;
	[tilespmem:$0x10000] =	vst v63  }
0x46: {  	_ =	swait.ge [sflag:s22], $0x800  }
0x47: {  	[sflag:s22] =	ssyncset.done $0x0  }
0x48: {  	[sflag:s22] =	ssyncadd.s32 $0xFFFFF800  }
0x49: {  	[hbm4b:s6+s3] =	stream.linear.scatter [tilespmem:s21], [sflag:$0x2], $0x4000, $0x38;
	[tilespmem:$0x10000] =	vst v63  }
0x4a: {  	_ =	swait.ge [sflag:s12], $0x4000  }
0x4b: {  	[sflag:s12] =	ssyncset.done $0x0  }
0x4c: {  	[sflag:s12] =	ssyncadd.s32 $0xFFFFC000  }
0x4d: {  	[tilespmem:s21], [sflag:$0x1] =	stream.indirect.gather [spmem:s2], $0x10, s16, s14, $0xb8;
	[tilespmem:$0x10000] =	vst v63  }
0x4e: {  	_ =	swait.ge [sflag:s22], $0x800  }
0x4f: {  	[sflag:s22] =	ssyncset.done $0x0  }
0x50: {  	[sflag:s22] =	ssyncadd.s32 $0xFFFFF800  }
0x51: {  	[hbm4b:s7+s3] =	stream.linear.scatter [tilespmem:s21], [sflag:$0x2], $0x4000, $0x38;
	[tilespmem:$0x10000] =	vst v63  }
0x52: {  	_ =	swait.ge [sflag:s12], $0x4000  }
0x53: {  	[sflag:s12] =	ssyncset.done $0x0  }
0x54: {  	[sflag:s12] =	ssyncadd.s32 $0xFFFFC000  }
0x55: {  	[tilespmem:s21], [sflag:$0x1] =	stream.indirect.gather [spmem:s2], $0x10, s17, s14, $0xb8;
	[tilespmem:$0x10000] =	vst v63  }
0x56: {  	_ =	swait.ge [sflag:s22], $0x800  }
0x57: {  	[sflag:s22] =	ssyncset.done $0x0  }
0x58: {  	[sflag:s22] =	ssyncadd.s32 $0xFFFFF800  }
0x59: {  	[hbm4b:s8+s3] =	stream.linear.scatter [tilespmem:s21], [sflag:$0x2], $0x4000, $0x38;
	[tilespmem:$0x10000] =	vst v63  }
0x5a: {  	_ =	swait.ge [sflag:s12], $0x4000  }
0x5b: {  	[sflag:s12] =	ssyncset.done $0x0  }
0x5c: {  	[sflag:s12] =	ssyncadd.s32 $0xFFFFC000  }
0x5d: {  	[tilespmem:s21], [sflag:$0x1] =	stream.indirect.gather [spmem:s2], $0x10, s18, s14, $0xb8;
	[tilespmem:$0x10000] =	vst v63  }
0x5e: {  	_ =	swait.ge [sflag:s22], $0x800  }
0x5f: {  	[sflag:s22] =	ssyncset.done $0x0  }
0x60: {  	[sflag:s22] =	ssyncadd.s32 $0xFFFFF800  }
0x61: {  	[hbm4b:s9+s3] =	stream.linear.scatter [tilespmem:s21], [sflag:$0x2], $0x4000, $0x38;
	[tilespmem:$0x10000] =	vst v63  }
0x62: {  	_ =	swait.ge [sflag:s12], $0x4000  }
0x63: {  	[sflag:s12] =	ssyncset.done $0x0  }
0x64: {  	[sflag:s12] =	ssyncadd.s32 $0xFFFFC000  }
0x65: {  	[tilespmem:s21], [sflag:$0x1] =	stream.indirect.gather [spmem:s2], $0x10, s19, s14, $0xb8;
	[tilespmem:$0x10000] =	vst v63  }
0x66: {  	s23 =	sadd.s32 $0x1, s23;
	_ =	swait.ge [sflag:s22], $0x800  }
0x67: {  	p0 =	sne.s32 s23, s11;
	[sflag:s22] =	ssyncset.done $0x0  }
.Ltmp3:
0x68: {  	[sflag:s22] =	ssyncadd.s32 $0xFFFFF800;
	(pc) =	sbr.rel @p0 .LBB2_1-.Ltmp3, $4  }
0x69: {  	[hbm4b:s10+s3] =	stream.linear.scatter [tilespmem:s21], [sflag:$0x2], $0x4000, $0x38;
	[tilespmem:$0x10000] =	vst v63  }
0x6a: {  	_ =	swait.ge [sflag:s12], $0x4000  }
0x6b: {  	[sflag:s12] =	ssyncset.done $0x0  }
0x6c: {  	[sflag:s12] =	ssyncadd.s32 $0xFFFFC000  }
0x6d: {  	_ =	sfence.sel $0x180000  }
0x6e: {  	[bflag:$0x0] =	sbarrier.arrive $0xFFFF  }
0x6f: {  	p0 =	sne.s32 s0, $0x0;
	_ =	strace $0x90000047  }
0x70: {  	s0 =	sadd.s32 @!p0 $0x100000, s1;
	[bflag:$0x2] =	sbarrier.arrive $0xFFFF  }
0x71: {  	[sflag:s0] =	ssyncadd.tile.s32 @!p0 $0x1;
	_ =	shalt  }
.Lfunc_end2:
_tile_overlayer_lowered:
.L_overlay_start_2:
0x72: {  	(tag) =	ssettag $0x2  }
0x73: {  	s0 =	rddreg [dreg:$0x0];
	s2 =	stileid.u32  }
0x74: {  	s1 =	rddreg [dreg:$0x1];
	p0 =	sne.s32 s2, $0x0  }
0x75: {  	s3 =	rddreg [dreg:$0x2];
	[bflag:$0x3] =	sbarrier.arrive $0xFFFF;
	s2 =	simm.s32 @!p0 $0x1C02  }
0x76: {  	[timem:s3], [sflag:s2] =	dma.local @!p0 [hbm:s0], s1  }
0x77: {  	s0 =	simm.s32 @!p0 $0x2  }
0x78: {  	_ =	swait.ge @!p0 [sflag:s0], s1  }
0x79: {  	s1 =	ssub.s32 @!p0 $0x0, s1;
	[sflag:s0] =	ssyncset.done @!p0 $0x0  }
0x7a: {  	[sflag:s0] =	ssyncadd.s32 @!p0 s1  }
0x7b: {  	[bflag:$0x3] =	sbarrier.arrive $0xFFFF  }
0x7c: {  	_ =	shalt  }

</sc_bundles>
